<compile_context>
chip_gen: v7x
topology: tpu7x:2x2x1
jax: 0.10.2.dev20260603
libtpu: 0.0.44.dev20260713+nightly
codegen_flags: <defaults>
</compile_context>

<pallas_src>
import functools

import jax
import jax.numpy as jnp
from jax import lax
from jax.experimental import pallas as pl
from jax.experimental.pallas import tpu as pltpu
from jax.experimental.pallas import tpu_sc as plsc

S = 7
NB = 2
NUM_CLASSES = 20
L_COORD = 5.0
L_NOOBJ = 0.5
C = 5 * NB + NUM_CLASSES
CP = 128
SP = 8
RPI = S * SP
NW = 32
LANES = 16


def _iota16():
    return lax.broadcasted_iota(jnp.int32, (LANES,), 0)


def _sqrt16(x):
    xi = lax.bitcast_convert_type(x, jnp.int32)
    yi = jnp.int32(0x5F3759DF) - lax.shift_right_arithmetic(xi, 1)
    y = lax.bitcast_convert_type(yi, jnp.float32)
    for _ in range(3):
        y = y * (jnp.float32(1.5) - jnp.float32(0.5) * x * y * y)
    s = x * y
    return jnp.float32(0.5) * (s + x / s)


@functools.lru_cache(maxsize=None)
def _sc_call(batch, nbox):
    nrow = batch * RPI
    bpw = nbox // NW
    rpw = nrow // NW
    cell_size = jnp.float32(1.0 / S)
    d = jnp.float32(14.0)

    def body(plin_hbm, tflat_hbm, out_hbm,
             t_v, keys_v, idx_v, rows_v, dense_v, res_v, sem_g, sem_d):
        wid = lax.axis_index("s") * 2 + lax.axis_index("c")
        lane = _iota16()

        pltpu.sync_copy(tflat_hbm, t_v)

        def box_fields(bidx):
            base = bidx * 6
            t0 = plsc.load_gather(t_v, [base])
            t1 = plsc.load_gather(t_v, [base + 1])
            x1 = plsc.load_gather(t_v, [base + 2])
            y1 = plsc.load_gather(t_v, [base + 3])
            x2 = plsc.load_gather(t_v, [base + 4])
            y2 = plsc.load_gather(t_v, [base + 5])
            img = t0.astype(jnp.int32)
            label = t1.astype(jnp.int32)
            cx = (x1 + x2) / jnp.float32(2.0)
            cy = (y1 + y2) / jnp.float32(2.0)
            w = x2 - x1
            h = y2 - y1

            def ceil_m1(z):
                tz = z.astype(jnp.int32)
                return tz + jnp.where(z > tz.astype(jnp.float32), 1, 0) - 1

            ci = ceil_m1(cx / cell_size)
            cj = ceil_m1(cy / cell_size)
            offx = (cx - ci.astype(jnp.float32) * cell_size) / cell_size
            offy = (cy - cj.astype(jnp.float32) * cell_size) / cell_size
            rowv = img * RPI + ci * SP + cj
            return rowv, label, offx, offy, w, h

        my_n = wid * bpw + lane
        my_cell, my_label, tx, ty, tw, th = box_fields(my_n)
        my_key = my_cell * 32 + my_label

        idx_v[...] = my_cell
        cp_rows = pltpu.async_copy(plin_hbm.at[idx_v], rows_v, sem_g)
        cp_dense = pltpu.async_copy(
            plin_hbm.at[pl.ds(wid * rpw, rpw), pl.ds(0, 32)], dense_v, sem_d)

        for j in range(nbox // LANES):
            cellv, label, _, _, _, _ = box_fields(j * LANES + lane)
            keys_v[pl.ds(j * LANES, LANES)] = cellv * 32 + label

        UNROLL = 4

        def dedup_body(k4, carry):
            accw, acck = carry
            for u in range(UNROLL):
                k = k4 * UNROLL + u
                r = jnp.bitwise_and(k, LANES - 1)
                oidx = (k - r) + jnp.bitwise_and(lane + r, LANES - 1)
                ok = plsc.load_gather(keys_v, [oidx])
                later = oidx > my_n
                accw = accw | jnp.where(
                    later & (lax.shift_right_arithmetic(ok, 5) == my_cell), 1, 0)
                acck = acck | jnp.where(later & (ok == my_key), 1, 0)
            return accw, acck

        zero = jnp.zeros((LANES,), jnp.int32)
        accw, acck = lax.fori_loop(0, nbox // UNROLL, dedup_body, (zero, zero))
        winner = accw == 0
        ckeep = acck == 0

        cp_dense.wait()
        col4 = jnp.full((LANES,), 4, jnp.int32)
        col9 = jnp.full((LANES,), 9, jnp.int32)
        dacc = jnp.zeros((LANES,), jnp.float32)
        for kk in range(rpw // LANES):
            row = kk * LANES + lane
            g4 = plsc.load_gather(dense_v, [row, col4])
            g9 = plsc.load_gather(dense_v, [row, col9])
            dacc = dacc + g4 * g4 + g9 * g9

        cp_rows.wait()

        def col(c):
            return plsc.load_gather(rows_v, [lane, jnp.full((LANES,), c, jnp.int32)])

        px0, py0, pw0, ph0, pc0 = col(0), col(1), col(2), col(3), col(4)
        px1, py1, pw1, ph1, pc1 = col(5), col(6), col(7), col(8), col(9)
        p_label = plsc.load_gather(rows_v, [lane, 10 + my_label])
        cls_sq = jnp.zeros((LANES,), jnp.float32)
        for c in range(10, C):
            v = col(c)
            cls_sq = cls_sq + v * v

        half = jnp.float32(0.5)
        l2x = tx / d - tw * half
        l2y = ty / d - th * half
        r2x = tx / d + tw * half
        r2y = ty / d + th * half
        area2 = (r2x - l2x) * (r2y - l2y)

        def iou_of(px, py, pw, ph):
            l1x = px / d - pw * half
            l1y = py / d - ph * half
            r1x = px / d + pw * half
            r1y = py / d + ph * half
            area1 = (r1x - l1x) * (r1y - l1y)
            wi = jnp.maximum(
                jnp.minimum(r1x, r2x) - jnp.maximum(l1x, l2x), jnp.float32(0.0))
            hi = jnp.maximum(
                jnp.minimum(r1y, r2y) - jnp.maximum(l1y, l2y), jnp.float32(0.0))
            inter = wi * hi
            return inter / (area1 + area2 - inter)

        iou0 = iou_of(px0, py0, pw0, ph0)
        iou1 = iou_of(px1, py1, pw1, ph1)
        sel = iou1 > iou0
        max_iou = jnp.where(sel, iou1, iou0)
        bx = jnp.where(sel, px1, px0)
        by = jnp.where(sel, py1, py0)
        bw = jnp.where(sel, pw1, pw0)
        bh = jnp.where(sel, ph1, ph0)
        bc = jnp.where(sel, pc1, pc0)

        dxy0 = bx - tx
        dxy1 = by - ty
        dwh0 = _sqrt16(bw) - _sqrt16(tw)
        dwh1 = _sqrt16(bh) - _sqrt16(th)
        dcon = bc - max_iou
        loc = dxy0 * dxy0 + dxy1 * dxy1 + dwh0 * dwh0 + dwh1 * dwh1
        contain = dcon * dcon
        conf_sq = pc0 * pc0 + pc1 * pc1
        per_w = (jnp.float32(L_COORD) * loc + contain + cls_sq
                 - jnp.float32(L_NOOBJ) * conf_sq)
        per_c = jnp.float32(1.0) - jnp.float32(2.0) * p_label

        acc = (jnp.where(winner, per_w, jnp.float32(0.0))
               + jnp.where(ckeep, per_c, jnp.float32(0.0))
               + jnp.float32(L_NOOBJ) * dacc)
        res_v[...] = acc * jnp.float32(1.0 / batch)
        pltpu.sync_copy(res_v, out_hbm.at[wid])

    return pl.kernel(
        body,
        out_type=jax.ShapeDtypeStruct((NW, LANES), jnp.float32),
        mesh=plsc.VectorSubcoreMesh(core_axis_name="c", subcore_axis_name="s"),
        compiler_params=pltpu.CompilerParams(
            use_tc_tiling_on_sc=False, needs_layout_passes=False),
        scratch_types=[
            pltpu.VMEM((nbox * 6,), jnp.float32),
            pltpu.VMEM((nbox,), jnp.int32),
            pltpu.VMEM((bpw,), jnp.int32),
            pltpu.VMEM((bpw, CP), jnp.float32),
            pltpu.VMEM((rpw, 32), jnp.float32),
            pltpu.VMEM((LANES,), jnp.float32),
            pltpu.SemaphoreType.DMA,
            pltpu.SemaphoreType.DMA,
        ],
    )


@jax.jit
def _run(pred, targets):
    batch = pred.shape[0]
    nbox = targets.shape[0]
    xp = jnp.pad(pred, ((0, 0), (0, 0), (0, SP - S), (0, CP - C)))
    plin = xp.reshape(batch * RPI, CP)
    partials = _sc_call(batch, nbox)(plin, targets.reshape(-1))
    return jnp.sum(partials)


def kernel(pred, targets, device=0):
    return _run(pred, targets) + jnp.asarray(device, jnp.float32) * 0.0

# --- scband reference (transcript-rebuilt; emitter-appended) ---
"""Pipeline reference for scband-yolov1-loss-62569083568616 (READ-ONLY COPY).

The authoritative reference and input builder live on the scoring server;
editing this copy changes nothing except your own understanding.
"""

import jax, jax.numpy as jnp
import numpy as np

S = 7
B = 2
NUM_CLASSES = 20
L_COORD = 5.0
L_NOOBJ = 0.5
LAST_ID = B * 5


def setup_inputs(seed: int = 0) -> dict:
    key = jax.random.key(seed)
    k1, k2, k3, k4, k5 = jax.random.split(key, 5)
    batch = 256
    nbox = 512
    # predictions: positive in (0.05, 0.95) so sqrt(wh) is well-defined (post-sigmoid-like outputs)
    pred = jax.random.uniform(k1, (batch, S, S, 5 * B + NUM_CLASSES), dtype=jnp.float32, minval=0.05, maxval=0.95)
    # targets rows: (image_idx, class_label, x1, y1, x2, y2) with normalized corner boxes
    bidx = jax.random.randint(k2, (nbox,), 0, batch).astype(jnp.float32)
    label = jax.random.randint(k3, (nbox,), 0, NUM_CLASSES).astype(jnp.float32)
    cxy = jax.random.uniform(k4, (nbox, 2), dtype=jnp.float32, minval=0.08, maxval=0.92)
    wh = jax.random.uniform(k5, (nbox, 2), dtype=jnp.float32, minval=0.05, maxval=0.12)
    targets = jnp.concatenate([bidx[:, None], label[:, None], cxy - wh / 2.0, cxy + wh / 2.0], axis=1).astype(jnp.float32)
    return {"pred": pred, "targets": targets, "device": 0}


def _build_target_grid(t, batch_size):
    # faithful port of the per-image python loop that rasterizes boxes into the S x S grid
    cell_size = 1.0 / S
    C = 5 * B + NUM_CLASSES
    tg0 = jnp.zeros((batch_size, S, S, C), dtype=jnp.float32)
    base_idx = jnp.arange(LAST_ID)

    def body(n, tg):
        i = t[n, 0].astype(jnp.int32)
        label = t[n, 1].astype(jnp.int32)
        box = t[n, 2:6]
        # b_box_to_c_box: corners -> (center, wh)
        c_xy = (box[:2] + box[2:]) / 2.0
        c_wh = box[2:] - box[:2]
        c_ij = (jnp.ceil(c_xy / cell_size) - 1.0).astype(jnp.int32)
        off = (c_xy - c_ij.astype(jnp.float32) * cell_size) / cell_size
        unit = jnp.stack([off[0], off[1], c_wh[0], c_wh[1], jnp.float32(1.0)])
        vals = jnp.concatenate([jnp.tile(unit, B), jnp.ones((1,), jnp.float32)])
        idx = jnp.concatenate([base_idx, (label + LAST_ID)[None]])
        return tg.at[i, c_ij[0], c_ij[1], idx].set(vals)

    return jax.lax.fori_loop(0, t.shape[0], body, tg0)


def _c_box_to_b_box(box, d=14.0):
    # (cell-offset xy, wh) -> corner box on unit scale; d = 2*S as in the original
    xy = box[..., :2] / d
    wh = box[..., 2:4]
    return jnp.concatenate([xy - wh / 2.0, xy + wh / 2.0], axis=-1)


def _pair_iou(b1, b2):
    # b1: [nc, B, 4] pred boxes, b2: [nc, 4] target box per responsible cell
    area1 = (b1[..., 2] - b1[..., 0]) * (b1[..., 3] - b1[..., 1])
    area2 = (b2[..., 2] - b2[..., 0]) * (b2[..., 3] - b2[..., 1])
    lt = jnp.maximum(b1[..., :2], b2[:, None, :2])
    rb = jnp.minimum(b1[..., 2:], b2[:, None, 2:])
    whi = jnp.clip(rb - lt, 0.0, None)
    inter = whi[..., 0] * whi[..., 1]
    return inter / (area1 + area2[:, None] - inter)


def _loss(pred, tg):
    batch_size = pred.shape[0]
    C = 5 * B + NUM_CLASSES
    p = pred.reshape(-1, C)
    g = tg.reshape(-1, C)
    m = (g[:, 4] > 0).astype(jnp.float32)
    box_pred = p[:, :LAST_ID].reshape(-1, B, 5)
    class_pred = p[:, LAST_ID:]
    box_target = g[:, :LAST_ID].reshape(-1, B, 5)
    class_target = g[:, LAST_ID:]
    # per-cell responsible-box selection (vectorized form of the stride-2 python loop)
    b1 = _c_box_to_b_box(box_pred)
    b2 = _c_box_to_b_box(box_target[:, 0, :])
    iou = _pair_iou(b1, b2)  # [nc, B]
    max_index = jnp.argmax(iou, axis=1)
    max_iou = jnp.max(iou, axis=1)
    rows = jnp.arange(box_pred.shape[0])
    bp_obj = box_pred[rows, max_index]
    bt_obj = box_target[rows, max_index]
    xy_loss = jnp.sum(m[:, None] * (bp_obj[:, :2] - bt_obj[:, :2]) ** 2)
    wh_loss = jnp.sum(m[:, None] * (jnp.sqrt(bp_obj[:, 2:4]) - jnp.sqrt(bt_obj[:, 2:4])) ** 2)
    loc_loss = xy_loss + wh_loss
    contain_loss = jnp.sum(m * (bp_obj[:, 4] - max_iou) ** 2)
    class_loss = jnp.sum(m[:, None] * (class_pred - class_target) ** 2)
    noo_pred_c = p[:, 4:LAST_ID:5]
    noo_target_c = g[:, 4:LAST_ID:5]
    no_obj_loss = jnp.sum((1.0 - m)[:, None] * (noo_pred_c - noo_target_c) ** 2)
    return (L_COORD * loc_loss + contain_loss + L_NOOBJ * no_obj_loss + class_loss) / batch_size


def reference(pred, targets, device=0):
    tg = _build_target_grid(targets, pred.shape[0])
    loss = _loss(pred, tg)
    return loss + jnp.asarray(device, jnp.float32) * 0.0

if __name__ == "__main__":
    import jax
    _d = setup_inputs()
    print(jax.jit(kernel)(*tuple(_d.values())))

</pallas_src>

<mosaic_0001>
#map = affine_map<(d0, d1) -> (0, 0)>
#map1 = affine_map<(d0, d1) -> (0)>
module attributes {stable_mosaic.version = 14 : i64} {
  func.func @_rewritten_body(%arg0: i32, %arg1: i32, %arg2: memref<14336x128xf32, #tpu.memory_space<hbm>>, %arg3: memref<3072xf32, #tpu.memory_space<hbm>>, %arg4: memref<1xf32, #tpu.memory_space<hbm>>, %arg5: memref<1xf32, #tpu.memory_space<hbm>>, %arg6: memref<32x16xf32, #tpu.memory_space<hbm>>, %arg7: memref<3072xf32, #tpu.memory_space<vmem>>, %arg8: memref<512xi32, #tpu.memory_space<vmem>>, %arg9: memref<16xi32, #tpu.memory_space<vmem>>, %arg10: memref<16x128xf32, #tpu.memory_space<vmem>>, %arg11: memref<448x32xf32, #tpu.memory_space<vmem>>, %arg12: memref<16xf32, #tpu.memory_space<vmem>>, %arg13: memref<!tpu.dma_semaphore, #tpu.memory_space<semaphore_mem>>, %arg14: memref<!tpu.dma_semaphore, #tpu.memory_space<semaphore_mem>>) attributes {dimension_semantics = [#tpu.dimension_semantics<core_parallel>, #tpu.dimension_semantics<subcore_parallel>], iteration_bounds = array<i64: 2, 16>, scalar_prefetch = 0 : i64, scratch_operands = 8 : i64, tpu.core_type = #tpu.core_type<sc_vector_subcore>, window_params = [{transform_indices = #map}, {transform_indices = #map1}, {transform_indices = #map1}, {transform_indices = #map1}, {transform_indices = #map}]} {
    %empty_ref3A = memref.alloca() : memref<16xf32, #tpu.memory_space<vmem>>
    %empty_ref3A_0 = memref.alloca() : memref<16xf32, #tpu.memory_space<vmem>>
    "tpu.region"() ({
      %run_scoped3A = tpu.sem_alloc : memref<!tpu.dma_semaphore, #tpu.memory_space<semaphore_mem>>
      %dma_start3A_3815 = arith.constant 0 : i32
      %dma_start3A_3816 = tpu.memref_slice %empty_ref3A[%dma_start3A_3815] : memref<16xf32, #tpu.memory_space<vmem>> -> memref<1xf32, #tpu.memory_space<vmem>>
      %dma_start3A_3817 = arith.constant 0 : i32
      %dma_start3A_3818 = tpu.memref_slice %empty_ref3A[%dma_start3A_3817] : memref<16xf32, #tpu.memory_space<vmem>> -> memref<1xf32, #tpu.memory_space<vmem>>
      tpu.enqueue_dma source(%arg4 : memref<1xf32, #tpu.memory_space<hbm>>) target(%dma_start3A_3818 : memref<1xf32, #tpu.memory_space<vmem>>) target_semaphore(%run_scoped3A : memref<!tpu.dma_semaphore, #tpu.memory_space<semaphore_mem>>)
      %dma_start3A_3819 = arith.constant 0 : i32
      %dma_start3A_3820 = tpu.memref_slice %empty_ref3A_0[%dma_start3A_3819] : memref<16xf32, #tpu.memory_space<vmem>> -> memref<1xf32, #tpu.memory_space<vmem>>
      %dma_start3A_3821 = arith.constant 0 : i32
      %dma_start3A_3822 = tpu.memref_slice %empty_ref3A_0[%dma_start3A_3821] : memref<16xf32, #tpu.memory_space<vmem>> -> memref<1xf32, #tpu.memory_space<vmem>>
      tpu.enqueue_dma source(%arg5 : memref<1xf32, #tpu.memory_space<hbm>>) target(%dma_start3A_3822 : memref<1xf32, #tpu.memory_space<vmem>>) target_semaphore(%run_scoped3A : memref<!tpu.dma_semaphore, #tpu.memory_space<semaphore_mem>>)
      %dma_wait3A_3823 = arith.constant 0 : i32
      %dma_wait3A_3824 = tpu.memref_slice %empty_ref3A[%dma_wait3A_3823] : memref<16xf32, #tpu.memory_space<vmem>> -> memref<1xf32, #tpu.memory_space<vmem>>
      %dma_wait3A_3825 = arith.constant 0 : i32
      %dma_wait3A_3826 = tpu.memref_slice %empty_ref3A[%dma_wait3A_3825] : memref<16xf32, #tpu.memory_space<vmem>> -> memref<1xf32, #tpu.memory_space<vmem>>
      tpu.wait_dma2 semaphore(%run_scoped3A : memref<!tpu.dma_semaphore, #tpu.memory_space<semaphore_mem>>) src(%arg4 : memref<1xf32, #tpu.memory_space<hbm>>) dst(%dma_wait3A_3826 : memref<1xf32, #tpu.memory_space<vmem>>)
      %dma_wait3A_3827 = arith.constant 0 : i32
      %dma_wait3A_3828 = tpu.memref_slice %empty_ref3A_0[%dma_wait3A_3827] : memref<16xf32, #tpu.memory_space<vmem>> -> memref<1xf32, #tpu.memory_space<vmem>>
      %dma_wait3A_3829 = arith.constant 0 : i32
      %dma_wait3A_3830 = tpu.memref_slice %empty_ref3A_0[%dma_wait3A_3829] : memref<16xf32, #tpu.memory_space<vmem>> -> memref<1xf32, #tpu.memory_space<vmem>>
      tpu.wait_dma2 semaphore(%run_scoped3A : memref<!tpu.dma_semaphore, #tpu.memory_space<semaphore_mem>>) src(%arg5 : memref<1xf32, #tpu.memory_space<hbm>>) dst(%dma_wait3A_3830 : memref<1xf32, #tpu.memory_space<vmem>>)
      tpu.yield
    }) : () -> ()
    %get3A = arith.constant 0 : index
    %get3A_1 = tpu.vector_load %empty_ref3A[%get3A] {strides = array<i32>} : memref<16xf32, #tpu.memory_space<vmem>>, vector<16xf32>,
    %slice3A = vector.extract_strided_slice %get3A_1 {offsets = [0], sizes = [1], strides = [1]} : vector<16xf32> to vector<1xf32>
    %squeeze3A = vector.extract %slice3A[0] : f32 from vector<1xf32>
    %get3A_2 = arith.constant 0 : index
    %get3A_3 = tpu.vector_load %empty_ref3A_0[%get3A_2] {strides = array<i32>} : memref<16xf32, #tpu.memory_space<vmem>>, vector<16xf32>,
    %slice3A_4 = vector.extract_strided_slice %get3A_3 {offsets = [0], sizes = [1], strides = [1]} : vector<16xf32> to vector<1xf32>
    %squeeze3A_5 = vector.extract %slice3A_4[0] : f32 from vector<1xf32>
    %mul3A = arith.constant 2 : i32
    %mul3A_6 = arith.muli %arg1, %mul3A : i32
    %add3A = arith.addi %mul3A_6, %arg0 : i32
    %iota3A = tpu.iota {dimensions = array<i32: 0>} : vector<16xi32>
    "tpu.region"() ({
      %run_scoped3A = tpu.sem_alloc : memref<!tpu.dma_semaphore, #tpu.memory_space<semaphore_mem>>
      tpu.enqueue_dma source(%arg3 : memref<3072xf32, #tpu.memory_space<hbm>>) target(%arg7 : memref<3072xf32, #tpu.memory_space<vmem>>) target_semaphore(%run_scoped3A : memref<!tpu.dma_semaphore, #tpu.memory_space<semaphore_mem>>)
      tpu.wait_dma2 semaphore(%run_scoped3A : memref<!tpu.dma_semaphore, #tpu.memory_space<semaphore_mem>>) src(%arg3 : memref<3072xf32, #tpu.memory_space<hbm>>) dst(%arg7 : memref<3072xf32, #tpu.memory_space<vmem>>)
      tpu.yield
    }) : () -> ()
    %mul3A_7 = arith.constant 16 : i32
    %mul3A_8 = arith.muli %add3A, %mul3A_7 : i32
    %add3A_9 = vector.broadcast %mul3A_8 : i32 to vector<16xi32>
    %add3A_10 = arith.addi %add3A_9, %iota3A : vector<16xi32>
    %mul3A_11 = arith.constant 6 : i32
    %mul3A_12 = vector.broadcast %mul3A_11 : i32 to vector<16xi32>
    %mul3A_13 = arith.muli %add3A_10, %mul3A_12 : vector<16xi32>
    %gather3A = tpu.vector_load_idx %arg7[%mul3A_13] : memref<3072xf32, #tpu.memory_space<vmem>>[vector<16xi32>], vector<16xf32>,
    %add3A_14 = arith.constant 1 : i32
    %add3A_15 = vector.broadcast %add3A_14 : i32 to vector<16xi32>
    %add3A_16 = arith.addi %mul3A_13, %add3A_15 : vector<16xi32>
    %gather3A_17 = tpu.vector_load_idx %arg7[%add3A_16] : memref<3072xf32, #tpu.memory_space<vmem>>[vector<16xi32>], vector<16xf32>,
    %add3A_18 = arith.constant 2 : i32
    %add3A_19 = vector.broadcast %add3A_18 : i32 to vector<16xi32>
    %add3A_20 = arith.addi %mul3A_13, %add3A_19 : vector<16xi32>
    %gather3A_21 = tpu.vector_load_idx %arg7[%add3A_20] : memref<3072xf32, #tpu.memory_space<vmem>>[vector<16xi32>], vector<16xf32>,
    %add3A_22 = arith.constant 3 : i32
    %add3A_23 = vector.broadcast %add3A_22 : i32 to vector<16xi32>
    %add3A_24 = arith.addi %mul3A_13, %add3A_23 : vector<16xi32>
    %gather3A_25 = tpu.vector_load_idx %arg7[%add3A_24] : memref<3072xf32, #tpu.memory_space<vmem>>[vector<16xi32>], vector<16xf32>,
    %add3A_26 = arith.constant 4 : i32
    %add3A_27 = vector.broadcast %add3A_26 : i32 to vector<16xi32>
    %add3A_28 = arith.addi %mul3A_13, %add3A_27 : vector<16xi32>
    %gather3A_29 = tpu.vector_load_idx %arg7[%add3A_28] : memref<3072xf32, #tpu.memory_space<vmem>>[vector<16xi32>], vector<16xf32>,
    %add3A_30 = arith.constant 5 : i32
    %add3A_31 = vector.broadcast %add3A_30 : i32 to vector<16xi32>
    %add3A_32 = arith.addi %mul3A_13, %add3A_31 : vector<16xi32>
    %gather3A_33 = tpu.vector_load_idx %arg7[%add3A_32] : memref<3072xf32, #tpu.memory_space<vmem>>[vector<16xi32>], vector<16xf32>,
    %convert_element_type3A = arith.fptosi %gather3A : vector<16xf32> to vector<16xi32>
    %convert_element_type3A_34 = arith.fptosi %gather3A_17 : vector<16xf32> to vector<16xi32>
    %add3A_35 = arith.addf %gather3A_21, %gather3A_29 : vector<16xf32>
    %div3A = arith.constant 2.000000e+00 : f32
    %div3A_36 = vector.broadcast %div3A : f32 to vector<16xf32>
    %div3A_37 = arith.divf %add3A_35, %div3A_36 : vector<16xf32>
    %add3A_38 = arith.addf %gather3A_25, %gather3A_33 : vector<16xf32>
    %div3A_39 = arith.constant 2.000000e+00 : f32
    %div3A_40 = vector.broadcast %div3A_39 : f32 to vector<16xf32>
    %div3A_41 = arith.divf %add3A_38, %div3A_40 : vector<16xf32>
    %sub3A = arith.subf %gather3A_29, %gather3A_21 : vector<16xf32>
    %sub3A_42 = arith.subf %gather3A_33, %gather3A_25 : vector<16xf32>
    %div3A_43 = vector.broadcast %squeeze3A : f32 to vector<16xf32>
    %div3A_44 = arith.divf %div3A_37, %div3A_43 : vector<16xf32>
    %convert_element_type3A_45 = arith.fptosi %div3A_44 : vector<16xf32> to vector<16xi32>
    %convert_element_type3A_46 = arith.sitofp %convert_element_type3A_45 : vector<16xi32> to vector<16xf32>
    %gt3A = arith.cmpf ogt, %div3A_44, %convert_element_type3A_46 : vector<16xf32>
    %jit3A = arith.constant 1 : i32
    %jit3A_47 = arith.constant 0 : i32
    %broadcast_in_dim3A = vector.broadcast %jit3A : i32 to vector<16xi32>
    %broadcast_in_dim3A_48 = vector.broadcast %jit3A_47 : i32 to vector<16xi32>
    %select_n3A = arith.select %gt3A, %broadcast_in_dim3A, %broadcast_in_dim3A_48 : vector<16xi1>, vector<16xi32>
    %add3A_49 = arith.addi %convert_element_type3A_45, %select_n3A : vector<16xi32>
    %sub3A_50 = arith.constant 1 : i32
    %sub3A_51 = vector.broadcast %sub3A_50 : i32 to vector<16xi32>
    %sub3A_52 = arith.subi %add3A_49, %sub3A_51 : vector<16xi32>
    %div3A_53 = vector.broadcast %squeeze3A : f32 to vector<16xf32>
    %div3A_54 = arith.divf %div3A_41, %div3A_53 : vector<16xf32>
    %convert_element_type3A_55 = arith.fptosi %div3A_54 : vector<16xf32> to vector<16xi32>
    %convert_element_type3A_56 = arith.sitofp %convert_element_type3A_55 : vector<16xi32> to vector<16xf32>
    %gt3A_57 = arith.cmpf ogt, %div3A_54, %convert_element_type3A_56 : vector<16xf32>
    %jit3A_58 = arith.constant 1 : i32
    %jit3A_59 = arith.constant 0 : i32
    %broadcast_in_dim3A_60 = vector.broadcast %jit3A_58 : i32 to vector<16xi32>
    %broadcast_in_dim3A_61 = vector.broadcast %jit3A_59 : i32 to vector<16xi32>
    %select_n3A_62 = arith.select %gt3A_57, %broadcast_in_dim3A_60, %broadcast_in_dim3A_61 : vector<16xi1>, vector<16xi32>
    %add3A_63 = arith.addi %convert_element_type3A_55, %select_n3A_62 : vector<16xi32>
    %sub3A_64 = arith.constant 1 : i32
    %sub3A_65 = vector.broadcast %sub3A_64 : i32 to vector<16xi32>
    %sub3A_66 = arith.subi %add3A_63, %sub3A_65 : vector<16xi32>
    %convert_element_type3A_67 = arith.sitofp %sub3A_52 : vector<16xi32> to vector<16xf32>
    %mul3A_68 = vector.broadcast %squeeze3A : f32 to vector<16xf32>
    %mul3A_69 = arith.mulf %convert_element_type3A_67, %mul3A_68 : vector<16xf32>
    %sub3A_70 = arith.subf %div3A_37, %mul3A_69 : vector<16xf32>
    %div3A_71 = vector.broadcast %squeeze3A : f32 to vector<16xf32>
    %div3A_72 = arith.divf %sub3A_70, %div3A_71 : vector<16xf32>
    %convert_element_type3A_73 = arith.sitofp %sub3A_66 : vector<16xi32> to vector<16xf32>
    %mul3A_74 = vector.broadcast %squeeze3A : f32 to vector<16xf32>
    %mul3A_75 = arith.mulf %convert_element_type3A_73, %mul3A_74 : vector<16xf32>
    %sub3A_76 = arith.subf %div3A_41, %mul3A_75 : vector<16xf32>
    %div3A_77 = vector.broadcast %squeeze3A : f32 to vector<16xf32>
    %div3A_78 = arith.divf %sub3A_76, %div3A_77 : vector<16xf32>
    %mul3A_79 = arith.constant 56 : i32
    %mul3A_80 = vector.broadcast %mul3A_79 : i32 to vector<16xi32>
    %mul3A_81 = arith.muli %convert_element_type3A, %mul3A_80 : vector<16xi32>
    %mul3A_82 = arith.constant 8 : i32
    %mul3A_83 = vector.broadcast %mul3A_82 : i32 to vector<16xi32>
    %mul3A_84 = arith.muli %sub3A_52, %mul3A_83 : vector<16xi32>
    %add3A_85 = arith.addi %mul3A_81, %mul3A_84 : vector<16xi32>
    %add3A_86 = arith.addi %add3A_85, %sub3A_66 : vector<16xi32>
    %mul3A_87 = arith.constant 32 : i32
    %mul3A_88 = vector.broadcast %mul3A_87 : i32 to vector<16xi32>
    %mul3A_89 = arith.muli %add3A_86, %mul3A_88 : vector<16xi32>
    %add3A_90 = arith.addi %mul3A_89, %convert_element_type3A_34 : vector<16xi32>
    %swap3A = arith.constant 0 : index
    %swap3A_91 = tpu.vector_load %arg9[%swap3A] {strides = array<i32>} : memref<16xi32, #tpu.memory_space<vmem>>, vector<16xi32>,
    tpu.vector_store %arg9[%swap3A], %add3A_86 {strides = array<i32>} : memref<16xi32, #tpu.memory_space<vmem>>, vector<16xi32>,
    %dma_start3A = arith.constant 0 : i32
    %dma_start3A_92 = arith.constant 0 : i32
    %dma_start3A_93 = tpu.memref_slice %arg2[%dma_start3A, %dma_start3A_92] : memref<14336x128xf32, #tpu.memory_space<hbm>> -> memref<14336x128xf32, #tpu.memory_space<hbm>>
    tpu.enqueue_indirect_dma source(%dma_start3A_93 : memref<14336x128xf32, #tpu.memory_space<hbm>>) target(%arg10 : memref<16x128xf32, #tpu.memory_space<vmem>>) offsets(%arg9 : memref<16xi32, #tpu.memory_space<vmem>>) semaphore(%arg13 : memref<!tpu.dma_semaphore, #tpu.memory_space<semaphore_mem>>)
    %mul3A_94 = arith.constant 448 : i32
    %mul3A_95 = arith.muli %add3A, %mul3A_94 : i32
    %dma_start3A_96 = arith.constant 0 : i32
    %dma_start3A_97 = tpu.memref_slice %arg2[%mul3A_95, %dma_start3A_96] : memref<14336x128xf32, #tpu.memory_space<hbm>> -> memref<448x32xf32, #tpu.memory_space<hbm>>
    %dma_start3A_98 = arith.constant 0 : i32
    %dma_start3A_99 = tpu.memref_slice %arg2[%mul3A_95, %dma_start3A_98] : memref<14336x128xf32, #tpu.memory_space<hbm>> -> memref<448x32xf32, #tpu.memory_space<hbm>>
    tpu.enqueue_dma source(%dma_start3A_99 : memref<448x32xf32, #tpu.memory_space<hbm>>) target(%arg11 : memref<448x32xf32, #tpu.memory_space<vmem>>) target_semaphore(%arg14 : memref<!tpu.dma_semaphore, #tpu.memory_space<semaphore_mem>>)
    %add3A_100 = arith.constant 0 : i32
    %add3A_101 = vector.broadcast %add3A_100 : i32 to vector<16xi32>
    %add3A_102 = arith.addi %add3A_101, %iota3A : vector<16xi32>
    %mul3A_103 = arith.constant 6 : i32
    %mul3A_104 = vector.broadcast %mul3A_103 : i32 to vector<16xi32>
    %mul3A_105 = arith.muli %add3A_102, %mul3A_104 : vector<16xi32>
    %gather3A_106 = tpu.vector_load_idx %arg7[%mul3A_105] : memref<3072xf32, #tpu.memory_space<vmem>>[vector<16xi32>], vector<16xf32>,
    %add3A_107 = arith.constant 1 : i32
    %add3A_108 = vector.broadcast %add3A_107 : i32 to vector<16xi32>
    %add3A_109 = arith.addi %mul3A_105, %add3A_108 : vector<16xi32>
    %gather3A_110 = tpu.vector_load_idx %arg7[%add3A_109] : memref<3072xf32, #tpu.memory_space<vmem>>[vector<16xi32>], vector<16xf32>,
    %add3A_111 = arith.constant 2 : i32
    %add3A_112 = vector.broadcast %add3A_111 : i32 to vector<16xi32>
    %add3A_113 = arith.addi %mul3A_105, %add3A_112 : vector<16xi32>
    %gather3A_114 = tpu.vector_load_idx %arg7[%add3A_113] : memref<3072xf32, #tpu.memory_space<vmem>>[vector<16xi32>], vector<16xf32>,
    %add3A_115 = arith.constant 3 : i32
    %add3A_116 = vector.broadcast %add3A_115 : i32 to vector<16xi32>
    %add3A_117 = arith.addi %mul3A_105, %add3A_116 : vector<16xi32>
    %gather3A_118 = tpu.vector_load_idx %arg7[%add3A_117] : memref<3072xf32, #tpu.memory_space<vmem>>[vector<16xi32>], vector<16xf32>,
    %add3A_119 = arith.constant 4 : i32
    %add3A_120 = vector.broadcast %add3A_119 : i32 to vector<16xi32>
    %add3A_121 = arith.addi %mul3A_105, %add3A_120 : vector<16xi32>
    %gather3A_122 = tpu.vector_load_idx %arg7[%add3A_121] : memref<3072xf32, #tpu.memory_space<vmem>>[vector<16xi32>], vector<16xf32>,
    %add3A_123 = arith.constant 5 : i32
    %add3A_124 = vector.broadcast %add3A_123 : i32 to vector<16xi32>
    %add3A_125 = arith.addi %mul3A_105, %add3A_124 : vector<16xi32>
    %gather3A_126 = tpu.vector_load_idx %arg7[%add3A_125] : memref<3072xf32, #tpu.memory_space<vmem>>[vector<16xi32>], vector<16xf32>,
    %convert_element_type3A_127 = arith.fptosi %gather3A_106 : vector<16xf32> to vector<16xi32>
    %convert_element_type3A_128 = arith.fptosi %gather3A_110 : vector<16xf32> to vector<16xi32>
    %add3A_129 = arith.addf %gather3A_114, %gather3A_122 : vector<16xf32>
    %div3A_130 = arith.constant 2.000000e+00 : f32
    %div3A_131 = vector.broadcast %div3A_130 : f32 to vector<16xf32>
    %div3A_132 = arith.divf %add3A_129, %div3A_131 : vector<16xf32>
    %add3A_133 = arith.addf %gather3A_118, %gather3A_126 : vector<16xf32>
    %div3A_134 = arith.constant 2.000000e+00 : f32
    %div3A_135 = vector.broadcast %div3A_134 : f32 to vector<16xf32>
    %div3A_136 = arith.divf %add3A_133, %div3A_135 : vector<16xf32>
    %sub3A_137 = arith.subf %gather3A_122, %gather3A_114 : vector<16xf32>
    %sub3A_138 = arith.subf %gather3A_126, %gather3A_118 : vector<16xf32>
    %div3A_139 = vector.broadcast %squeeze3A : f32 to vector<16xf32>
    %div3A_140 = arith.divf %div3A_132, %div3A_139 : vector<16xf32>
    %convert_element_type3A_141 = arith.fptosi %div3A_140 : vector<16xf32> to vector<16xi32>
    %convert_element_type3A_142 = arith.sitofp %convert_element_type3A_141 : vector<16xi32> to vector<16xf32>
    %gt3A_143 = arith.cmpf ogt, %div3A_140, %convert_element_type3A_142 : vector<16xf32>
    %jit3A_144 = arith.constant 1 : i32
    %jit3A_145 = arith.constant 0 : i32
    %broadcast_in_dim3A_146 = vector.broadcast %jit3A_144 : i32 to vector<16xi32>
    %broadcast_in_dim3A_147 = vector.broadcast %jit3A_145 : i32 to vector<16xi32>
    %select_n3A_148 = arith.select %gt3A_143, %broadcast_in_dim3A_146, %broadcast_in_dim3A_147 : vector<16xi1>, vector<16xi32>
    %add3A_149 = arith.addi %convert_element_type3A_141, %select_n3A_148 : vector<16xi32>
    %sub3A_150 = arith.constant 1 : i32
    %sub3A_151 = vector.broadcast %sub3A_150 : i32 to vector<16xi32>
    %sub3A_152 = arith.subi %add3A_149, %sub3A_151 : vector<16xi32>
    %div3A_153 = vector.broadcast %squeeze3A : f32 to vector<16xf32>
    %div3A_154 = arith.divf %div3A_136, %div3A_153 : vector<16xf32>
    %convert_element_type3A_155 = arith.fptosi %div3A_154 : vector<16xf32> to vector<16xi32>
    %convert_element_type3A_156 = arith.sitofp %convert_element_type3A_155 : vector<16xi32> to vector<16xf32>
    %gt3A_157 = arith.cmpf ogt, %div3A_154, %convert_element_type3A_156 : vector<16xf32>
    %jit3A_158 = arith.constant 1 : i32
    %jit3A_159 = arith.constant 0 : i32
    %broadcast_in_dim3A_160 = vector.broadcast %jit3A_158 : i32 to vector<16xi32>
    %broadcast_in_dim3A_161 = vector.broadcast %jit3A_159 : i32 to vector<16xi32>
    %select_n3A_162 = arith.select %gt3A_157, %broadcast_in_dim3A_160, %broadcast_in_dim3A_161 : vector<16xi1>, vector<16xi32>
    %add3A_163 = arith.addi %convert_element_type3A_155, %select_n3A_162 : vector<16xi32>
    %sub3A_164 = arith.constant 1 : i32
    %sub3A_165 = vector.broadcast %sub3A_164 : i32 to vector<16xi32>
    %sub3A_166 = arith.subi %add3A_163, %sub3A_165 : vector<16xi32>
    %convert_element_type3A_167 = arith.sitofp %sub3A_152 : vector<16xi32> to vector<16xf32>
    %mul3A_168 = vector.broadcast %squeeze3A : f32 to vector<16xf32>
    %mul3A_169 = arith.mulf %convert_element_type3A_167, %mul3A_168 : vector<16xf32>
    %sub3A_170 = arith.subf %div3A_132, %mul3A_169 : vector<16xf32>
    %div3A_171 = vector.broadcast %squeeze3A : f32 to vector<16xf32>
    %div3A_172 = arith.divf %sub3A_170, %div3A_171 : vector<16xf32>
    %convert_element_type3A_173 = arith.sitofp %sub3A_166 : vector<16xi32> to vector<16xf32>
    %mul3A_174 = vector.broadcast %squeeze3A : f32 to vector<16xf32>
    %mul3A_175 = arith.mulf %convert_element_type3A_173, %mul3A_174 : vector<16xf32>
    %sub3A_176 = arith.subf %div3A_136, %mul3A_175 : vector<16xf32>
    %div3A_177 = vector.broadcast %squeeze3A : f32 to vector<16xf32>
    %div3A_178 = arith.divf %sub3A_176, %div3A_177 : vector<16xf32>
    %mul3A_179 = arith.constant 56 : i32
    %mul3A_180 = vector.broadcast %mul3A_179 : i32 to vector<16xi32>
    %mul3A_181 = arith.muli %convert_element_type3A_127, %mul3A_180 : vector<16xi32>
    %mul3A_182 = arith.constant 8 : i32
    %mul3A_183 = vector.broadcast %mul3A_182 : i32 to vector<16xi32>
    %mul3A_184 = arith.muli %sub3A_152, %mul3A_183 : vector<16xi32>
    %add3A_185 = arith.addi %mul3A_181, %mul3A_184 : vector<16xi32>
    %add3A_186 = arith.addi %add3A_185, %sub3A_166 : vector<16xi32>
    %mul3A_187 = arith.constant 32 : i32
    %mul3A_188 = vector.broadcast %mul3A_187 : i32 to vector<16xi32>
    %mul3A_189 = arith.muli %add3A_186, %mul3A_188 : vector<16xi32>
    %add3A_190 = arith.addi %mul3A_189, %convert_element_type3A_128 : vector<16xi32>
    %swap3A_191 = arith.constant 0 : index
    %swap3A_192 = tpu.vector_load %arg8[%swap3A_191] {strides = array<i32>} : memref<512xi32, #tpu.memory_space<vmem>>, vector<16xi32>,
    tpu.vector_store %arg8[%swap3A_191], %add3A_190 {strides = array<i32>} : memref<512xi32, #tpu.memory_space<vmem>>, vector<16xi32>,
    %add3A_193 = arith.constant 16 : i32
    %add3A_194 = vector.broadcast %add3A_193 : i32 to vector<16xi32>
    %add3A_195 = arith.addi %add3A_194, %iota3A : vector<16xi32>
    %mul3A_196 = arith.constant 6 : i32
    %mul3A_197 = vector.broadcast %mul3A_196 : i32 to vector<16xi32>
    %mul3A_198 = arith.muli %add3A_195, %mul3A_197 : vector<16xi32>
    %gather3A_199 = tpu.vector_load_idx %arg7[%mul3A_198] : memref<3072xf32, #tpu.memory_space<vmem>>[vector<16xi32>], vector<16xf32>,
    %add3A_200 = arith.constant 1 : i32
    %add3A_201 = vector.broadcast %add3A_200 : i32 to vector<16xi32>
    %add3A_202 = arith.addi %mul3A_198, %add3A_201 : vector<16xi32>
    %gather3A_203 = tpu.vector_load_idx %arg7[%add3A_202] : memref<3072xf32, #tpu.memory_space<vmem>>[vector<16xi32>], vector<16xf32>,
    %add3A_204 = arith.constant 2 : i32
    %add3A_205 = vector.broadcast %add3A_204 : i32 to vector<16xi32>
    %add3A_206 = arith.addi %mul3A_198, %add3A_205 : vector<16xi32>
    %gather3A_207 = tpu.vector_load_idx %arg7[%add3A_206] : memref<3072xf32, #tpu.memory_space<vmem>>[vector<16xi32>], vector<16xf32>,
    %add3A_208 = arith.constant 3 : i32
    %add3A_209 = vector.broadcast %add3A_208 : i32 to vector<16xi32>
    %add3A_210 = arith.addi %mul3A_198, %add3A_209 : vector<16xi32>
    %gather3A_211 = tpu.vector_load_idx %arg7[%add3A_210] : memref<3072xf32, #tpu.memory_space<vmem>>[vector<16xi32>], vector<16xf32>,
    %add3A_212 = arith.constant 4 : i32
    %add3A_213 = vector.broadcast %add3A_212 : i32 to vector<16xi32>
    %add3A_214 = arith.addi %mul3A_198, %add3A_213 : vector<16xi32>
    %gather3A_215 = tpu.vector_load_idx %arg7[%add3A_214] : memref<3072xf32, #tpu.memory_space<vmem>>[vector<16xi32>], vector<16xf32>,
    %add3A_216 = arith.constant 5 : i32
    %add3A_217 = vector.broadcast %add3A_216 : i32 to vector<16xi32>
    %add3A_218 = arith.addi %mul3A_198, %add3A_217 : vector<16xi32>
    %gather3A_219 = tpu.vector_load_idx %arg7[%add3A_218] : memref<3072xf32, #tpu.memory_space<vmem>>[vector<16xi32>], vector<16xf32>,
    %convert_element_type3A_220 = arith.fptosi %gather3A_199 : vector<16xf32> to vector<16xi32>
    %convert_element_type3A_221 = arith.fptosi %gather3A_203 : vector<16xf32> to vector<16xi32>
    %add3A_222 = arith.addf %gather3A_207, %gather3A_215 : vector<16xf32>
    %div3A_223 = arith.constant 2.000000e+00 : f32
    %div3A_224 = vector.broadcast %div3A_223 : f32 to vector<16xf32>
    %div3A_225 = arith.divf %add3A_222, %div3A_224 : vector<16xf32>
    %add3A_226 = arith.addf %gather3A_211, %gather3A_219 : vector<16xf32>
    %div3A_227 = arith.constant 2.000000e+00 : f32
    %div3A_228 = vector.broadcast %div3A_227 : f32 to vector<16xf32>
    %div3A_229 = arith.divf %add3A_226, %div3A_228 : vector<16xf32>
    %sub3A_230 = arith.subf %gather3A_215, %gather3A_207 : vector<16xf32>
    %sub3A_231 = arith.subf %gather3A_219, %gather3A_211 : vector<16xf32>
    %div3A_232 = vector.broadcast %squeeze3A : f32 to vector<16xf32>
    %div3A_233 = arith.divf %div3A_225, %div3A_232 : vector<16xf32>
    %convert_element_type3A_234 = arith.fptosi %div3A_233 : vector<16xf32> to vector<16xi32>
    %convert_element_type3A_235 = arith.sitofp %convert_element_type3A_234 : vector<16xi32> to vector<16xf32>
    %gt3A_236 = arith.cmpf ogt, %div3A_233, %convert_element_type3A_235 : vector<16xf32>
    %jit3A_237 = arith.constant 1 : i32
    %jit3A_238 = arith.constant 0 : i32
    %broadcast_in_dim3A_239 = vector.broadcast %jit3A_237 : i32 to vector<16xi32>
    %broadcast_in_dim3A_240 = vector.broadcast %jit3A_238 : i32 to vector<16xi32>
    %select_n3A_241 = arith.select %gt3A_236, %broadcast_in_dim3A_239, %broadcast_in_dim3A_240 : vector<16xi1>, vector<16xi32>
    %add3A_242 = arith.addi %convert_element_type3A_234, %select_n3A_241 : vector<16xi32>
    %sub3A_243 = arith.constant 1 : i32
    %sub3A_244 = vector.broadcast %sub3A_243 : i32 to vector<16xi32>
    %sub3A_245 = arith.subi %add3A_242, %sub3A_244 : vector<16xi32>
    %div3A_246 = vector.broadcast %squeeze3A : f32 to vector<16xf32>
    %div3A_247 = arith.divf %div3A_229, %div3A_246 : vector<16xf32>
    %convert_element_type3A_248 = arith.fptosi %div3A_247 : vector<16xf32> to vector<16xi32>
    %convert_element_type3A_249 = arith.sitofp %convert_element_type3A_248 : vector<16xi32> to vector<16xf32>
    %gt3A_250 = arith.cmpf ogt, %div3A_247, %convert_element_type3A_249 : vector<16xf32>
    %jit3A_251 = arith.constant 1 : i32
    %jit3A_252 = arith.constant 0 : i32
    %broadcast_in_dim3A_253 = vector.broadcast %jit3A_251 : i32 to vector<16xi32>
    %broadcast_in_dim3A_254 = vector.broadcast %jit3A_252 : i32 to vector<16xi32>
    %select_n3A_255 = arith.select %gt3A_250, %broadcast_in_dim3A_253, %broadcast_in_dim3A_254 : vector<16xi1>, vector<16xi32>
    %add3A_256 = arith.addi %convert_element_type3A_248, %select_n3A_255 : vector<16xi32>
    %sub3A_257 = arith.constant 1 : i32
    %sub3A_258 = vector.broadcast %sub3A_257 : i32 to vector<16xi32>
    %sub3A_259 = arith.subi %add3A_256, %sub3A_258 : vector<16xi32>
    %convert_element_type3A_260 = arith.sitofp %sub3A_245 : vector<16xi32> to vector<16xf32>
    %mul3A_261 = vector.broadcast %squeeze3A : f32 to vector<16xf32>
    %mul3A_262 = arith.mulf %convert_element_type3A_260, %mul3A_261 : vector<16xf32>
    %sub3A_263 = arith.subf %div3A_225, %mul3A_262 : vector<16xf32>
    %div3A_264 = vector.broadcast %squeeze3A : f32 to vector<16xf32>
    %div3A_265 = arith.divf %sub3A_263, %div3A_264 : vector<16xf32>
    %convert_element_type3A_266 = arith.sitofp %sub3A_259 : vector<16xi32> to vector<16xf32>
    %mul3A_267 = vector.broadcast %squeeze3A : f32 to vector<16xf32>
    %mul3A_268 = arith.mulf %convert_element_type3A_266, %mul3A_267 : vector<16xf32>
    %sub3A_269 = arith.subf %div3A_229, %mul3A_268 : vector<16xf32>
    %div3A_270 = vector.broadcast %squeeze3A : f32 to vector<16xf32>
    %div3A_271 = arith.divf %sub3A_269, %div3A_270 : vector<16xf32>
    %mul3A_272 = arith.constant 56 : i32
    %mul3A_273 = vector.broadcast %mul3A_272 : i32 to vector<16xi32>
    %mul3A_274 = arith.muli %convert_element_type3A_220, %mul3A_273 : vector<16xi32>
    %mul3A_275 = arith.constant 8 : i32
    %mul3A_276 = vector.broadcast %mul3A_275 : i32 to vector<16xi32>
    %mul3A_277 = arith.muli %sub3A_245, %mul3A_276 : vector<16xi32>
    %add3A_278 = arith.addi %mul3A_274, %mul3A_277 : vector<16xi32>
    %add3A_279 = arith.addi %add3A_278, %sub3A_259 : vector<16xi32>
    %mul3A_280 = arith.constant 32 : i32
    %mul3A_281 = vector.broadcast %mul3A_280 : i32 to vector<16xi32>
    %mul3A_282 = arith.muli %add3A_279, %mul3A_281 : vector<16xi32>
    %add3A_283 = arith.addi %mul3A_282, %convert_element_type3A_221 : vector<16xi32>
    %swap3A_284 = arith.constant 16 : index
    %swap3A_285 = tpu.vector_load %arg8[%swap3A_284] {strides = array<i32>} : memref<512xi32, #tpu.memory_space<vmem>>, vector<16xi32>,
    tpu.vector_store %arg8[%swap3A_284], %add3A_283 {strides = array<i32>} : memref<512xi32, #tpu.memory_space<vmem>>, vector<16xi32>,
    %add3A_286 = arith.constant 32 : i32
    %add3A_287 = vector.broadcast %add3A_286 : i32 to vector<16xi32>
    %add3A_288 = arith.addi %add3A_287, %iota3A : vector<16xi32>
    %mul3A_289 = arith.constant 6 : i32
    %mul3A_290 = vector.broadcast %mul3A_289 : i32 to vector<16xi32>
    %mul3A_291 = arith.muli %add3A_288, %mul3A_290 : vector<16xi32>
    %gather3A_292 = tpu.vector_load_idx %arg7[%mul3A_291] : memref<3072xf32, #tpu.memory_space<vmem>>[vector<16xi32>], vector<16xf32>,
    %add3A_293 = arith.constant 1 : i32
    %add3A_294 = vector.broadcast %add3A_293 : i32 to vector<16xi32>
    %add3A_295 = arith.addi %mul3A_291, %add3A_294 : vector<16xi32>
    %gather3A_296 = tpu.vector_load_idx %arg7[%add3A_295] : memref<3072xf32, #tpu.memory_space<vmem>>[vector<16xi32>], vector<16xf32>,
    %add3A_297 = arith.constant 2 : i32
    %add3A_298 = vector.broadcast %add3A_297 : i32 to vector<16xi32>
    %add3A_299 = arith.addi %mul3A_291, %add3A_298 : vector<16xi32>
    %gather3A_300 = tpu.vector_load_idx %arg7[%add3A_299] : memref<3072xf32, #tpu.memory_space<vmem>>[vector<16xi32>], vector<16xf32>,
    %add3A_301 = arith.constant 3 : i32
    %add3A_302 = vector.broadcast %add3A_301 : i32 to vector<16xi32>
    %add3A_303 = arith.addi %mul3A_291, %add3A_302 : vector<16xi32>
    %gather3A_304 = tpu.vector_load_idx %arg7[%add3A_303] : memref<3072xf32, #tpu.memory_space<vmem>>[vector<16xi32>], vector<16xf32>,
    %add3A_305 = arith.constant 4 : i32
    %add3A_306 = vector.broadcast %add3A_305 : i32 to vector<16xi32>
    %add3A_307 = arith.addi %mul3A_291, %add3A_306 : vector<16xi32>
    %gather3A_308 = tpu.vector_load_idx %arg7[%add3A_307] : memref<3072xf32, #tpu.memory_space<vmem>>[vector<16xi32>], vector<16xf32>,
    %add3A_309 = arith.constant 5 : i32
    %add3A_310 = vector.broadcast %add3A_309 : i32 to vector<16xi32>
    %add3A_311 = arith.addi %mul3A_291, %add3A_310 : vector<16xi32>
    %gather3A_312 = tpu.vector_load_idx %arg7[%add3A_311] : memref<3072xf32, #tpu.memory_space<vmem>>[vector<16xi32>], vector<16xf32>,
    %convert_element_type3A_313 = arith.fptosi %gather3A_292 : vector<16xf32> to vector<16xi32>
    %convert_element_type3A_314 = arith.fptosi %gather3A_296 : vector<16xf32> to vector<16xi32>
    %add3A_315 = arith.addf %gather3A_300, %gather3A_308 : vector<16xf32>
    %div3A_316 = arith.constant 2.000000e+00 : f32
    %div3A_317 = vector.broadcast %div3A_316 : f32 to vector<16xf32>
    %div3A_318 = arith.divf %add3A_315, %div3A_317 : vector<16xf32>
    %add3A_319 = arith.addf %gather3A_304, %gather3A_312 : vector<16xf32>
    %div3A_320 = arith.constant 2.000000e+00 : f32
    %div3A_321 = vector.broadcast %div3A_320 : f32 to vector<16xf32>
    %div3A_322 = arith.divf %add3A_319, %div3A_321 : vector<16xf32>
    %sub3A_323 = arith.subf %gather3A_308, %gather3A_300 : vector<16xf32>
    %sub3A_324 = arith.subf %gather3A_312, %gather3A_304 : vector<16xf32>
    %div3A_325 = vector.broadcast %squeeze3A : f32 to vector<16xf32>
    %div3A_326 = arith.divf %div3A_318, %div3A_325 : vector<16xf32>
    %convert_element_type3A_327 = arith.fptosi %div3A_326 : vector<16xf32> to vector<16xi32>
    %convert_element_type3A_328 = arith.sitofp %convert_element_type3A_327 : vector<16xi32> to vector<16xf32>
    %gt3A_329 = arith.cmpf ogt, %div3A_326, %convert_element_type3A_328 : vector<16xf32>
    %jit3A_330 = arith.constant 1 : i32
    %jit3A_331 = arith.constant 0 : i32
    %broadcast_in_dim3A_332 = vector.broadcast %jit3A_330 : i32 to vector<16xi32>
    %broadcast_in_dim3A_333 = vector.broadcast %jit3A_331 : i32 to vector<16xi32>
    %select_n3A_334 = arith.select %gt3A_329, %broadcast_in_dim3A_332, %broadcast_in_dim3A_333 : vector<16xi1>, vector<16xi32>
    %add3A_335 = arith.addi %convert_element_type3A_327, %select_n3A_334 : vector<16xi32>
    %sub3A_336 = arith.constant 1 : i32
    %sub3A_337 = vector.broadcast %sub3A_336 : i32 to vector<16xi32>
    %sub3A_338 = arith.subi %add3A_335, %sub3A_337 : vector<16xi32>
    %div3A_339 = vector.broadcast %squeeze3A : f32 to vector<16xf32>
    %div3A_340 = arith.divf %div3A_322, %div3A_339 : vector<16xf32>
    %convert_element_type3A_341 = arith.fptosi %div3A_340 : vector<16xf32> to vector<16xi32>
    %convert_element_type3A_342 = arith.sitofp %convert_element_type3A_341 : vector<16xi32> to vector<16xf32>
    %gt3A_343 = arith.cmpf ogt, %div3A_340, %convert_element_type3A_342 : vector<16xf32>
    %jit3A_344 = arith.constant 1 : i32
    %jit3A_345 = arith.constant 0 : i32
    %broadcast_in_dim3A_346 = vector.broadcast %jit3A_344 : i32 to vector<16xi32>
    %broadcast_in_dim3A_347 = vector.broadcast %jit3A_345 : i32 to vector<16xi32>
    %select_n3A_348 = arith.select %gt3A_343, %broadcast_in_dim3A_346, %broadcast_in_dim3A_347 : vector<16xi1>, vector<16xi32>
    %add3A_349 = arith.addi %convert_element_type3A_341, %select_n3A_348 : vector<16xi32>
    %sub3A_350 = arith.constant 1 : i32
    %sub3A_351 = vector.broadcast %sub3A_350 : i32 to vector<16xi32>
    %sub3A_352 = arith.subi %add3A_349, %sub3A_351 : vector<16xi32>
    %convert_element_type3A_353 = arith.sitofp %sub3A_338 : vector<16xi32> to vector<16xf32>
    %mul3A_354 = vector.broadcast %squeeze3A : f32 to vector<16xf32>
    %mul3A_355 = arith.mulf %convert_element_type3A_353, %mul3A_354 : vector<16xf32>
    %sub3A_356 = arith.subf %div3A_318, %mul3A_355 : vector<16xf32>
    %div3A_357 = vector.broadcast %squeeze3A : f32 to vector<16xf32>
    %div3A_358 = arith.divf %sub3A_356, %div3A_357 : vector<16xf32>
    %convert_element_type3A_359 = arith.sitofp %sub3A_352 : vector<16xi32> to vector<16xf32>
    %mul3A_360 = vector.broadcast %squeeze3A : f32 to vector<16xf32>
    %mul3A_361 = arith.mulf %convert_element_type3A_359, %mul3A_360 : vector<16xf32>
    %sub3A_362 = arith.subf %div3A_322, %mul3A_361 : vector<16xf32>
    %div3A_363 = vector.broadcast %squeeze3A : f32 to vector<16xf32>
    %div3A_364 = arith.divf %sub3A_362, %div3A_363 : vector<16xf32>
    %mul3A_365 = arith.constant 56 : i32
    %mul3A_366 = vector.broadcast %mul3A_365 : i32 to vector<16xi32>
    %mul3A_367 = arith.muli %convert_element_type3A_313, %mul3A_366 : vector<16xi32>
    %mul3A_368 = arith.constant 8 : i32
    %mul3A_369 = vector.broadcast %mul3A_368 : i32 to vector<16xi32>
    %mul3A_370 = arith.muli %sub3A_338, %mul3A_369 : vector<16xi32>
    %add3A_371 = arith.addi %mul3A_367, %mul3A_370 : vector<16xi32>
    %add3A_372 = arith.addi %add3A_371, %sub3A_352 : vector<16xi32>
    %mul3A_373 = arith.constant 32 : i32
    %mul3A_374 = vector.broadcast %mul3A_373 : i32 to vector<16xi32>
    %mul3A_375 = arith.muli %add3A_372, %mul3A_374 : vector<16xi32>
    %add3A_376 = arith.addi %mul3A_375, %convert_element_type3A_314 : vector<16xi32>
    %swap3A_377 = arith.constant 32 : index
    %swap3A_378 = tpu.vector_load %arg8[%swap3A_377] {strides = array<i32>} : memref<512xi32, #tpu.memory_space<vmem>>, vector<16xi32>,
    tpu.vector_store %arg8[%swap3A_377], %add3A_376 {strides = array<i32>} : memref<512xi32, #tpu.memory_space<vmem>>, vector<16xi32>,
    %add3A_379 = arith.constant 48 : i32
    %add3A_380 = vector.broadcast %add3A_379 : i32 to vector<16xi32>
    %add3A_381 = arith.addi %add3A_380, %iota3A : vector<16xi32>
    %mul3A_382 = arith.constant 6 : i32
    %mul3A_383 = vector.broadcast %mul3A_382 : i32 to vector<16xi32>
    %mul3A_384 = arith.muli %add3A_381, %mul3A_383 : vector<16xi32>
    %gather3A_385 = tpu.vector_load_idx %arg7[%mul3A_384] : memref<3072xf32, #tpu.memory_space<vmem>>[vector<16xi32>], vector<16xf32>,
    %add3A_386 = arith.constant 1 : i32
    %add3A_387 = vector.broadcast %add3A_386 : i32 to vector<16xi32>
    %add3A_388 = arith.addi %mul3A_384, %add3A_387 : vector<16xi32>
    %gather3A_389 = tpu.vector_load_idx %arg7[%add3A_388] : memref<3072xf32, #tpu.memory_space<vmem>>[vector<16xi32>], vector<16xf32>,
    %add3A_390 = arith.constant 2 : i32
    %add3A_391 = vector.broadcast %add3A_390 : i32 to vector<16xi32>
    %add3A_392 = arith.addi %mul3A_384, %add3A_391 : vector<16xi32>
    %gather3A_393 = tpu.vector_load_idx %arg7[%add3A_392] : memref<3072xf32, #tpu.memory_space<vmem>>[vector<16xi32>], vector<16xf32>,
    %add3A_394 = arith.constant 3 : i32
    %add3A_395 = vector.broadcast %add3A_394 : i32 to vector<16xi32>
    %add3A_396 = arith.addi %mul3A_384, %add3A_395 : vector<16xi32>
    %gather3A_397 = tpu.vector_load_idx %arg7[%add3A_396] : memref<3072xf32, #tpu.memory_space<vmem>>[vector<16xi32>], vector<16xf32>,
    %add3A_398 = arith.constant 4 : i32
    %add3A_399 = vector.broadcast %add3A_398 : i32 to vector<16xi32>
    %add3A_400 = arith.addi %mul3A_384, %add3A_399 : vector<16xi32>
    %gather3A_401 = tpu.vector_load_idx %arg7[%add3A_400] : memref<3072xf32, #tpu.memory_space<vmem>>[vector<16xi32>], vector<16xf32>,
    %add3A_402 = arith.constant 5 : i32
    %add3A_403 = vector.broadcast %add3A_402 : i32 to vector<16xi32>
    %add3A_404 = arith.addi %mul3A_384, %add3A_403 : vector<16xi32>
    %gather3A_405 = tpu.vector_load_idx %arg7[%add3A_404] : memref<3072xf32, #tpu.memory_space<vmem>>[vector<16xi32>], vector<16xf32>,
    %convert_element_type3A_406 = arith.fptosi %gather3A_385 : vector<16xf32> to vector<16xi32>
    %convert_element_type3A_407 = arith.fptosi %gather3A_389 : vector<16xf32> to vector<16xi32>
    %add3A_408 = arith.addf %gather3A_393, %gather3A_401 : vector<16xf32>
    %div3A_409 = arith.constant 2.000000e+00 : f32
    %div3A_410 = vector.broadcast %div3A_409 : f32 to vector<16xf32>
    %div3A_411 = arith.divf %add3A_408, %div3A_410 : vector<16xf32>
    %add3A_412 = arith.addf %gather3A_397, %gather3A_405 : vector<16xf32>
    %div3A_413 = arith.constant 2.000000e+00 : f32
    %div3A_414 = vector.broadcast %div3A_413 : f32 to vector<16xf32>
    %div3A_415 = arith.divf %add3A_412, %div3A_414 : vector<16xf32>
    %sub3A_416 = arith.subf %gather3A_401, %gather3A_393 : vector<16xf32>
    %sub3A_417 = arith.subf %gather3A_405, %gather3A_397 : vector<16xf32>
    %div3A_418 = vector.broadcast %squeeze3A : f32 to vector<16xf32>
    %div3A_419 = arith.divf %div3A_411, %div3A_418 : vector<16xf32>
    %convert_element_type3A_420 = arith.fptosi %div3A_419 : vector<16xf32> to vector<16xi32>
    %convert_element_type3A_421 = arith.sitofp %convert_element_type3A_420 : vector<16xi32> to vector<16xf32>
    %gt3A_422 = arith.cmpf ogt, %div3A_419, %convert_element_type3A_421 : vector<16xf32>
    %jit3A_423 = arith.constant 1 : i32
    %jit3A_424 = arith.constant 0 : i32
    %broadcast_in_dim3A_425 = vector.broadcast %jit3A_423 : i32 to vector<16xi32>
    %broadcast_in_dim3A_426 = vector.broadcast %jit3A_424 : i32 to vector<16xi32>
    %select_n3A_427 = arith.select %gt3A_422, %broadcast_in_dim3A_425, %broadcast_in_dim3A_426 : vector<16xi1>, vector<16xi32>
    %add3A_428 = arith.addi %convert_element_type3A_420, %select_n3A_427 : vector<16xi32>
    %sub3A_429 = arith.constant 1 : i32
    %sub3A_430 = vector.broadcast %sub3A_429 : i32 to vector<16xi32>
    %sub3A_431 = arith.subi %add3A_428, %sub3A_430 : vector<16xi32>
    %div3A_432 = vector.broadcast %squeeze3A : f32 to vector<16xf32>
    %div3A_433 = arith.divf %div3A_415, %div3A_432 : vector<16xf32>
    %convert_element_type3A_434 = arith.fptosi %div3A_433 : vector<16xf32> to vector<16xi32>
    %convert_element_type3A_435 = arith.sitofp %convert_element_type3A_434 : vector<16xi32> to vector<16xf32>
    %gt3A_436 = arith.cmpf ogt, %div3A_433, %convert_element_type3A_435 : vector<16xf32>
    %jit3A_437 = arith.constant 1 : i32
    %jit3A_438 = arith.constant 0 : i32
    %broadcast_in_dim3A_439 = vector.broadcast %jit3A_437 : i32 to vector<16xi32>
    %broadcast_in_dim3A_440 = vector.broadcast %jit3A_438 : i32 to vector<16xi32>
    %select_n3A_441 = arith.select %gt3A_436, %broadcast_in_dim3A_439, %broadcast_in_dim3A_440 : vector<16xi1>, vector<16xi32>
    %add3A_442 = arith.addi %convert_element_type3A_434, %select_n3A_441 : vector<16xi32>
    %sub3A_443 = arith.constant 1 : i32
    %sub3A_444 = vector.broadcast %sub3A_443 : i32 to vector<16xi32>
    %sub3A_445 = arith.subi %add3A_442, %sub3A_444 : vector<16xi32>
    %convert_element_type3A_446 = arith.sitofp %sub3A_431 : vector<16xi32> to vector<16xf32>
    %mul3A_447 = vector.broadcast %squeeze3A : f32 to vector<16xf32>
    %mul3A_448 = arith.mulf %convert_element_type3A_446, %mul3A_447 : vector<16xf32>
    %sub3A_449 = arith.subf %div3A_411, %mul3A_448 : vector<16xf32>
    %div3A_450 = vector.broadcast %squeeze3A : f32 to vector<16xf32>
    %div3A_451 = arith.divf %sub3A_449, %div3A_450 : vector<16xf32>
    %convert_element_type3A_452 = arith.sitofp %sub3A_445 : vector<16xi32> to vector<16xf32>
    %mul3A_453 = vector.broadcast %squeeze3A : f32 to vector<16xf32>
    %mul3A_454 = arith.mulf %convert_element_type3A_452, %mul3A_453 : vector<16xf32>
    %sub3A_455 = arith.subf %div3A_415, %mul3A_454 : vector<16xf32>
    %div3A_456 = vector.broadcast %squeeze3A : f32 to vector<16xf32>
    %div3A_457 = arith.divf %sub3A_455, %div3A_456 : vector<16xf32>
    %mul3A_458 = arith.constant 56 : i32
    %mul3A_459 = vector.broadcast %mul3A_458 : i32 to vector<16xi32>
    %mul3A_460 = arith.muli %convert_element_type3A_406, %mul3A_459 : vector<16xi32>
    %mul3A_461 = arith.constant 8 : i32
    %mul3A_462 = vector.broadcast %mul3A_461 : i32 to vector<16xi32>
    %mul3A_463 = arith.muli %sub3A_431, %mul3A_462 : vector<16xi32>
    %add3A_464 = arith.addi %mul3A_460, %mul3A_463 : vector<16xi32>
    %add3A_465 = arith.addi %add3A_464, %sub3A_445 : vector<16xi32>
    %mul3A_466 = arith.constant 32 : i32
    %mul3A_467 = vector.broadcast %mul3A_466 : i32 to vector<16xi32>
    %mul3A_468 = arith.muli %add3A_465, %mul3A_467 : vector<16xi32>
    %add3A_469 = arith.addi %mul3A_468, %convert_element_type3A_407 : vector<16xi32>
    %swap3A_470 = arith.constant 48 : index
    %swap3A_471 = tpu.vector_load %arg8[%swap3A_470] {strides = array<i32>} : memref<512xi32, #tpu.memory_space<vmem>>, vector<16xi32>,
    tpu.vector_store %arg8[%swap3A_470], %add3A_469 {strides = array<i32>} : memref<512xi32, #tpu.memory_space<vmem>>, vector<16xi32>,
    %add3A_472 = arith.constant 64 : i32
    %add3A_473 = vector.broadcast %add3A_472 : i32 to vector<16xi32>
    %add3A_474 = arith.addi %add3A_473, %iota3A : vector<16xi32>
    %mul3A_475 = arith.constant 6 : i32
    %mul3A_476 = vector.broadcast %mul3A_475 : i32 to vector<16xi32>
    %mul3A_477 = arith.muli %add3A_474, %mul3A_476 : vector<16xi32>
    %gather3A_478 = tpu.vector_load_idx %arg7[%mul3A_477] : memref<3072xf32, #tpu.memory_space<vmem>>[vector<16xi32>], vector<16xf32>,
    %add3A_479 = arith.constant 1 : i32
    %add3A_480 = vector.broadcast %add3A_479 : i32 to vector<16xi32>
    %add3A_481 = arith.addi %mul3A_477, %add3A_480 : vector<16xi32>
    %gather3A_482 = tpu.vector_load_idx %arg7[%add3A_481] : memref<3072xf32, #tpu.memory_space<vmem>>[vector<16xi32>], vector<16xf32>,
    %add3A_483 = arith.constant 2 : i32
    %add3A_484 = vector.broadcast %add3A_483 : i32 to vector<16xi32>
    %add3A_485 = arith.addi %mul3A_477, %add3A_484 : vector<16xi32>
    %gather3A_486 = tpu.vector_load_idx %arg7[%add3A_485] : memref<3072xf32, #tpu.memory_space<vmem>>[vector<16xi32>], vector<16xf32>,
    %add3A_487 = arith.constant 3 : i32
    %add3A_488 = vector.broadcast %add3A_487 : i32 to vector<16xi32>
    %add3A_489 = arith.addi %mul3A_477, %add3A_488 : vector<16xi32>
    %gather3A_490 = tpu.vector_load_idx %arg7[%add3A_489] : memref<3072xf32, #tpu.memory_space<vmem>>[vector<16xi32>], vector<16xf32>,
    %add3A_491 = arith.constant 4 : i32
    %add3A_492 = vector.broadcast %add3A_491 : i32 to vector<16xi32>
    %add3A_493 = arith.addi %mul3A_477, %add3A_492 : vector<16xi32>
    %gather3A_494 = tpu.vector_load_idx %arg7[%add3A_493] : memref<3072xf32, #tpu.memory_space<vmem>>[vector<16xi32>], vector<16xf32>,
    %add3A_495 = arith.constant 5 : i32
    %add3A_496 = vector.broadcast %add3A_495 : i32 to vector<16xi32>
    %add3A_497 = arith.addi %mul3A_477, %add3A_496 : vector<16xi32>
    %gather3A_498 = tpu.vector_load_idx %arg7[%add3A_497] : memref<3072xf32, #tpu.memory_space<vmem>>[vector<16xi32>], vector<16xf32>,
    %convert_element_type3A_499 = arith.fptosi %gather3A_478 : vector<16xf32> to vector<16xi32>
    %convert_element_type3A_500 = arith.fptosi %gather3A_482 : vector<16xf32> to vector<16xi32>
    %add3A_501 = arith.addf %gather3A_486, %gather3A_494 : vector<16xf32>
    %div3A_502 = arith.constant 2.000000e+00 : f32
    %div3A_503 = vector.broadcast %div3A_502 : f32 to vector<16xf32>
    %div3A_504 = arith.divf %add3A_501, %div3A_503 : vector<16xf32>
    %add3A_505 = arith.addf %gather3A_490, %gather3A_498 : vector<16xf32>
    %div3A_506 = arith.constant 2.000000e+00 : f32
    %div3A_507 = vector.broadcast %div3A_506 : f32 to vector<16xf32>
    %div3A_508 = arith.divf %add3A_505, %div3A_507 : vector<16xf32>
    %sub3A_509 = arith.subf %gather3A_494, %gather3A_486 : vector<16xf32>
    %sub3A_510 = arith.subf %gather3A_498, %gather3A_490 : vector<16xf32>
    %div3A_511 = vector.broadcast %squeeze3A : f32 to vector<16xf32>
    %div3A_512 = arith.divf %div3A_504, %div3A_511 : vector<16xf32>
    %convert_element_type3A_513 = arith.fptosi %div3A_512 : vector<16xf32> to vector<16xi32>
    %convert_element_type3A_514 = arith.sitofp %convert_element_type3A_513 : vector<16xi32> to vector<16xf32>
    %gt3A_515 = arith.cmpf ogt, %div3A_512, %convert_element_type3A_514 : vector<16xf32>
    %jit3A_516 = arith.constant 1 : i32
    %jit3A_517 = arith.constant 0 : i32
    %broadcast_in_dim3A_518 = vector.broadcast %jit3A_516 : i32 to vector<16xi32>
    %broadcast_in_dim3A_519 = vector.broadcast %jit3A_517 : i32 to vector<16xi32>
    %select_n3A_520 = arith.select %gt3A_515, %broadcast_in_dim3A_518, %broadcast_in_dim3A_519 : vector<16xi1>, vector<16xi32>
    %add3A_521 = arith.addi %convert_element_type3A_513, %select_n3A_520 : vector<16xi32>
    %sub3A_522 = arith.constant 1 : i32
    %sub3A_523 = vector.broadcast %sub3A_522 : i32 to vector<16xi32>
    %sub3A_524 = arith.subi %add3A_521, %sub3A_523 : vector<16xi32>
    %div3A_525 = vector.broadcast %squeeze3A : f32 to vector<16xf32>
    %div3A_526 = arith.divf %div3A_508, %div3A_525 : vector<16xf32>
    %convert_element_type3A_527 = arith.fptosi %div3A_526 : vector<16xf32> to vector<16xi32>
    %convert_element_type3A_528 = arith.sitofp %convert_element_type3A_527 : vector<16xi32> to vector<16xf32>
    %gt3A_529 = arith.cmpf ogt, %div3A_526, %convert_element_type3A_528 : vector<16xf32>
    %jit3A_530 = arith.constant 1 : i32
    %jit3A_531 = arith.constant 0 : i32
    %broadcast_in_dim3A_532 = vector.broadcast %jit3A_530 : i32 to vector<16xi32>
    %broadcast_in_dim3A_533 = vector.broadcast %jit3A_531 : i32 to vector<16xi32>
    %select_n3A_534 = arith.select %gt3A_529, %broadcast_in_dim3A_532, %broadcast_in_dim3A_533 : vector<16xi1>, vector<16xi32>
    %add3A_535 = arith.addi %convert_element_type3A_527, %select_n3A_534 : vector<16xi32>
    %sub3A_536 = arith.constant 1 : i32
    %sub3A_537 = vector.broadcast %sub3A_536 : i32 to vector<16xi32>
    %sub3A_538 = arith.subi %add3A_535, %sub3A_537 : vector<16xi32>
    %convert_element_type3A_539 = arith.sitofp %sub3A_524 : vector<16xi32> to vector<16xf32>
    %mul3A_540 = vector.broadcast %squeeze3A : f32 to vector<16xf32>
    %mul3A_541 = arith.mulf %convert_element_type3A_539, %mul3A_540 : vector<16xf32>
    %sub3A_542 = arith.subf %div3A_504, %mul3A_541 : vector<16xf32>
    %div3A_543 = vector.broadcast %squeeze3A : f32 to vector<16xf32>
    %div3A_544 = arith.divf %sub3A_542, %div3A_543 : vector<16xf32>
    %convert_element_type3A_545 = arith.sitofp %sub3A_538 : vector<16xi32> to vector<16xf32>
    %mul3A_546 = vector.broadcast %squeeze3A : f32 to vector<16xf32>
    %mul3A_547 = arith.mulf %convert_element_type3A_545, %mul3A_546 : vector<16xf32>
    %sub3A_548 = arith.subf %div3A_508, %mul3A_547 : vector<16xf32>
    %div3A_549 = vector.broadcast %squeeze3A : f32 to vector<16xf32>
    %div3A_550 = arith.divf %sub3A_548, %div3A_549 : vector<16xf32>
    %mul3A_551 = arith.constant 56 : i32
    %mul3A_552 = vector.broadcast %mul3A_551 : i32 to vector<16xi32>
    %mul3A_553 = arith.muli %convert_element_type3A_499, %mul3A_552 : vector<16xi32>
    %mul3A_554 = arith.constant 8 : i32
    %mul3A_555 = vector.broadcast %mul3A_554 : i32 to vector<16xi32>
    %mul3A_556 = arith.muli %sub3A_524, %mul3A_555 : vector<16xi32>
    %add3A_557 = arith.addi %mul3A_553, %mul3A_556 : vector<16xi32>
    %add3A_558 = arith.addi %add3A_557, %sub3A_538 : vector<16xi32>
    %mul3A_559 = arith.constant 32 : i32
    %mul3A_560 = vector.broadcast %mul3A_559 : i32 to vector<16xi32>
    %mul3A_561 = arith.muli %add3A_558, %mul3A_560 : vector<16xi32>
    %add3A_562 = arith.addi %mul3A_561, %convert_element_type3A_500 : vector<16xi32>
    %swap3A_563 = arith.constant 64 : index
    %swap3A_564 = tpu.vector_load %arg8[%swap3A_563] {strides = array<i32>} : memref<512xi32, #tpu.memory_space<vmem>>, vector<16xi32>,
    tpu.vector_store %arg8[%swap3A_563], %add3A_562 {strides = array<i32>} : memref<512xi32, #tpu.memory_space<vmem>>, vector<16xi32>,
    %add3A_565 = arith.constant 80 : i32
    %add3A_566 = vector.broadcast %add3A_565 : i32 to vector<16xi32>
    %add3A_567 = arith.addi %add3A_566, %iota3A : vector<16xi32>
    %mul3A_568 = arith.constant 6 : i32
    %mul3A_569 = vector.broadcast %mul3A_568 : i32 to vector<16xi32>
    %mul3A_570 = arith.muli %add3A_567, %mul3A_569 : vector<16xi32>
    %gather3A_571 = tpu.vector_load_idx %arg7[%mul3A_570] : memref<3072xf32, #tpu.memory_space<vmem>>[vector<16xi32>], vector<16xf32>,
    %add3A_572 = arith.constant 1 : i32
    %add3A_573 = vector.broadcast %add3A_572 : i32 to vector<16xi32>
    %add3A_574 = arith.addi %mul3A_570, %add3A_573 : vector<16xi32>
    %gather3A_575 = tpu.vector_load_idx %arg7[%add3A_574] : memref<3072xf32, #tpu.memory_space<vmem>>[vector<16xi32>], vector<16xf32>,
    %add3A_576 = arith.constant 2 : i32
    %add3A_577 = vector.broadcast %add3A_576 : i32 to vector<16xi32>
    %add3A_578 = arith.addi %mul3A_570, %add3A_577 : vector<16xi32>
    %gather3A_579 = tpu.vector_load_idx %arg7[%add3A_578] : memref<3072xf32, #tpu.memory_space<vmem>>[vector<16xi32>], vector<16xf32>,
    %add3A_580 = arith.constant 3 : i32
    %add3A_581 = vector.broadcast %add3A_580 : i32 to vector<16xi32>
    %add3A_582 = arith.addi %mul3A_570, %add3A_581 : vector<16xi32>
    %gather3A_583 = tpu.vector_load_idx %arg7[%add3A_582] : memref<3072xf32, #tpu.memory_space<vmem>>[vector<16xi32>], vector<16xf32>,
    %add3A_584 = arith.constant 4 : i32
    %add3A_585 = vector.broadcast %add3A_584 : i32 to vector<16xi32>
    %add3A_586 = arith.addi %mul3A_570, %add3A_585 : vector<16xi32>
    %gather3A_587 = tpu.vector_load_idx %arg7[%add3A_586] : memref<3072xf32, #tpu.memory_space<vmem>>[vector<16xi32>], vector<16xf32>,
    %add3A_588 = arith.constant 5 : i32
    %add3A_589 = vector.broadcast %add3A_588 : i32 to vector<16xi32>
    %add3A_590 = arith.addi %mul3A_570, %add3A_589 : vector<16xi32>
    %gather3A_591 = tpu.vector_load_idx %arg7[%add3A_590] : memref<3072xf32, #tpu.memory_space<vmem>>[vector<16xi32>], vector<16xf32>,
    %convert_element_type3A_592 = arith.fptosi %gather3A_571 : vector<16xf32> to vector<16xi32>
    %convert_element_type3A_593 = arith.fptosi %gather3A_575 : vector<16xf32> to vector<16xi32>
    %add3A_594 = arith.addf %gather3A_579, %gather3A_587 : vector<16xf32>
    %div3A_595 = arith.constant 2.000000e+00 : f32
    %div3A_596 = vector.broadcast %div3A_595 : f32 to vector<16xf32>
    %div3A_597 = arith.divf %add3A_594, %div3A_596 : vector<16xf32>
    %add3A_598 = arith.addf %gather3A_583, %gather3A_591 : vector<16xf32>
    %div3A_599 = arith.constant 2.000000e+00 : f32
    %div3A_600 = vector.broadcast %div3A_599 : f32 to vector<16xf32>
    %div3A_601 = arith.divf %add3A_598, %div3A_600 : vector<16xf32>
    %sub3A_602 = arith.subf %gather3A_587, %gather3A_579 : vector<16xf32>
    %sub3A_603 = arith.subf %gather3A_591, %gather3A_583 : vector<16xf32>
    %div3A_604 = vector.broadcast %squeeze3A : f32 to vector<16xf32>
    %div3A_605 = arith.divf %div3A_597, %div3A_604 : vector<16xf32>
    %convert_element_type3A_606 = arith.fptosi %div3A_605 : vector<16xf32> to vector<16xi32>
    %convert_element_type3A_607 = arith.sitofp %convert_element_type3A_606 : vector<16xi32> to vector<16xf32>
    %gt3A_608 = arith.cmpf ogt, %div3A_605, %convert_element_type3A_607 : vector<16xf32>
    %jit3A_609 = arith.constant 1 : i32
    %jit3A_610 = arith.constant 0 : i32
    %broadcast_in_dim3A_611 = vector.broadcast %jit3A_609 : i32 to vector<16xi32>
    %broadcast_in_dim3A_612 = vector.broadcast %jit3A_610 : i32 to vector<16xi32>
    %select_n3A_613 = arith.select %gt3A_608, %broadcast_in_dim3A_611, %broadcast_in_dim3A_612 : vector<16xi1>, vector<16xi32>
    %add3A_614 = arith.addi %convert_element_type3A_606, %select_n3A_613 : vector<16xi32>
    %sub3A_615 = arith.constant 1 : i32
    %sub3A_616 = vector.broadcast %sub3A_615 : i32 to vector<16xi32>
    %sub3A_617 = arith.subi %add3A_614, %sub3A_616 : vector<16xi32>
    %div3A_618 = vector.broadcast %squeeze3A : f32 to vector<16xf32>
    %div3A_619 = arith.divf %div3A_601, %div3A_618 : vector<16xf32>
    %convert_element_type3A_620 = arith.fptosi %div3A_619 : vector<16xf32> to vector<16xi32>
    %convert_element_type3A_621 = arith.sitofp %convert_element_type3A_620 : vector<16xi32> to vector<16xf32>
    %gt3A_622 = arith.cmpf ogt, %div3A_619, %convert_element_type3A_621 : vector<16xf32>
    %jit3A_623 = arith.constant 1 : i32
    %jit3A_624 = arith.constant 0 : i32
    %broadcast_in_dim3A_625 = vector.broadcast %jit3A_623 : i32 to vector<16xi32>
    %broadcast_in_dim3A_626 = vector.broadcast %jit3A_624 : i32 to vector<16xi32>
    %select_n3A_627 = arith.select %gt3A_622, %broadcast_in_dim3A_625, %broadcast_in_dim3A_626 : vector<16xi1>, vector<16xi32>
    %add3A_628 = arith.addi %convert_element_type3A_620, %select_n3A_627 : vector<16xi32>
    %sub3A_629 = arith.constant 1 : i32
    %sub3A_630 = vector.broadcast %sub3A_629 : i32 to vector<16xi32>
    %sub3A_631 = arith.subi %add3A_628, %sub3A_630 : vector<16xi32>
    %convert_element_type3A_632 = arith.sitofp %sub3A_617 : vector<16xi32> to vector<16xf32>
    %mul3A_633 = vector.broadcast %squeeze3A : f32 to vector<16xf32>
    %mul3A_634 = arith.mulf %convert_element_type3A_632, %mul3A_633 : vector<16xf32>
    %sub3A_635 = arith.subf %div3A_597, %mul3A_634 : vector<16xf32>
    %div3A_636 = vector.broadcast %squeeze3A : f32 to vector<16xf32>
    %div3A_637 = arith.divf %sub3A_635, %div3A_636 : vector<16xf32>
    %convert_element_type3A_638 = arith.sitofp %sub3A_631 : vector<16xi32> to vector<16xf32>
    %mul3A_639 = vector.broadcast %squeeze3A : f32 to vector<16xf32>
    %mul3A_640 = arith.mulf %convert_element_type3A_638, %mul3A_639 : vector<16xf32>
    %sub3A_641 = arith.subf %div3A_601, %mul3A_640 : vector<16xf32>
    %div3A_642 = vector.broadcast %squeeze3A : f32 to vector<16xf32>
    %div3A_643 = arith.divf %sub3A_641, %div3A_642 : vector<16xf32>
    %mul3A_644 = arith.constant 56 : i32
    %mul3A_645 = vector.broadcast %mul3A_644 : i32 to vector<16xi32>
    %mul3A_646 = arith.muli %convert_element_type3A_592, %mul3A_645 : vector<16xi32>
    %mul3A_647 = arith.constant 8 : i32
    %mul3A_648 = vector.broadcast %mul3A_647 : i32 to vector<16xi32>
    %mul3A_649 = arith.muli %sub3A_617, %mul3A_648 : vector<16xi32>
    %add3A_650 = arith.addi %mul3A_646, %mul3A_649 : vector<16xi32>
    %add3A_651 = arith.addi %add3A_650, %sub3A_631 : vector<16xi32>
    %mul3A_652 = arith.constant 32 : i32
    %mul3A_653 = vector.broadcast %mul3A_652 : i32 to vector<16xi32>
    %mul3A_654 = arith.muli %add3A_651, %mul3A_653 : vector<16xi32>
    %add3A_655 = arith.addi %mul3A_654, %convert_element_type3A_593 : vector<16xi32>
    %swap3A_656 = arith.constant 80 : index
    %swap3A_657 = tpu.vector_load %arg8[%swap3A_656] {strides = array<i32>} : memref<512xi32, #tpu.memory_space<vmem>>, vector<16xi32>,
    tpu.vector_store %arg8[%swap3A_656], %add3A_655 {strides = array<i32>} : memref<512xi32, #tpu.memory_space<vmem>>, vector<16xi32>,
    %add3A_658 = arith.constant 96 : i32
    %add3A_659 = vector.broadcast %add3A_658 : i32 to vector<16xi32>
    %add3A_660 = arith.addi %add3A_659, %iota3A : vector<16xi32>
    %mul3A_661 = arith.constant 6 : i32
    %mul3A_662 = vector.broadcast %mul3A_661 : i32 to vector<16xi32>
    %mul3A_663 = arith.muli %add3A_660, %mul3A_662 : vector<16xi32>
    %gather3A_664 = tpu.vector_load_idx %arg7[%mul3A_663] : memref<3072xf32, #tpu.memory_space<vmem>>[vector<16xi32>], vector<16xf32>,
    %add3A_665 = arith.constant 1 : i32
    %add3A_666 = vector.broadcast %add3A_665 : i32 to vector<16xi32>
    %add3A_667 = arith.addi %mul3A_663, %add3A_666 : vector<16xi32>
    %gather3A_668 = tpu.vector_load_idx %arg7[%add3A_667] : memref<3072xf32, #tpu.memory_space<vmem>>[vector<16xi32>], vector<16xf32>,
    %add3A_669 = arith.constant 2 : i32
    %add3A_670 = vector.broadcast %add3A_669 : i32 to vector<16xi32>
    %add3A_671 = arith.addi %mul3A_663, %add3A_670 : vector<16xi32>
    %gather3A_672 = tpu.vector_load_idx %arg7[%add3A_671] : memref<3072xf32, #tpu.memory_space<vmem>>[vector<16xi32>], vector<16xf32>,
    %add3A_673 = arith.constant 3 : i32
    %add3A_674 = vector.broadcast %add3A_673 : i32 to vector<16xi32>
    %add3A_675 = arith.addi %mul3A_663, %add3A_674 : vector<16xi32>
    %gather3A_676 = tpu.vector_load_idx %arg7[%add3A_675] : memref<3072xf32, #tpu.memory_space<vmem>>[vector<16xi32>], vector<16xf32>,
    %add3A_677 = arith.constant 4 : i32
    %add3A_678 = vector.broadcast %add3A_677 : i32 to vector<16xi32>
    %add3A_679 = arith.addi %mul3A_663, %add3A_678 : vector<16xi32>
    %gather3A_680 = tpu.vector_load_idx %arg7[%add3A_679] : memref<3072xf32, #tpu.memory_space<vmem>>[vector<16xi32>], vector<16xf32>,
    %add3A_681 = arith.constant 5 : i32
    %add3A_682 = vector.broadcast %add3A_681 : i32 to vector<16xi32>
    %add3A_683 = arith.addi %mul3A_663, %add3A_682 : vector<16xi32>
    %gather3A_684 = tpu.vector_load_idx %arg7[%add3A_683] : memref<3072xf32, #tpu.memory_space<vmem>>[vector<16xi32>], vector<16xf32>,
    %convert_element_type3A_685 = arith.fptosi %gather3A_664 : vector<16xf32> to vector<16xi32>
    %convert_element_type3A_686 = arith.fptosi %gather3A_668 : vector<16xf32> to vector<16xi32>
    %add3A_687 = arith.addf %gather3A_672, %gather3A_680 : vector<16xf32>
    %div3A_688 = arith.constant 2.000000e+00 : f32
    %div3A_689 = vector.broadcast %div3A_688 : f32 to vector<16xf32>
    %div3A_690 = arith.divf %add3A_687, %div3A_689 : vector<16xf32>
    %add3A_691 = arith.addf %gather3A_676, %gather3A_684 : vector<16xf32>
    %div3A_692 = arith.constant 2.000000e+00 : f32
    %div3A_693 = vector.broadcast %div3A_692 : f32 to vector<16xf32>
    %div3A_694 = arith.divf %add3A_691, %div3A_693 : vector<16xf32>
    %sub3A_695 = arith.subf %gather3A_680, %gather3A_672 : vector<16xf32>
    %sub3A_696 = arith.subf %gather3A_684, %gather3A_676 : vector<16xf32>
    %div3A_697 = vector.broadcast %squeeze3A : f32 to vector<16xf32>
    %div3A_698 = arith.divf %div3A_690, %div3A_697 : vector<16xf32>
    %convert_element_type3A_699 = arith.fptosi %div3A_698 : vector<16xf32> to vector<16xi32>
    %convert_element_type3A_700 = arith.sitofp %convert_element_type3A_699 : vector<16xi32> to vector<16xf32>
    %gt3A_701 = arith.cmpf ogt, %div3A_698, %convert_element_type3A_700 : vector<16xf32>
    %jit3A_702 = arith.constant 1 : i32
    %jit3A_703 = arith.constant 0 : i32
    %broadcast_in_dim3A_704 = vector.broadcast %jit3A_702 : i32 to vector<16xi32>
    %broadcast_in_dim3A_705 = vector.broadcast %jit3A_703 : i32 to vector<16xi32>
    %select_n3A_706 = arith.select %gt3A_701, %broadcast_in_dim3A_704, %broadcast_in_dim3A_705 : vector<16xi1>, vector<16xi32>
    %add3A_707 = arith.addi %convert_element_type3A_699, %select_n3A_706 : vector<16xi32>
    %sub3A_708 = arith.constant 1 : i32
    %sub3A_709 = vector.broadcast %sub3A_708 : i32 to vector<16xi32>
    %sub3A_710 = arith.subi %add3A_707, %sub3A_709 : vector<16xi32>
    %div3A_711 = vector.broadcast %squeeze3A : f32 to vector<16xf32>
    %div3A_712 = arith.divf %div3A_694, %div3A_711 : vector<16xf32>
    %convert_element_type3A_713 = arith.fptosi %div3A_712 : vector<16xf32> to vector<16xi32>
    %convert_element_type3A_714 = arith.sitofp %convert_element_type3A_713 : vector<16xi32> to vector<16xf32>
    %gt3A_715 = arith.cmpf ogt, %div3A_712, %convert_element_type3A_714 : vector<16xf32>
    %jit3A_716 = arith.constant 1 : i32
    %jit3A_717 = arith.constant 0 : i32
    %broadcast_in_dim3A_718 = vector.broadcast %jit3A_716 : i32 to vector<16xi32>
    %broadcast_in_dim3A_719 = vector.broadcast %jit3A_717 : i32 to vector<16xi32>
    %select_n3A_720 = arith.select %gt3A_715, %broadcast_in_dim3A_718, %broadcast_in_dim3A_719 : vector<16xi1>, vector<16xi32>
    %add3A_721 = arith.addi %convert_element_type3A_713, %select_n3A_720 : vector<16xi32>
    %sub3A_722 = arith.constant 1 : i32
    %sub3A_723 = vector.broadcast %sub3A_722 : i32 to vector<16xi32>
    %sub3A_724 = arith.subi %add3A_721, %sub3A_723 : vector<16xi32>
    %convert_element_type3A_725 = arith.sitofp %sub3A_710 : vector<16xi32> to vector<16xf32>
    %mul3A_726 = vector.broadcast %squeeze3A : f32 to vector<16xf32>
    %mul3A_727 = arith.mulf %convert_element_type3A_725, %mul3A_726 : vector<16xf32>
    %sub3A_728 = arith.subf %div3A_690, %mul3A_727 : vector<16xf32>
    %div3A_729 = vector.broadcast %squeeze3A : f32 to vector<16xf32>
    %div3A_730 = arith.divf %sub3A_728, %div3A_729 : vector<16xf32>
    %convert_element_type3A_731 = arith.sitofp %sub3A_724 : vector<16xi32> to vector<16xf32>
    %mul3A_732 = vector.broadcast %squeeze3A : f32 to vector<16xf32>
    %mul3A_733 = arith.mulf %convert_element_type3A_731, %mul3A_732 : vector<16xf32>
    %sub3A_734 = arith.subf %div3A_694, %mul3A_733 : vector<16xf32>
    %div3A_735 = vector.broadcast %squeeze3A : f32 to vector<16xf32>
    %div3A_736 = arith.divf %sub3A_734, %div3A_735 : vector<16xf32>
    %mul3A_737 = arith.constant 56 : i32
    %mul3A_738 = vector.broadcast %mul3A_737 : i32 to vector<16xi32>
    %mul3A_739 = arith.muli %convert_element_type3A_685, %mul3A_738 : vector<16xi32>
    %mul3A_740 = arith.constant 8 : i32
    %mul3A_741 = vector.broadcast %mul3A_740 : i32 to vector<16xi32>
    %mul3A_742 = arith.muli %sub3A_710, %mul3A_741 : vector<16xi32>
    %add3A_743 = arith.addi %mul3A_739, %mul3A_742 : vector<16xi32>
    %add3A_744 = arith.addi %add3A_743, %sub3A_724 : vector<16xi32>
    %mul3A_745 = arith.constant 32 : i32
    %mul3A_746 = vector.broadcast %mul3A_745 : i32 to vector<16xi32>
    %mul3A_747 = arith.muli %add3A_744, %mul3A_746 : vector<16xi32>
    %add3A_748 = arith.addi %mul3A_747, %convert_element_type3A_686 : vector<16xi32>
    %swap3A_749 = arith.constant 96 : index
    %swap3A_750 = tpu.vector_load %arg8[%swap3A_749] {strides = array<i32>} : memref<512xi32, #tpu.memory_space<vmem>>, vector<16xi32>,
    tpu.vector_store %arg8[%swap3A_749], %add3A_748 {strides = array<i32>} : memref<512xi32, #tpu.memory_space<vmem>>, vector<16xi32>,
    %add3A_751 = arith.constant 112 : i32
    %add3A_752 = vector.broadcast %add3A_751 : i32 to vector<16xi32>
    %add3A_753 = arith.addi %add3A_752, %iota3A : vector<16xi32>
    %mul3A_754 = arith.constant 6 : i32
    %mul3A_755 = vector.broadcast %mul3A_754 : i32 to vector<16xi32>
    %mul3A_756 = arith.muli %add3A_753, %mul3A_755 : vector<16xi32>
    %gather3A_757 = tpu.vector_load_idx %arg7[%mul3A_756] : memref<3072xf32, #tpu.memory_space<vmem>>[vector<16xi32>], vector<16xf32>,
    %add3A_758 = arith.constant 1 : i32
    %add3A_759 = vector.broadcast %add3A_758 : i32 to vector<16xi32>
    %add3A_760 = arith.addi %mul3A_756, %add3A_759 : vector<16xi32>
    %gather3A_761 = tpu.vector_load_idx %arg7[%add3A_760] : memref<3072xf32, #tpu.memory_space<vmem>>[vector<16xi32>], vector<16xf32>,
    %add3A_762 = arith.constant 2 : i32
    %add3A_763 = vector.broadcast %add3A_762 : i32 to vector<16xi32>
    %add3A_764 = arith.addi %mul3A_756, %add3A_763 : vector<16xi32>
    %gather3A_765 = tpu.vector_load_idx %arg7[%add3A_764] : memref<3072xf32, #tpu.memory_space<vmem>>[vector<16xi32>], vector<16xf32>,
    %add3A_766 = arith.constant 3 : i32
    %add3A_767 = vector.broadcast %add3A_766 : i32 to vector<16xi32>
    %add3A_768 = arith.addi %mul3A_756, %add3A_767 : vector<16xi32>
    %gather3A_769 = tpu.vector_load_idx %arg7[%add3A_768] : memref<3072xf32, #tpu.memory_space<vmem>>[vector<16xi32>], vector<16xf32>,
    %add3A_770 = arith.constant 4 : i32
    %add3A_771 = vector.broadcast %add3A_770 : i32 to vector<16xi32>
    %add3A_772 = arith.addi %mul3A_756, %add3A_771 : vector<16xi32>
    %gather3A_773 = tpu.vector_load_idx %arg7[%add3A_772] : memref<3072xf32, #tpu.memory_space<vmem>>[vector<16xi32>], vector<16xf32>,
    %add3A_774 = arith.constant 5 : i32
    %add3A_775 = vector.broadcast %add3A_774 : i32 to vector<16xi32>
    %add3A_776 = arith.addi %mul3A_756, %add3A_775 : vector<16xi32>
    %gather3A_777 = tpu.vector_load_idx %arg7[%add3A_776] : memref<3072xf32, #tpu.memory_space<vmem>>[vector<16xi32>], vector<16xf32>,
    %convert_element_type3A_778 = arith.fptosi %gather3A_757 : vector<16xf32> to vector<16xi32>
    %convert_element_type3A_779 = arith.fptosi %gather3A_761 : vector<16xf32> to vector<16xi32>
    %add3A_780 = arith.addf %gather3A_765, %gather3A_773 : vector<16xf32>
    %div3A_781 = arith.constant 2.000000e+00 : f32
    %div3A_782 = vector.broadcast %div3A_781 : f32 to vector<16xf32>
    %div3A_783 = arith.divf %add3A_780, %div3A_782 : vector<16xf32>
    %add3A_784 = arith.addf %gather3A_769, %gather3A_777 : vector<16xf32>
    %div3A_785 = arith.constant 2.000000e+00 : f32
    %div3A_786 = vector.broadcast %div3A_785 : f32 to vector<16xf32>
    %div3A_787 = arith.divf %add3A_784, %div3A_786 : vector<16xf32>
    %sub3A_788 = arith.subf %gather3A_773, %gather3A_765 : vector<16xf32>
    %sub3A_789 = arith.subf %gather3A_777, %gather3A_769 : vector<16xf32>
    %div3A_790 = vector.broadcast %squeeze3A : f32 to vector<16xf32>
    %div3A_791 = arith.divf %div3A_783, %div3A_790 : vector<16xf32>
    %convert_element_type3A_792 = arith.fptosi %div3A_791 : vector<16xf32> to vector<16xi32>
    %convert_element_type3A_793 = arith.sitofp %convert_element_type3A_792 : vector<16xi32> to vector<16xf32>
    %gt3A_794 = arith.cmpf ogt, %div3A_791, %convert_element_type3A_793 : vector<16xf32>
    %jit3A_795 = arith.constant 1 : i32
    %jit3A_796 = arith.constant 0 : i32
    %broadcast_in_dim3A_797 = vector.broadcast %jit3A_795 : i32 to vector<16xi32>
    %broadcast_in_dim3A_798 = vector.broadcast %jit3A_796 : i32 to vector<16xi32>
    %select_n3A_799 = arith.select %gt3A_794, %broadcast_in_dim3A_797, %broadcast_in_dim3A_798 : vector<16xi1>, vector<16xi32>
    %add3A_800 = arith.addi %convert_element_type3A_792, %select_n3A_799 : vector<16xi32>
    %sub3A_801 = arith.constant 1 : i32
    %sub3A_802 = vector.broadcast %sub3A_801 : i32 to vector<16xi32>
    %sub3A_803 = arith.subi %add3A_800, %sub3A_802 : vector<16xi32>
    %div3A_804 = vector.broadcast %squeeze3A : f32 to vector<16xf32>
    %div3A_805 = arith.divf %div3A_787, %div3A_804 : vector<16xf32>
    %convert_element_type3A_806 = arith.fptosi %div3A_805 : vector<16xf32> to vector<16xi32>
    %convert_element_type3A_807 = arith.sitofp %convert_element_type3A_806 : vector<16xi32> to vector<16xf32>
    %gt3A_808 = arith.cmpf ogt, %div3A_805, %convert_element_type3A_807 : vector<16xf32>
    %jit3A_809 = arith.constant 1 : i32
    %jit3A_810 = arith.constant 0 : i32
    %broadcast_in_dim3A_811 = vector.broadcast %jit3A_809 : i32 to vector<16xi32>
    %broadcast_in_dim3A_812 = vector.broadcast %jit3A_810 : i32 to vector<16xi32>
    %select_n3A_813 = arith.select %gt3A_808, %broadcast_in_dim3A_811, %broadcast_in_dim3A_812 : vector<16xi1>, vector<16xi32>
    %add3A_814 = arith.addi %convert_element_type3A_806, %select_n3A_813 : vector<16xi32>
    %sub3A_815 = arith.constant 1 : i32
    %sub3A_816 = vector.broadcast %sub3A_815 : i32 to vector<16xi32>
    %sub3A_817 = arith.subi %add3A_814, %sub3A_816 : vector<16xi32>
    %convert_element_type3A_818 = arith.sitofp %sub3A_803 : vector<16xi32> to vector<16xf32>
    %mul3A_819 = vector.broadcast %squeeze3A : f32 to vector<16xf32>
    %mul3A_820 = arith.mulf %convert_element_type3A_818, %mul3A_819 : vector<16xf32>
    %sub3A_821 = arith.subf %div3A_783, %mul3A_820 : vector<16xf32>
    %div3A_822 = vector.broadcast %squeeze3A : f32 to vector<16xf32>
    %div3A_823 = arith.divf %sub3A_821, %div3A_822 : vector<16xf32>
    %convert_element_type3A_824 = arith.sitofp %sub3A_817 : vector<16xi32> to vector<16xf32>
    %mul3A_825 = vector.broadcast %squeeze3A : f32 to vector<16xf32>
    %mul3A_826 = arith.mulf %convert_element_type3A_824, %mul3A_825 : vector<16xf32>
    %sub3A_827 = arith.subf %div3A_787, %mul3A_826 : vector<16xf32>
    %div3A_828 = vector.broadcast %squeeze3A : f32 to vector<16xf32>
    %div3A_829 = arith.divf %sub3A_827, %div3A_828 : vector<16xf32>
    %mul3A_830 = arith.constant 56 : i32
    %mul3A_831 = vector.broadcast %mul3A_830 : i32 to vector<16xi32>
    %mul3A_832 = arith.muli %convert_element_type3A_778, %mul3A_831 : vector<16xi32>
    %mul3A_833 = arith.constant 8 : i32
    %mul3A_834 = vector.broadcast %mul3A_833 : i32 to vector<16xi32>
    %mul3A_835 = arith.muli %sub3A_803, %mul3A_834 : vector<16xi32>
    %add3A_836 = arith.addi %mul3A_832, %mul3A_835 : vector<16xi32>
    %add3A_837 = arith.addi %add3A_836, %sub3A_817 : vector<16xi32>
    %mul3A_838 = arith.constant 32 : i32
    %mul3A_839 = vector.broadcast %mul3A_838 : i32 to vector<16xi32>
    %mul3A_840 = arith.muli %add3A_837, %mul3A_839 : vector<16xi32>
    %add3A_841 = arith.addi %mul3A_840, %convert_element_type3A_779 : vector<16xi32>
    %swap3A_842 = arith.constant 112 : index
    %swap3A_843 = tpu.vector_load %arg8[%swap3A_842] {strides = array<i32>} : memref<512xi32, #tpu.memory_space<vmem>>, vector<16xi32>,
    tpu.vector_store %arg8[%swap3A_842], %add3A_841 {strides = array<i32>} : memref<512xi32, #tpu.memory_space<vmem>>, vector<16xi32>,
    %add3A_844 = arith.constant 128 : i32
    %add3A_845 = vector.broadcast %add3A_844 : i32 to vector<16xi32>
    %add3A_846 = arith.addi %add3A_845, %iota3A : vector<16xi32>
    %mul3A_847 = arith.constant 6 : i32
    %mul3A_848 = vector.broadcast %mul3A_847 : i32 to vector<16xi32>
    %mul3A_849 = arith.muli %add3A_846, %mul3A_848 : vector<16xi32>
    %gather3A_850 = tpu.vector_load_idx %arg7[%mul3A_849] : memref<3072xf32, #tpu.memory_space<vmem>>[vector<16xi32>], vector<16xf32>,
    %add3A_851 = arith.constant 1 : i32
    %add3A_852 = vector.broadcast %add3A_851 : i32 to vector<16xi32>
    %add3A_853 = arith.addi %mul3A_849, %add3A_852 : vector<16xi32>
    %gather3A_854 = tpu.vector_load_idx %arg7[%add3A_853] : memref<3072xf32, #tpu.memory_space<vmem>>[vector<16xi32>], vector<16xf32>,
    %add3A_855 = arith.constant 2 : i32
    %add3A_856 = vector.broadcast %add3A_855 : i32 to vector<16xi32>
    %add3A_857 = arith.addi %mul3A_849, %add3A_856 : vector<16xi32>
    %gather3A_858 = tpu.vector_load_idx %arg7[%add3A_857] : memref<3072xf32, #tpu.memory_space<vmem>>[vector<16xi32>], vector<16xf32>,
    %add3A_859 = arith.constant 3 : i32
    %add3A_860 = vector.broadcast %add3A_859 : i32 to vector<16xi32>
    %add3A_861 = arith.addi %mul3A_849, %add3A_860 : vector<16xi32>
    %gather3A_862 = tpu.vector_load_idx %arg7[%add3A_861] : memref<3072xf32, #tpu.memory_space<vmem>>[vector<16xi32>], vector<16xf32>,
    %add3A_863 = arith.constant 4 : i32
    %add3A_864 = vector.broadcast %add3A_863 : i32 to vector<16xi32>
    %add3A_865 = arith.addi %mul3A_849, %add3A_864 : vector<16xi32>
    %gather3A_866 = tpu.vector_load_idx %arg7[%add3A_865] : memref<3072xf32, #tpu.memory_space<vmem>>[vector<16xi32>], vector<16xf32>,
    %add3A_867 = arith.constant 5 : i32
    %add3A_868 = vector.broadcast %add3A_867 : i32 to vector<16xi32>
    %add3A_869 = arith.addi %mul3A_849, %add3A_868 : vector<16xi32>
    %gather3A_870 = tpu.vector_load_idx %arg7[%add3A_869] : memref<3072xf32, #tpu.memory_space<vmem>>[vector<16xi32>], vector<16xf32>,
    %convert_element_type3A_871 = arith.fptosi %gather3A_850 : vector<16xf32> to vector<16xi32>
    %convert_element_type3A_872 = arith.fptosi %gather3A_854 : vector<16xf32> to vector<16xi32>
    %add3A_873 = arith.addf %gather3A_858, %gather3A_866 : vector<16xf32>
    %div3A_874 = arith.constant 2.000000e+00 : f32
    %div3A_875 = vector.broadcast %div3A_874 : f32 to vector<16xf32>
    %div3A_876 = arith.divf %add3A_873, %div3A_875 : vector<16xf32>
    %add3A_877 = arith.addf %gather3A_862, %gather3A_870 : vector<16xf32>
    %div3A_878 = arith.constant 2.000000e+00 : f32
    %div3A_879 = vector.broadcast %div3A_878 : f32 to vector<16xf32>
    %div3A_880 = arith.divf %add3A_877, %div3A_879 : vector<16xf32>
    %sub3A_881 = arith.subf %gather3A_866, %gather3A_858 : vector<16xf32>
    %sub3A_882 = arith.subf %gather3A_870, %gather3A_862 : vector<16xf32>
    %div3A_883 = vector.broadcast %squeeze3A : f32 to vector<16xf32>
    %div3A_884 = arith.divf %div3A_876, %div3A_883 : vector<16xf32>
    %convert_element_type3A_885 = arith.fptosi %div3A_884 : vector<16xf32> to vector<16xi32>
    %convert_element_type3A_886 = arith.sitofp %convert_element_type3A_885 : vector<16xi32> to vector<16xf32>
    %gt3A_887 = arith.cmpf ogt, %div3A_884, %convert_element_type3A_886 : vector<16xf32>
    %jit3A_888 = arith.constant 1 : i32
    %jit3A_889 = arith.constant 0 : i32
    %broadcast_in_dim3A_890 = vector.broadcast %jit3A_888 : i32 to vector<16xi32>
    %broadcast_in_dim3A_891 = vector.broadcast %jit3A_889 : i32 to vector<16xi32>
    %select_n3A_892 = arith.select %gt3A_887, %broadcast_in_dim3A_890, %broadcast_in_dim3A_891 : vector<16xi1>, vector<16xi32>
    %add3A_893 = arith.addi %convert_element_type3A_885, %select_n3A_892 : vector<16xi32>
    %sub3A_894 = arith.constant 1 : i32
    %sub3A_895 = vector.broadcast %sub3A_894 : i32 to vector<16xi32>
    %sub3A_896 = arith.subi %add3A_893, %sub3A_895 : vector<16xi32>
    %div3A_897 = vector.broadcast %squeeze3A : f32 to vector<16xf32>
    %div3A_898 = arith.divf %div3A_880, %div3A_897 : vector<16xf32>
    %convert_element_type3A_899 = arith.fptosi %div3A_898 : vector<16xf32> to vector<16xi32>
    %convert_element_type3A_900 = arith.sitofp %convert_element_type3A_899 : vector<16xi32> to vector<16xf32>
    %gt3A_901 = arith.cmpf ogt, %div3A_898, %convert_element_type3A_900 : vector<16xf32>
    %jit3A_902 = arith.constant 1 : i32
    %jit3A_903 = arith.constant 0 : i32
    %broadcast_in_dim3A_904 = vector.broadcast %jit3A_902 : i32 to vector<16xi32>
    %broadcast_in_dim3A_905 = vector.broadcast %jit3A_903 : i32 to vector<16xi32>
    %select_n3A_906 = arith.select %gt3A_901, %broadcast_in_dim3A_904, %broadcast_in_dim3A_905 : vector<16xi1>, vector<16xi32>
    %add3A_907 = arith.addi %convert_element_type3A_899, %select_n3A_906 : vector<16xi32>
    %sub3A_908 = arith.constant 1 : i32
    %sub3A_909 = vector.broadcast %sub3A_908 : i32 to vector<16xi32>
    %sub3A_910 = arith.subi %add3A_907, %sub3A_909 : vector<16xi32>
    %convert_element_type3A_911 = arith.sitofp %sub3A_896 : vector<16xi32> to vector<16xf32>
    %mul3A_912 = vector.broadcast %squeeze3A : f32 to vector<16xf32>
    %mul3A_913 = arith.mulf %convert_element_type3A_911, %mul3A_912 : vector<16xf32>
    %sub3A_914 = arith.subf %div3A_876, %mul3A_913 : vector<16xf32>
    %div3A_915 = vector.broadcast %squeeze3A : f32 to vector<16xf32>
    %div3A_916 = arith.divf %sub3A_914, %div3A_915 : vector<16xf32>
    %convert_element_type3A_917 = arith.sitofp %sub3A_910 : vector<16xi32> to vector<16xf32>
    %mul3A_918 = vector.broadcast %squeeze3A : f32 to vector<16xf32>
    %mul3A_919 = arith.mulf %convert_element_type3A_917, %mul3A_918 : vector<16xf32>
    %sub3A_920 = arith.subf %div3A_880, %mul3A_919 : vector<16xf32>
    %div3A_921 = vector.broadcast %squeeze3A : f32 to vector<16xf32>
    %div3A_922 = arith.divf %sub3A_920, %div3A_921 : vector<16xf32>
    %mul3A_923 = arith.constant 56 : i32
    %mul3A_924 = vector.broadcast %mul3A_923 : i32 to vector<16xi32>
    %mul3A_925 = arith.muli %convert_element_type3A_871, %mul3A_924 : vector<16xi32>
    %mul3A_926 = arith.constant 8 : i32
    %mul3A_927 = vector.broadcast %mul3A_926 : i32 to vector<16xi32>
    %mul3A_928 = arith.muli %sub3A_896, %mul3A_927 : vector<16xi32>
    %add3A_929 = arith.addi %mul3A_925, %mul3A_928 : vector<16xi32>
    %add3A_930 = arith.addi %add3A_929, %sub3A_910 : vector<16xi32>
    %mul3A_931 = arith.constant 32 : i32
    %mul3A_932 = vector.broadcast %mul3A_931 : i32 to vector<16xi32>
    %mul3A_933 = arith.muli %add3A_930, %mul3A_932 : vector<16xi32>
    %add3A_934 = arith.addi %mul3A_933, %convert_element_type3A_872 : vector<16xi32>
    %swap3A_935 = arith.constant 128 : index
    %swap3A_936 = tpu.vector_load %arg8[%swap3A_935] {strides = array<i32>} : memref<512xi32, #tpu.memory_space<vmem>>, vector<16xi32>,
    tpu.vector_store %arg8[%swap3A_935], %add3A_934 {strides = array<i32>} : memref<512xi32, #tpu.memory_space<vmem>>, vector<16xi32>,
    %add3A_937 = arith.constant 144 : i32
    %add3A_938 = vector.broadcast %add3A_937 : i32 to vector<16xi32>
    %add3A_939 = arith.addi %add3A_938, %iota3A : vector<16xi32>
    %mul3A_940 = arith.constant 6 : i32
    %mul3A_941 = vector.broadcast %mul3A_940 : i32 to vector<16xi32>
    %mul3A_942 = arith.muli %add3A_939, %mul3A_941 : vector<16xi32>
    %gather3A_943 = tpu.vector_load_idx %arg7[%mul3A_942] : memref<3072xf32, #tpu.memory_space<vmem>>[vector<16xi32>], vector<16xf32>,
    %add3A_944 = arith.constant 1 : i32
    %add3A_945 = vector.broadcast %add3A_944 : i32 to vector<16xi32>
    %add3A_946 = arith.addi %mul3A_942, %add3A_945 : vector<16xi32>
    %gather3A_947 = tpu.vector_load_idx %arg7[%add3A_946] : memref<3072xf32, #tpu.memory_space<vmem>>[vector<16xi32>], vector<16xf32>,
    %add3A_948 = arith.constant 2 : i32
    %add3A_949 = vector.broadcast %add3A_948 : i32 to vector<16xi32>
    %add3A_950 = arith.addi %mul3A_942, %add3A_949 : vector<16xi32>
    %gather3A_951 = tpu.vector_load_idx %arg7[%add3A_950] : memref<3072xf32, #tpu.memory_space<vmem>>[vector<16xi32>], vector<16xf32>,
    %add3A_952 = arith.constant 3 : i32
    %add3A_953 = vector.broadcast %add3A_952 : i32 to vector<16xi32>
    %add3A_954 = arith.addi %mul3A_942, %add3A_953 : vector<16xi32>
    %gather3A_955 = tpu.vector_load_idx %arg7[%add3A_954] : memref<3072xf32, #tpu.memory_space<vmem>>[vector<16xi32>], vector<16xf32>,
    %add3A_956 = arith.constant 4 : i32
    %add3A_957 = vector.broadcast %add3A_956 : i32 to vector<16xi32>
    %add3A_958 = arith.addi %mul3A_942, %add3A_957 : vector<16xi32>
    %gather3A_959 = tpu.vector_load_idx %arg7[%add3A_958] : memref<3072xf32, #tpu.memory_space<vmem>>[vector<16xi32>], vector<16xf32>,
    %add3A_960 = arith.constant 5 : i32
    %add3A_961 = vector.broadcast %add3A_960 : i32 to vector<16xi32>
    %add3A_962 = arith.addi %mul3A_942, %add3A_961 : vector<16xi32>
    %gather3A_963 = tpu.vector_load_idx %arg7[%add3A_962] : memref<3072xf32, #tpu.memory_space<vmem>>[vector<16xi32>], vector<16xf32>,
    %convert_element_type3A_964 = arith.fptosi %gather3A_943 : vector<16xf32> to vector<16xi32>
    %convert_element_type3A_965 = arith.fptosi %gather3A_947 : vector<16xf32> to vector<16xi32>
    %add3A_966 = arith.addf %gather3A_951, %gather3A_959 : vector<16xf32>
    %div3A_967 = arith.constant 2.000000e+00 : f32
    %div3A_968 = vector.broadcast %div3A_967 : f32 to vector<16xf32>
    %div3A_969 = arith.divf %add3A_966, %div3A_968 : vector<16xf32>
    %add3A_970 = arith.addf %gather3A_955, %gather3A_963 : vector<16xf32>
    %div3A_971 = arith.constant 2.000000e+00 : f32
    %div3A_972 = vector.broadcast %div3A_971 : f32 to vector<16xf32>
    %div3A_973 = arith.divf %add3A_970, %div3A_972 : vector<16xf32>
    %sub3A_974 = arith.subf %gather3A_959, %gather3A_951 : vector<16xf32>
    %sub3A_975 = arith.subf %gather3A_963, %gather3A_955 : vector<16xf32>
    %div3A_976 = vector.broadcast %squeeze3A : f32 to vector<16xf32>
    %div3A_977 = arith.divf %div3A_969, %div3A_976 : vector<16xf32>
    %convert_element_type3A_978 = arith.fptosi %div3A_977 : vector<16xf32> to vector<16xi32>
    %convert_element_type3A_979 = arith.sitofp %convert_element_type3A_978 : vector<16xi32> to vector<16xf32>
    %gt3A_980 = arith.cmpf ogt, %div3A_977, %convert_element_type3A_979 : vector<16xf32>
    %jit3A_981 = arith.constant 1 : i32
    %jit3A_982 = arith.constant 0 : i32
    %broadcast_in_dim3A_983 = vector.broadcast %jit3A_981 : i32 to vector<16xi32>
    %broadcast_in_dim3A_984 = vector.broadcast %jit3A_982 : i32 to vector<16xi32>
    %select_n3A_985 = arith.select %gt3A_980, %broadcast_in_dim3A_983, %broadcast_in_dim3A_984 : vector<16xi1>, vector<16xi32>
    %add3A_986 = arith.addi %convert_element_type3A_978, %select_n3A_985 : vector<16xi32>
    %sub3A_987 = arith.constant 1 : i32
    %sub3A_988 = vector.broadcast %sub3A_987 : i32 to vector<16xi32>
    %sub3A_989 = arith.subi %add3A_986, %sub3A_988 : vector<16xi32>
    %div3A_990 = vector.broadcast %squeeze3A : f32 to vector<16xf32>
    %div3A_991 = arith.divf %div3A_973, %div3A_990 : vector<16xf32>
    %convert_element_type3A_992 = arith.fptosi %div3A_991 : vector<16xf32> to vector<16xi32>
    %convert_element_type3A_993 = arith.sitofp %convert_element_type3A_992 : vector<16xi32> to vector<16xf32>
    %gt3A_994 = arith.cmpf ogt, %div3A_991, %convert_element_type3A_993 : vector<16xf32>
    %jit3A_995 = arith.constant 1 : i32
    %jit3A_996 = arith.constant 0 : i32
    %broadcast_in_dim3A_997 = vector.broadcast %jit3A_995 : i32 to vector<16xi32>
    %broadcast_in_dim3A_998 = vector.broadcast %jit3A_996 : i32 to vector<16xi32>
    %select_n3A_999 = arith.select %gt3A_994, %broadcast_in_dim3A_997, %broadcast_in_dim3A_998 : vector<16xi1>, vector<16xi32>
    %add3A_1000 = arith.addi %convert_element_type3A_992, %select_n3A_999 : vector<16xi32>
    %sub3A_1001 = arith.constant 1 : i32
    %sub3A_1002 = vector.broadcast %sub3A_1001 : i32 to vector<16xi32>
    %sub3A_1003 = arith.subi %add3A_1000, %sub3A_1002 : vector<16xi32>
    %convert_element_type3A_1004 = arith.sitofp %sub3A_989 : vector<16xi32> to vector<16xf32>
    %mul3A_1005 = vector.broadcast %squeeze3A : f32 to vector<16xf32>
    %mul3A_1006 = arith.mulf %convert_element_type3A_1004, %mul3A_1005 : vector<16xf32>
    %sub3A_1007 = arith.subf %div3A_969, %mul3A_1006 : vector<16xf32>
    %div3A_1008 = vector.broadcast %squeeze3A : f32 to vector<16xf32>
    %div3A_1009 = arith.divf %sub3A_1007, %div3A_1008 : vector<16xf32>
    %convert_element_type3A_1010 = arith.sitofp %sub3A_1003 : vector<16xi32> to vector<16xf32>
    %mul3A_1011 = vector.broadcast %squeeze3A : f32 to vector<16xf32>
    %mul3A_1012 = arith.mulf %convert_element_type3A_1010, %mul3A_1011 : vector<16xf32>
    %sub3A_1013 = arith.subf %div3A_973, %mul3A_1012 : vector<16xf32>
    %div3A_1014 = vector.broadcast %squeeze3A : f32 to vector<16xf32>
    %div3A_1015 = arith.divf %sub3A_1013, %div3A_1014 : vector<16xf32>
    %mul3A_1016 = arith.constant 56 : i32
    %mul3A_1017 = vector.broadcast %mul3A_1016 : i32 to vector<16xi32>
    %mul3A_1018 = arith.muli %convert_element_type3A_964, %mul3A_1017 : vector<16xi32>
    %mul3A_1019 = arith.constant 8 : i32
    %mul3A_1020 = vector.broadcast %mul3A_1019 : i32 to vector<16xi32>
    %mul3A_1021 = arith.muli %sub3A_989, %mul3A_1020 : vector<16xi32>
    %add3A_1022 = arith.addi %mul3A_1018, %mul3A_1021 : vector<16xi32>
    %add3A_1023 = arith.addi %add3A_1022, %sub3A_1003 : vector<16xi32>
    %mul3A_1024 = arith.constant 32 : i32
    %mul3A_1025 = vector.broadcast %mul3A_1024 : i32 to vector<16xi32>
    %mul3A_1026 = arith.muli %add3A_1023, %mul3A_1025 : vector<16xi32>
    %add3A_1027 = arith.addi %mul3A_1026, %convert_element_type3A_965 : vector<16xi32>
    %swap3A_1028 = arith.constant 144 : index
    %swap3A_1029 = tpu.vector_load %arg8[%swap3A_1028] {strides = array<i32>} : memref<512xi32, #tpu.memory_space<vmem>>, vector<16xi32>,
    tpu.vector_store %arg8[%swap3A_1028], %add3A_1027 {strides = array<i32>} : memref<512xi32, #tpu.memory_space<vmem>>, vector<16xi32>,
    %add3A_1030 = arith.constant 160 : i32
    %add3A_1031 = vector.broadcast %add3A_1030 : i32 to vector<16xi32>
    %add3A_1032 = arith.addi %add3A_1031, %iota3A : vector<16xi32>
    %mul3A_1033 = arith.constant 6 : i32
    %mul3A_1034 = vector.broadcast %mul3A_1033 : i32 to vector<16xi32>
    %mul3A_1035 = arith.muli %add3A_1032, %mul3A_1034 : vector<16xi32>
    %gather3A_1036 = tpu.vector_load_idx %arg7[%mul3A_1035] : memref<3072xf32, #tpu.memory_space<vmem>>[vector<16xi32>], vector<16xf32>,
    %add3A_1037 = arith.constant 1 : i32
    %add3A_1038 = vector.broadcast %add3A_1037 : i32 to vector<16xi32>
    %add3A_1039 = arith.addi %mul3A_1035, %add3A_1038 : vector<16xi32>
    %gather3A_1040 = tpu.vector_load_idx %arg7[%add3A_1039] : memref<3072xf32, #tpu.memory_space<vmem>>[vector<16xi32>], vector<16xf32>,
    %add3A_1041 = arith.constant 2 : i32
    %add3A_1042 = vector.broadcast %add3A_1041 : i32 to vector<16xi32>
    %add3A_1043 = arith.addi %mul3A_1035, %add3A_1042 : vector<16xi32>
    %gather3A_1044 = tpu.vector_load_idx %arg7[%add3A_1043] : memref<3072xf32, #tpu.memory_space<vmem>>[vector<16xi32>], vector<16xf32>,
    %add3A_1045 = arith.constant 3 : i32
    %add3A_1046 = vector.broadcast %add3A_1045 : i32 to vector<16xi32>
    %add3A_1047 = arith.addi %mul3A_1035, %add3A_1046 : vector<16xi32>
    %gather3A_1048 = tpu.vector_load_idx %arg7[%add3A_1047] : memref<3072xf32, #tpu.memory_space<vmem>>[vector<16xi32>], vector<16xf32>,
    %add3A_1049 = arith.constant 4 : i32
    %add3A_1050 = vector.broadcast %add3A_1049 : i32 to vector<16xi32>
    %add3A_1051 = arith.addi %mul3A_1035, %add3A_1050 : vector<16xi32>
    %gather3A_1052 = tpu.vector_load_idx %arg7[%add3A_1051] : memref<3072xf32, #tpu.memory_space<vmem>>[vector<16xi32>], vector<16xf32>,
    %add3A_1053 = arith.constant 5 : i32
    %add3A_1054 = vector.broadcast %add3A_1053 : i32 to vector<16xi32>
    %add3A_1055 = arith.addi %mul3A_1035, %add3A_1054 : vector<16xi32>
    %gather3A_1056 = tpu.vector_load_idx %arg7[%add3A_1055] : memref<3072xf32, #tpu.memory_space<vmem>>[vector<16xi32>], vector<16xf32>,
    %convert_element_type3A_1057 = arith.fptosi %gather3A_1036 : vector<16xf32> to vector<16xi32>
    %convert_element_type3A_1058 = arith.fptosi %gather3A_1040 : vector<16xf32> to vector<16xi32>
    %add3A_1059 = arith.addf %gather3A_1044, %gather3A_1052 : vector<16xf32>
    %div3A_1060 = arith.constant 2.000000e+00 : f32
    %div3A_1061 = vector.broadcast %div3A_1060 : f32 to vector<16xf32>
    %div3A_1062 = arith.divf %add3A_1059, %div3A_1061 : vector<16xf32>
    %add3A_1063 = arith.addf %gather3A_1048, %gather3A_1056 : vector<16xf32>
    %div3A_1064 = arith.constant 2.000000e+00 : f32
    %div3A_1065 = vector.broadcast %div3A_1064 : f32 to vector<16xf32>
    %div3A_1066 = arith.divf %add3A_1063, %div3A_1065 : vector<16xf32>
    %sub3A_1067 = arith.subf %gather3A_1052, %gather3A_1044 : vector<16xf32>
    %sub3A_1068 = arith.subf %gather3A_1056, %gather3A_1048 : vector<16xf32>
    %div3A_1069 = vector.broadcast %squeeze3A : f32 to vector<16xf32>
    %div3A_1070 = arith.divf %div3A_1062, %div3A_1069 : vector<16xf32>
    %convert_element_type3A_1071 = arith.fptosi %div3A_1070 : vector<16xf32> to vector<16xi32>
    %convert_element_type3A_1072 = arith.sitofp %convert_element_type3A_1071 : vector<16xi32> to vector<16xf32>
    %gt3A_1073 = arith.cmpf ogt, %div3A_1070, %convert_element_type3A_1072 : vector<16xf32>
    %jit3A_1074 = arith.constant 1 : i32
    %jit3A_1075 = arith.constant 0 : i32
    %broadcast_in_dim3A_1076 = vector.broadcast %jit3A_1074 : i32 to vector<16xi32>
    %broadcast_in_dim3A_1077 = vector.broadcast %jit3A_1075 : i32 to vector<16xi32>
    %select_n3A_1078 = arith.select %gt3A_1073, %broadcast_in_dim3A_1076, %broadcast_in_dim3A_1077 : vector<16xi1>, vector<16xi32>
    %add3A_1079 = arith.addi %convert_element_type3A_1071, %select_n3A_1078 : vector<16xi32>
    %sub3A_1080 = arith.constant 1 : i32
    %sub3A_1081 = vector.broadcast %sub3A_1080 : i32 to vector<16xi32>
    %sub3A_1082 = arith.subi %add3A_1079, %sub3A_1081 : vector<16xi32>
    %div3A_1083 = vector.broadcast %squeeze3A : f32 to vector<16xf32>
    %div3A_1084 = arith.divf %div3A_1066, %div3A_1083 : vector<16xf32>
    %convert_element_type3A_1085 = arith.fptosi %div3A_1084 : vector<16xf32> to vector<16xi32>
    %convert_element_type3A_1086 = arith.sitofp %convert_element_type3A_1085 : vector<16xi32> to vector<16xf32>
    %gt3A_1087 = arith.cmpf ogt, %div3A_1084, %convert_element_type3A_1086 : vector<16xf32>
    %jit3A_1088 = arith.constant 1 : i32
    %jit3A_1089 = arith.constant 0 : i32
    %broadcast_in_dim3A_1090 = vector.broadcast %jit3A_1088 : i32 to vector<16xi32>
    %broadcast_in_dim3A_1091 = vector.broadcast %jit3A_1089 : i32 to vector<16xi32>
    %select_n3A_1092 = arith.select %gt3A_1087, %broadcast_in_dim3A_1090, %broadcast_in_dim3A_1091 : vector<16xi1>, vector<16xi32>
    %add3A_1093 = arith.addi %convert_element_type3A_1085, %select_n3A_1092 : vector<16xi32>
    %sub3A_1094 = arith.constant 1 : i32
    %sub3A_1095 = vector.broadcast %sub3A_1094 : i32 to vector<16xi32>
    %sub3A_1096 = arith.subi %add3A_1093, %sub3A_1095 : vector<16xi32>
    %convert_element_type3A_1097 = arith.sitofp %sub3A_1082 : vector<16xi32> to vector<16xf32>
    %mul3A_1098 = vector.broadcast %squeeze3A : f32 to vector<16xf32>
    %mul3A_1099 = arith.mulf %convert_element_type3A_1097, %mul3A_1098 : vector<16xf32>
    %sub3A_1100 = arith.subf %div3A_1062, %mul3A_1099 : vector<16xf32>
    %div3A_1101 = vector.broadcast %squeeze3A : f32 to vector<16xf32>
    %div3A_1102 = arith.divf %sub3A_1100, %div3A_1101 : vector<16xf32>
    %convert_element_type3A_1103 = arith.sitofp %sub3A_1096 : vector<16xi32> to vector<16xf32>
    %mul3A_1104 = vector.broadcast %squeeze3A : f32 to vector<16xf32>
    %mul3A_1105 = arith.mulf %convert_element_type3A_1103, %mul3A_1104 : vector<16xf32>
    %sub3A_1106 = arith.subf %div3A_1066, %mul3A_1105 : vector<16xf32>
    %div3A_1107 = vector.broadcast %squeeze3A : f32 to vector<16xf32>
    %div3A_1108 = arith.divf %sub3A_1106, %div3A_1107 : vector<16xf32>
    %mul3A_1109 = arith.constant 56 : i32
    %mul3A_1110 = vector.broadcast %mul3A_1109 : i32 to vector<16xi32>
    %mul3A_1111 = arith.muli %convert_element_type3A_1057, %mul3A_1110 : vector<16xi32>
    %mul3A_1112 = arith.constant 8 : i32
    %mul3A_1113 = vector.broadcast %mul3A_1112 : i32 to vector<16xi32>
    %mul3A_1114 = arith.muli %sub3A_1082, %mul3A_1113 : vector<16xi32>
    %add3A_1115 = arith.addi %mul3A_1111, %mul3A_1114 : vector<16xi32>
    %add3A_1116 = arith.addi %add3A_1115, %sub3A_1096 : vector<16xi32>
    %mul3A_1117 = arith.constant 32 : i32
    %mul3A_1118 = vector.broadcast %mul3A_1117 : i32 to vector<16xi32>
    %mul3A_1119 = arith.muli %add3A_1116, %mul3A_1118 : vector<16xi32>
    %add3A_1120 = arith.addi %mul3A_1119, %convert_element_type3A_1058 : vector<16xi32>
    %swap3A_1121 = arith.constant 160 : index
    %swap3A_1122 = tpu.vector_load %arg8[%swap3A_1121] {strides = array<i32>} : memref<512xi32, #tpu.memory_space<vmem>>, vector<16xi32>,
    tpu.vector_store %arg8[%swap3A_1121], %add3A_1120 {strides = array<i32>} : memref<512xi32, #tpu.memory_space<vmem>>, vector<16xi32>,
    %add3A_1123 = arith.constant 176 : i32
    %add3A_1124 = vector.broadcast %add3A_1123 : i32 to vector<16xi32>
    %add3A_1125 = arith.addi %add3A_1124, %iota3A : vector<16xi32>
    %mul3A_1126 = arith.constant 6 : i32
    %mul3A_1127 = vector.broadcast %mul3A_1126 : i32 to vector<16xi32>
    %mul3A_1128 = arith.muli %add3A_1125, %mul3A_1127 : vector<16xi32>
    %gather3A_1129 = tpu.vector_load_idx %arg7[%mul3A_1128] : memref<3072xf32, #tpu.memory_space<vmem>>[vector<16xi32>], vector<16xf32>,
    %add3A_1130 = arith.constant 1 : i32
    %add3A_1131 = vector.broadcast %add3A_1130 : i32 to vector<16xi32>
    %add3A_1132 = arith.addi %mul3A_1128, %add3A_1131 : vector<16xi32>
    %gather3A_1133 = tpu.vector_load_idx %arg7[%add3A_1132] : memref<3072xf32, #tpu.memory_space<vmem>>[vector<16xi32>], vector<16xf32>,
    %add3A_1134 = arith.constant 2 : i32
    %add3A_1135 = vector.broadcast %add3A_1134 : i32 to vector<16xi32>
    %add3A_1136 = arith.addi %mul3A_1128, %add3A_1135 : vector<16xi32>
    %gather3A_1137 = tpu.vector_load_idx %arg7[%add3A_1136] : memref<3072xf32, #tpu.memory_space<vmem>>[vector<16xi32>], vector<16xf32>,
    %add3A_1138 = arith.constant 3 : i32
    %add3A_1139 = vector.broadcast %add3A_1138 : i32 to vector<16xi32>
    %add3A_1140 = arith.addi %mul3A_1128, %add3A_1139 : vector<16xi32>
    %gather3A_1141 = tpu.vector_load_idx %arg7[%add3A_1140] : memref<3072xf32, #tpu.memory_space<vmem>>[vector<16xi32>], vector<16xf32>,
    %add3A_1142 = arith.constant 4 : i32
    %add3A_1143 = vector.broadcast %add3A_1142 : i32 to vector<16xi32>
    %add3A_1144 = arith.addi %mul3A_1128, %add3A_1143 : vector<16xi32>
    %gather3A_1145 = tpu.vector_load_idx %arg7[%add3A_1144] : memref<3072xf32, #tpu.memory_space<vmem>>[vector<16xi32>], vector<16xf32>,
    %add3A_1146 = arith.constant 5 : i32
    %add3A_1147 = vector.broadcast %add3A_1146 : i32 to vector<16xi32>
    %add3A_1148 = arith.addi %mul3A_1128, %add3A_1147 : vector<16xi32>
    %gather3A_1149 = tpu.vector_load_idx %arg7[%add3A_1148] : memref<3072xf32, #tpu.memory_space<vmem>>[vector<16xi32>], vector<16xf32>,
    %convert_element_type3A_1150 = arith.fptosi %gather3A_1129 : vector<16xf32> to vector<16xi32>
    %convert_element_type3A_1151 = arith.fptosi %gather3A_1133 : vector<16xf32> to vector<16xi32>
    %add3A_1152 = arith.addf %gather3A_1137, %gather3A_1145 : vector<16xf32>
    %div3A_1153 = arith.constant 2.000000e+00 : f32
    %div3A_1154 = vector.broadcast %div3A_1153 : f32 to vector<16xf32>
    %div3A_1155 = arith.divf %add3A_1152, %div3A_1154 : vector<16xf32>
    %add3A_1156 = arith.addf %gather3A_1141, %gather3A_1149 : vector<16xf32>
    %div3A_1157 = arith.constant 2.000000e+00 : f32
    %div3A_1158 = vector.broadcast %div3A_1157 : f32 to vector<16xf32>
    %div3A_1159 = arith.divf %add3A_1156, %div3A_1158 : vector<16xf32>
    %sub3A_1160 = arith.subf %gather3A_1145, %gather3A_1137 : vector<16xf32>
    %sub3A_1161 = arith.subf %gather3A_1149, %gather3A_1141 : vector<16xf32>
    %div3A_1162 = vector.broadcast %squeeze3A : f32 to vector<16xf32>
    %div3A_1163 = arith.divf %div3A_1155, %div3A_1162 : vector<16xf32>
    %convert_element_type3A_1164 = arith.fptosi %div3A_1163 : vector<16xf32> to vector<16xi32>
    %convert_element_type3A_1165 = arith.sitofp %convert_element_type3A_1164 : vector<16xi32> to vector<16xf32>
    %gt3A_1166 = arith.cmpf ogt, %div3A_1163, %convert_element_type3A_1165 : vector<16xf32>
    %jit3A_1167 = arith.constant 1 : i32
    %jit3A_1168 = arith.constant 0 : i32
    %broadcast_in_dim3A_1169 = vector.broadcast %jit3A_1167 : i32 to vector<16xi32>
    %broadcast_in_dim3A_1170 = vector.broadcast %jit3A_1168 : i32 to vector<16xi32>
    %select_n3A_1171 = arith.select %gt3A_1166, %broadcast_in_dim3A_1169, %broadcast_in_dim3A_1170 : vector<16xi1>, vector<16xi32>
    %add3A_1172 = arith.addi %convert_element_type3A_1164, %select_n3A_1171 : vector<16xi32>
    %sub3A_1173 = arith.constant 1 : i32
    %sub3A_1174 = vector.broadcast %sub3A_1173 : i32 to vector<16xi32>
    %sub3A_1175 = arith.subi %add3A_1172, %sub3A_1174 : vector<16xi32>
    %div3A_1176 = vector.broadcast %squeeze3A : f32 to vector<16xf32>
    %div3A_1177 = arith.divf %div3A_1159, %div3A_1176 : vector<16xf32>
    %convert_element_type3A_1178 = arith.fptosi %div3A_1177 : vector<16xf32> to vector<16xi32>
    %convert_element_type3A_1179 = arith.sitofp %convert_element_type3A_1178 : vector<16xi32> to vector<16xf32>
    %gt3A_1180 = arith.cmpf ogt, %div3A_1177, %convert_element_type3A_1179 : vector<16xf32>
    %jit3A_1181 = arith.constant 1 : i32
    %jit3A_1182 = arith.constant 0 : i32
    %broadcast_in_dim3A_1183 = vector.broadcast %jit3A_1181 : i32 to vector<16xi32>
    %broadcast_in_dim3A_1184 = vector.broadcast %jit3A_1182 : i32 to vector<16xi32>
    %select_n3A_1185 = arith.select %gt3A_1180, %broadcast_in_dim3A_1183, %broadcast_in_dim3A_1184 : vector<16xi1>, vector<16xi32>
    %add3A_1186 = arith.addi %convert_element_type3A_1178, %select_n3A_1185 : vector<16xi32>
    %sub3A_1187 = arith.constant 1 : i32
    %sub3A_1188 = vector.broadcast %sub3A_1187 : i32 to vector<16xi32>
    %sub3A_1189 = arith.subi %add3A_1186, %sub3A_1188 : vector<16xi32>
    %convert_element_type3A_1190 = arith.sitofp %sub3A_1175 : vector<16xi32> to vector<16xf32>
    %mul3A_1191 = vector.broadcast %squeeze3A : f32 to vector<16xf32>
    %mul3A_1192 = arith.mulf %convert_element_type3A_1190, %mul3A_1191 : vector<16xf32>
    %sub3A_1193 = arith.subf %div3A_1155, %mul3A_1192 : vector<16xf32>
    %div3A_1194 = vector.broadcast %squeeze3A : f32 to vector<16xf32>
    %div3A_1195 = arith.divf %sub3A_1193, %div3A_1194 : vector<16xf32>
    %convert_element_type3A_1196 = arith.sitofp %sub3A_1189 : vector<16xi32> to vector<16xf32>
    %mul3A_1197 = vector.broadcast %squeeze3A : f32 to vector<16xf32>
    %mul3A_1198 = arith.mulf %convert_element_type3A_1196, %mul3A_1197 : vector<16xf32>
    %sub3A_1199 = arith.subf %div3A_1159, %mul3A_1198 : vector<16xf32>
    %div3A_1200 = vector.broadcast %squeeze3A : f32 to vector<16xf32>
    %div3A_1201 = arith.divf %sub3A_1199, %div3A_1200 : vector<16xf32>
    %mul3A_1202 = arith.constant 56 : i32
    %mul3A_1203 = vector.broadcast %mul3A_1202 : i32 to vector<16xi32>
    %mul3A_1204 = arith.muli %convert_element_type3A_1150, %mul3A_1203 : vector<16xi32>
    %mul3A_1205 = arith.constant 8 : i32
    %mul3A_1206 = vector.broadcast %mul3A_1205 : i32 to vector<16xi32>
    %mul3A_1207 = arith.muli %sub3A_1175, %mul3A_1206 : vector<16xi32>
    %add3A_1208 = arith.addi %mul3A_1204, %mul3A_1207 : vector<16xi32>
    %add3A_1209 = arith.addi %add3A_1208, %sub3A_1189 : vector<16xi32>
    %mul3A_1210 = arith.constant 32 : i32
    %mul3A_1211 = vector.broadcast %mul3A_1210 : i32 to vector<16xi32>
    %mul3A_1212 = arith.muli %add3A_1209, %mul3A_1211 : vector<16xi32>
    %add3A_1213 = arith.addi %mul3A_1212, %convert_element_type3A_1151 : vector<16xi32>
    %swap3A_1214 = arith.constant 176 : index
    %swap3A_1215 = tpu.vector_load %arg8[%swap3A_1214] {strides = array<i32>} : memref<512xi32, #tpu.memory_space<vmem>>, vector<16xi32>,
    tpu.vector_store %arg8[%swap3A_1214], %add3A_1213 {strides = array<i32>} : memref<512xi32, #tpu.memory_space<vmem>>, vector<16xi32>,
    %add3A_1216 = arith.constant 192 : i32
    %add3A_1217 = vector.broadcast %add3A_1216 : i32 to vector<16xi32>
    %add3A_1218 = arith.addi %add3A_1217, %iota3A : vector<16xi32>
    %mul3A_1219 = arith.constant 6 : i32
    %mul3A_1220 = vector.broadcast %mul3A_1219 : i32 to vector<16xi32>
    %mul3A_1221 = arith.muli %add3A_1218, %mul3A_1220 : vector<16xi32>
    %gather3A_1222 = tpu.vector_load_idx %arg7[%mul3A_1221] : memref<3072xf32, #tpu.memory_space<vmem>>[vector<16xi32>], vector<16xf32>,
    %add3A_1223 = arith.constant 1 : i32
    %add3A_1224 = vector.broadcast %add3A_1223 : i32 to vector<16xi32>
    %add3A_1225 = arith.addi %mul3A_1221, %add3A_1224 : vector<16xi32>
    %gather3A_1226 = tpu.vector_load_idx %arg7[%add3A_1225] : memref<3072xf32, #tpu.memory_space<vmem>>[vector<16xi32>], vector<16xf32>,
    %add3A_1227 = arith.constant 2 : i32
    %add3A_1228 = vector.broadcast %add3A_1227 : i32 to vector<16xi32>
    %add3A_1229 = arith.addi %mul3A_1221, %add3A_1228 : vector<16xi32>
    %gather3A_1230 = tpu.vector_load_idx %arg7[%add3A_1229] : memref<3072xf32, #tpu.memory_space<vmem>>[vector<16xi32>], vector<16xf32>,
    %add3A_1231 = arith.constant 3 : i32
    %add3A_1232 = vector.broadcast %add3A_1231 : i32 to vector<16xi32>
    %add3A_1233 = arith.addi %mul3A_1221, %add3A_1232 : vector<16xi32>
    %gather3A_1234 = tpu.vector_load_idx %arg7[%add3A_1233] : memref<3072xf32, #tpu.memory_space<vmem>>[vector<16xi32>], vector<16xf32>,
    %add3A_1235 = arith.constant 4 : i32
    %add3A_1236 = vector.broadcast %add3A_1235 : i32 to vector<16xi32>
    %add3A_1237 = arith.addi %mul3A_1221, %add3A_1236 : vector<16xi32>
    %gather3A_1238 = tpu.vector_load_idx %arg7[%add3A_1237] : memref<3072xf32, #tpu.memory_space<vmem>>[vector<16xi32>], vector<16xf32>,
    %add3A_1239 = arith.constant 5 : i32
    %add3A_1240 = vector.broadcast %add3A_1239 : i32 to vector<16xi32>
    %add3A_1241 = arith.addi %mul3A_1221, %add3A_1240 : vector<16xi32>
    %gather3A_1242 = tpu.vector_load_idx %arg7[%add3A_1241] : memref<3072xf32, #tpu.memory_space<vmem>>[vector<16xi32>], vector<16xf32>,
    %convert_element_type3A_1243 = arith.fptosi %gather3A_1222 : vector<16xf32> to vector<16xi32>
    %convert_element_type3A_1244 = arith.fptosi %gather3A_1226 : vector<16xf32> to vector<16xi32>
    %add3A_1245 = arith.addf %gather3A_1230, %gather3A_1238 : vector<16xf32>
    %div3A_1246 = arith.constant 2.000000e+00 : f32
    %div3A_1247 = vector.broadcast %div3A_1246 : f32 to vector<16xf32>
    %div3A_1248 = arith.divf %add3A_1245, %div3A_1247 : vector<16xf32>
    %add3A_1249 = arith.addf %gather3A_1234, %gather3A_1242 : vector<16xf32>
    %div3A_1250 = arith.constant 2.000000e+00 : f32
    %div3A_1251 = vector.broadcast %div3A_1250 : f32 to vector<16xf32>
    %div3A_1252 = arith.divf %add3A_1249, %div3A_1251 : vector<16xf32>
    %sub3A_1253 = arith.subf %gather3A_1238, %gather3A_1230 : vector<16xf32>
    %sub3A_1254 = arith.subf %gather3A_1242, %gather3A_1234 : vector<16xf32>
    %div3A_1255 = vector.broadcast %squeeze3A : f32 to vector<16xf32>
    %div3A_1256 = arith.divf %div3A_1248, %div3A_1255 : vector<16xf32>
    %convert_element_type3A_1257 = arith.fptosi %div3A_1256 : vector<16xf32> to vector<16xi32>
    %convert_element_type3A_1258 = arith.sitofp %convert_element_type3A_1257 : vector<16xi32> to vector<16xf32>
    %gt3A_1259 = arith.cmpf ogt, %div3A_1256, %convert_element_type3A_1258 : vector<16xf32>
    %jit3A_1260 = arith.constant 1 : i32
    %jit3A_1261 = arith.constant 0 : i32
    %broadcast_in_dim3A_1262 = vector.broadcast %jit3A_1260 : i32 to vector<16xi32>
    %broadcast_in_dim3A_1263 = vector.broadcast %jit3A_1261 : i32 to vector<16xi32>
    %select_n3A_1264 = arith.select %gt3A_1259, %broadcast_in_dim3A_1262, %broadcast_in_dim3A_1263 : vector<16xi1>, vector<16xi32>
    %add3A_1265 = arith.addi %convert_element_type3A_1257, %select_n3A_1264 : vector<16xi32>
    %sub3A_1266 = arith.constant 1 : i32
    %sub3A_1267 = vector.broadcast %sub3A_1266 : i32 to vector<16xi32>
    %sub3A_1268 = arith.subi %add3A_1265, %sub3A_1267 : vector<16xi32>
    %div3A_1269 = vector.broadcast %squeeze3A : f32 to vector<16xf32>
    %div3A_1270 = arith.divf %div3A_1252, %div3A_1269 : vector<16xf32>
    %convert_element_type3A_1271 = arith.fptosi %div3A_1270 : vector<16xf32> to vector<16xi32>
    %convert_element_type3A_1272 = arith.sitofp %convert_element_type3A_1271 : vector<16xi32> to vector<16xf32>
    %gt3A_1273 = arith.cmpf ogt, %div3A_1270, %convert_element_type3A_1272 : vector<16xf32>
    %jit3A_1274 = arith.constant 1 : i32
    %jit3A_1275 = arith.constant 0 : i32
    %broadcast_in_dim3A_1276 = vector.broadcast %jit3A_1274 : i32 to vector<16xi32>
    %broadcast_in_dim3A_1277 = vector.broadcast %jit3A_1275 : i32 to vector<16xi32>
    %select_n3A_1278 = arith.select %gt3A_1273, %broadcast_in_dim3A_1276, %broadcast_in_dim3A_1277 : vector<16xi1>, vector<16xi32>
    %add3A_1279 = arith.addi %convert_element_type3A_1271, %select_n3A_1278 : vector<16xi32>
    %sub3A_1280 = arith.constant 1 : i32
    %sub3A_1281 = vector.broadcast %sub3A_1280 : i32 to vector<16xi32>
    %sub3A_1282 = arith.subi %add3A_1279, %sub3A_1281 : vector<16xi32>
    %convert_element_type3A_1283 = arith.sitofp %sub3A_1268 : vector<16xi32> to vector<16xf32>
    %mul3A_1284 = vector.broadcast %squeeze3A : f32 to vector<16xf32>
    %mul3A_1285 = arith.mulf %convert_element_type3A_1283, %mul3A_1284 : vector<16xf32>
    %sub3A_1286 = arith.subf %div3A_1248, %mul3A_1285 : vector<16xf32>
    %div3A_1287 = vector.broadcast %squeeze3A : f32 to vector<16xf32>
    %div3A_1288 = arith.divf %sub3A_1286, %div3A_1287 : vector<16xf32>
    %convert_element_type3A_1289 = arith.sitofp %sub3A_1282 : vector<16xi32> to vector<16xf32>
    %mul3A_1290 = vector.broadcast %squeeze3A : f32 to vector<16xf32>
    %mul3A_1291 = arith.mulf %convert_element_type3A_1289, %mul3A_1290 : vector<16xf32>
    %sub3A_1292 = arith.subf %div3A_1252, %mul3A_1291 : vector<16xf32>
    %div3A_1293 = vector.broadcast %squeeze3A : f32 to vector<16xf32>
    %div3A_1294 = arith.divf %sub3A_1292, %div3A_1293 : vector<16xf32>
    %mul3A_1295 = arith.constant 56 : i32
    %mul3A_1296 = vector.broadcast %mul3A_1295 : i32 to vector<16xi32>
    %mul3A_1297 = arith.muli %convert_element_type3A_1243, %mul3A_1296 : vector<16xi32>
    %mul3A_1298 = arith.constant 8 : i32
    %mul3A_1299 = vector.broadcast %mul3A_1298 : i32 to vector<16xi32>
    %mul3A_1300 = arith.muli %sub3A_1268, %mul3A_1299 : vector<16xi32>
    %add3A_1301 = arith.addi %mul3A_1297, %mul3A_1300 : vector<16xi32>
    %add3A_1302 = arith.addi %add3A_1301, %sub3A_1282 : vector<16xi32>
    %mul3A_1303 = arith.constant 32 : i32
    %mul3A_1304 = vector.broadcast %mul3A_1303 : i32 to vector<16xi32>
    %mul3A_1305 = arith.muli %add3A_1302, %mul3A_1304 : vector<16xi32>
    %add3A_1306 = arith.addi %mul3A_1305, %convert_element_type3A_1244 : vector<16xi32>
    %swap3A_1307 = arith.constant 192 : index
    %swap3A_1308 = tpu.vector_load %arg8[%swap3A_1307] {strides = array<i32>} : memref<512xi32, #tpu.memory_space<vmem>>, vector<16xi32>,
    tpu.vector_store %arg8[%swap3A_1307], %add3A_1306 {strides = array<i32>} : memref<512xi32, #tpu.memory_space<vmem>>, vector<16xi32>,
    %add3A_1309 = arith.constant 208 : i32
    %add3A_1310 = vector.broadcast %add3A_1309 : i32 to vector<16xi32>
    %add3A_1311 = arith.addi %add3A_1310, %iota3A : vector<16xi32>
    %mul3A_1312 = arith.constant 6 : i32
    %mul3A_1313 = vector.broadcast %mul3A_1312 : i32 to vector<16xi32>
    %mul3A_1314 = arith.muli %add3A_1311, %mul3A_1313 : vector<16xi32>
    %gather3A_1315 = tpu.vector_load_idx %arg7[%mul3A_1314] : memref<3072xf32, #tpu.memory_space<vmem>>[vector<16xi32>], vector<16xf32>,
    %add3A_1316 = arith.constant 1 : i32
    %add3A_1317 = vector.broadcast %add3A_1316 : i32 to vector<16xi32>
    %add3A_1318 = arith.addi %mul3A_1314, %add3A_1317 : vector<16xi32>
    %gather3A_1319 = tpu.vector_load_idx %arg7[%add3A_1318] : memref<3072xf32, #tpu.memory_space<vmem>>[vector<16xi32>], vector<16xf32>,
    %add3A_1320 = arith.constant 2 : i32
    %add3A_1321 = vector.broadcast %add3A_1320 : i32 to vector<16xi32>
    %add3A_1322 = arith.addi %mul3A_1314, %add3A_1321 : vector<16xi32>
    %gather3A_1323 = tpu.vector_load_idx %arg7[%add3A_1322] : memref<3072xf32, #tpu.memory_space<vmem>>[vector<16xi32>], vector<16xf32>,
    %add3A_1324 = arith.constant 3 : i32
    %add3A_1325 = vector.broadcast %add3A_1324 : i32 to vector<16xi32>
    %add3A_1326 = arith.addi %mul3A_1314, %add3A_1325 : vector<16xi32>
    %gather3A_1327 = tpu.vector_load_idx %arg7[%add3A_1326] : memref<3072xf32, #tpu.memory_space<vmem>>[vector<16xi32>], vector<16xf32>,
    %add3A_1328 = arith.constant 4 : i32
    %add3A_1329 = vector.broadcast %add3A_1328 : i32 to vector<16xi32>
    %add3A_1330 = arith.addi %mul3A_1314, %add3A_1329 : vector<16xi32>
    %gather3A_1331 = tpu.vector_load_idx %arg7[%add3A_1330] : memref<3072xf32, #tpu.memory_space<vmem>>[vector<16xi32>], vector<16xf32>,
    %add3A_1332 = arith.constant 5 : i32
    %add3A_1333 = vector.broadcast %add3A_1332 : i32 to vector<16xi32>
    %add3A_1334 = arith.addi %mul3A_1314, %add3A_1333 : vector<16xi32>
    %gather3A_1335 = tpu.vector_load_idx %arg7[%add3A_1334] : memref<3072xf32, #tpu.memory_space<vmem>>[vector<16xi32>], vector<16xf32>,
    %convert_element_type3A_1336 = arith.fptosi %gather3A_1315 : vector<16xf32> to vector<16xi32>
    %convert_element_type3A_1337 = arith.fptosi %gather3A_1319 : vector<16xf32> to vector<16xi32>
    %add3A_1338 = arith.addf %gather3A_1323, %gather3A_1331 : vector<16xf32>
    %div3A_1339 = arith.constant 2.000000e+00 : f32
    %div3A_1340 = vector.broadcast %div3A_1339 : f32 to vector<16xf32>
    %div3A_1341 = arith.divf %add3A_1338, %div3A_1340 : vector<16xf32>
    %add3A_1342 = arith.addf %gather3A_1327, %gather3A_1335 : vector<16xf32>
    %div3A_1343 = arith.constant 2.000000e+00 : f32
    %div3A_1344 = vector.broadcast %div3A_1343 : f32 to vector<16xf32>
    %div3A_1345 = arith.divf %add3A_1342, %div3A_1344 : vector<16xf32>
    %sub3A_1346 = arith.subf %gather3A_1331, %gather3A_1323 : vector<16xf32>
    %sub3A_1347 = arith.subf %gather3A_1335, %gather3A_1327 : vector<16xf32>
    %div3A_1348 = vector.broadcast %squeeze3A : f32 to vector<16xf32>
    %div3A_1349 = arith.divf %div3A_1341, %div3A_1348 : vector<16xf32>
    %convert_element_type3A_1350 = arith.fptosi %div3A_1349 : vector<16xf32> to vector<16xi32>
    %convert_element_type3A_1351 = arith.sitofp %convert_element_type3A_1350 : vector<16xi32> to vector<16xf32>
    %gt3A_1352 = arith.cmpf ogt, %div3A_1349, %convert_element_type3A_1351 : vector<16xf32>
    %jit3A_1353 = arith.constant 1 : i32
    %jit3A_1354 = arith.constant 0 : i32
    %broadcast_in_dim3A_1355 = vector.broadcast %jit3A_1353 : i32 to vector<16xi32>
    %broadcast_in_dim3A_1356 = vector.broadcast %jit3A_1354 : i32 to vector<16xi32>
    %select_n3A_1357 = arith.select %gt3A_1352, %broadcast_in_dim3A_1355, %broadcast_in_dim3A_1356 : vector<16xi1>, vector<16xi32>
    %add3A_1358 = arith.addi %convert_element_type3A_1350, %select_n3A_1357 : vector<16xi32>
    %sub3A_1359 = arith.constant 1 : i32
    %sub3A_1360 = vector.broadcast %sub3A_1359 : i32 to vector<16xi32>
    %sub3A_1361 = arith.subi %add3A_1358, %sub3A_1360 : vector<16xi32>
    %div3A_1362 = vector.broadcast %squeeze3A : f32 to vector<16xf32>
    %div3A_1363 = arith.divf %div3A_1345, %div3A_1362 : vector<16xf32>
    %convert_element_type3A_1364 = arith.fptosi %div3A_1363 : vector<16xf32> to vector<16xi32>
    %convert_element_type3A_1365 = arith.sitofp %convert_element_type3A_1364 : vector<16xi32> to vector<16xf32>
    %gt3A_1366 = arith.cmpf ogt, %div3A_1363, %convert_element_type3A_1365 : vector<16xf32>
    %jit3A_1367 = arith.constant 1 : i32
    %jit3A_1368 = arith.constant 0 : i32
    %broadcast_in_dim3A_1369 = vector.broadcast %jit3A_1367 : i32 to vector<16xi32>
    %broadcast_in_dim3A_1370 = vector.broadcast %jit3A_1368 : i32 to vector<16xi32>
    %select_n3A_1371 = arith.select %gt3A_1366, %broadcast_in_dim3A_1369, %broadcast_in_dim3A_1370 : vector<16xi1>, vector<16xi32>
    %add3A_1372 = arith.addi %convert_element_type3A_1364, %select_n3A_1371 : vector<16xi32>
    %sub3A_1373 = arith.constant 1 : i32
    %sub3A_1374 = vector.broadcast %sub3A_1373 : i32 to vector<16xi32>
    %sub3A_1375 = arith.subi %add3A_1372, %sub3A_1374 : vector<16xi32>
    %convert_element_type3A_1376 = arith.sitofp %sub3A_1361 : vector<16xi32> to vector<16xf32>
    %mul3A_1377 = vector.broadcast %squeeze3A : f32 to vector<16xf32>
    %mul3A_1378 = arith.mulf %convert_element_type3A_1376, %mul3A_1377 : vector<16xf32>
    %sub3A_1379 = arith.subf %div3A_1341, %mul3A_1378 : vector<16xf32>
    %div3A_1380 = vector.broadcast %squeeze3A : f32 to vector<16xf32>
    %div3A_1381 = arith.divf %sub3A_1379, %div3A_1380 : vector<16xf32>
    %convert_element_type3A_1382 = arith.sitofp %sub3A_1375 : vector<16xi32> to vector<16xf32>
    %mul3A_1383 = vector.broadcast %squeeze3A : f32 to vector<16xf32>
    %mul3A_1384 = arith.mulf %convert_element_type3A_1382, %mul3A_1383 : vector<16xf32>
    %sub3A_1385 = arith.subf %div3A_1345, %mul3A_1384 : vector<16xf32>
    %div3A_1386 = vector.broadcast %squeeze3A : f32 to vector<16xf32>
    %div3A_1387 = arith.divf %sub3A_1385, %div3A_1386 : vector<16xf32>
    %mul3A_1388 = arith.constant 56 : i32
    %mul3A_1389 = vector.broadcast %mul3A_1388 : i32 to vector<16xi32>
    %mul3A_1390 = arith.muli %convert_element_type3A_1336, %mul3A_1389 : vector<16xi32>
    %mul3A_1391 = arith.constant 8 : i32
    %mul3A_1392 = vector.broadcast %mul3A_1391 : i32 to vector<16xi32>
    %mul3A_1393 = arith.muli %sub3A_1361, %mul3A_1392 : vector<16xi32>
    %add3A_1394 = arith.addi %mul3A_1390, %mul3A_1393 : vector<16xi32>
    %add3A_1395 = arith.addi %add3A_1394, %sub3A_1375 : vector<16xi32>
    %mul3A_1396 = arith.constant 32 : i32
    %mul3A_1397 = vector.broadcast %mul3A_1396 : i32 to vector<16xi32>
    %mul3A_1398 = arith.muli %add3A_1395, %mul3A_1397 : vector<16xi32>
    %add3A_1399 = arith.addi %mul3A_1398, %convert_element_type3A_1337 : vector<16xi32>
    %swap3A_1400 = arith.constant 208 : index
    %swap3A_1401 = tpu.vector_load %arg8[%swap3A_1400] {strides = array<i32>} : memref<512xi32, #tpu.memory_space<vmem>>, vector<16xi32>,
    tpu.vector_store %arg8[%swap3A_1400], %add3A_1399 {strides = array<i32>} : memref<512xi32, #tpu.memory_space<vmem>>, vector<16xi32>,
    %add3A_1402 = arith.constant 224 : i32
    %add3A_1403 = vector.broadcast %add3A_1402 : i32 to vector<16xi32>
    %add3A_1404 = arith.addi %add3A_1403, %iota3A : vector<16xi32>
    %mul3A_1405 = arith.constant 6 : i32
    %mul3A_1406 = vector.broadcast %mul3A_1405 : i32 to vector<16xi32>
    %mul3A_1407 = arith.muli %add3A_1404, %mul3A_1406 : vector<16xi32>
    %gather3A_1408 = tpu.vector_load_idx %arg7[%mul3A_1407] : memref<3072xf32, #tpu.memory_space<vmem>>[vector<16xi32>], vector<16xf32>,
    %add3A_1409 = arith.constant 1 : i32
    %add3A_1410 = vector.broadcast %add3A_1409 : i32 to vector<16xi32>
    %add3A_1411 = arith.addi %mul3A_1407, %add3A_1410 : vector<16xi32>
    %gather3A_1412 = tpu.vector_load_idx %arg7[%add3A_1411] : memref<3072xf32, #tpu.memory_space<vmem>>[vector<16xi32>], vector<16xf32>,
    %add3A_1413 = arith.constant 2 : i32
    %add3A_1414 = vector.broadcast %add3A_1413 : i32 to vector<16xi32>
    %add3A_1415 = arith.addi %mul3A_1407, %add3A_1414 : vector<16xi32>
    %gather3A_1416 = tpu.vector_load_idx %arg7[%add3A_1415] : memref<3072xf32, #tpu.memory_space<vmem>>[vector<16xi32>], vector<16xf32>,
    %add3A_1417 = arith.constant 3 : i32
    %add3A_1418 = vector.broadcast %add3A_1417 : i32 to vector<16xi32>
    %add3A_1419 = arith.addi %mul3A_1407, %add3A_1418 : vector<16xi32>
    %gather3A_1420 = tpu.vector_load_idx %arg7[%add3A_1419] : memref<3072xf32, #tpu.memory_space<vmem>>[vector<16xi32>], vector<16xf32>,
    %add3A_1421 = arith.constant 4 : i32
    %add3A_1422 = vector.broadcast %add3A_1421 : i32 to vector<16xi32>
    %add3A_1423 = arith.addi %mul3A_1407, %add3A_1422 : vector<16xi32>
    %gather3A_1424 = tpu.vector_load_idx %arg7[%add3A_1423] : memref<3072xf32, #tpu.memory_space<vmem>>[vector<16xi32>], vector<16xf32>,
    %add3A_1425 = arith.constant 5 : i32
    %add3A_1426 = vector.broadcast %add3A_1425 : i32 to vector<16xi32>
    %add3A_1427 = arith.addi %mul3A_1407, %add3A_1426 : vector<16xi32>
    %gather3A_1428 = tpu.vector_load_idx %arg7[%add3A_1427] : memref<3072xf32, #tpu.memory_space<vmem>>[vector<16xi32>], vector<16xf32>,
    %convert_element_type3A_1429 = arith.fptosi %gather3A_1408 : vector<16xf32> to vector<16xi32>
    %convert_element_type3A_1430 = arith.fptosi %gather3A_1412 : vector<16xf32> to vector<16xi32>
    %add3A_1431 = arith.addf %gather3A_1416, %gather3A_1424 : vector<16xf32>
    %div3A_1432 = arith.constant 2.000000e+00 : f32
    %div3A_1433 = vector.broadcast %div3A_1432 : f32 to vector<16xf32>
    %div3A_1434 = arith.divf %add3A_1431, %div3A_1433 : vector<16xf32>
    %add3A_1435 = arith.addf %gather3A_1420, %gather3A_1428 : vector<16xf32>
    %div3A_1436 = arith.constant 2.000000e+00 : f32
    %div3A_1437 = vector.broadcast %div3A_1436 : f32 to vector<16xf32>
    %div3A_1438 = arith.divf %add3A_1435, %div3A_1437 : vector<16xf32>
    %sub3A_1439 = arith.subf %gather3A_1424, %gather3A_1416 : vector<16xf32>
    %sub3A_1440 = arith.subf %gather3A_1428, %gather3A_1420 : vector<16xf32>
    %div3A_1441 = vector.broadcast %squeeze3A : f32 to vector<16xf32>
    %div3A_1442 = arith.divf %div3A_1434, %div3A_1441 : vector<16xf32>
    %convert_element_type3A_1443 = arith.fptosi %div3A_1442 : vector<16xf32> to vector<16xi32>
    %convert_element_type3A_1444 = arith.sitofp %convert_element_type3A_1443 : vector<16xi32> to vector<16xf32>
    %gt3A_1445 = arith.cmpf ogt, %div3A_1442, %convert_element_type3A_1444 : vector<16xf32>
    %jit3A_1446 = arith.constant 1 : i32
    %jit3A_1447 = arith.constant 0 : i32
    %broadcast_in_dim3A_1448 = vector.broadcast %jit3A_1446 : i32 to vector<16xi32>
    %broadcast_in_dim3A_1449 = vector.broadcast %jit3A_1447 : i32 to vector<16xi32>
    %select_n3A_1450 = arith.select %gt3A_1445, %broadcast_in_dim3A_1448, %broadcast_in_dim3A_1449 : vector<16xi1>, vector<16xi32>
    %add3A_1451 = arith.addi %convert_element_type3A_1443, %select_n3A_1450 : vector<16xi32>
    %sub3A_1452 = arith.constant 1 : i32
    %sub3A_1453 = vector.broadcast %sub3A_1452 : i32 to vector<16xi32>
    %sub3A_1454 = arith.subi %add3A_1451, %sub3A_1453 : vector<16xi32>
    %div3A_1455 = vector.broadcast %squeeze3A : f32 to vector<16xf32>
    %div3A_1456 = arith.divf %div3A_1438, %div3A_1455 : vector<16xf32>
    %convert_element_type3A_1457 = arith.fptosi %div3A_1456 : vector<16xf32> to vector<16xi32>
    %convert_element_type3A_1458 = arith.sitofp %convert_element_type3A_1457 : vector<16xi32> to vector<16xf32>
    %gt3A_1459 = arith.cmpf ogt, %div3A_1456, %convert_element_type3A_1458 : vector<16xf32>
    %jit3A_1460 = arith.constant 1 : i32
    %jit3A_1461 = arith.constant 0 : i32
    %broadcast_in_dim3A_1462 = vector.broadcast %jit3A_1460 : i32 to vector<16xi32>
    %broadcast_in_dim3A_1463 = vector.broadcast %jit3A_1461 : i32 to vector<16xi32>
    %select_n3A_1464 = arith.select %gt3A_1459, %broadcast_in_dim3A_1462, %broadcast_in_dim3A_1463 : vector<16xi1>, vector<16xi32>
    %add3A_1465 = arith.addi %convert_element_type3A_1457, %select_n3A_1464 : vector<16xi32>
    %sub3A_1466 = arith.constant 1 : i32
    %sub3A_1467 = vector.broadcast %sub3A_1466 : i32 to vector<16xi32>
    %sub3A_1468 = arith.subi %add3A_1465, %sub3A_1467 : vector<16xi32>
    %convert_element_type3A_1469 = arith.sitofp %sub3A_1454 : vector<16xi32> to vector<16xf32>
    %mul3A_1470 = vector.broadcast %squeeze3A : f32 to vector<16xf32>
    %mul3A_1471 = arith.mulf %convert_element_type3A_1469, %mul3A_1470 : vector<16xf32>
    %sub3A_1472 = arith.subf %div3A_1434, %mul3A_1471 : vector<16xf32>
    %div3A_1473 = vector.broadcast %squeeze3A : f32 to vector<16xf32>
    %div3A_1474 = arith.divf %sub3A_1472, %div3A_1473 : vector<16xf32>
    %convert_element_type3A_1475 = arith.sitofp %sub3A_1468 : vector<16xi32> to vector<16xf32>
    %mul3A_1476 = vector.broadcast %squeeze3A : f32 to vector<16xf32>
    %mul3A_1477 = arith.mulf %convert_element_type3A_1475, %mul3A_1476 : vector<16xf32>
    %sub3A_1478 = arith.subf %div3A_1438, %mul3A_1477 : vector<16xf32>
    %div3A_1479 = vector.broadcast %squeeze3A : f32 to vector<16xf32>
    %div3A_1480 = arith.divf %sub3A_1478, %div3A_1479 : vector<16xf32>
    %mul3A_1481 = arith.constant 56 : i32
    %mul3A_1482 = vector.broadcast %mul3A_1481 : i32 to vector<16xi32>
    %mul3A_1483 = arith.muli %convert_element_type3A_1429, %mul3A_1482 : vector<16xi32>
    %mul3A_1484 = arith.constant 8 : i32
    %mul3A_1485 = vector.broadcast %mul3A_1484 : i32 to vector<16xi32>
    %mul3A_1486 = arith.muli %sub3A_1454, %mul3A_1485 : vector<16xi32>
    %add3A_1487 = arith.addi %mul3A_1483, %mul3A_1486 : vector<16xi32>
    %add3A_1488 = arith.addi %add3A_1487, %sub3A_1468 : vector<16xi32>
    %mul3A_1489 = arith.constant 32 : i32
    %mul3A_1490 = vector.broadcast %mul3A_1489 : i32 to vector<16xi32>
    %mul3A_1491 = arith.muli %add3A_1488, %mul3A_1490 : vector<16xi32>
    %add3A_1492 = arith.addi %mul3A_1491, %convert_element_type3A_1430 : vector<16xi32>
    %swap3A_1493 = arith.constant 224 : index
    %swap3A_1494 = tpu.vector_load %arg8[%swap3A_1493] {strides = array<i32>} : memref<512xi32, #tpu.memory_space<vmem>>, vector<16xi32>,
    tpu.vector_store %arg8[%swap3A_1493], %add3A_1492 {strides = array<i32>} : memref<512xi32, #tpu.memory_space<vmem>>, vector<16xi32>,
    %add3A_1495 = arith.constant 240 : i32
    %add3A_1496 = vector.broadcast %add3A_1495 : i32 to vector<16xi32>
    %add3A_1497 = arith.addi %add3A_1496, %iota3A : vector<16xi32>
    %mul3A_1498 = arith.constant 6 : i32
    %mul3A_1499 = vector.broadcast %mul3A_1498 : i32 to vector<16xi32>
    %mul3A_1500 = arith.muli %add3A_1497, %mul3A_1499 : vector<16xi32>
    %gather3A_1501 = tpu.vector_load_idx %arg7[%mul3A_1500] : memref<3072xf32, #tpu.memory_space<vmem>>[vector<16xi32>], vector<16xf32>,
    %add3A_1502 = arith.constant 1 : i32
    %add3A_1503 = vector.broadcast %add3A_1502 : i32 to vector<16xi32>
    %add3A_1504 = arith.addi %mul3A_1500, %add3A_1503 : vector<16xi32>
    %gather3A_1505 = tpu.vector_load_idx %arg7[%add3A_1504] : memref<3072xf32, #tpu.memory_space<vmem>>[vector<16xi32>], vector<16xf32>,
    %add3A_1506 = arith.constant 2 : i32
    %add3A_1507 = vector.broadcast %add3A_1506 : i32 to vector<16xi32>
    %add3A_1508 = arith.addi %mul3A_1500, %add3A_1507 : vector<16xi32>
    %gather3A_1509 = tpu.vector_load_idx %arg7[%add3A_1508] : memref<3072xf32, #tpu.memory_space<vmem>>[vector<16xi32>], vector<16xf32>,
    %add3A_1510 = arith.constant 3 : i32
    %add3A_1511 = vector.broadcast %add3A_1510 : i32 to vector<16xi32>
    %add3A_1512 = arith.addi %mul3A_1500, %add3A_1511 : vector<16xi32>
    %gather3A_1513 = tpu.vector_load_idx %arg7[%add3A_1512] : memref<3072xf32, #tpu.memory_space<vmem>>[vector<16xi32>], vector<16xf32>,
    %add3A_1514 = arith.constant 4 : i32
    %add3A_1515 = vector.broadcast %add3A_1514 : i32 to vector<16xi32>
    %add3A_1516 = arith.addi %mul3A_1500, %add3A_1515 : vector<16xi32>
    %gather3A_1517 = tpu.vector_load_idx %arg7[%add3A_1516] : memref<3072xf32, #tpu.memory_space<vmem>>[vector<16xi32>], vector<16xf32>,
    %add3A_1518 = arith.constant 5 : i32
    %add3A_1519 = vector.broadcast %add3A_1518 : i32 to vector<16xi32>
    %add3A_1520 = arith.addi %mul3A_1500, %add3A_1519 : vector<16xi32>
    %gather3A_1521 = tpu.vector_load_idx %arg7[%add3A_1520] : memref<3072xf32, #tpu.memory_space<vmem>>[vector<16xi32>], vector<16xf32>,
    %convert_element_type3A_1522 = arith.fptosi %gather3A_1501 : vector<16xf32> to vector<16xi32>
    %convert_element_type3A_1523 = arith.fptosi %gather3A_1505 : vector<16xf32> to vector<16xi32>
    %add3A_1524 = arith.addf %gather3A_1509, %gather3A_1517 : vector<16xf32>
    %div3A_1525 = arith.constant 2.000000e+00 : f32
    %div3A_1526 = vector.broadcast %div3A_1525 : f32 to vector<16xf32>
    %div3A_1527 = arith.divf %add3A_1524, %div3A_1526 : vector<16xf32>
    %add3A_1528 = arith.addf %gather3A_1513, %gather3A_1521 : vector<16xf32>
    %div3A_1529 = arith.constant 2.000000e+00 : f32
    %div3A_1530 = vector.broadcast %div3A_1529 : f32 to vector<16xf32>
    %div3A_1531 = arith.divf %add3A_1528, %div3A_1530 : vector<16xf32>
    %sub3A_1532 = arith.subf %gather3A_1517, %gather3A_1509 : vector<16xf32>
    %sub3A_1533 = arith.subf %gather3A_1521, %gather3A_1513 : vector<16xf32>
    %div3A_1534 = vector.broadcast %squeeze3A : f32 to vector<16xf32>
    %div3A_1535 = arith.divf %div3A_1527, %div3A_1534 : vector<16xf32>
    %convert_element_type3A_1536 = arith.fptosi %div3A_1535 : vector<16xf32> to vector<16xi32>
    %convert_element_type3A_1537 = arith.sitofp %convert_element_type3A_1536 : vector<16xi32> to vector<16xf32>
    %gt3A_1538 = arith.cmpf ogt, %div3A_1535, %convert_element_type3A_1537 : vector<16xf32>
    %jit3A_1539 = arith.constant 1 : i32
    %jit3A_1540 = arith.constant 0 : i32
    %broadcast_in_dim3A_1541 = vector.broadcast %jit3A_1539 : i32 to vector<16xi32>
    %broadcast_in_dim3A_1542 = vector.broadcast %jit3A_1540 : i32 to vector<16xi32>
    %select_n3A_1543 = arith.select %gt3A_1538, %broadcast_in_dim3A_1541, %broadcast_in_dim3A_1542 : vector<16xi1>, vector<16xi32>
    %add3A_1544 = arith.addi %convert_element_type3A_1536, %select_n3A_1543 : vector<16xi32>
    %sub3A_1545 = arith.constant 1 : i32
    %sub3A_1546 = vector.broadcast %sub3A_1545 : i32 to vector<16xi32>
    %sub3A_1547 = arith.subi %add3A_1544, %sub3A_1546 : vector<16xi32>
    %div3A_1548 = vector.broadcast %squeeze3A : f32 to vector<16xf32>
    %div3A_1549 = arith.divf %div3A_1531, %div3A_1548 : vector<16xf32>
    %convert_element_type3A_1550 = arith.fptosi %div3A_1549 : vector<16xf32> to vector<16xi32>
    %convert_element_type3A_1551 = arith.sitofp %convert_element_type3A_1550 : vector<16xi32> to vector<16xf32>
    %gt3A_1552 = arith.cmpf ogt, %div3A_1549, %convert_element_type3A_1551 : vector<16xf32>
    %jit3A_1553 = arith.constant 1 : i32
    %jit3A_1554 = arith.constant 0 : i32
    %broadcast_in_dim3A_1555 = vector.broadcast %jit3A_1553 : i32 to vector<16xi32>
    %broadcast_in_dim3A_1556 = vector.broadcast %jit3A_1554 : i32 to vector<16xi32>
    %select_n3A_1557 = arith.select %gt3A_1552, %broadcast_in_dim3A_1555, %broadcast_in_dim3A_1556 : vector<16xi1>, vector<16xi32>
    %add3A_1558 = arith.addi %convert_element_type3A_1550, %select_n3A_1557 : vector<16xi32>
    %sub3A_1559 = arith.constant 1 : i32
    %sub3A_1560 = vector.broadcast %sub3A_1559 : i32 to vector<16xi32>
    %sub3A_1561 = arith.subi %add3A_1558, %sub3A_1560 : vector<16xi32>
    %convert_element_type3A_1562 = arith.sitofp %sub3A_1547 : vector<16xi32> to vector<16xf32>
    %mul3A_1563 = vector.broadcast %squeeze3A : f32 to vector<16xf32>
    %mul3A_1564 = arith.mulf %convert_element_type3A_1562, %mul3A_1563 : vector<16xf32>
    %sub3A_1565 = arith.subf %div3A_1527, %mul3A_1564 : vector<16xf32>
    %div3A_1566 = vector.broadcast %squeeze3A : f32 to vector<16xf32>
    %div3A_1567 = arith.divf %sub3A_1565, %div3A_1566 : vector<16xf32>
    %convert_element_type3A_1568 = arith.sitofp %sub3A_1561 : vector<16xi32> to vector<16xf32>
    %mul3A_1569 = vector.broadcast %squeeze3A : f32 to vector<16xf32>
    %mul3A_1570 = arith.mulf %convert_element_type3A_1568, %mul3A_1569 : vector<16xf32>
    %sub3A_1571 = arith.subf %div3A_1531, %mul3A_1570 : vector<16xf32>
    %div3A_1572 = vector.broadcast %squeeze3A : f32 to vector<16xf32>
    %div3A_1573 = arith.divf %sub3A_1571, %div3A_1572 : vector<16xf32>
    %mul3A_1574 = arith.constant 56 : i32
    %mul3A_1575 = vector.broadcast %mul3A_1574 : i32 to vector<16xi32>
    %mul3A_1576 = arith.muli %convert_element_type3A_1522, %mul3A_1575 : vector<16xi32>
    %mul3A_1577 = arith.constant 8 : i32
    %mul3A_1578 = vector.broadcast %mul3A_1577 : i32 to vector<16xi32>
    %mul3A_1579 = arith.muli %sub3A_1547, %mul3A_1578 : vector<16xi32>
    %add3A_1580 = arith.addi %mul3A_1576, %mul3A_1579 : vector<16xi32>
    %add3A_1581 = arith.addi %add3A_1580, %sub3A_1561 : vector<16xi32>
    %mul3A_1582 = arith.constant 32 : i32
    %mul3A_1583 = vector.broadcast %mul3A_1582 : i32 to vector<16xi32>
    %mul3A_1584 = arith.muli %add3A_1581, %mul3A_1583 : vector<16xi32>
    %add3A_1585 = arith.addi %mul3A_1584, %convert_element_type3A_1523 : vector<16xi32>
    %swap3A_1586 = arith.constant 240 : index
    %swap3A_1587 = tpu.vector_load %arg8[%swap3A_1586] {strides = array<i32>} : memref<512xi32, #tpu.memory_space<vmem>>, vector<16xi32>,
    tpu.vector_store %arg8[%swap3A_1586], %add3A_1585 {strides = array<i32>} : memref<512xi32, #tpu.memory_space<vmem>>, vector<16xi32>,
    %add3A_1588 = arith.constant 256 : i32
    %add3A_1589 = vector.broadcast %add3A_1588 : i32 to vector<16xi32>
    %add3A_1590 = arith.addi %add3A_1589, %iota3A : vector<16xi32>
    %mul3A_1591 = arith.constant 6 : i32
    %mul3A_1592 = vector.broadcast %mul3A_1591 : i32 to vector<16xi32>
    %mul3A_1593 = arith.muli %add3A_1590, %mul3A_1592 : vector<16xi32>
    %gather3A_1594 = tpu.vector_load_idx %arg7[%mul3A_1593] : memref<3072xf32, #tpu.memory_space<vmem>>[vector<16xi32>], vector<16xf32>,
    %add3A_1595 = arith.constant 1 : i32
    %add3A_1596 = vector.broadcast %add3A_1595 : i32 to vector<16xi32>
    %add3A_1597 = arith.addi %mul3A_1593, %add3A_1596 : vector<16xi32>
    %gather3A_1598 = tpu.vector_load_idx %arg7[%add3A_1597] : memref<3072xf32, #tpu.memory_space<vmem>>[vector<16xi32>], vector<16xf32>,
    %add3A_1599 = arith.constant 2 : i32
    %add3A_1600 = vector.broadcast %add3A_1599 : i32 to vector<16xi32>
    %add3A_1601 = arith.addi %mul3A_1593, %add3A_1600 : vector<16xi32>
    %gather3A_1602 = tpu.vector_load_idx %arg7[%add3A_1601] : memref<3072xf32, #tpu.memory_space<vmem>>[vector<16xi32>], vector<16xf32>,
    %add3A_1603 = arith.constant 3 : i32
    %add3A_1604 = vector.broadcast %add3A_1603 : i32 to vector<16xi32>
    %add3A_1605 = arith.addi %mul3A_1593, %add3A_1604 : vector<16xi32>
    %gather3A_1606 = tpu.vector_load_idx %arg7[%add3A_1605] : memref<3072xf32, #tpu.memory_space<vmem>>[vector<16xi32>], vector<16xf32>,
    %add3A_1607 = arith.constant 4 : i32
    %add3A_1608 = vector.broadcast %add3A_1607 : i32 to vector<16xi32>
    %add3A_1609 = arith.addi %mul3A_1593, %add3A_1608 : vector<16xi32>
    %gather3A_1610 = tpu.vector_load_idx %arg7[%add3A_1609] : memref<3072xf32, #tpu.memory_space<vmem>>[vector<16xi32>], vector<16xf32>,
    %add3A_1611 = arith.constant 5 : i32
    %add3A_1612 = vector.broadcast %add3A_1611 : i32 to vector<16xi32>
    %add3A_1613 = arith.addi %mul3A_1593, %add3A_1612 : vector<16xi32>
    %gather3A_1614 = tpu.vector_load_idx %arg7[%add3A_1613] : memref<3072xf32, #tpu.memory_space<vmem>>[vector<16xi32>], vector<16xf32>,
    %convert_element_type3A_1615 = arith.fptosi %gather3A_1594 : vector<16xf32> to vector<16xi32>
    %convert_element_type3A_1616 = arith.fptosi %gather3A_1598 : vector<16xf32> to vector<16xi32>
    %add3A_1617 = arith.addf %gather3A_1602, %gather3A_1610 : vector<16xf32>
    %div3A_1618 = arith.constant 2.000000e+00 : f32
    %div3A_1619 = vector.broadcast %div3A_1618 : f32 to vector<16xf32>
    %div3A_1620 = arith.divf %add3A_1617, %div3A_1619 : vector<16xf32>
    %add3A_1621 = arith.addf %gather3A_1606, %gather3A_1614 : vector<16xf32>
    %div3A_1622 = arith.constant 2.000000e+00 : f32
    %div3A_1623 = vector.broadcast %div3A_1622 : f32 to vector<16xf32>
    %div3A_1624 = arith.divf %add3A_1621, %div3A_1623 : vector<16xf32>
    %sub3A_1625 = arith.subf %gather3A_1610, %gather3A_1602 : vector<16xf32>
    %sub3A_1626 = arith.subf %gather3A_1614, %gather3A_1606 : vector<16xf32>
    %div3A_1627 = vector.broadcast %squeeze3A : f32 to vector<16xf32>
    %div3A_1628 = arith.divf %div3A_1620, %div3A_1627 : vector<16xf32>
    %convert_element_type3A_1629 = arith.fptosi %div3A_1628 : vector<16xf32> to vector<16xi32>
    %convert_element_type3A_1630 = arith.sitofp %convert_element_type3A_1629 : vector<16xi32> to vector<16xf32>
    %gt3A_1631 = arith.cmpf ogt, %div3A_1628, %convert_element_type3A_1630 : vector<16xf32>
    %jit3A_1632 = arith.constant 1 : i32
    %jit3A_1633 = arith.constant 0 : i32
    %broadcast_in_dim3A_1634 = vector.broadcast %jit3A_1632 : i32 to vector<16xi32>
    %broadcast_in_dim3A_1635 = vector.broadcast %jit3A_1633 : i32 to vector<16xi32>
    %select_n3A_1636 = arith.select %gt3A_1631, %broadcast_in_dim3A_1634, %broadcast_in_dim3A_1635 : vector<16xi1>, vector<16xi32>
    %add3A_1637 = arith.addi %convert_element_type3A_1629, %select_n3A_1636 : vector<16xi32>
    %sub3A_1638 = arith.constant 1 : i32
    %sub3A_1639 = vector.broadcast %sub3A_1638 : i32 to vector<16xi32>
    %sub3A_1640 = arith.subi %add3A_1637, %sub3A_1639 : vector<16xi32>
    %div3A_1641 = vector.broadcast %squeeze3A : f32 to vector<16xf32>
    %div3A_1642 = arith.divf %div3A_1624, %div3A_1641 : vector<16xf32>
    %convert_element_type3A_1643 = arith.fptosi %div3A_1642 : vector<16xf32> to vector<16xi32>
    %convert_element_type3A_1644 = arith.sitofp %convert_element_type3A_1643 : vector<16xi32> to vector<16xf32>
    %gt3A_1645 = arith.cmpf ogt, %div3A_1642, %convert_element_type3A_1644 : vector<16xf32>
    %jit3A_1646 = arith.constant 1 : i32
    %jit3A_1647 = arith.constant 0 : i32
    %broadcast_in_dim3A_1648 = vector.broadcast %jit3A_1646 : i32 to vector<16xi32>
    %broadcast_in_dim3A_1649 = vector.broadcast %jit3A_1647 : i32 to vector<16xi32>
    %select_n3A_1650 = arith.select %gt3A_1645, %broadcast_in_dim3A_1648, %broadcast_in_dim3A_1649 : vector<16xi1>, vector<16xi32>
    %add3A_1651 = arith.addi %convert_element_type3A_1643, %select_n3A_1650 : vector<16xi32>
    %sub3A_1652 = arith.constant 1 : i32
    %sub3A_1653 = vector.broadcast %sub3A_1652 : i32 to vector<16xi32>
    %sub3A_1654 = arith.subi %add3A_1651, %sub3A_1653 : vector<16xi32>
    %convert_element_type3A_1655 = arith.sitofp %sub3A_1640 : vector<16xi32> to vector<16xf32>
    %mul3A_1656 = vector.broadcast %squeeze3A : f32 to vector<16xf32>
    %mul3A_1657 = arith.mulf %convert_element_type3A_1655, %mul3A_1656 : vector<16xf32>
    %sub3A_1658 = arith.subf %div3A_1620, %mul3A_1657 : vector<16xf32>
    %div3A_1659 = vector.broadcast %squeeze3A : f32 to vector<16xf32>
    %div3A_1660 = arith.divf %sub3A_1658, %div3A_1659 : vector<16xf32>
    %convert_element_type3A_1661 = arith.sitofp %sub3A_1654 : vector<16xi32> to vector<16xf32>
    %mul3A_1662 = vector.broadcast %squeeze3A : f32 to vector<16xf32>
    %mul3A_1663 = arith.mulf %convert_element_type3A_1661, %mul3A_1662 : vector<16xf32>
    %sub3A_1664 = arith.subf %div3A_1624, %mul3A_1663 : vector<16xf32>
    %div3A_1665 = vector.broadcast %squeeze3A : f32 to vector<16xf32>
    %div3A_1666 = arith.divf %sub3A_1664, %div3A_1665 : vector<16xf32>
    %mul3A_1667 = arith.constant 56 : i32
    %mul3A_1668 = vector.broadcast %mul3A_1667 : i32 to vector<16xi32>
    %mul3A_1669 = arith.muli %convert_element_type3A_1615, %mul3A_1668 : vector<16xi32>
    %mul3A_1670 = arith.constant 8 : i32
    %mul3A_1671 = vector.broadcast %mul3A_1670 : i32 to vector<16xi32>
    %mul3A_1672 = arith.muli %sub3A_1640, %mul3A_1671 : vector<16xi32>
    %add3A_1673 = arith.addi %mul3A_1669, %mul3A_1672 : vector<16xi32>
    %add3A_1674 = arith.addi %add3A_1673, %sub3A_1654 : vector<16xi32>
    %mul3A_1675 = arith.constant 32 : i32
    %mul3A_1676 = vector.broadcast %mul3A_1675 : i32 to vector<16xi32>
    %mul3A_1677 = arith.muli %add3A_1674, %mul3A_1676 : vector<16xi32>
    %add3A_1678 = arith.addi %mul3A_1677, %convert_element_type3A_1616 : vector<16xi32>
    %swap3A_1679 = arith.constant 256 : index
    %swap3A_1680 = tpu.vector_load %arg8[%swap3A_1679] {strides = array<i32>} : memref<512xi32, #tpu.memory_space<vmem>>, vector<16xi32>,
    tpu.vector_store %arg8[%swap3A_1679], %add3A_1678 {strides = array<i32>} : memref<512xi32, #tpu.memory_space<vmem>>, vector<16xi32>,
    %add3A_1681 = arith.constant 272 : i32
    %add3A_1682 = vector.broadcast %add3A_1681 : i32 to vector<16xi32>
    %add3A_1683 = arith.addi %add3A_1682, %iota3A : vector<16xi32>
    %mul3A_1684 = arith.constant 6 : i32
    %mul3A_1685 = vector.broadcast %mul3A_1684 : i32 to vector<16xi32>
    %mul3A_1686 = arith.muli %add3A_1683, %mul3A_1685 : vector<16xi32>
    %gather3A_1687 = tpu.vector_load_idx %arg7[%mul3A_1686] : memref<3072xf32, #tpu.memory_space<vmem>>[vector<16xi32>], vector<16xf32>,
    %add3A_1688 = arith.constant 1 : i32
    %add3A_1689 = vector.broadcast %add3A_1688 : i32 to vector<16xi32>
    %add3A_1690 = arith.addi %mul3A_1686, %add3A_1689 : vector<16xi32>
    %gather3A_1691 = tpu.vector_load_idx %arg7[%add3A_1690] : memref<3072xf32, #tpu.memory_space<vmem>>[vector<16xi32>], vector<16xf32>,
    %add3A_1692 = arith.constant 2 : i32
    %add3A_1693 = vector.broadcast %add3A_1692 : i32 to vector<16xi32>
    %add3A_1694 = arith.addi %mul3A_1686, %add3A_1693 : vector<16xi32>
    %gather3A_1695 = tpu.vector_load_idx %arg7[%add3A_1694] : memref<3072xf32, #tpu.memory_space<vmem>>[vector<16xi32>], vector<16xf32>,
    %add3A_1696 = arith.constant 3 : i32
    %add3A_1697 = vector.broadcast %add3A_1696 : i32 to vector<16xi32>
    %add3A_1698 = arith.addi %mul3A_1686, %add3A_1697 : vector<16xi32>
    %gather3A_1699 = tpu.vector_load_idx %arg7[%add3A_1698] : memref<3072xf32, #tpu.memory_space<vmem>>[vector<16xi32>], vector<16xf32>,
    %add3A_1700 = arith.constant 4 : i32
    %add3A_1701 = vector.broadcast %add3A_1700 : i32 to vector<16xi32>
    %add3A_1702 = arith.addi %mul3A_1686, %add3A_1701 : vector<16xi32>
    %gather3A_1703 = tpu.vector_load_idx %arg7[%add3A_1702] : memref<3072xf32, #tpu.memory_space<vmem>>[vector<16xi32>], vector<16xf32>,
    %add3A_1704 = arith.constant 5 : i32
    %add3A_1705 = vector.broadcast %add3A_1704 : i32 to vector<16xi32>
    %add3A_1706 = arith.addi %mul3A_1686, %add3A_1705 : vector<16xi32>
    %gather3A_1707 = tpu.vector_load_idx %arg7[%add3A_1706] : memref<3072xf32, #tpu.memory_space<vmem>>[vector<16xi32>], vector<16xf32>,
    %convert_element_type3A_1708 = arith.fptosi %gather3A_1687 : vector<16xf32> to vector<16xi32>
    %convert_element_type3A_1709 = arith.fptosi %gather3A_1691 : vector<16xf32> to vector<16xi32>
    %add3A_1710 = arith.addf %gather3A_1695, %gather3A_1703 : vector<16xf32>
    %div3A_1711 = arith.constant 2.000000e+00 : f32
    %div3A_1712 = vector.broadcast %div3A_1711 : f32 to vector<16xf32>
    %div3A_1713 = arith.divf %add3A_1710, %div3A_1712 : vector<16xf32>
    %add3A_1714 = arith.addf %gather3A_1699, %gather3A_1707 : vector<16xf32>
    %div3A_1715 = arith.constant 2.000000e+00 : f32
    %div3A_1716 = vector.broadcast %div3A_1715 : f32 to vector<16xf32>
    %div3A_1717 = arith.divf %add3A_1714, %div3A_1716 : vector<16xf32>
    %sub3A_1718 = arith.subf %gather3A_1703, %gather3A_1695 : vector<16xf32>
    %sub3A_1719 = arith.subf %gather3A_1707, %gather3A_1699 : vector<16xf32>
    %div3A_1720 = vector.broadcast %squeeze3A : f32 to vector<16xf32>
    %div3A_1721 = arith.divf %div3A_1713, %div3A_1720 : vector<16xf32>
    %convert_element_type3A_1722 = arith.fptosi %div3A_1721 : vector<16xf32> to vector<16xi32>
    %convert_element_type3A_1723 = arith.sitofp %convert_element_type3A_1722 : vector<16xi32> to vector<16xf32>
    %gt3A_1724 = arith.cmpf ogt, %div3A_1721, %convert_element_type3A_1723 : vector<16xf32>
    %jit3A_1725 = arith.constant 1 : i32
    %jit3A_1726 = arith.constant 0 : i32
    %broadcast_in_dim3A_1727 = vector.broadcast %jit3A_1725 : i32 to vector<16xi32>
    %broadcast_in_dim3A_1728 = vector.broadcast %jit3A_1726 : i32 to vector<16xi32>
    %select_n3A_1729 = arith.select %gt3A_1724, %broadcast_in_dim3A_1727, %broadcast_in_dim3A_1728 : vector<16xi1>, vector<16xi32>
    %add3A_1730 = arith.addi %convert_element_type3A_1722, %select_n3A_1729 : vector<16xi32>
    %sub3A_1731 = arith.constant 1 : i32
    %sub3A_1732 = vector.broadcast %sub3A_1731 : i32 to vector<16xi32>
    %sub3A_1733 = arith.subi %add3A_1730, %sub3A_1732 : vector<16xi32>
    %div3A_1734 = vector.broadcast %squeeze3A : f32 to vector<16xf32>
    %div3A_1735 = arith.divf %div3A_1717, %div3A_1734 : vector<16xf32>
    %convert_element_type3A_1736 = arith.fptosi %div3A_1735 : vector<16xf32> to vector<16xi32>
    %convert_element_type3A_1737 = arith.sitofp %convert_element_type3A_1736 : vector<16xi32> to vector<16xf32>
    %gt3A_1738 = arith.cmpf ogt, %div3A_1735, %convert_element_type3A_1737 : vector<16xf32>
    %jit3A_1739 = arith.constant 1 : i32
    %jit3A_1740 = arith.constant 0 : i32
    %broadcast_in_dim3A_1741 = vector.broadcast %jit3A_1739 : i32 to vector<16xi32>
    %broadcast_in_dim3A_1742 = vector.broadcast %jit3A_1740 : i32 to vector<16xi32>
    %select_n3A_1743 = arith.select %gt3A_1738, %broadcast_in_dim3A_1741, %broadcast_in_dim3A_1742 : vector<16xi1>, vector<16xi32>
    %add3A_1744 = arith.addi %convert_element_type3A_1736, %select_n3A_1743 : vector<16xi32>
    %sub3A_1745 = arith.constant 1 : i32
    %sub3A_1746 = vector.broadcast %sub3A_1745 : i32 to vector<16xi32>
    %sub3A_1747 = arith.subi %add3A_1744, %sub3A_1746 : vector<16xi32>
    %convert_element_type3A_1748 = arith.sitofp %sub3A_1733 : vector<16xi32> to vector<16xf32>
    %mul3A_1749 = vector.broadcast %squeeze3A : f32 to vector<16xf32>
    %mul3A_1750 = arith.mulf %convert_element_type3A_1748, %mul3A_1749 : vector<16xf32>
    %sub3A_1751 = arith.subf %div3A_1713, %mul3A_1750 : vector<16xf32>
    %div3A_1752 = vector.broadcast %squeeze3A : f32 to vector<16xf32>
    %div3A_1753 = arith.divf %sub3A_1751, %div3A_1752 : vector<16xf32>
    %convert_element_type3A_1754 = arith.sitofp %sub3A_1747 : vector<16xi32> to vector<16xf32>
    %mul3A_1755 = vector.broadcast %squeeze3A : f32 to vector<16xf32>
    %mul3A_1756 = arith.mulf %convert_element_type3A_1754, %mul3A_1755 : vector<16xf32>
    %sub3A_1757 = arith.subf %div3A_1717, %mul3A_1756 : vector<16xf32>
    %div3A_1758 = vector.broadcast %squeeze3A : f32 to vector<16xf32>
    %div3A_1759 = arith.divf %sub3A_1757, %div3A_1758 : vector<16xf32>
    %mul3A_1760 = arith.constant 56 : i32
    %mul3A_1761 = vector.broadcast %mul3A_1760 : i32 to vector<16xi32>
    %mul3A_1762 = arith.muli %convert_element_type3A_1708, %mul3A_1761 : vector<16xi32>
    %mul3A_1763 = arith.constant 8 : i32
    %mul3A_1764 = vector.broadcast %mul3A_1763 : i32 to vector<16xi32>
    %mul3A_1765 = arith.muli %sub3A_1733, %mul3A_1764 : vector<16xi32>
    %add3A_1766 = arith.addi %mul3A_1762, %mul3A_1765 : vector<16xi32>
    %add3A_1767 = arith.addi %add3A_1766, %sub3A_1747 : vector<16xi32>
    %mul3A_1768 = arith.constant 32 : i32
    %mul3A_1769 = vector.broadcast %mul3A_1768 : i32 to vector<16xi32>
    %mul3A_1770 = arith.muli %add3A_1767, %mul3A_1769 : vector<16xi32>
    %add3A_1771 = arith.addi %mul3A_1770, %convert_element_type3A_1709 : vector<16xi32>
    %swap3A_1772 = arith.constant 272 : index
    %swap3A_1773 = tpu.vector_load %arg8[%swap3A_1772] {strides = array<i32>} : memref<512xi32, #tpu.memory_space<vmem>>, vector<16xi32>,
    tpu.vector_store %arg8[%swap3A_1772], %add3A_1771 {strides = array<i32>} : memref<512xi32, #tpu.memory_space<vmem>>, vector<16xi32>,
    %add3A_1774 = arith.constant 288 : i32
    %add3A_1775 = vector.broadcast %add3A_1774 : i32 to vector<16xi32>
    %add3A_1776 = arith.addi %add3A_1775, %iota3A : vector<16xi32>
    %mul3A_1777 = arith.constant 6 : i32
    %mul3A_1778 = vector.broadcast %mul3A_1777 : i32 to vector<16xi32>
    %mul3A_1779 = arith.muli %add3A_1776, %mul3A_1778 : vector<16xi32>
    %gather3A_1780 = tpu.vector_load_idx %arg7[%mul3A_1779] : memref<3072xf32, #tpu.memory_space<vmem>>[vector<16xi32>], vector<16xf32>,
    %add3A_1781 = arith.constant 1 : i32
    %add3A_1782 = vector.broadcast %add3A_1781 : i32 to vector<16xi32>
    %add3A_1783 = arith.addi %mul3A_1779, %add3A_1782 : vector<16xi32>
    %gather3A_1784 = tpu.vector_load_idx %arg7[%add3A_1783] : memref<3072xf32, #tpu.memory_space<vmem>>[vector<16xi32>], vector<16xf32>,
    %add3A_1785 = arith.constant 2 : i32
    %add3A_1786 = vector.broadcast %add3A_1785 : i32 to vector<16xi32>
    %add3A_1787 = arith.addi %mul3A_1779, %add3A_1786 : vector<16xi32>
    %gather3A_1788 = tpu.vector_load_idx %arg7[%add3A_1787] : memref<3072xf32, #tpu.memory_space<vmem>>[vector<16xi32>], vector<16xf32>,
    %add3A_1789 = arith.constant 3 : i32
    %add3A_1790 = vector.broadcast %add3A_1789 : i32 to vector<16xi32>
    %add3A_1791 = arith.addi %mul3A_1779, %add3A_1790 : vector<16xi32>
    %gather3A_1792 = tpu.vector_load_idx %arg7[%add3A_1791] : memref<3072xf32, #tpu.memory_space<vmem>>[vector<16xi32>], vector<16xf32>,
    %add3A_1793 = arith.constant 4 : i32
    %add3A_1794 = vector.broadcast %add3A_1793 : i32 to vector<16xi32>
    %add3A_1795 = arith.addi %mul3A_1779, %add3A_1794 : vector<16xi32>
    %gather3A_1796 = tpu.vector_load_idx %arg7[%add3A_1795] : memref<3072xf32, #tpu.memory_space<vmem>>[vector<16xi32>], vector<16xf32>,
    %add3A_1797 = arith.constant 5 : i32
    %add3A_1798 = vector.broadcast %add3A_1797 : i32 to vector<16xi32>
    %add3A_1799 = arith.addi %mul3A_1779, %add3A_1798 : vector<16xi32>
    %gather3A_1800 = tpu.vector_load_idx %arg7[%add3A_1799] : memref<3072xf32, #tpu.memory_space<vmem>>[vector<16xi32>], vector<16xf32>,
    %convert_element_type3A_1801 = arith.fptosi %gather3A_1780 : vector<16xf32> to vector<16xi32>
    %convert_element_type3A_1802 = arith.fptosi %gather3A_1784 : vector<16xf32> to vector<16xi32>
    %add3A_1803 = arith.addf %gather3A_1788, %gather3A_1796 : vector<16xf32>
    %div3A_1804 = arith.constant 2.000000e+00 : f32
    %div3A_1805 = vector.broadcast %div3A_1804 : f32 to vector<16xf32>
    %div3A_1806 = arith.divf %add3A_1803, %div3A_1805 : vector<16xf32>
    %add3A_1807 = arith.addf %gather3A_1792, %gather3A_1800 : vector<16xf32>
    %div3A_1808 = arith.constant 2.000000e+00 : f32
    %div3A_1809 = vector.broadcast %div3A_1808 : f32 to vector<16xf32>
    %div3A_1810 = arith.divf %add3A_1807, %div3A_1809 : vector<16xf32>
    %sub3A_1811 = arith.subf %gather3A_1796, %gather3A_1788 : vector<16xf32>
    %sub3A_1812 = arith.subf %gather3A_1800, %gather3A_1792 : vector<16xf32>
    %div3A_1813 = vector.broadcast %squeeze3A : f32 to vector<16xf32>
    %div3A_1814 = arith.divf %div3A_1806, %div3A_1813 : vector<16xf32>
    %convert_element_type3A_1815 = arith.fptosi %div3A_1814 : vector<16xf32> to vector<16xi32>
    %convert_element_type3A_1816 = arith.sitofp %convert_element_type3A_1815 : vector<16xi32> to vector<16xf32>
    %gt3A_1817 = arith.cmpf ogt, %div3A_1814, %convert_element_type3A_1816 : vector<16xf32>
    %jit3A_1818 = arith.constant 1 : i32
    %jit3A_1819 = arith.constant 0 : i32
    %broadcast_in_dim3A_1820 = vector.broadcast %jit3A_1818 : i32 to vector<16xi32>
    %broadcast_in_dim3A_1821 = vector.broadcast %jit3A_1819 : i32 to vector<16xi32>
    %select_n3A_1822 = arith.select %gt3A_1817, %broadcast_in_dim3A_1820, %broadcast_in_dim3A_1821 : vector<16xi1>, vector<16xi32>
    %add3A_1823 = arith.addi %convert_element_type3A_1815, %select_n3A_1822 : vector<16xi32>
    %sub3A_1824 = arith.constant 1 : i32
    %sub3A_1825 = vector.broadcast %sub3A_1824 : i32 to vector<16xi32>
    %sub3A_1826 = arith.subi %add3A_1823, %sub3A_1825 : vector<16xi32>
    %div3A_1827 = vector.broadcast %squeeze3A : f32 to vector<16xf32>
    %div3A_1828 = arith.divf %div3A_1810, %div3A_1827 : vector<16xf32>
    %convert_element_type3A_1829 = arith.fptosi %div3A_1828 : vector<16xf32> to vector<16xi32>
    %convert_element_type3A_1830 = arith.sitofp %convert_element_type3A_1829 : vector<16xi32> to vector<16xf32>
    %gt3A_1831 = arith.cmpf ogt, %div3A_1828, %convert_element_type3A_1830 : vector<16xf32>
    %jit3A_1832 = arith.constant 1 : i32
    %jit3A_1833 = arith.constant 0 : i32
    %broadcast_in_dim3A_1834 = vector.broadcast %jit3A_1832 : i32 to vector<16xi32>
    %broadcast_in_dim3A_1835 = vector.broadcast %jit3A_1833 : i32 to vector<16xi32>
    %select_n3A_1836 = arith.select %gt3A_1831, %broadcast_in_dim3A_1834, %broadcast_in_dim3A_1835 : vector<16xi1>, vector<16xi32>
    %add3A_1837 = arith.addi %convert_element_type3A_1829, %select_n3A_1836 : vector<16xi32>
    %sub3A_1838 = arith.constant 1 : i32
    %sub3A_1839 = vector.broadcast %sub3A_1838 : i32 to vector<16xi32>
    %sub3A_1840 = arith.subi %add3A_1837, %sub3A_1839 : vector<16xi32>
    %convert_element_type3A_1841 = arith.sitofp %sub3A_1826 : vector<16xi32> to vector<16xf32>
    %mul3A_1842 = vector.broadcast %squeeze3A : f32 to vector<16xf32>
    %mul3A_1843 = arith.mulf %convert_element_type3A_1841, %mul3A_1842 : vector<16xf32>
    %sub3A_1844 = arith.subf %div3A_1806, %mul3A_1843 : vector<16xf32>
    %div3A_1845 = vector.broadcast %squeeze3A : f32 to vector<16xf32>
    %div3A_1846 = arith.divf %sub3A_1844, %div3A_1845 : vector<16xf32>
    %convert_element_type3A_1847 = arith.sitofp %sub3A_1840 : vector<16xi32> to vector<16xf32>
    %mul3A_1848 = vector.broadcast %squeeze3A : f32 to vector<16xf32>
    %mul3A_1849 = arith.mulf %convert_element_type3A_1847, %mul3A_1848 : vector<16xf32>
    %sub3A_1850 = arith.subf %div3A_1810, %mul3A_1849 : vector<16xf32>
    %div3A_1851 = vector.broadcast %squeeze3A : f32 to vector<16xf32>
    %div3A_1852 = arith.divf %sub3A_1850, %div3A_1851 : vector<16xf32>
    %mul3A_1853 = arith.constant 56 : i32
    %mul3A_1854 = vector.broadcast %mul3A_1853 : i32 to vector<16xi32>
    %mul3A_1855 = arith.muli %convert_element_type3A_1801, %mul3A_1854 : vector<16xi32>
    %mul3A_1856 = arith.constant 8 : i32
    %mul3A_1857 = vector.broadcast %mul3A_1856 : i32 to vector<16xi32>
    %mul3A_1858 = arith.muli %sub3A_1826, %mul3A_1857 : vector<16xi32>
    %add3A_1859 = arith.addi %mul3A_1855, %mul3A_1858 : vector<16xi32>
    %add3A_1860 = arith.addi %add3A_1859, %sub3A_1840 : vector<16xi32>
    %mul3A_1861 = arith.constant 32 : i32
    %mul3A_1862 = vector.broadcast %mul3A_1861 : i32 to vector<16xi32>
    %mul3A_1863 = arith.muli %add3A_1860, %mul3A_1862 : vector<16xi32>
    %add3A_1864 = arith.addi %mul3A_1863, %convert_element_type3A_1802 : vector<16xi32>
    %swap3A_1865 = arith.constant 288 : index
    %swap3A_1866 = tpu.vector_load %arg8[%swap3A_1865] {strides = array<i32>} : memref<512xi32, #tpu.memory_space<vmem>>, vector<16xi32>,
    tpu.vector_store %arg8[%swap3A_1865], %add3A_1864 {strides = array<i32>} : memref<512xi32, #tpu.memory_space<vmem>>, vector<16xi32>,
    %add3A_1867 = arith.constant 304 : i32
    %add3A_1868 = vector.broadcast %add3A_1867 : i32 to vector<16xi32>
    %add3A_1869 = arith.addi %add3A_1868, %iota3A : vector<16xi32>
    %mul3A_1870 = arith.constant 6 : i32
    %mul3A_1871 = vector.broadcast %mul3A_1870 : i32 to vector<16xi32>
    %mul3A_1872 = arith.muli %add3A_1869, %mul3A_1871 : vector<16xi32>
    %gather3A_1873 = tpu.vector_load_idx %arg7[%mul3A_1872] : memref<3072xf32, #tpu.memory_space<vmem>>[vector<16xi32>], vector<16xf32>,
    %add3A_1874 = arith.constant 1 : i32
    %add3A_1875 = vector.broadcast %add3A_1874 : i32 to vector<16xi32>
    %add3A_1876 = arith.addi %mul3A_1872, %add3A_1875 : vector<16xi32>
    %gather3A_1877 = tpu.vector_load_idx %arg7[%add3A_1876] : memref<3072xf32, #tpu.memory_space<vmem>>[vector<16xi32>], vector<16xf32>,
    %add3A_1878 = arith.constant 2 : i32
    %add3A_1879 = vector.broadcast %add3A_1878 : i32 to vector<16xi32>
    %add3A_1880 = arith.addi %mul3A_1872, %add3A_1879 : vector<16xi32>
    %gather3A_1881 = tpu.vector_load_idx %arg7[%add3A_1880] : memref<3072xf32, #tpu.memory_space<vmem>>[vector<16xi32>], vector<16xf32>,
    %add3A_1882 = arith.constant 3 : i32
    %add3A_1883 = vector.broadcast %add3A_1882 : i32 to vector<16xi32>
    %add3A_1884 = arith.addi %mul3A_1872, %add3A_1883 : vector<16xi32>
    %gather3A_1885 = tpu.vector_load_idx %arg7[%add3A_1884] : memref<3072xf32, #tpu.memory_space<vmem>>[vector<16xi32>], vector<16xf32>,
    %add3A_1886 = arith.constant 4 : i32
    %add3A_1887 = vector.broadcast %add3A_1886 : i32 to vector<16xi32>
    %add3A_1888 = arith.addi %mul3A_1872, %add3A_1887 : vector<16xi32>
    %gather3A_1889 = tpu.vector_load_idx %arg7[%add3A_1888] : memref<3072xf32, #tpu.memory_space<vmem>>[vector<16xi32>], vector<16xf32>,
    %add3A_1890 = arith.constant 5 : i32
    %add3A_1891 = vector.broadcast %add3A_1890 : i32 to vector<16xi32>
    %add3A_1892 = arith.addi %mul3A_1872, %add3A_1891 : vector<16xi32>
    %gather3A_1893 = tpu.vector_load_idx %arg7[%add3A_1892] : memref<3072xf32, #tpu.memory_space<vmem>>[vector<16xi32>], vector<16xf32>,
    %convert_element_type3A_1894 = arith.fptosi %gather3A_1873 : vector<16xf32> to vector<16xi32>
    %convert_element_type3A_1895 = arith.fptosi %gather3A_1877 : vector<16xf32> to vector<16xi32>
    %add3A_1896 = arith.addf %gather3A_1881, %gather3A_1889 : vector<16xf32>
    %div3A_1897 = arith.constant 2.000000e+00 : f32
    %div3A_1898 = vector.broadcast %div3A_1897 : f32 to vector<16xf32>
    %div3A_1899 = arith.divf %add3A_1896, %div3A_1898 : vector<16xf32>
    %add3A_1900 = arith.addf %gather3A_1885, %gather3A_1893 : vector<16xf32>
    %div3A_1901 = arith.constant 2.000000e+00 : f32
    %div3A_1902 = vector.broadcast %div3A_1901 : f32 to vector<16xf32>
    %div3A_1903 = arith.divf %add3A_1900, %div3A_1902 : vector<16xf32>
    %sub3A_1904 = arith.subf %gather3A_1889, %gather3A_1881 : vector<16xf32>
    %sub3A_1905 = arith.subf %gather3A_1893, %gather3A_1885 : vector<16xf32>
    %div3A_1906 = vector.broadcast %squeeze3A : f32 to vector<16xf32>
    %div3A_1907 = arith.divf %div3A_1899, %div3A_1906 : vector<16xf32>
    %convert_element_type3A_1908 = arith.fptosi %div3A_1907 : vector<16xf32> to vector<16xi32>
    %convert_element_type3A_1909 = arith.sitofp %convert_element_type3A_1908 : vector<16xi32> to vector<16xf32>
    %gt3A_1910 = arith.cmpf ogt, %div3A_1907, %convert_element_type3A_1909 : vector<16xf32>
    %jit3A_1911 = arith.constant 1 : i32
    %jit3A_1912 = arith.constant 0 : i32
    %broadcast_in_dim3A_1913 = vector.broadcast %jit3A_1911 : i32 to vector<16xi32>
    %broadcast_in_dim3A_1914 = vector.broadcast %jit3A_1912 : i32 to vector<16xi32>
    %select_n3A_1915 = arith.select %gt3A_1910, %broadcast_in_dim3A_1913, %broadcast_in_dim3A_1914 : vector<16xi1>, vector<16xi32>
    %add3A_1916 = arith.addi %convert_element_type3A_1908, %select_n3A_1915 : vector<16xi32>
    %sub3A_1917 = arith.constant 1 : i32
    %sub3A_1918 = vector.broadcast %sub3A_1917 : i32 to vector<16xi32>
    %sub3A_1919 = arith.subi %add3A_1916, %sub3A_1918 : vector<16xi32>
    %div3A_1920 = vector.broadcast %squeeze3A : f32 to vector<16xf32>
    %div3A_1921 = arith.divf %div3A_1903, %div3A_1920 : vector<16xf32>
    %convert_element_type3A_1922 = arith.fptosi %div3A_1921 : vector<16xf32> to vector<16xi32>
    %convert_element_type3A_1923 = arith.sitofp %convert_element_type3A_1922 : vector<16xi32> to vector<16xf32>
    %gt3A_1924 = arith.cmpf ogt, %div3A_1921, %convert_element_type3A_1923 : vector<16xf32>
    %jit3A_1925 = arith.constant 1 : i32
    %jit3A_1926 = arith.constant 0 : i32
    %broadcast_in_dim3A_1927 = vector.broadcast %jit3A_1925 : i32 to vector<16xi32>
    %broadcast_in_dim3A_1928 = vector.broadcast %jit3A_1926 : i32 to vector<16xi32>
    %select_n3A_1929 = arith.select %gt3A_1924, %broadcast_in_dim3A_1927, %broadcast_in_dim3A_1928 : vector<16xi1>, vector<16xi32>
    %add3A_1930 = arith.addi %convert_element_type3A_1922, %select_n3A_1929 : vector<16xi32>
    %sub3A_1931 = arith.constant 1 : i32
    %sub3A_1932 = vector.broadcast %sub3A_1931 : i32 to vector<16xi32>
    %sub3A_1933 = arith.subi %add3A_1930, %sub3A_1932 : vector<16xi32>
    %convert_element_type3A_1934 = arith.sitofp %sub3A_1919 : vector<16xi32> to vector<16xf32>
    %mul3A_1935 = vector.broadcast %squeeze3A : f32 to vector<16xf32>
    %mul3A_1936 = arith.mulf %convert_element_type3A_1934, %mul3A_1935 : vector<16xf32>
    %sub3A_1937 = arith.subf %div3A_1899, %mul3A_1936 : vector<16xf32>
    %div3A_1938 = vector.broadcast %squeeze3A : f32 to vector<16xf32>
    %div3A_1939 = arith.divf %sub3A_1937, %div3A_1938 : vector<16xf32>
    %convert_element_type3A_1940 = arith.sitofp %sub3A_1933 : vector<16xi32> to vector<16xf32>
    %mul3A_1941 = vector.broadcast %squeeze3A : f32 to vector<16xf32>
    %mul3A_1942 = arith.mulf %convert_element_type3A_1940, %mul3A_1941 : vector<16xf32>
    %sub3A_1943 = arith.subf %div3A_1903, %mul3A_1942 : vector<16xf32>
    %div3A_1944 = vector.broadcast %squeeze3A : f32 to vector<16xf32>
    %div3A_1945 = arith.divf %sub3A_1943, %div3A_1944 : vector<16xf32>
    %mul3A_1946 = arith.constant 56 : i32
    %mul3A_1947 = vector.broadcast %mul3A_1946 : i32 to vector<16xi32>
    %mul3A_1948 = arith.muli %convert_element_type3A_1894, %mul3A_1947 : vector<16xi32>
    %mul3A_1949 = arith.constant 8 : i32
    %mul3A_1950 = vector.broadcast %mul3A_1949 : i32 to vector<16xi32>
    %mul3A_1951 = arith.muli %sub3A_1919, %mul3A_1950 : vector<16xi32>
    %add3A_1952 = arith.addi %mul3A_1948, %mul3A_1951 : vector<16xi32>
    %add3A_1953 = arith.addi %add3A_1952, %sub3A_1933 : vector<16xi32>
    %mul3A_1954 = arith.constant 32 : i32
    %mul3A_1955 = vector.broadcast %mul3A_1954 : i32 to vector<16xi32>
    %mul3A_1956 = arith.muli %add3A_1953, %mul3A_1955 : vector<16xi32>
    %add3A_1957 = arith.addi %mul3A_1956, %convert_element_type3A_1895 : vector<16xi32>
    %swap3A_1958 = arith.constant 304 : index
    %swap3A_1959 = tpu.vector_load %arg8[%swap3A_1958] {strides = array<i32>} : memref<512xi32, #tpu.memory_space<vmem>>, vector<16xi32>,
    tpu.vector_store %arg8[%swap3A_1958], %add3A_1957 {strides = array<i32>} : memref<512xi32, #tpu.memory_space<vmem>>, vector<16xi32>,
    %add3A_1960 = arith.constant 320 : i32
    %add3A_1961 = vector.broadcast %add3A_1960 : i32 to vector<16xi32>
    %add3A_1962 = arith.addi %add3A_1961, %iota3A : vector<16xi32>
    %mul3A_1963 = arith.constant 6 : i32
    %mul3A_1964 = vector.broadcast %mul3A_1963 : i32 to vector<16xi32>
    %mul3A_1965 = arith.muli %add3A_1962, %mul3A_1964 : vector<16xi32>
    %gather3A_1966 = tpu.vector_load_idx %arg7[%mul3A_1965] : memref<3072xf32, #tpu.memory_space<vmem>>[vector<16xi32>], vector<16xf32>,
    %add3A_1967 = arith.constant 1 : i32
    %add3A_1968 = vector.broadcast %add3A_1967 : i32 to vector<16xi32>
    %add3A_1969 = arith.addi %mul3A_1965, %add3A_1968 : vector<16xi32>
    %gather3A_1970 = tpu.vector_load_idx %arg7[%add3A_1969] : memref<3072xf32, #tpu.memory_space<vmem>>[vector<16xi32>], vector<16xf32>,
    %add3A_1971 = arith.constant 2 : i32
    %add3A_1972 = vector.broadcast %add3A_1971 : i32 to vector<16xi32>
    %add3A_1973 = arith.addi %mul3A_1965, %add3A_1972 : vector<16xi32>
    %gather3A_1974 = tpu.vector_load_idx %arg7[%add3A_1973] : memref<3072xf32, #tpu.memory_space<vmem>>[vector<16xi32>], vector<16xf32>,
    %add3A_1975 = arith.constant 3 : i32
    %add3A_1976 = vector.broadcast %add3A_1975 : i32 to vector<16xi32>
    %add3A_1977 = arith.addi %mul3A_1965, %add3A_1976 : vector<16xi32>
    %gather3A_1978 = tpu.vector_load_idx %arg7[%add3A_1977] : memref<3072xf32, #tpu.memory_space<vmem>>[vector<16xi32>], vector<16xf32>,
    %add3A_1979 = arith.constant 4 : i32
    %add3A_1980 = vector.broadcast %add3A_1979 : i32 to vector<16xi32>
    %add3A_1981 = arith.addi %mul3A_1965, %add3A_1980 : vector<16xi32>
    %gather3A_1982 = tpu.vector_load_idx %arg7[%add3A_1981] : memref<3072xf32, #tpu.memory_space<vmem>>[vector<16xi32>], vector<16xf32>,
    %add3A_1983 = arith.constant 5 : i32
    %add3A_1984 = vector.broadcast %add3A_1983 : i32 to vector<16xi32>
    %add3A_1985 = arith.addi %mul3A_1965, %add3A_1984 : vector<16xi32>
    %gather3A_1986 = tpu.vector_load_idx %arg7[%add3A_1985] : memref<3072xf32, #tpu.memory_space<vmem>>[vector<16xi32>], vector<16xf32>,
    %convert_element_type3A_1987 = arith.fptosi %gather3A_1966 : vector<16xf32> to vector<16xi32>
    %convert_element_type3A_1988 = arith.fptosi %gather3A_1970 : vector<16xf32> to vector<16xi32>
    %add3A_1989 = arith.addf %gather3A_1974, %gather3A_1982 : vector<16xf32>
    %div3A_1990 = arith.constant 2.000000e+00 : f32
    %div3A_1991 = vector.broadcast %div3A_1990 : f32 to vector<16xf32>
    %div3A_1992 = arith.divf %add3A_1989, %div3A_1991 : vector<16xf32>
    %add3A_1993 = arith.addf %gather3A_1978, %gather3A_1986 : vector<16xf32>
    %div3A_1994 = arith.constant 2.000000e+00 : f32
    %div3A_1995 = vector.broadcast %div3A_1994 : f32 to vector<16xf32>
    %div3A_1996 = arith.divf %add3A_1993, %div3A_1995 : vector<16xf32>
    %sub3A_1997 = arith.subf %gather3A_1982, %gather3A_1974 : vector<16xf32>
    %sub3A_1998 = arith.subf %gather3A_1986, %gather3A_1978 : vector<16xf32>
    %div3A_1999 = vector.broadcast %squeeze3A : f32 to vector<16xf32>
    %div3A_2000 = arith.divf %div3A_1992, %div3A_1999 : vector<16xf32>
    %convert_element_type3A_2001 = arith.fptosi %div3A_2000 : vector<16xf32> to vector<16xi32>
    %convert_element_type3A_2002 = arith.sitofp %convert_element_type3A_2001 : vector<16xi32> to vector<16xf32>
    %gt3A_2003 = arith.cmpf ogt, %div3A_2000, %convert_element_type3A_2002 : vector<16xf32>
    %jit3A_2004 = arith.constant 1 : i32
    %jit3A_2005 = arith.constant 0 : i32
    %broadcast_in_dim3A_2006 = vector.broadcast %jit3A_2004 : i32 to vector<16xi32>
    %broadcast_in_dim3A_2007 = vector.broadcast %jit3A_2005 : i32 to vector<16xi32>
    %select_n3A_2008 = arith.select %gt3A_2003, %broadcast_in_dim3A_2006, %broadcast_in_dim3A_2007 : vector<16xi1>, vector<16xi32>
    %add3A_2009 = arith.addi %convert_element_type3A_2001, %select_n3A_2008 : vector<16xi32>
    %sub3A_2010 = arith.constant 1 : i32
    %sub3A_2011 = vector.broadcast %sub3A_2010 : i32 to vector<16xi32>
    %sub3A_2012 = arith.subi %add3A_2009, %sub3A_2011 : vector<16xi32>
    %div3A_2013 = vector.broadcast %squeeze3A : f32 to vector<16xf32>
    %div3A_2014 = arith.divf %div3A_1996, %div3A_2013 : vector<16xf32>
    %convert_element_type3A_2015 = arith.fptosi %div3A_2014 : vector<16xf32> to vector<16xi32>
    %convert_element_type3A_2016 = arith.sitofp %convert_element_type3A_2015 : vector<16xi32> to vector<16xf32>
    %gt3A_2017 = arith.cmpf ogt, %div3A_2014, %convert_element_type3A_2016 : vector<16xf32>
    %jit3A_2018 = arith.constant 1 : i32
    %jit3A_2019 = arith.constant 0 : i32
    %broadcast_in_dim3A_2020 = vector.broadcast %jit3A_2018 : i32 to vector<16xi32>
    %broadcast_in_dim3A_2021 = vector.broadcast %jit3A_2019 : i32 to vector<16xi32>
    %select_n3A_2022 = arith.select %gt3A_2017, %broadcast_in_dim3A_2020, %broadcast_in_dim3A_2021 : vector<16xi1>, vector<16xi32>
    %add3A_2023 = arith.addi %convert_element_type3A_2015, %select_n3A_2022 : vector<16xi32>
    %sub3A_2024 = arith.constant 1 : i32
    %sub3A_2025 = vector.broadcast %sub3A_2024 : i32 to vector<16xi32>
    %sub3A_2026 = arith.subi %add3A_2023, %sub3A_2025 : vector<16xi32>
    %convert_element_type3A_2027 = arith.sitofp %sub3A_2012 : vector<16xi32> to vector<16xf32>
    %mul3A_2028 = vector.broadcast %squeeze3A : f32 to vector<16xf32>
    %mul3A_2029 = arith.mulf %convert_element_type3A_2027, %mul3A_2028 : vector<16xf32>
    %sub3A_2030 = arith.subf %div3A_1992, %mul3A_2029 : vector<16xf32>
    %div3A_2031 = vector.broadcast %squeeze3A : f32 to vector<16xf32>
    %div3A_2032 = arith.divf %sub3A_2030, %div3A_2031 : vector<16xf32>
    %convert_element_type3A_2033 = arith.sitofp %sub3A_2026 : vector<16xi32> to vector<16xf32>
    %mul3A_2034 = vector.broadcast %squeeze3A : f32 to vector<16xf32>
    %mul3A_2035 = arith.mulf %convert_element_type3A_2033, %mul3A_2034 : vector<16xf32>
    %sub3A_2036 = arith.subf %div3A_1996, %mul3A_2035 : vector<16xf32>
    %div3A_2037 = vector.broadcast %squeeze3A : f32 to vector<16xf32>
    %div3A_2038 = arith.divf %sub3A_2036, %div3A_2037 : vector<16xf32>
    %mul3A_2039 = arith.constant 56 : i32
    %mul3A_2040 = vector.broadcast %mul3A_2039 : i32 to vector<16xi32>
    %mul3A_2041 = arith.muli %convert_element_type3A_1987, %mul3A_2040 : vector<16xi32>
    %mul3A_2042 = arith.constant 8 : i32
    %mul3A_2043 = vector.broadcast %mul3A_2042 : i32 to vector<16xi32>
    %mul3A_2044 = arith.muli %sub3A_2012, %mul3A_2043 : vector<16xi32>
    %add3A_2045 = arith.addi %mul3A_2041, %mul3A_2044 : vector<16xi32>
    %add3A_2046 = arith.addi %add3A_2045, %sub3A_2026 : vector<16xi32>
    %mul3A_2047 = arith.constant 32 : i32
    %mul3A_2048 = vector.broadcast %mul3A_2047 : i32 to vector<16xi32>
    %mul3A_2049 = arith.muli %add3A_2046, %mul3A_2048 : vector<16xi32>
    %add3A_2050 = arith.addi %mul3A_2049, %convert_element_type3A_1988 : vector<16xi32>
    %swap3A_2051 = arith.constant 320 : index
    %swap3A_2052 = tpu.vector_load %arg8[%swap3A_2051] {strides = array<i32>} : memref<512xi32, #tpu.memory_space<vmem>>, vector<16xi32>,
    tpu.vector_store %arg8[%swap3A_2051], %add3A_2050 {strides = array<i32>} : memref<512xi32, #tpu.memory_space<vmem>>, vector<16xi32>,
    %add3A_2053 = arith.constant 336 : i32
    %add3A_2054 = vector.broadcast %add3A_2053 : i32 to vector<16xi32>
    %add3A_2055 = arith.addi %add3A_2054, %iota3A : vector<16xi32>
    %mul3A_2056 = arith.constant 6 : i32
    %mul3A_2057 = vector.broadcast %mul3A_2056 : i32 to vector<16xi32>
    %mul3A_2058 = arith.muli %add3A_2055, %mul3A_2057 : vector<16xi32>
    %gather3A_2059 = tpu.vector_load_idx %arg7[%mul3A_2058] : memref<3072xf32, #tpu.memory_space<vmem>>[vector<16xi32>], vector<16xf32>,
    %add3A_2060 = arith.constant 1 : i32
    %add3A_2061 = vector.broadcast %add3A_2060 : i32 to vector<16xi32>
    %add3A_2062 = arith.addi %mul3A_2058, %add3A_2061 : vector<16xi32>
    %gather3A_2063 = tpu.vector_load_idx %arg7[%add3A_2062] : memref<3072xf32, #tpu.memory_space<vmem>>[vector<16xi32>], vector<16xf32>,
    %add3A_2064 = arith.constant 2 : i32
    %add3A_2065 = vector.broadcast %add3A_2064 : i32 to vector<16xi32>
    %add3A_2066 = arith.addi %mul3A_2058, %add3A_2065 : vector<16xi32>
    %gather3A_2067 = tpu.vector_load_idx %arg7[%add3A_2066] : memref<3072xf32, #tpu.memory_space<vmem>>[vector<16xi32>], vector<16xf32>,
    %add3A_2068 = arith.constant 3 : i32
    %add3A_2069 = vector.broadcast %add3A_2068 : i32 to vector<16xi32>
    %add3A_2070 = arith.addi %mul3A_2058, %add3A_2069 : vector<16xi32>
    %gather3A_2071 = tpu.vector_load_idx %arg7[%add3A_2070] : memref<3072xf32, #tpu.memory_space<vmem>>[vector<16xi32>], vector<16xf32>,
    %add3A_2072 = arith.constant 4 : i32
    %add3A_2073 = vector.broadcast %add3A_2072 : i32 to vector<16xi32>
    %add3A_2074 = arith.addi %mul3A_2058, %add3A_2073 : vector<16xi32>
    %gather3A_2075 = tpu.vector_load_idx %arg7[%add3A_2074] : memref<3072xf32, #tpu.memory_space<vmem>>[vector<16xi32>], vector<16xf32>,
    %add3A_2076 = arith.constant 5 : i32
    %add3A_2077 = vector.broadcast %add3A_2076 : i32 to vector<16xi32>
    %add3A_2078 = arith.addi %mul3A_2058, %add3A_2077 : vector<16xi32>
    %gather3A_2079 = tpu.vector_load_idx %arg7[%add3A_2078] : memref<3072xf32, #tpu.memory_space<vmem>>[vector<16xi32>], vector<16xf32>,
    %convert_element_type3A_2080 = arith.fptosi %gather3A_2059 : vector<16xf32> to vector<16xi32>
    %convert_element_type3A_2081 = arith.fptosi %gather3A_2063 : vector<16xf32> to vector<16xi32>
    %add3A_2082 = arith.addf %gather3A_2067, %gather3A_2075 : vector<16xf32>
    %div3A_2083 = arith.constant 2.000000e+00 : f32
    %div3A_2084 = vector.broadcast %div3A_2083 : f32 to vector<16xf32>
    %div3A_2085 = arith.divf %add3A_2082, %div3A_2084 : vector<16xf32>
    %add3A_2086 = arith.addf %gather3A_2071, %gather3A_2079 : vector<16xf32>
    %div3A_2087 = arith.constant 2.000000e+00 : f32
    %div3A_2088 = vector.broadcast %div3A_2087 : f32 to vector<16xf32>
    %div3A_2089 = arith.divf %add3A_2086, %div3A_2088 : vector<16xf32>
    %sub3A_2090 = arith.subf %gather3A_2075, %gather3A_2067 : vector<16xf32>
    %sub3A_2091 = arith.subf %gather3A_2079, %gather3A_2071 : vector<16xf32>
    %div3A_2092 = vector.broadcast %squeeze3A : f32 to vector<16xf32>
    %div3A_2093 = arith.divf %div3A_2085, %div3A_2092 : vector<16xf32>
    %convert_element_type3A_2094 = arith.fptosi %div3A_2093 : vector<16xf32> to vector<16xi32>
    %convert_element_type3A_2095 = arith.sitofp %convert_element_type3A_2094 : vector<16xi32> to vector<16xf32>
    %gt3A_2096 = arith.cmpf ogt, %div3A_2093, %convert_element_type3A_2095 : vector<16xf32>
    %jit3A_2097 = arith.constant 1 : i32
    %jit3A_2098 = arith.constant 0 : i32
    %broadcast_in_dim3A_2099 = vector.broadcast %jit3A_2097 : i32 to vector<16xi32>
    %broadcast_in_dim3A_2100 = vector.broadcast %jit3A_2098 : i32 to vector<16xi32>
    %select_n3A_2101 = arith.select %gt3A_2096, %broadcast_in_dim3A_2099, %broadcast_in_dim3A_2100 : vector<16xi1>, vector<16xi32>
    %add3A_2102 = arith.addi %convert_element_type3A_2094, %select_n3A_2101 : vector<16xi32>
    %sub3A_2103 = arith.constant 1 : i32
    %sub3A_2104 = vector.broadcast %sub3A_2103 : i32 to vector<16xi32>
    %sub3A_2105 = arith.subi %add3A_2102, %sub3A_2104 : vector<16xi32>
    %div3A_2106 = vector.broadcast %squeeze3A : f32 to vector<16xf32>
    %div3A_2107 = arith.divf %div3A_2089, %div3A_2106 : vector<16xf32>
    %convert_element_type3A_2108 = arith.fptosi %div3A_2107 : vector<16xf32> to vector<16xi32>
    %convert_element_type3A_2109 = arith.sitofp %convert_element_type3A_2108 : vector<16xi32> to vector<16xf32>
    %gt3A_2110 = arith.cmpf ogt, %div3A_2107, %convert_element_type3A_2109 : vector<16xf32>
    %jit3A_2111 = arith.constant 1 : i32
    %jit3A_2112 = arith.constant 0 : i32
    %broadcast_in_dim3A_2113 = vector.broadcast %jit3A_2111 : i32 to vector<16xi32>
    %broadcast_in_dim3A_2114 = vector.broadcast %jit3A_2112 : i32 to vector<16xi32>
    %select_n3A_2115 = arith.select %gt3A_2110, %broadcast_in_dim3A_2113, %broadcast_in_dim3A_2114 : vector<16xi1>, vector<16xi32>
    %add3A_2116 = arith.addi %convert_element_type3A_2108, %select_n3A_2115 : vector<16xi32>
    %sub3A_2117 = arith.constant 1 : i32
    %sub3A_2118 = vector.broadcast %sub3A_2117 : i32 to vector<16xi32>
    %sub3A_2119 = arith.subi %add3A_2116, %sub3A_2118 : vector<16xi32>
    %convert_element_type3A_2120 = arith.sitofp %sub3A_2105 : vector<16xi32> to vector<16xf32>
    %mul3A_2121 = vector.broadcast %squeeze3A : f32 to vector<16xf32>
    %mul3A_2122 = arith.mulf %convert_element_type3A_2120, %mul3A_2121 : vector<16xf32>
    %sub3A_2123 = arith.subf %div3A_2085, %mul3A_2122 : vector<16xf32>
    %div3A_2124 = vector.broadcast %squeeze3A : f32 to vector<16xf32>
    %div3A_2125 = arith.divf %sub3A_2123, %div3A_2124 : vector<16xf32>
    %convert_element_type3A_2126 = arith.sitofp %sub3A_2119 : vector<16xi32> to vector<16xf32>
    %mul3A_2127 = vector.broadcast %squeeze3A : f32 to vector<16xf32>
    %mul3A_2128 = arith.mulf %convert_element_type3A_2126, %mul3A_2127 : vector<16xf32>
    %sub3A_2129 = arith.subf %div3A_2089, %mul3A_2128 : vector<16xf32>
    %div3A_2130 = vector.broadcast %squeeze3A : f32 to vector<16xf32>
    %div3A_2131 = arith.divf %sub3A_2129, %div3A_2130 : vector<16xf32>
    %mul3A_2132 = arith.constant 56 : i32
    %mul3A_2133 = vector.broadcast %mul3A_2132 : i32 to vector<16xi32>
    %mul3A_2134 = arith.muli %convert_element_type3A_2080, %mul3A_2133 : vector<16xi32>
    %mul3A_2135 = arith.constant 8 : i32
    %mul3A_2136 = vector.broadcast %mul3A_2135 : i32 to vector<16xi32>
    %mul3A_2137 = arith.muli %sub3A_2105, %mul3A_2136 : vector<16xi32>
    %add3A_2138 = arith.addi %mul3A_2134, %mul3A_2137 : vector<16xi32>
    %add3A_2139 = arith.addi %add3A_2138, %sub3A_2119 : vector<16xi32>
    %mul3A_2140 = arith.constant 32 : i32
    %mul3A_2141 = vector.broadcast %mul3A_2140 : i32 to vector<16xi32>
    %mul3A_2142 = arith.muli %add3A_2139, %mul3A_2141 : vector<16xi32>
    %add3A_2143 = arith.addi %mul3A_2142, %convert_element_type3A_2081 : vector<16xi32>
    %swap3A_2144 = arith.constant 336 : index
    %swap3A_2145 = tpu.vector_load %arg8[%swap3A_2144] {strides = array<i32>} : memref<512xi32, #tpu.memory_space<vmem>>, vector<16xi32>,
    tpu.vector_store %arg8[%swap3A_2144], %add3A_2143 {strides = array<i32>} : memref<512xi32, #tpu.memory_space<vmem>>, vector<16xi32>,
    %add3A_2146 = arith.constant 352 : i32
    %add3A_2147 = vector.broadcast %add3A_2146 : i32 to vector<16xi32>
    %add3A_2148 = arith.addi %add3A_2147, %iota3A : vector<16xi32>
    %mul3A_2149 = arith.constant 6 : i32
    %mul3A_2150 = vector.broadcast %mul3A_2149 : i32 to vector<16xi32>
    %mul3A_2151 = arith.muli %add3A_2148, %mul3A_2150 : vector<16xi32>
    %gather3A_2152 = tpu.vector_load_idx %arg7[%mul3A_2151] : memref<3072xf32, #tpu.memory_space<vmem>>[vector<16xi32>], vector<16xf32>,
    %add3A_2153 = arith.constant 1 : i32
    %add3A_2154 = vector.broadcast %add3A_2153 : i32 to vector<16xi32>
    %add3A_2155 = arith.addi %mul3A_2151, %add3A_2154 : vector<16xi32>
    %gather3A_2156 = tpu.vector_load_idx %arg7[%add3A_2155] : memref<3072xf32, #tpu.memory_space<vmem>>[vector<16xi32>], vector<16xf32>,
    %add3A_2157 = arith.constant 2 : i32
    %add3A_2158 = vector.broadcast %add3A_2157 : i32 to vector<16xi32>
    %add3A_2159 = arith.addi %mul3A_2151, %add3A_2158 : vector<16xi32>
    %gather3A_2160 = tpu.vector_load_idx %arg7[%add3A_2159] : memref<3072xf32, #tpu.memory_space<vmem>>[vector<16xi32>], vector<16xf32>,
    %add3A_2161 = arith.constant 3 : i32
    %add3A_2162 = vector.broadcast %add3A_2161 : i32 to vector<16xi32>
    %add3A_2163 = arith.addi %mul3A_2151, %add3A_2162 : vector<16xi32>
    %gather3A_2164 = tpu.vector_load_idx %arg7[%add3A_2163] : memref<3072xf32, #tpu.memory_space<vmem>>[vector<16xi32>], vector<16xf32>,
    %add3A_2165 = arith.constant 4 : i32
    %add3A_2166 = vector.broadcast %add3A_2165 : i32 to vector<16xi32>
    %add3A_2167 = arith.addi %mul3A_2151, %add3A_2166 : vector<16xi32>
    %gather3A_2168 = tpu.vector_load_idx %arg7[%add3A_2167] : memref<3072xf32, #tpu.memory_space<vmem>>[vector<16xi32>], vector<16xf32>,
    %add3A_2169 = arith.constant 5 : i32
    %add3A_2170 = vector.broadcast %add3A_2169 : i32 to vector<16xi32>
    %add3A_2171 = arith.addi %mul3A_2151, %add3A_2170 : vector<16xi32>
    %gather3A_2172 = tpu.vector_load_idx %arg7[%add3A_2171] : memref<3072xf32, #tpu.memory_space<vmem>>[vector<16xi32>], vector<16xf32>,
    %convert_element_type3A_2173 = arith.fptosi %gather3A_2152 : vector<16xf32> to vector<16xi32>
    %convert_element_type3A_2174 = arith.fptosi %gather3A_2156 : vector<16xf32> to vector<16xi32>
    %add3A_2175 = arith.addf %gather3A_2160, %gather3A_2168 : vector<16xf32>
    %div3A_2176 = arith.constant 2.000000e+00 : f32
    %div3A_2177 = vector.broadcast %div3A_2176 : f32 to vector<16xf32>
    %div3A_2178 = arith.divf %add3A_2175, %div3A_2177 : vector<16xf32>
    %add3A_2179 = arith.addf %gather3A_2164, %gather3A_2172 : vector<16xf32>
    %div3A_2180 = arith.constant 2.000000e+00 : f32
    %div3A_2181 = vector.broadcast %div3A_2180 : f32 to vector<16xf32>
    %div3A_2182 = arith.divf %add3A_2179, %div3A_2181 : vector<16xf32>
    %sub3A_2183 = arith.subf %gather3A_2168, %gather3A_2160 : vector<16xf32>
    %sub3A_2184 = arith.subf %gather3A_2172, %gather3A_2164 : vector<16xf32>
    %div3A_2185 = vector.broadcast %squeeze3A : f32 to vector<16xf32>
    %div3A_2186 = arith.divf %div3A_2178, %div3A_2185 : vector<16xf32>
    %convert_element_type3A_2187 = arith.fptosi %div3A_2186 : vector<16xf32> to vector<16xi32>
    %convert_element_type3A_2188 = arith.sitofp %convert_element_type3A_2187 : vector<16xi32> to vector<16xf32>
    %gt3A_2189 = arith.cmpf ogt, %div3A_2186, %convert_element_type3A_2188 : vector<16xf32>
    %jit3A_2190 = arith.constant 1 : i32
    %jit3A_2191 = arith.constant 0 : i32
    %broadcast_in_dim3A_2192 = vector.broadcast %jit3A_2190 : i32 to vector<16xi32>
    %broadcast_in_dim3A_2193 = vector.broadcast %jit3A_2191 : i32 to vector<16xi32>
    %select_n3A_2194 = arith.select %gt3A_2189, %broadcast_in_dim3A_2192, %broadcast_in_dim3A_2193 : vector<16xi1>, vector<16xi32>
    %add3A_2195 = arith.addi %convert_element_type3A_2187, %select_n3A_2194 : vector<16xi32>
    %sub3A_2196 = arith.constant 1 : i32
    %sub3A_2197 = vector.broadcast %sub3A_2196 : i32 to vector<16xi32>
    %sub3A_2198 = arith.subi %add3A_2195, %sub3A_2197 : vector<16xi32>
    %div3A_2199 = vector.broadcast %squeeze3A : f32 to vector<16xf32>
    %div3A_2200 = arith.divf %div3A_2182, %div3A_2199 : vector<16xf32>
    %convert_element_type3A_2201 = arith.fptosi %div3A_2200 : vector<16xf32> to vector<16xi32>
    %convert_element_type3A_2202 = arith.sitofp %convert_element_type3A_2201 : vector<16xi32> to vector<16xf32>
    %gt3A_2203 = arith.cmpf ogt, %div3A_2200, %convert_element_type3A_2202 : vector<16xf32>
    %jit3A_2204 = arith.constant 1 : i32
    %jit3A_2205 = arith.constant 0 : i32
    %broadcast_in_dim3A_2206 = vector.broadcast %jit3A_2204 : i32 to vector<16xi32>
    %broadcast_in_dim3A_2207 = vector.broadcast %jit3A_2205 : i32 to vector<16xi32>
    %select_n3A_2208 = arith.select %gt3A_2203, %broadcast_in_dim3A_2206, %broadcast_in_dim3A_2207 : vector<16xi1>, vector<16xi32>
    %add3A_2209 = arith.addi %convert_element_type3A_2201, %select_n3A_2208 : vector<16xi32>
    %sub3A_2210 = arith.constant 1 : i32
    %sub3A_2211 = vector.broadcast %sub3A_2210 : i32 to vector<16xi32>
    %sub3A_2212 = arith.subi %add3A_2209, %sub3A_2211 : vector<16xi32>
    %convert_element_type3A_2213 = arith.sitofp %sub3A_2198 : vector<16xi32> to vector<16xf32>
    %mul3A_2214 = vector.broadcast %squeeze3A : f32 to vector<16xf32>
    %mul3A_2215 = arith.mulf %convert_element_type3A_2213, %mul3A_2214 : vector<16xf32>
    %sub3A_2216 = arith.subf %div3A_2178, %mul3A_2215 : vector<16xf32>
    %div3A_2217 = vector.broadcast %squeeze3A : f32 to vector<16xf32>
    %div3A_2218 = arith.divf %sub3A_2216, %div3A_2217 : vector<16xf32>
    %convert_element_type3A_2219 = arith.sitofp %sub3A_2212 : vector<16xi32> to vector<16xf32>
    %mul3A_2220 = vector.broadcast %squeeze3A : f32 to vector<16xf32>
    %mul3A_2221 = arith.mulf %convert_element_type3A_2219, %mul3A_2220 : vector<16xf32>
    %sub3A_2222 = arith.subf %div3A_2182, %mul3A_2221 : vector<16xf32>
    %div3A_2223 = vector.broadcast %squeeze3A : f32 to vector<16xf32>
    %div3A_2224 = arith.divf %sub3A_2222, %div3A_2223 : vector<16xf32>
    %mul3A_2225 = arith.constant 56 : i32
    %mul3A_2226 = vector.broadcast %mul3A_2225 : i32 to vector<16xi32>
    %mul3A_2227 = arith.muli %convert_element_type3A_2173, %mul3A_2226 : vector<16xi32>
    %mul3A_2228 = arith.constant 8 : i32
    %mul3A_2229 = vector.broadcast %mul3A_2228 : i32 to vector<16xi32>
    %mul3A_2230 = arith.muli %sub3A_2198, %mul3A_2229 : vector<16xi32>
    %add3A_2231 = arith.addi %mul3A_2227, %mul3A_2230 : vector<16xi32>
    %add3A_2232 = arith.addi %add3A_2231, %sub3A_2212 : vector<16xi32>
    %mul3A_2233 = arith.constant 32 : i32
    %mul3A_2234 = vector.broadcast %mul3A_2233 : i32 to vector<16xi32>
    %mul3A_2235 = arith.muli %add3A_2232, %mul3A_2234 : vector<16xi32>
    %add3A_2236 = arith.addi %mul3A_2235, %convert_element_type3A_2174 : vector<16xi32>
    %swap3A_2237 = arith.constant 352 : index
    %swap3A_2238 = tpu.vector_load %arg8[%swap3A_2237] {strides = array<i32>} : memref<512xi32, #tpu.memory_space<vmem>>, vector<16xi32>,
    tpu.vector_store %arg8[%swap3A_2237], %add3A_2236 {strides = array<i32>} : memref<512xi32, #tpu.memory_space<vmem>>, vector<16xi32>,
    %add3A_2239 = arith.constant 368 : i32
    %add3A_2240 = vector.broadcast %add3A_2239 : i32 to vector<16xi32>
    %add3A_2241 = arith.addi %add3A_2240, %iota3A : vector<16xi32>
    %mul3A_2242 = arith.constant 6 : i32
    %mul3A_2243 = vector.broadcast %mul3A_2242 : i32 to vector<16xi32>
    %mul3A_2244 = arith.muli %add3A_2241, %mul3A_2243 : vector<16xi32>
    %gather3A_2245 = tpu.vector_load_idx %arg7[%mul3A_2244] : memref<3072xf32, #tpu.memory_space<vmem>>[vector<16xi32>], vector<16xf32>,
    %add3A_2246 = arith.constant 1 : i32
    %add3A_2247 = vector.broadcast %add3A_2246 : i32 to vector<16xi32>
    %add3A_2248 = arith.addi %mul3A_2244, %add3A_2247 : vector<16xi32>
    %gather3A_2249 = tpu.vector_load_idx %arg7[%add3A_2248] : memref<3072xf32, #tpu.memory_space<vmem>>[vector<16xi32>], vector<16xf32>,
    %add3A_2250 = arith.constant 2 : i32
    %add3A_2251 = vector.broadcast %add3A_2250 : i32 to vector<16xi32>
    %add3A_2252 = arith.addi %mul3A_2244, %add3A_2251 : vector<16xi32>
    %gather3A_2253 = tpu.vector_load_idx %arg7[%add3A_2252] : memref<3072xf32, #tpu.memory_space<vmem>>[vector<16xi32>], vector<16xf32>,
    %add3A_2254 = arith.constant 3 : i32
    %add3A_2255 = vector.broadcast %add3A_2254 : i32 to vector<16xi32>
    %add3A_2256 = arith.addi %mul3A_2244, %add3A_2255 : vector<16xi32>
    %gather3A_2257 = tpu.vector_load_idx %arg7[%add3A_2256] : memref<3072xf32, #tpu.memory_space<vmem>>[vector<16xi32>], vector<16xf32>,
    %add3A_2258 = arith.constant 4 : i32
    %add3A_2259 = vector.broadcast %add3A_2258 : i32 to vector<16xi32>
    %add3A_2260 = arith.addi %mul3A_2244, %add3A_2259 : vector<16xi32>
    %gather3A_2261 = tpu.vector_load_idx %arg7[%add3A_2260] : memref<3072xf32, #tpu.memory_space<vmem>>[vector<16xi32>], vector<16xf32>,
    %add3A_2262 = arith.constant 5 : i32
    %add3A_2263 = vector.broadcast %add3A_2262 : i32 to vector<16xi32>
    %add3A_2264 = arith.addi %mul3A_2244, %add3A_2263 : vector<16xi32>
    %gather3A_2265 = tpu.vector_load_idx %arg7[%add3A_2264] : memref<3072xf32, #tpu.memory_space<vmem>>[vector<16xi32>], vector<16xf32>,
    %convert_element_type3A_2266 = arith.fptosi %gather3A_2245 : vector<16xf32> to vector<16xi32>
    %convert_element_type3A_2267 = arith.fptosi %gather3A_2249 : vector<16xf32> to vector<16xi32>
    %add3A_2268 = arith.addf %gather3A_2253, %gather3A_2261 : vector<16xf32>
    %div3A_2269 = arith.constant 2.000000e+00 : f32
    %div3A_2270 = vector.broadcast %div3A_2269 : f32 to vector<16xf32>
    %div3A_2271 = arith.divf %add3A_2268, %div3A_2270 : vector<16xf32>
    %add3A_2272 = arith.addf %gather3A_2257, %gather3A_2265 : vector<16xf32>
    %div3A_2273 = arith.constant 2.000000e+00 : f32
    %div3A_2274 = vector.broadcast %div3A_2273 : f32 to vector<16xf32>
    %div3A_2275 = arith.divf %add3A_2272, %div3A_2274 : vector<16xf32>
    %sub3A_2276 = arith.subf %gather3A_2261, %gather3A_2253 : vector<16xf32>
    %sub3A_2277 = arith.subf %gather3A_2265, %gather3A_2257 : vector<16xf32>
    %div3A_2278 = vector.broadcast %squeeze3A : f32 to vector<16xf32>
    %div3A_2279 = arith.divf %div3A_2271, %div3A_2278 : vector<16xf32>
    %convert_element_type3A_2280 = arith.fptosi %div3A_2279 : vector<16xf32> to vector<16xi32>
    %convert_element_type3A_2281 = arith.sitofp %convert_element_type3A_2280 : vector<16xi32> to vector<16xf32>
    %gt3A_2282 = arith.cmpf ogt, %div3A_2279, %convert_element_type3A_2281 : vector<16xf32>
    %jit3A_2283 = arith.constant 1 : i32
    %jit3A_2284 = arith.constant 0 : i32
    %broadcast_in_dim3A_2285 = vector.broadcast %jit3A_2283 : i32 to vector<16xi32>
    %broadcast_in_dim3A_2286 = vector.broadcast %jit3A_2284 : i32 to vector<16xi32>
    %select_n3A_2287 = arith.select %gt3A_2282, %broadcast_in_dim3A_2285, %broadcast_in_dim3A_2286 : vector<16xi1>, vector<16xi32>
    %add3A_2288 = arith.addi %convert_element_type3A_2280, %select_n3A_2287 : vector<16xi32>
    %sub3A_2289 = arith.constant 1 : i32
    %sub3A_2290 = vector.broadcast %sub3A_2289 : i32 to vector<16xi32>
    %sub3A_2291 = arith.subi %add3A_2288, %sub3A_2290 : vector<16xi32>
    %div3A_2292 = vector.broadcast %squeeze3A : f32 to vector<16xf32>
    %div3A_2293 = arith.divf %div3A_2275, %div3A_2292 : vector<16xf32>
    %convert_element_type3A_2294 = arith.fptosi %div3A_2293 : vector<16xf32> to vector<16xi32>
    %convert_element_type3A_2295 = arith.sitofp %convert_element_type3A_2294 : vector<16xi32> to vector<16xf32>
    %gt3A_2296 = arith.cmpf ogt, %div3A_2293, %convert_element_type3A_2295 : vector<16xf32>
    %jit3A_2297 = arith.constant 1 : i32
    %jit3A_2298 = arith.constant 0 : i32
    %broadcast_in_dim3A_2299 = vector.broadcast %jit3A_2297 : i32 to vector<16xi32>
    %broadcast_in_dim3A_2300 = vector.broadcast %jit3A_2298 : i32 to vector<16xi32>
    %select_n3A_2301 = arith.select %gt3A_2296, %broadcast_in_dim3A_2299, %broadcast_in_dim3A_2300 : vector<16xi1>, vector<16xi32>
    %add3A_2302 = arith.addi %convert_element_type3A_2294, %select_n3A_2301 : vector<16xi32>
    %sub3A_2303 = arith.constant 1 : i32
    %sub3A_2304 = vector.broadcast %sub3A_2303 : i32 to vector<16xi32>
    %sub3A_2305 = arith.subi %add3A_2302, %sub3A_2304 : vector<16xi32>
    %convert_element_type3A_2306 = arith.sitofp %sub3A_2291 : vector<16xi32> to vector<16xf32>
    %mul3A_2307 = vector.broadcast %squeeze3A : f32 to vector<16xf32>
    %mul3A_2308 = arith.mulf %convert_element_type3A_2306, %mul3A_2307 : vector<16xf32>
    %sub3A_2309 = arith.subf %div3A_2271, %mul3A_2308 : vector<16xf32>
    %div3A_2310 = vector.broadcast %squeeze3A : f32 to vector<16xf32>
    %div3A_2311 = arith.divf %sub3A_2309, %div3A_2310 : vector<16xf32>
    %convert_element_type3A_2312 = arith.sitofp %sub3A_2305 : vector<16xi32> to vector<16xf32>
    %mul3A_2313 = vector.broadcast %squeeze3A : f32 to vector<16xf32>
    %mul3A_2314 = arith.mulf %convert_element_type3A_2312, %mul3A_2313 : vector<16xf32>
    %sub3A_2315 = arith.subf %div3A_2275, %mul3A_2314 : vector<16xf32>
    %div3A_2316 = vector.broadcast %squeeze3A : f32 to vector<16xf32>
    %div3A_2317 = arith.divf %sub3A_2315, %div3A_2316 : vector<16xf32>
    %mul3A_2318 = arith.constant 56 : i32
    %mul3A_2319 = vector.broadcast %mul3A_2318 : i32 to vector<16xi32>
    %mul3A_2320 = arith.muli %convert_element_type3A_2266, %mul3A_2319 : vector<16xi32>
    %mul3A_2321 = arith.constant 8 : i32
    %mul3A_2322 = vector.broadcast %mul3A_2321 : i32 to vector<16xi32>
    %mul3A_2323 = arith.muli %sub3A_2291, %mul3A_2322 : vector<16xi32>
    %add3A_2324 = arith.addi %mul3A_2320, %mul3A_2323 : vector<16xi32>
    %add3A_2325 = arith.addi %add3A_2324, %sub3A_2305 : vector<16xi32>
    %mul3A_2326 = arith.constant 32 : i32
    %mul3A_2327 = vector.broadcast %mul3A_2326 : i32 to vector<16xi32>
    %mul3A_2328 = arith.muli %add3A_2325, %mul3A_2327 : vector<16xi32>
    %add3A_2329 = arith.addi %mul3A_2328, %convert_element_type3A_2267 : vector<16xi32>
    %swap3A_2330 = arith.constant 368 : index
    %swap3A_2331 = tpu.vector_load %arg8[%swap3A_2330] {strides = array<i32>} : memref<512xi32, #tpu.memory_space<vmem>>, vector<16xi32>,
    tpu.vector_store %arg8[%swap3A_2330], %add3A_2329 {strides = array<i32>} : memref<512xi32, #tpu.memory_space<vmem>>, vector<16xi32>,
    %add3A_2332 = arith.constant 384 : i32
    %add3A_2333 = vector.broadcast %add3A_2332 : i32 to vector<16xi32>
    %add3A_2334 = arith.addi %add3A_2333, %iota3A : vector<16xi32>
    %mul3A_2335 = arith.constant 6 : i32
    %mul3A_2336 = vector.broadcast %mul3A_2335 : i32 to vector<16xi32>
    %mul3A_2337 = arith.muli %add3A_2334, %mul3A_2336 : vector<16xi32>
    %gather3A_2338 = tpu.vector_load_idx %arg7[%mul3A_2337] : memref<3072xf32, #tpu.memory_space<vmem>>[vector<16xi32>], vector<16xf32>,
    %add3A_2339 = arith.constant 1 : i32
    %add3A_2340 = vector.broadcast %add3A_2339 : i32 to vector<16xi32>
    %add3A_2341 = arith.addi %mul3A_2337, %add3A_2340 : vector<16xi32>
    %gather3A_2342 = tpu.vector_load_idx %arg7[%add3A_2341] : memref<3072xf32, #tpu.memory_space<vmem>>[vector<16xi32>], vector<16xf32>,
    %add3A_2343 = arith.constant 2 : i32
    %add3A_2344 = vector.broadcast %add3A_2343 : i32 to vector<16xi32>
    %add3A_2345 = arith.addi %mul3A_2337, %add3A_2344 : vector<16xi32>
    %gather3A_2346 = tpu.vector_load_idx %arg7[%add3A_2345] : memref<3072xf32, #tpu.memory_space<vmem>>[vector<16xi32>], vector<16xf32>,
    %add3A_2347 = arith.constant 3 : i32
    %add3A_2348 = vector.broadcast %add3A_2347 : i32 to vector<16xi32>
    %add3A_2349 = arith.addi %mul3A_2337, %add3A_2348 : vector<16xi32>
    %gather3A_2350 = tpu.vector_load_idx %arg7[%add3A_2349] : memref<3072xf32, #tpu.memory_space<vmem>>[vector<16xi32>], vector<16xf32>,
    %add3A_2351 = arith.constant 4 : i32
    %add3A_2352 = vector.broadcast %add3A_2351 : i32 to vector<16xi32>
    %add3A_2353 = arith.addi %mul3A_2337, %add3A_2352 : vector<16xi32>
    %gather3A_2354 = tpu.vector_load_idx %arg7[%add3A_2353] : memref<3072xf32, #tpu.memory_space<vmem>>[vector<16xi32>], vector<16xf32>,
    %add3A_2355 = arith.constant 5 : i32
    %add3A_2356 = vector.broadcast %add3A_2355 : i32 to vector<16xi32>
    %add3A_2357 = arith.addi %mul3A_2337, %add3A_2356 : vector<16xi32>
    %gather3A_2358 = tpu.vector_load_idx %arg7[%add3A_2357] : memref<3072xf32, #tpu.memory_space<vmem>>[vector<16xi32>], vector<16xf32>,
    %convert_element_type3A_2359 = arith.fptosi %gather3A_2338 : vector<16xf32> to vector<16xi32>
    %convert_element_type3A_2360 = arith.fptosi %gather3A_2342 : vector<16xf32> to vector<16xi32>
    %add3A_2361 = arith.addf %gather3A_2346, %gather3A_2354 : vector<16xf32>
    %div3A_2362 = arith.constant 2.000000e+00 : f32
    %div3A_2363 = vector.broadcast %div3A_2362 : f32 to vector<16xf32>
    %div3A_2364 = arith.divf %add3A_2361, %div3A_2363 : vector<16xf32>
    %add3A_2365 = arith.addf %gather3A_2350, %gather3A_2358 : vector<16xf32>
    %div3A_2366 = arith.constant 2.000000e+00 : f32
    %div3A_2367 = vector.broadcast %div3A_2366 : f32 to vector<16xf32>
    %div3A_2368 = arith.divf %add3A_2365, %div3A_2367 : vector<16xf32>
    %sub3A_2369 = arith.subf %gather3A_2354, %gather3A_2346 : vector<16xf32>
    %sub3A_2370 = arith.subf %gather3A_2358, %gather3A_2350 : vector<16xf32>
    %div3A_2371 = vector.broadcast %squeeze3A : f32 to vector<16xf32>
    %div3A_2372 = arith.divf %div3A_2364, %div3A_2371 : vector<16xf32>
    %convert_element_type3A_2373 = arith.fptosi %div3A_2372 : vector<16xf32> to vector<16xi32>
    %convert_element_type3A_2374 = arith.sitofp %convert_element_type3A_2373 : vector<16xi32> to vector<16xf32>
    %gt3A_2375 = arith.cmpf ogt, %div3A_2372, %convert_element_type3A_2374 : vector<16xf32>
    %jit3A_2376 = arith.constant 1 : i32
    %jit3A_2377 = arith.constant 0 : i32
    %broadcast_in_dim3A_2378 = vector.broadcast %jit3A_2376 : i32 to vector<16xi32>
    %broadcast_in_dim3A_2379 = vector.broadcast %jit3A_2377 : i32 to vector<16xi32>
    %select_n3A_2380 = arith.select %gt3A_2375, %broadcast_in_dim3A_2378, %broadcast_in_dim3A_2379 : vector<16xi1>, vector<16xi32>
    %add3A_2381 = arith.addi %convert_element_type3A_2373, %select_n3A_2380 : vector<16xi32>
    %sub3A_2382 = arith.constant 1 : i32
    %sub3A_2383 = vector.broadcast %sub3A_2382 : i32 to vector<16xi32>
    %sub3A_2384 = arith.subi %add3A_2381, %sub3A_2383 : vector<16xi32>
    %div3A_2385 = vector.broadcast %squeeze3A : f32 to vector<16xf32>
    %div3A_2386 = arith.divf %div3A_2368, %div3A_2385 : vector<16xf32>
    %convert_element_type3A_2387 = arith.fptosi %div3A_2386 : vector<16xf32> to vector<16xi32>
    %convert_element_type3A_2388 = arith.sitofp %convert_element_type3A_2387 : vector<16xi32> to vector<16xf32>
    %gt3A_2389 = arith.cmpf ogt, %div3A_2386, %convert_element_type3A_2388 : vector<16xf32>
    %jit3A_2390 = arith.constant 1 : i32
    %jit3A_2391 = arith.constant 0 : i32
    %broadcast_in_dim3A_2392 = vector.broadcast %jit3A_2390 : i32 to vector<16xi32>
    %broadcast_in_dim3A_2393 = vector.broadcast %jit3A_2391 : i32 to vector<16xi32>
    %select_n3A_2394 = arith.select %gt3A_2389, %broadcast_in_dim3A_2392, %broadcast_in_dim3A_2393 : vector<16xi1>, vector<16xi32>
    %add3A_2395 = arith.addi %convert_element_type3A_2387, %select_n3A_2394 : vector<16xi32>
    %sub3A_2396 = arith.constant 1 : i32
    %sub3A_2397 = vector.broadcast %sub3A_2396 : i32 to vector<16xi32>
    %sub3A_2398 = arith.subi %add3A_2395, %sub3A_2397 : vector<16xi32>
    %convert_element_type3A_2399 = arith.sitofp %sub3A_2384 : vector<16xi32> to vector<16xf32>
    %mul3A_2400 = vector.broadcast %squeeze3A : f32 to vector<16xf32>
    %mul3A_2401 = arith.mulf %convert_element_type3A_2399, %mul3A_2400 : vector<16xf32>
    %sub3A_2402 = arith.subf %div3A_2364, %mul3A_2401 : vector<16xf32>
    %div3A_2403 = vector.broadcast %squeeze3A : f32 to vector<16xf32>
    %div3A_2404 = arith.divf %sub3A_2402, %div3A_2403 : vector<16xf32>
    %convert_element_type3A_2405 = arith.sitofp %sub3A_2398 : vector<16xi32> to vector<16xf32>
    %mul3A_2406 = vector.broadcast %squeeze3A : f32 to vector<16xf32>
    %mul3A_2407 = arith.mulf %convert_element_type3A_2405, %mul3A_2406 : vector<16xf32>
    %sub3A_2408 = arith.subf %div3A_2368, %mul3A_2407 : vector<16xf32>
    %div3A_2409 = vector.broadcast %squeeze3A : f32 to vector<16xf32>
    %div3A_2410 = arith.divf %sub3A_2408, %div3A_2409 : vector<16xf32>
    %mul3A_2411 = arith.constant 56 : i32
    %mul3A_2412 = vector.broadcast %mul3A_2411 : i32 to vector<16xi32>
    %mul3A_2413 = arith.muli %convert_element_type3A_2359, %mul3A_2412 : vector<16xi32>
    %mul3A_2414 = arith.constant 8 : i32
    %mul3A_2415 = vector.broadcast %mul3A_2414 : i32 to vector<16xi32>
    %mul3A_2416 = arith.muli %sub3A_2384, %mul3A_2415 : vector<16xi32>
    %add3A_2417 = arith.addi %mul3A_2413, %mul3A_2416 : vector<16xi32>
    %add3A_2418 = arith.addi %add3A_2417, %sub3A_2398 : vector<16xi32>
    %mul3A_2419 = arith.constant 32 : i32
    %mul3A_2420 = vector.broadcast %mul3A_2419 : i32 to vector<16xi32>
    %mul3A_2421 = arith.muli %add3A_2418, %mul3A_2420 : vector<16xi32>
    %add3A_2422 = arith.addi %mul3A_2421, %convert_element_type3A_2360 : vector<16xi32>
    %swap3A_2423 = arith.constant 384 : index
    %swap3A_2424 = tpu.vector_load %arg8[%swap3A_2423] {strides = array<i32>} : memref<512xi32, #tpu.memory_space<vmem>>, vector<16xi32>,
    tpu.vector_store %arg8[%swap3A_2423], %add3A_2422 {strides = array<i32>} : memref<512xi32, #tpu.memory_space<vmem>>, vector<16xi32>,
    %add3A_2425 = arith.constant 400 : i32
    %add3A_2426 = vector.broadcast %add3A_2425 : i32 to vector<16xi32>
    %add3A_2427 = arith.addi %add3A_2426, %iota3A : vector<16xi32>
    %mul3A_2428 = arith.constant 6 : i32
    %mul3A_2429 = vector.broadcast %mul3A_2428 : i32 to vector<16xi32>
    %mul3A_2430 = arith.muli %add3A_2427, %mul3A_2429 : vector<16xi32>
    %gather3A_2431 = tpu.vector_load_idx %arg7[%mul3A_2430] : memref<3072xf32, #tpu.memory_space<vmem>>[vector<16xi32>], vector<16xf32>,
    %add3A_2432 = arith.constant 1 : i32
    %add3A_2433 = vector.broadcast %add3A_2432 : i32 to vector<16xi32>
    %add3A_2434 = arith.addi %mul3A_2430, %add3A_2433 : vector<16xi32>
    %gather3A_2435 = tpu.vector_load_idx %arg7[%add3A_2434] : memref<3072xf32, #tpu.memory_space<vmem>>[vector<16xi32>], vector<16xf32>,
    %add3A_2436 = arith.constant 2 : i32
    %add3A_2437 = vector.broadcast %add3A_2436 : i32 to vector<16xi32>
    %add3A_2438 = arith.addi %mul3A_2430, %add3A_2437 : vector<16xi32>
    %gather3A_2439 = tpu.vector_load_idx %arg7[%add3A_2438] : memref<3072xf32, #tpu.memory_space<vmem>>[vector<16xi32>], vector<16xf32>,
    %add3A_2440 = arith.constant 3 : i32
    %add3A_2441 = vector.broadcast %add3A_2440 : i32 to vector<16xi32>
    %add3A_2442 = arith.addi %mul3A_2430, %add3A_2441 : vector<16xi32>
    %gather3A_2443 = tpu.vector_load_idx %arg7[%add3A_2442] : memref<3072xf32, #tpu.memory_space<vmem>>[vector<16xi32>], vector<16xf32>,
    %add3A_2444 = arith.constant 4 : i32
    %add3A_2445 = vector.broadcast %add3A_2444 : i32 to vector<16xi32>
    %add3A_2446 = arith.addi %mul3A_2430, %add3A_2445 : vector<16xi32>
    %gather3A_2447 = tpu.vector_load_idx %arg7[%add3A_2446] : memref<3072xf32, #tpu.memory_space<vmem>>[vector<16xi32>], vector<16xf32>,
    %add3A_2448 = arith.constant 5 : i32
    %add3A_2449 = vector.broadcast %add3A_2448 : i32 to vector<16xi32>
    %add3A_2450 = arith.addi %mul3A_2430, %add3A_2449 : vector<16xi32>
    %gather3A_2451 = tpu.vector_load_idx %arg7[%add3A_2450] : memref<3072xf32, #tpu.memory_space<vmem>>[vector<16xi32>], vector<16xf32>,
    %convert_element_type3A_2452 = arith.fptosi %gather3A_2431 : vector<16xf32> to vector<16xi32>
    %convert_element_type3A_2453 = arith.fptosi %gather3A_2435 : vector<16xf32> to vector<16xi32>
    %add3A_2454 = arith.addf %gather3A_2439, %gather3A_2447 : vector<16xf32>
    %div3A_2455 = arith.constant 2.000000e+00 : f32
    %div3A_2456 = vector.broadcast %div3A_2455 : f32 to vector<16xf32>
    %div3A_2457 = arith.divf %add3A_2454, %div3A_2456 : vector<16xf32>
    %add3A_2458 = arith.addf %gather3A_2443, %gather3A_2451 : vector<16xf32>
    %div3A_2459 = arith.constant 2.000000e+00 : f32
    %div3A_2460 = vector.broadcast %div3A_2459 : f32 to vector<16xf32>
    %div3A_2461 = arith.divf %add3A_2458, %div3A_2460 : vector<16xf32>
    %sub3A_2462 = arith.subf %gather3A_2447, %gather3A_2439 : vector<16xf32>
    %sub3A_2463 = arith.subf %gather3A_2451, %gather3A_2443 : vector<16xf32>
    %div3A_2464 = vector.broadcast %squeeze3A : f32 to vector<16xf32>
    %div3A_2465 = arith.divf %div3A_2457, %div3A_2464 : vector<16xf32>
    %convert_element_type3A_2466 = arith.fptosi %div3A_2465 : vector<16xf32> to vector<16xi32>
    %convert_element_type3A_2467 = arith.sitofp %convert_element_type3A_2466 : vector<16xi32> to vector<16xf32>
    %gt3A_2468 = arith.cmpf ogt, %div3A_2465, %convert_element_type3A_2467 : vector<16xf32>
    %jit3A_2469 = arith.constant 1 : i32
    %jit3A_2470 = arith.constant 0 : i32
    %broadcast_in_dim3A_2471 = vector.broadcast %jit3A_2469 : i32 to vector<16xi32>
    %broadcast_in_dim3A_2472 = vector.broadcast %jit3A_2470 : i32 to vector<16xi32>
    %select_n3A_2473 = arith.select %gt3A_2468, %broadcast_in_dim3A_2471, %broadcast_in_dim3A_2472 : vector<16xi1>, vector<16xi32>
    %add3A_2474 = arith.addi %convert_element_type3A_2466, %select_n3A_2473 : vector<16xi32>
    %sub3A_2475 = arith.constant 1 : i32
    %sub3A_2476 = vector.broadcast %sub3A_2475 : i32 to vector<16xi32>
    %sub3A_2477 = arith.subi %add3A_2474, %sub3A_2476 : vector<16xi32>
    %div3A_2478 = vector.broadcast %squeeze3A : f32 to vector<16xf32>
    %div3A_2479 = arith.divf %div3A_2461, %div3A_2478 : vector<16xf32>
    %convert_element_type3A_2480 = arith.fptosi %div3A_2479 : vector<16xf32> to vector<16xi32>
    %convert_element_type3A_2481 = arith.sitofp %convert_element_type3A_2480 : vector<16xi32> to vector<16xf32>
    %gt3A_2482 = arith.cmpf ogt, %div3A_2479, %convert_element_type3A_2481 : vector<16xf32>
    %jit3A_2483 = arith.constant 1 : i32
    %jit3A_2484 = arith.constant 0 : i32
    %broadcast_in_dim3A_2485 = vector.broadcast %jit3A_2483 : i32 to vector<16xi32>
    %broadcast_in_dim3A_2486 = vector.broadcast %jit3A_2484 : i32 to vector<16xi32>
    %select_n3A_2487 = arith.select %gt3A_2482, %broadcast_in_dim3A_2485, %broadcast_in_dim3A_2486 : vector<16xi1>, vector<16xi32>
    %add3A_2488 = arith.addi %convert_element_type3A_2480, %select_n3A_2487 : vector<16xi32>
    %sub3A_2489 = arith.constant 1 : i32
    %sub3A_2490 = vector.broadcast %sub3A_2489 : i32 to vector<16xi32>
    %sub3A_2491 = arith.subi %add3A_2488, %sub3A_2490 : vector<16xi32>
    %convert_element_type3A_2492 = arith.sitofp %sub3A_2477 : vector<16xi32> to vector<16xf32>
    %mul3A_2493 = vector.broadcast %squeeze3A : f32 to vector<16xf32>
    %mul3A_2494 = arith.mulf %convert_element_type3A_2492, %mul3A_2493 : vector<16xf32>
    %sub3A_2495 = arith.subf %div3A_2457, %mul3A_2494 : vector<16xf32>
    %div3A_2496 = vector.broadcast %squeeze3A : f32 to vector<16xf32>
    %div3A_2497 = arith.divf %sub3A_2495, %div3A_2496 : vector<16xf32>
    %convert_element_type3A_2498 = arith.sitofp %sub3A_2491 : vector<16xi32> to vector<16xf32>
    %mul3A_2499 = vector.broadcast %squeeze3A : f32 to vector<16xf32>
    %mul3A_2500 = arith.mulf %convert_element_type3A_2498, %mul3A_2499 : vector<16xf32>
    %sub3A_2501 = arith.subf %div3A_2461, %mul3A_2500 : vector<16xf32>
    %div3A_2502 = vector.broadcast %squeeze3A : f32 to vector<16xf32>
    %div3A_2503 = arith.divf %sub3A_2501, %div3A_2502 : vector<16xf32>
    %mul3A_2504 = arith.constant 56 : i32
    %mul3A_2505 = vector.broadcast %mul3A_2504 : i32 to vector<16xi32>
    %mul3A_2506 = arith.muli %convert_element_type3A_2452, %mul3A_2505 : vector<16xi32>
    %mul3A_2507 = arith.constant 8 : i32
    %mul3A_2508 = vector.broadcast %mul3A_2507 : i32 to vector<16xi32>
    %mul3A_2509 = arith.muli %sub3A_2477, %mul3A_2508 : vector<16xi32>
    %add3A_2510 = arith.addi %mul3A_2506, %mul3A_2509 : vector<16xi32>
    %add3A_2511 = arith.addi %add3A_2510, %sub3A_2491 : vector<16xi32>
    %mul3A_2512 = arith.constant 32 : i32
    %mul3A_2513 = vector.broadcast %mul3A_2512 : i32 to vector<16xi32>
    %mul3A_2514 = arith.muli %add3A_2511, %mul3A_2513 : vector<16xi32>
    %add3A_2515 = arith.addi %mul3A_2514, %convert_element_type3A_2453 : vector<16xi32>
    %swap3A_2516 = arith.constant 400 : index
    %swap3A_2517 = tpu.vector_load %arg8[%swap3A_2516] {strides = array<i32>} : memref<512xi32, #tpu.memory_space<vmem>>, vector<16xi32>,
    tpu.vector_store %arg8[%swap3A_2516], %add3A_2515 {strides = array<i32>} : memref<512xi32, #tpu.memory_space<vmem>>, vector<16xi32>,
    %add3A_2518 = arith.constant 416 : i32
    %add3A_2519 = vector.broadcast %add3A_2518 : i32 to vector<16xi32>
    %add3A_2520 = arith.addi %add3A_2519, %iota3A : vector<16xi32>
    %mul3A_2521 = arith.constant 6 : i32
    %mul3A_2522 = vector.broadcast %mul3A_2521 : i32 to vector<16xi32>
    %mul3A_2523 = arith.muli %add3A_2520, %mul3A_2522 : vector<16xi32>
    %gather3A_2524 = tpu.vector_load_idx %arg7[%mul3A_2523] : memref<3072xf32, #tpu.memory_space<vmem>>[vector<16xi32>], vector<16xf32>,
    %add3A_2525 = arith.constant 1 : i32
    %add3A_2526 = vector.broadcast %add3A_2525 : i32 to vector<16xi32>
    %add3A_2527 = arith.addi %mul3A_2523, %add3A_2526 : vector<16xi32>
    %gather3A_2528 = tpu.vector_load_idx %arg7[%add3A_2527] : memref<3072xf32, #tpu.memory_space<vmem>>[vector<16xi32>], vector<16xf32>,
    %add3A_2529 = arith.constant 2 : i32
    %add3A_2530 = vector.broadcast %add3A_2529 : i32 to vector<16xi32>
    %add3A_2531 = arith.addi %mul3A_2523, %add3A_2530 : vector<16xi32>
    %gather3A_2532 = tpu.vector_load_idx %arg7[%add3A_2531] : memref<3072xf32, #tpu.memory_space<vmem>>[vector<16xi32>], vector<16xf32>,
    %add3A_2533 = arith.constant 3 : i32
    %add3A_2534 = vector.broadcast %add3A_2533 : i32 to vector<16xi32>
    %add3A_2535 = arith.addi %mul3A_2523, %add3A_2534 : vector<16xi32>
    %gather3A_2536 = tpu.vector_load_idx %arg7[%add3A_2535] : memref<3072xf32, #tpu.memory_space<vmem>>[vector<16xi32>], vector<16xf32>,
    %add3A_2537 = arith.constant 4 : i32
    %add3A_2538 = vector.broadcast %add3A_2537 : i32 to vector<16xi32>
    %add3A_2539 = arith.addi %mul3A_2523, %add3A_2538 : vector<16xi32>
    %gather3A_2540 = tpu.vector_load_idx %arg7[%add3A_2539] : memref<3072xf32, #tpu.memory_space<vmem>>[vector<16xi32>], vector<16xf32>,
    %add3A_2541 = arith.constant 5 : i32
    %add3A_2542 = vector.broadcast %add3A_2541 : i32 to vector<16xi32>
    %add3A_2543 = arith.addi %mul3A_2523, %add3A_2542 : vector<16xi32>
    %gather3A_2544 = tpu.vector_load_idx %arg7[%add3A_2543] : memref<3072xf32, #tpu.memory_space<vmem>>[vector<16xi32>], vector<16xf32>,
    %convert_element_type3A_2545 = arith.fptosi %gather3A_2524 : vector<16xf32> to vector<16xi32>
    %convert_element_type3A_2546 = arith.fptosi %gather3A_2528 : vector<16xf32> to vector<16xi32>
    %add3A_2547 = arith.addf %gather3A_2532, %gather3A_2540 : vector<16xf32>
    %div3A_2548 = arith.constant 2.000000e+00 : f32
    %div3A_2549 = vector.broadcast %div3A_2548 : f32 to vector<16xf32>
    %div3A_2550 = arith.divf %add3A_2547, %div3A_2549 : vector<16xf32>
    %add3A_2551 = arith.addf %gather3A_2536, %gather3A_2544 : vector<16xf32>
    %div3A_2552 = arith.constant 2.000000e+00 : f32
    %div3A_2553 = vector.broadcast %div3A_2552 : f32 to vector<16xf32>
    %div3A_2554 = arith.divf %add3A_2551, %div3A_2553 : vector<16xf32>
    %sub3A_2555 = arith.subf %gather3A_2540, %gather3A_2532 : vector<16xf32>
    %sub3A_2556 = arith.subf %gather3A_2544, %gather3A_2536 : vector<16xf32>
    %div3A_2557 = vector.broadcast %squeeze3A : f32 to vector<16xf32>
    %div3A_2558 = arith.divf %div3A_2550, %div3A_2557 : vector<16xf32>
    %convert_element_type3A_2559 = arith.fptosi %div3A_2558 : vector<16xf32> to vector<16xi32>
    %convert_element_type3A_2560 = arith.sitofp %convert_element_type3A_2559 : vector<16xi32> to vector<16xf32>
    %gt3A_2561 = arith.cmpf ogt, %div3A_2558, %convert_element_type3A_2560 : vector<16xf32>
    %jit3A_2562 = arith.constant 1 : i32
    %jit3A_2563 = arith.constant 0 : i32
    %broadcast_in_dim3A_2564 = vector.broadcast %jit3A_2562 : i32 to vector<16xi32>
    %broadcast_in_dim3A_2565 = vector.broadcast %jit3A_2563 : i32 to vector<16xi32>
    %select_n3A_2566 = arith.select %gt3A_2561, %broadcast_in_dim3A_2564, %broadcast_in_dim3A_2565 : vector<16xi1>, vector<16xi32>
    %add3A_2567 = arith.addi %convert_element_type3A_2559, %select_n3A_2566 : vector<16xi32>
    %sub3A_2568 = arith.constant 1 : i32
    %sub3A_2569 = vector.broadcast %sub3A_2568 : i32 to vector<16xi32>
    %sub3A_2570 = arith.subi %add3A_2567, %sub3A_2569 : vector<16xi32>
    %div3A_2571 = vector.broadcast %squeeze3A : f32 to vector<16xf32>
    %div3A_2572 = arith.divf %div3A_2554, %div3A_2571 : vector<16xf32>
    %convert_element_type3A_2573 = arith.fptosi %div3A_2572 : vector<16xf32> to vector<16xi32>
    %convert_element_type3A_2574 = arith.sitofp %convert_element_type3A_2573 : vector<16xi32> to vector<16xf32>
    %gt3A_2575 = arith.cmpf ogt, %div3A_2572, %convert_element_type3A_2574 : vector<16xf32>
    %jit3A_2576 = arith.constant 1 : i32
    %jit3A_2577 = arith.constant 0 : i32
    %broadcast_in_dim3A_2578 = vector.broadcast %jit3A_2576 : i32 to vector<16xi32>
    %broadcast_in_dim3A_2579 = vector.broadcast %jit3A_2577 : i32 to vector<16xi32>
    %select_n3A_2580 = arith.select %gt3A_2575, %broadcast_in_dim3A_2578, %broadcast_in_dim3A_2579 : vector<16xi1>, vector<16xi32>
    %add3A_2581 = arith.addi %convert_element_type3A_2573, %select_n3A_2580 : vector<16xi32>
    %sub3A_2582 = arith.constant 1 : i32
    %sub3A_2583 = vector.broadcast %sub3A_2582 : i32 to vector<16xi32>
    %sub3A_2584 = arith.subi %add3A_2581, %sub3A_2583 : vector<16xi32>
    %convert_element_type3A_2585 = arith.sitofp %sub3A_2570 : vector<16xi32> to vector<16xf32>
    %mul3A_2586 = vector.broadcast %squeeze3A : f32 to vector<16xf32>
    %mul3A_2587 = arith.mulf %convert_element_type3A_2585, %mul3A_2586 : vector<16xf32>
    %sub3A_2588 = arith.subf %div3A_2550, %mul3A_2587 : vector<16xf32>
    %div3A_2589 = vector.broadcast %squeeze3A : f32 to vector<16xf32>
    %div3A_2590 = arith.divf %sub3A_2588, %div3A_2589 : vector<16xf32>
    %convert_element_type3A_2591 = arith.sitofp %sub3A_2584 : vector<16xi32> to vector<16xf32>
    %mul3A_2592 = vector.broadcast %squeeze3A : f32 to vector<16xf32>
    %mul3A_2593 = arith.mulf %convert_element_type3A_2591, %mul3A_2592 : vector<16xf32>
    %sub3A_2594 = arith.subf %div3A_2554, %mul3A_2593 : vector<16xf32>
    %div3A_2595 = vector.broadcast %squeeze3A : f32 to vector<16xf32>
    %div3A_2596 = arith.divf %sub3A_2594, %div3A_2595 : vector<16xf32>
    %mul3A_2597 = arith.constant 56 : i32
    %mul3A_2598 = vector.broadcast %mul3A_2597 : i32 to vector<16xi32>
    %mul3A_2599 = arith.muli %convert_element_type3A_2545, %mul3A_2598 : vector<16xi32>
    %mul3A_2600 = arith.constant 8 : i32
    %mul3A_2601 = vector.broadcast %mul3A_2600 : i32 to vector<16xi32>
    %mul3A_2602 = arith.muli %sub3A_2570, %mul3A_2601 : vector<16xi32>
    %add3A_2603 = arith.addi %mul3A_2599, %mul3A_2602 : vector<16xi32>
    %add3A_2604 = arith.addi %add3A_2603, %sub3A_2584 : vector<16xi32>
    %mul3A_2605 = arith.constant 32 : i32
    %mul3A_2606 = vector.broadcast %mul3A_2605 : i32 to vector<16xi32>
    %mul3A_2607 = arith.muli %add3A_2604, %mul3A_2606 : vector<16xi32>
    %add3A_2608 = arith.addi %mul3A_2607, %convert_element_type3A_2546 : vector<16xi32>
    %swap3A_2609 = arith.constant 416 : index
    %swap3A_2610 = tpu.vector_load %arg8[%swap3A_2609] {strides = array<i32>} : memref<512xi32, #tpu.memory_space<vmem>>, vector<16xi32>,
    tpu.vector_store %arg8[%swap3A_2609], %add3A_2608 {strides = array<i32>} : memref<512xi32, #tpu.memory_space<vmem>>, vector<16xi32>,
    %add3A_2611 = arith.constant 432 : i32
    %add3A_2612 = vector.broadcast %add3A_2611 : i32 to vector<16xi32>
    %add3A_2613 = arith.addi %add3A_2612, %iota3A : vector<16xi32>
    %mul3A_2614 = arith.constant 6 : i32
    %mul3A_2615 = vector.broadcast %mul3A_2614 : i32 to vector<16xi32>
    %mul3A_2616 = arith.muli %add3A_2613, %mul3A_2615 : vector<16xi32>
    %gather3A_2617 = tpu.vector_load_idx %arg7[%mul3A_2616] : memref<3072xf32, #tpu.memory_space<vmem>>[vector<16xi32>], vector<16xf32>,
    %add3A_2618 = arith.constant 1 : i32
    %add3A_2619 = vector.broadcast %add3A_2618 : i32 to vector<16xi32>
    %add3A_2620 = arith.addi %mul3A_2616, %add3A_2619 : vector<16xi32>
    %gather3A_2621 = tpu.vector_load_idx %arg7[%add3A_2620] : memref<3072xf32, #tpu.memory_space<vmem>>[vector<16xi32>], vector<16xf32>,
    %add3A_2622 = arith.constant 2 : i32
    %add3A_2623 = vector.broadcast %add3A_2622 : i32 to vector<16xi32>
    %add3A_2624 = arith.addi %mul3A_2616, %add3A_2623 : vector<16xi32>
    %gather3A_2625 = tpu.vector_load_idx %arg7[%add3A_2624] : memref<3072xf32, #tpu.memory_space<vmem>>[vector<16xi32>], vector<16xf32>,
    %add3A_2626 = arith.constant 3 : i32
    %add3A_2627 = vector.broadcast %add3A_2626 : i32 to vector<16xi32>
    %add3A_2628 = arith.addi %mul3A_2616, %add3A_2627 : vector<16xi32>
    %gather3A_2629 = tpu.vector_load_idx %arg7[%add3A_2628] : memref<3072xf32, #tpu.memory_space<vmem>>[vector<16xi32>], vector<16xf32>,
    %add3A_2630 = arith.constant 4 : i32
    %add3A_2631 = vector.broadcast %add3A_2630 : i32 to vector<16xi32>
    %add3A_2632 = arith.addi %mul3A_2616, %add3A_2631 : vector<16xi32>
    %gather3A_2633 = tpu.vector_load_idx %arg7[%add3A_2632] : memref<3072xf32, #tpu.memory_space<vmem>>[vector<16xi32>], vector<16xf32>,
    %add3A_2634 = arith.constant 5 : i32
    %add3A_2635 = vector.broadcast %add3A_2634 : i32 to vector<16xi32>
    %add3A_2636 = arith.addi %mul3A_2616, %add3A_2635 : vector<16xi32>
    %gather3A_2637 = tpu.vector_load_idx %arg7[%add3A_2636] : memref<3072xf32, #tpu.memory_space<vmem>>[vector<16xi32>], vector<16xf32>,
    %convert_element_type3A_2638 = arith.fptosi %gather3A_2617 : vector<16xf32> to vector<16xi32>
    %convert_element_type3A_2639 = arith.fptosi %gather3A_2621 : vector<16xf32> to vector<16xi32>
    %add3A_2640 = arith.addf %gather3A_2625, %gather3A_2633 : vector<16xf32>
    %div3A_2641 = arith.constant 2.000000e+00 : f32
    %div3A_2642 = vector.broadcast %div3A_2641 : f32 to vector<16xf32>
    %div3A_2643 = arith.divf %add3A_2640, %div3A_2642 : vector<16xf32>
    %add3A_2644 = arith.addf %gather3A_2629, %gather3A_2637 : vector<16xf32>
    %div3A_2645 = arith.constant 2.000000e+00 : f32
    %div3A_2646 = vector.broadcast %div3A_2645 : f32 to vector<16xf32>
    %div3A_2647 = arith.divf %add3A_2644, %div3A_2646 : vector<16xf32>
    %sub3A_2648 = arith.subf %gather3A_2633, %gather3A_2625 : vector<16xf32>
    %sub3A_2649 = arith.subf %gather3A_2637, %gather3A_2629 : vector<16xf32>
    %div3A_2650 = vector.broadcast %squeeze3A : f32 to vector<16xf32>
    %div3A_2651 = arith.divf %div3A_2643, %div3A_2650 : vector<16xf32>
    %convert_element_type3A_2652 = arith.fptosi %div3A_2651 : vector<16xf32> to vector<16xi32>
    %convert_element_type3A_2653 = arith.sitofp %convert_element_type3A_2652 : vector<16xi32> to vector<16xf32>
    %gt3A_2654 = arith.cmpf ogt, %div3A_2651, %convert_element_type3A_2653 : vector<16xf32>
    %jit3A_2655 = arith.constant 1 : i32
    %jit3A_2656 = arith.constant 0 : i32
    %broadcast_in_dim3A_2657 = vector.broadcast %jit3A_2655 : i32 to vector<16xi32>
    %broadcast_in_dim3A_2658 = vector.broadcast %jit3A_2656 : i32 to vector<16xi32>
    %select_n3A_2659 = arith.select %gt3A_2654, %broadcast_in_dim3A_2657, %broadcast_in_dim3A_2658 : vector<16xi1>, vector<16xi32>
    %add3A_2660 = arith.addi %convert_element_type3A_2652, %select_n3A_2659 : vector<16xi32>
    %sub3A_2661 = arith.constant 1 : i32
    %sub3A_2662 = vector.broadcast %sub3A_2661 : i32 to vector<16xi32>
    %sub3A_2663 = arith.subi %add3A_2660, %sub3A_2662 : vector<16xi32>
    %div3A_2664 = vector.broadcast %squeeze3A : f32 to vector<16xf32>
    %div3A_2665 = arith.divf %div3A_2647, %div3A_2664 : vector<16xf32>
    %convert_element_type3A_2666 = arith.fptosi %div3A_2665 : vector<16xf32> to vector<16xi32>
    %convert_element_type3A_2667 = arith.sitofp %convert_element_type3A_2666 : vector<16xi32> to vector<16xf32>
    %gt3A_2668 = arith.cmpf ogt, %div3A_2665, %convert_element_type3A_2667 : vector<16xf32>
    %jit3A_2669 = arith.constant 1 : i32
    %jit3A_2670 = arith.constant 0 : i32
    %broadcast_in_dim3A_2671 = vector.broadcast %jit3A_2669 : i32 to vector<16xi32>
    %broadcast_in_dim3A_2672 = vector.broadcast %jit3A_2670 : i32 to vector<16xi32>
    %select_n3A_2673 = arith.select %gt3A_2668, %broadcast_in_dim3A_2671, %broadcast_in_dim3A_2672 : vector<16xi1>, vector<16xi32>
    %add3A_2674 = arith.addi %convert_element_type3A_2666, %select_n3A_2673 : vector<16xi32>
    %sub3A_2675 = arith.constant 1 : i32
    %sub3A_2676 = vector.broadcast %sub3A_2675 : i32 to vector<16xi32>
    %sub3A_2677 = arith.subi %add3A_2674, %sub3A_2676 : vector<16xi32>
    %convert_element_type3A_2678 = arith.sitofp %sub3A_2663 : vector<16xi32> to vector<16xf32>
    %mul3A_2679 = vector.broadcast %squeeze3A : f32 to vector<16xf32>
    %mul3A_2680 = arith.mulf %convert_element_type3A_2678, %mul3A_2679 : vector<16xf32>
    %sub3A_2681 = arith.subf %div3A_2643, %mul3A_2680 : vector<16xf32>
    %div3A_2682 = vector.broadcast %squeeze3A : f32 to vector<16xf32>
    %div3A_2683 = arith.divf %sub3A_2681, %div3A_2682 : vector<16xf32>
    %convert_element_type3A_2684 = arith.sitofp %sub3A_2677 : vector<16xi32> to vector<16xf32>
    %mul3A_2685 = vector.broadcast %squeeze3A : f32 to vector<16xf32>
    %mul3A_2686 = arith.mulf %convert_element_type3A_2684, %mul3A_2685 : vector<16xf32>
    %sub3A_2687 = arith.subf %div3A_2647, %mul3A_2686 : vector<16xf32>
    %div3A_2688 = vector.broadcast %squeeze3A : f32 to vector<16xf32>
    %div3A_2689 = arith.divf %sub3A_2687, %div3A_2688 : vector<16xf32>
    %mul3A_2690 = arith.constant 56 : i32
    %mul3A_2691 = vector.broadcast %mul3A_2690 : i32 to vector<16xi32>
    %mul3A_2692 = arith.muli %convert_element_type3A_2638, %mul3A_2691 : vector<16xi32>
    %mul3A_2693 = arith.constant 8 : i32
    %mul3A_2694 = vector.broadcast %mul3A_2693 : i32 to vector<16xi32>
    %mul3A_2695 = arith.muli %sub3A_2663, %mul3A_2694 : vector<16xi32>
    %add3A_2696 = arith.addi %mul3A_2692, %mul3A_2695 : vector<16xi32>
    %add3A_2697 = arith.addi %add3A_2696, %sub3A_2677 : vector<16xi32>
    %mul3A_2698 = arith.constant 32 : i32
    %mul3A_2699 = vector.broadcast %mul3A_2698 : i32 to vector<16xi32>
    %mul3A_2700 = arith.muli %add3A_2697, %mul3A_2699 : vector<16xi32>
    %add3A_2701 = arith.addi %mul3A_2700, %convert_element_type3A_2639 : vector<16xi32>
    %swap3A_2702 = arith.constant 432 : index
    %swap3A_2703 = tpu.vector_load %arg8[%swap3A_2702] {strides = array<i32>} : memref<512xi32, #tpu.memory_space<vmem>>, vector<16xi32>,
    tpu.vector_store %arg8[%swap3A_2702], %add3A_2701 {strides = array<i32>} : memref<512xi32, #tpu.memory_space<vmem>>, vector<16xi32>,
    %add3A_2704 = arith.constant 448 : i32
    %add3A_2705 = vector.broadcast %add3A_2704 : i32 to vector<16xi32>
    %add3A_2706 = arith.addi %add3A_2705, %iota3A : vector<16xi32>
    %mul3A_2707 = arith.constant 6 : i32
    %mul3A_2708 = vector.broadcast %mul3A_2707 : i32 to vector<16xi32>
    %mul3A_2709 = arith.muli %add3A_2706, %mul3A_2708 : vector<16xi32>
    %gather3A_2710 = tpu.vector_load_idx %arg7[%mul3A_2709] : memref<3072xf32, #tpu.memory_space<vmem>>[vector<16xi32>], vector<16xf32>,
    %add3A_2711 = arith.constant 1 : i32
    %add3A_2712 = vector.broadcast %add3A_2711 : i32 to vector<16xi32>
    %add3A_2713 = arith.addi %mul3A_2709, %add3A_2712 : vector<16xi32>
    %gather3A_2714 = tpu.vector_load_idx %arg7[%add3A_2713] : memref<3072xf32, #tpu.memory_space<vmem>>[vector<16xi32>], vector<16xf32>,
    %add3A_2715 = arith.constant 2 : i32
    %add3A_2716 = vector.broadcast %add3A_2715 : i32 to vector<16xi32>
    %add3A_2717 = arith.addi %mul3A_2709, %add3A_2716 : vector<16xi32>
    %gather3A_2718 = tpu.vector_load_idx %arg7[%add3A_2717] : memref<3072xf32, #tpu.memory_space<vmem>>[vector<16xi32>], vector<16xf32>,
    %add3A_2719 = arith.constant 3 : i32
    %add3A_2720 = vector.broadcast %add3A_2719 : i32 to vector<16xi32>
    %add3A_2721 = arith.addi %mul3A_2709, %add3A_2720 : vector<16xi32>
    %gather3A_2722 = tpu.vector_load_idx %arg7[%add3A_2721] : memref<3072xf32, #tpu.memory_space<vmem>>[vector<16xi32>], vector<16xf32>,
    %add3A_2723 = arith.constant 4 : i32
    %add3A_2724 = vector.broadcast %add3A_2723 : i32 to vector<16xi32>
    %add3A_2725 = arith.addi %mul3A_2709, %add3A_2724 : vector<16xi32>
    %gather3A_2726 = tpu.vector_load_idx %arg7[%add3A_2725] : memref<3072xf32, #tpu.memory_space<vmem>>[vector<16xi32>], vector<16xf32>,
    %add3A_2727 = arith.constant 5 : i32
    %add3A_2728 = vector.broadcast %add3A_2727 : i32 to vector<16xi32>
    %add3A_2729 = arith.addi %mul3A_2709, %add3A_2728 : vector<16xi32>
    %gather3A_2730 = tpu.vector_load_idx %arg7[%add3A_2729] : memref<3072xf32, #tpu.memory_space<vmem>>[vector<16xi32>], vector<16xf32>,
    %convert_element_type3A_2731 = arith.fptosi %gather3A_2710 : vector<16xf32> to vector<16xi32>
    %convert_element_type3A_2732 = arith.fptosi %gather3A_2714 : vector<16xf32> to vector<16xi32>
    %add3A_2733 = arith.addf %gather3A_2718, %gather3A_2726 : vector<16xf32>
    %div3A_2734 = arith.constant 2.000000e+00 : f32
    %div3A_2735 = vector.broadcast %div3A_2734 : f32 to vector<16xf32>
    %div3A_2736 = arith.divf %add3A_2733, %div3A_2735 : vector<16xf32>
    %add3A_2737 = arith.addf %gather3A_2722, %gather3A_2730 : vector<16xf32>
    %div3A_2738 = arith.constant 2.000000e+00 : f32
    %div3A_2739 = vector.broadcast %div3A_2738 : f32 to vector<16xf32>
    %div3A_2740 = arith.divf %add3A_2737, %div3A_2739 : vector<16xf32>
    %sub3A_2741 = arith.subf %gather3A_2726, %gather3A_2718 : vector<16xf32>
    %sub3A_2742 = arith.subf %gather3A_2730, %gather3A_2722 : vector<16xf32>
    %div3A_2743 = vector.broadcast %squeeze3A : f32 to vector<16xf32>
    %div3A_2744 = arith.divf %div3A_2736, %div3A_2743 : vector<16xf32>
    %convert_element_type3A_2745 = arith.fptosi %div3A_2744 : vector<16xf32> to vector<16xi32>
    %convert_element_type3A_2746 = arith.sitofp %convert_element_type3A_2745 : vector<16xi32> to vector<16xf32>
    %gt3A_2747 = arith.cmpf ogt, %div3A_2744, %convert_element_type3A_2746 : vector<16xf32>
    %jit3A_2748 = arith.constant 1 : i32
    %jit3A_2749 = arith.constant 0 : i32
    %broadcast_in_dim3A_2750 = vector.broadcast %jit3A_2748 : i32 to vector<16xi32>
    %broadcast_in_dim3A_2751 = vector.broadcast %jit3A_2749 : i32 to vector<16xi32>
    %select_n3A_2752 = arith.select %gt3A_2747, %broadcast_in_dim3A_2750, %broadcast_in_dim3A_2751 : vector<16xi1>, vector<16xi32>
    %add3A_2753 = arith.addi %convert_element_type3A_2745, %select_n3A_2752 : vector<16xi32>
    %sub3A_2754 = arith.constant 1 : i32
    %sub3A_2755 = vector.broadcast %sub3A_2754 : i32 to vector<16xi32>
    %sub3A_2756 = arith.subi %add3A_2753, %sub3A_2755 : vector<16xi32>
    %div3A_2757 = vector.broadcast %squeeze3A : f32 to vector<16xf32>
    %div3A_2758 = arith.divf %div3A_2740, %div3A_2757 : vector<16xf32>
    %convert_element_type3A_2759 = arith.fptosi %div3A_2758 : vector<16xf32> to vector<16xi32>
    %convert_element_type3A_2760 = arith.sitofp %convert_element_type3A_2759 : vector<16xi32> to vector<16xf32>
    %gt3A_2761 = arith.cmpf ogt, %div3A_2758, %convert_element_type3A_2760 : vector<16xf32>
    %jit3A_2762 = arith.constant 1 : i32
    %jit3A_2763 = arith.constant 0 : i32
    %broadcast_in_dim3A_2764 = vector.broadcast %jit3A_2762 : i32 to vector<16xi32>
    %broadcast_in_dim3A_2765 = vector.broadcast %jit3A_2763 : i32 to vector<16xi32>
    %select_n3A_2766 = arith.select %gt3A_2761, %broadcast_in_dim3A_2764, %broadcast_in_dim3A_2765 : vector<16xi1>, vector<16xi32>
    %add3A_2767 = arith.addi %convert_element_type3A_2759, %select_n3A_2766 : vector<16xi32>
    %sub3A_2768 = arith.constant 1 : i32
    %sub3A_2769 = vector.broadcast %sub3A_2768 : i32 to vector<16xi32>
    %sub3A_2770 = arith.subi %add3A_2767, %sub3A_2769 : vector<16xi32>
    %convert_element_type3A_2771 = arith.sitofp %sub3A_2756 : vector<16xi32> to vector<16xf32>
    %mul3A_2772 = vector.broadcast %squeeze3A : f32 to vector<16xf32>
    %mul3A_2773 = arith.mulf %convert_element_type3A_2771, %mul3A_2772 : vector<16xf32>
    %sub3A_2774 = arith.subf %div3A_2736, %mul3A_2773 : vector<16xf32>
    %div3A_2775 = vector.broadcast %squeeze3A : f32 to vector<16xf32>
    %div3A_2776 = arith.divf %sub3A_2774, %div3A_2775 : vector<16xf32>
    %convert_element_type3A_2777 = arith.sitofp %sub3A_2770 : vector<16xi32> to vector<16xf32>
    %mul3A_2778 = vector.broadcast %squeeze3A : f32 to vector<16xf32>
    %mul3A_2779 = arith.mulf %convert_element_type3A_2777, %mul3A_2778 : vector<16xf32>
    %sub3A_2780 = arith.subf %div3A_2740, %mul3A_2779 : vector<16xf32>
    %div3A_2781 = vector.broadcast %squeeze3A : f32 to vector<16xf32>
    %div3A_2782 = arith.divf %sub3A_2780, %div3A_2781 : vector<16xf32>
    %mul3A_2783 = arith.constant 56 : i32
    %mul3A_2784 = vector.broadcast %mul3A_2783 : i32 to vector<16xi32>
    %mul3A_2785 = arith.muli %convert_element_type3A_2731, %mul3A_2784 : vector<16xi32>
    %mul3A_2786 = arith.constant 8 : i32
    %mul3A_2787 = vector.broadcast %mul3A_2786 : i32 to vector<16xi32>
    %mul3A_2788 = arith.muli %sub3A_2756, %mul3A_2787 : vector<16xi32>
    %add3A_2789 = arith.addi %mul3A_2785, %mul3A_2788 : vector<16xi32>
    %add3A_2790 = arith.addi %add3A_2789, %sub3A_2770 : vector<16xi32>
    %mul3A_2791 = arith.constant 32 : i32
    %mul3A_2792 = vector.broadcast %mul3A_2791 : i32 to vector<16xi32>
    %mul3A_2793 = arith.muli %add3A_2790, %mul3A_2792 : vector<16xi32>
    %add3A_2794 = arith.addi %mul3A_2793, %convert_element_type3A_2732 : vector<16xi32>
    %swap3A_2795 = arith.constant 448 : index
    %swap3A_2796 = tpu.vector_load %arg8[%swap3A_2795] {strides = array<i32>} : memref<512xi32, #tpu.memory_space<vmem>>, vector<16xi32>,
    tpu.vector_store %arg8[%swap3A_2795], %add3A_2794 {strides = array<i32>} : memref<512xi32, #tpu.memory_space<vmem>>, vector<16xi32>,
    %add3A_2797 = arith.constant 464 : i32
    %add3A_2798 = vector.broadcast %add3A_2797 : i32 to vector<16xi32>
    %add3A_2799 = arith.addi %add3A_2798, %iota3A : vector<16xi32>
    %mul3A_2800 = arith.constant 6 : i32
    %mul3A_2801 = vector.broadcast %mul3A_2800 : i32 to vector<16xi32>
    %mul3A_2802 = arith.muli %add3A_2799, %mul3A_2801 : vector<16xi32>
    %gather3A_2803 = tpu.vector_load_idx %arg7[%mul3A_2802] : memref<3072xf32, #tpu.memory_space<vmem>>[vector<16xi32>], vector<16xf32>,
    %add3A_2804 = arith.constant 1 : i32
    %add3A_2805 = vector.broadcast %add3A_2804 : i32 to vector<16xi32>
    %add3A_2806 = arith.addi %mul3A_2802, %add3A_2805 : vector<16xi32>
    %gather3A_2807 = tpu.vector_load_idx %arg7[%add3A_2806] : memref<3072xf32, #tpu.memory_space<vmem>>[vector<16xi32>], vector<16xf32>,
    %add3A_2808 = arith.constant 2 : i32
    %add3A_2809 = vector.broadcast %add3A_2808 : i32 to vector<16xi32>
    %add3A_2810 = arith.addi %mul3A_2802, %add3A_2809 : vector<16xi32>
    %gather3A_2811 = tpu.vector_load_idx %arg7[%add3A_2810] : memref<3072xf32, #tpu.memory_space<vmem>>[vector<16xi32>], vector<16xf32>,
    %add3A_2812 = arith.constant 3 : i32
    %add3A_2813 = vector.broadcast %add3A_2812 : i32 to vector<16xi32>
    %add3A_2814 = arith.addi %mul3A_2802, %add3A_2813 : vector<16xi32>
    %gather3A_2815 = tpu.vector_load_idx %arg7[%add3A_2814] : memref<3072xf32, #tpu.memory_space<vmem>>[vector<16xi32>], vector<16xf32>,
    %add3A_2816 = arith.constant 4 : i32
    %add3A_2817 = vector.broadcast %add3A_2816 : i32 to vector<16xi32>
    %add3A_2818 = arith.addi %mul3A_2802, %add3A_2817 : vector<16xi32>
    %gather3A_2819 = tpu.vector_load_idx %arg7[%add3A_2818] : memref<3072xf32, #tpu.memory_space<vmem>>[vector<16xi32>], vector<16xf32>,
    %add3A_2820 = arith.constant 5 : i32
    %add3A_2821 = vector.broadcast %add3A_2820 : i32 to vector<16xi32>
    %add3A_2822 = arith.addi %mul3A_2802, %add3A_2821 : vector<16xi32>
    %gather3A_2823 = tpu.vector_load_idx %arg7[%add3A_2822] : memref<3072xf32, #tpu.memory_space<vmem>>[vector<16xi32>], vector<16xf32>,
    %convert_element_type3A_2824 = arith.fptosi %gather3A_2803 : vector<16xf32> to vector<16xi32>
    %convert_element_type3A_2825 = arith.fptosi %gather3A_2807 : vector<16xf32> to vector<16xi32>
    %add3A_2826 = arith.addf %gather3A_2811, %gather3A_2819 : vector<16xf32>
    %div3A_2827 = arith.constant 2.000000e+00 : f32
    %div3A_2828 = vector.broadcast %div3A_2827 : f32 to vector<16xf32>
    %div3A_2829 = arith.divf %add3A_2826, %div3A_2828 : vector<16xf32>
    %add3A_2830 = arith.addf %gather3A_2815, %gather3A_2823 : vector<16xf32>
    %div3A_2831 = arith.constant 2.000000e+00 : f32
    %div3A_2832 = vector.broadcast %div3A_2831 : f32 to vector<16xf32>
    %div3A_2833 = arith.divf %add3A_2830, %div3A_2832 : vector<16xf32>
    %sub3A_2834 = arith.subf %gather3A_2819, %gather3A_2811 : vector<16xf32>
    %sub3A_2835 = arith.subf %gather3A_2823, %gather3A_2815 : vector<16xf32>
    %div3A_2836 = vector.broadcast %squeeze3A : f32 to vector<16xf32>
    %div3A_2837 = arith.divf %div3A_2829, %div3A_2836 : vector<16xf32>
    %convert_element_type3A_2838 = arith.fptosi %div3A_2837 : vector<16xf32> to vector<16xi32>
    %convert_element_type3A_2839 = arith.sitofp %convert_element_type3A_2838 : vector<16xi32> to vector<16xf32>
    %gt3A_2840 = arith.cmpf ogt, %div3A_2837, %convert_element_type3A_2839 : vector<16xf32>
    %jit3A_2841 = arith.constant 1 : i32
    %jit3A_2842 = arith.constant 0 : i32
    %broadcast_in_dim3A_2843 = vector.broadcast %jit3A_2841 : i32 to vector<16xi32>
    %broadcast_in_dim3A_2844 = vector.broadcast %jit3A_2842 : i32 to vector<16xi32>
    %select_n3A_2845 = arith.select %gt3A_2840, %broadcast_in_dim3A_2843, %broadcast_in_dim3A_2844 : vector<16xi1>, vector<16xi32>
    %add3A_2846 = arith.addi %convert_element_type3A_2838, %select_n3A_2845 : vector<16xi32>
    %sub3A_2847 = arith.constant 1 : i32
    %sub3A_2848 = vector.broadcast %sub3A_2847 : i32 to vector<16xi32>
    %sub3A_2849 = arith.subi %add3A_2846, %sub3A_2848 : vector<16xi32>
    %div3A_2850 = vector.broadcast %squeeze3A : f32 to vector<16xf32>
    %div3A_2851 = arith.divf %div3A_2833, %div3A_2850 : vector<16xf32>
    %convert_element_type3A_2852 = arith.fptosi %div3A_2851 : vector<16xf32> to vector<16xi32>
    %convert_element_type3A_2853 = arith.sitofp %convert_element_type3A_2852 : vector<16xi32> to vector<16xf32>
    %gt3A_2854 = arith.cmpf ogt, %div3A_2851, %convert_element_type3A_2853 : vector<16xf32>
    %jit3A_2855 = arith.constant 1 : i32
    %jit3A_2856 = arith.constant 0 : i32
    %broadcast_in_dim3A_2857 = vector.broadcast %jit3A_2855 : i32 to vector<16xi32>
    %broadcast_in_dim3A_2858 = vector.broadcast %jit3A_2856 : i32 to vector<16xi32>
    %select_n3A_2859 = arith.select %gt3A_2854, %broadcast_in_dim3A_2857, %broadcast_in_dim3A_2858 : vector<16xi1>, vector<16xi32>
    %add3A_2860 = arith.addi %convert_element_type3A_2852, %select_n3A_2859 : vector<16xi32>
    %sub3A_2861 = arith.constant 1 : i32
    %sub3A_2862 = vector.broadcast %sub3A_2861 : i32 to vector<16xi32>
    %sub3A_2863 = arith.subi %add3A_2860, %sub3A_2862 : vector<16xi32>
    %convert_element_type3A_2864 = arith.sitofp %sub3A_2849 : vector<16xi32> to vector<16xf32>
    %mul3A_2865 = vector.broadcast %squeeze3A : f32 to vector<16xf32>
    %mul3A_2866 = arith.mulf %convert_element_type3A_2864, %mul3A_2865 : vector<16xf32>
    %sub3A_2867 = arith.subf %div3A_2829, %mul3A_2866 : vector<16xf32>
    %div3A_2868 = vector.broadcast %squeeze3A : f32 to vector<16xf32>
    %div3A_2869 = arith.divf %sub3A_2867, %div3A_2868 : vector<16xf32>
    %convert_element_type3A_2870 = arith.sitofp %sub3A_2863 : vector<16xi32> to vector<16xf32>
    %mul3A_2871 = vector.broadcast %squeeze3A : f32 to vector<16xf32>
    %mul3A_2872 = arith.mulf %convert_element_type3A_2870, %mul3A_2871 : vector<16xf32>
    %sub3A_2873 = arith.subf %div3A_2833, %mul3A_2872 : vector<16xf32>
    %div3A_2874 = vector.broadcast %squeeze3A : f32 to vector<16xf32>
    %div3A_2875 = arith.divf %sub3A_2873, %div3A_2874 : vector<16xf32>
    %mul3A_2876 = arith.constant 56 : i32
    %mul3A_2877 = vector.broadcast %mul3A_2876 : i32 to vector<16xi32>
    %mul3A_2878 = arith.muli %convert_element_type3A_2824, %mul3A_2877 : vector<16xi32>
    %mul3A_2879 = arith.constant 8 : i32
    %mul3A_2880 = vector.broadcast %mul3A_2879 : i32 to vector<16xi32>
    %mul3A_2881 = arith.muli %sub3A_2849, %mul3A_2880 : vector<16xi32>
    %add3A_2882 = arith.addi %mul3A_2878, %mul3A_2881 : vector<16xi32>
    %add3A_2883 = arith.addi %add3A_2882, %sub3A_2863 : vector<16xi32>
    %mul3A_2884 = arith.constant 32 : i32
    %mul3A_2885 = vector.broadcast %mul3A_2884 : i32 to vector<16xi32>
    %mul3A_2886 = arith.muli %add3A_2883, %mul3A_2885 : vector<16xi32>
    %add3A_2887 = arith.addi %mul3A_2886, %convert_element_type3A_2825 : vector<16xi32>
    %swap3A_2888 = arith.constant 464 : index
    %swap3A_2889 = tpu.vector_load %arg8[%swap3A_2888] {strides = array<i32>} : memref<512xi32, #tpu.memory_space<vmem>>, vector<16xi32>,
    tpu.vector_store %arg8[%swap3A_2888], %add3A_2887 {strides = array<i32>} : memref<512xi32, #tpu.memory_space<vmem>>, vector<16xi32>,
    %add3A_2890 = arith.constant 480 : i32
    %add3A_2891 = vector.broadcast %add3A_2890 : i32 to vector<16xi32>
    %add3A_2892 = arith.addi %add3A_2891, %iota3A : vector<16xi32>
    %mul3A_2893 = arith.constant 6 : i32
    %mul3A_2894 = vector.broadcast %mul3A_2893 : i32 to vector<16xi32>
    %mul3A_2895 = arith.muli %add3A_2892, %mul3A_2894 : vector<16xi32>
    %gather3A_2896 = tpu.vector_load_idx %arg7[%mul3A_2895] : memref<3072xf32, #tpu.memory_space<vmem>>[vector<16xi32>], vector<16xf32>,
    %add3A_2897 = arith.constant 1 : i32
    %add3A_2898 = vector.broadcast %add3A_2897 : i32 to vector<16xi32>
    %add3A_2899 = arith.addi %mul3A_2895, %add3A_2898 : vector<16xi32>
    %gather3A_2900 = tpu.vector_load_idx %arg7[%add3A_2899] : memref<3072xf32, #tpu.memory_space<vmem>>[vector<16xi32>], vector<16xf32>,
    %add3A_2901 = arith.constant 2 : i32
    %add3A_2902 = vector.broadcast %add3A_2901 : i32 to vector<16xi32>
    %add3A_2903 = arith.addi %mul3A_2895, %add3A_2902 : vector<16xi32>
    %gather3A_2904 = tpu.vector_load_idx %arg7[%add3A_2903] : memref<3072xf32, #tpu.memory_space<vmem>>[vector<16xi32>], vector<16xf32>,
    %add3A_2905 = arith.constant 3 : i32
    %add3A_2906 = vector.broadcast %add3A_2905 : i32 to vector<16xi32>
    %add3A_2907 = arith.addi %mul3A_2895, %add3A_2906 : vector<16xi32>
    %gather3A_2908 = tpu.vector_load_idx %arg7[%add3A_2907] : memref<3072xf32, #tpu.memory_space<vmem>>[vector<16xi32>], vector<16xf32>,
    %add3A_2909 = arith.constant 4 : i32
    %add3A_2910 = vector.broadcast %add3A_2909 : i32 to vector<16xi32>
    %add3A_2911 = arith.addi %mul3A_2895, %add3A_2910 : vector<16xi32>
    %gather3A_2912 = tpu.vector_load_idx %arg7[%add3A_2911] : memref<3072xf32, #tpu.memory_space<vmem>>[vector<16xi32>], vector<16xf32>,
    %add3A_2913 = arith.constant 5 : i32
    %add3A_2914 = vector.broadcast %add3A_2913 : i32 to vector<16xi32>
    %add3A_2915 = arith.addi %mul3A_2895, %add3A_2914 : vector<16xi32>
    %gather3A_2916 = tpu.vector_load_idx %arg7[%add3A_2915] : memref<3072xf32, #tpu.memory_space<vmem>>[vector<16xi32>], vector<16xf32>,
    %convert_element_type3A_2917 = arith.fptosi %gather3A_2896 : vector<16xf32> to vector<16xi32>
    %convert_element_type3A_2918 = arith.fptosi %gather3A_2900 : vector<16xf32> to vector<16xi32>
    %add3A_2919 = arith.addf %gather3A_2904, %gather3A_2912 : vector<16xf32>
    %div3A_2920 = arith.constant 2.000000e+00 : f32
    %div3A_2921 = vector.broadcast %div3A_2920 : f32 to vector<16xf32>
    %div3A_2922 = arith.divf %add3A_2919, %div3A_2921 : vector<16xf32>
    %add3A_2923 = arith.addf %gather3A_2908, %gather3A_2916 : vector<16xf32>
    %div3A_2924 = arith.constant 2.000000e+00 : f32
    %div3A_2925 = vector.broadcast %div3A_2924 : f32 to vector<16xf32>
    %div3A_2926 = arith.divf %add3A_2923, %div3A_2925 : vector<16xf32>
    %sub3A_2927 = arith.subf %gather3A_2912, %gather3A_2904 : vector<16xf32>
    %sub3A_2928 = arith.subf %gather3A_2916, %gather3A_2908 : vector<16xf32>
    %div3A_2929 = vector.broadcast %squeeze3A : f32 to vector<16xf32>
    %div3A_2930 = arith.divf %div3A_2922, %div3A_2929 : vector<16xf32>
    %convert_element_type3A_2931 = arith.fptosi %div3A_2930 : vector<16xf32> to vector<16xi32>
    %convert_element_type3A_2932 = arith.sitofp %convert_element_type3A_2931 : vector<16xi32> to vector<16xf32>
    %gt3A_2933 = arith.cmpf ogt, %div3A_2930, %convert_element_type3A_2932 : vector<16xf32>
    %jit3A_2934 = arith.constant 1 : i32
    %jit3A_2935 = arith.constant 0 : i32
    %broadcast_in_dim3A_2936 = vector.broadcast %jit3A_2934 : i32 to vector<16xi32>
    %broadcast_in_dim3A_2937 = vector.broadcast %jit3A_2935 : i32 to vector<16xi32>
    %select_n3A_2938 = arith.select %gt3A_2933, %broadcast_in_dim3A_2936, %broadcast_in_dim3A_2937 : vector<16xi1>, vector<16xi32>
    %add3A_2939 = arith.addi %convert_element_type3A_2931, %select_n3A_2938 : vector<16xi32>
    %sub3A_2940 = arith.constant 1 : i32
    %sub3A_2941 = vector.broadcast %sub3A_2940 : i32 to vector<16xi32>
    %sub3A_2942 = arith.subi %add3A_2939, %sub3A_2941 : vector<16xi32>
    %div3A_2943 = vector.broadcast %squeeze3A : f32 to vector<16xf32>
    %div3A_2944 = arith.divf %div3A_2926, %div3A_2943 : vector<16xf32>
    %convert_element_type3A_2945 = arith.fptosi %div3A_2944 : vector<16xf32> to vector<16xi32>
    %convert_element_type3A_2946 = arith.sitofp %convert_element_type3A_2945 : vector<16xi32> to vector<16xf32>
    %gt3A_2947 = arith.cmpf ogt, %div3A_2944, %convert_element_type3A_2946 : vector<16xf32>
    %jit3A_2948 = arith.constant 1 : i32
    %jit3A_2949 = arith.constant 0 : i32
    %broadcast_in_dim3A_2950 = vector.broadcast %jit3A_2948 : i32 to vector<16xi32>
    %broadcast_in_dim3A_2951 = vector.broadcast %jit3A_2949 : i32 to vector<16xi32>
    %select_n3A_2952 = arith.select %gt3A_2947, %broadcast_in_dim3A_2950, %broadcast_in_dim3A_2951 : vector<16xi1>, vector<16xi32>
    %add3A_2953 = arith.addi %convert_element_type3A_2945, %select_n3A_2952 : vector<16xi32>
    %sub3A_2954 = arith.constant 1 : i32
    %sub3A_2955 = vector.broadcast %sub3A_2954 : i32 to vector<16xi32>
    %sub3A_2956 = arith.subi %add3A_2953, %sub3A_2955 : vector<16xi32>
    %convert_element_type3A_2957 = arith.sitofp %sub3A_2942 : vector<16xi32> to vector<16xf32>
    %mul3A_2958 = vector.broadcast %squeeze3A : f32 to vector<16xf32>
    %mul3A_2959 = arith.mulf %convert_element_type3A_2957, %mul3A_2958 : vector<16xf32>
    %sub3A_2960 = arith.subf %div3A_2922, %mul3A_2959 : vector<16xf32>
    %div3A_2961 = vector.broadcast %squeeze3A : f32 to vector<16xf32>
    %div3A_2962 = arith.divf %sub3A_2960, %div3A_2961 : vector<16xf32>
    %convert_element_type3A_2963 = arith.sitofp %sub3A_2956 : vector<16xi32> to vector<16xf32>
    %mul3A_2964 = vector.broadcast %squeeze3A : f32 to vector<16xf32>
    %mul3A_2965 = arith.mulf %convert_element_type3A_2963, %mul3A_2964 : vector<16xf32>
    %sub3A_2966 = arith.subf %div3A_2926, %mul3A_2965 : vector<16xf32>
    %div3A_2967 = vector.broadcast %squeeze3A : f32 to vector<16xf32>
    %div3A_2968 = arith.divf %sub3A_2966, %div3A_2967 : vector<16xf32>
    %mul3A_2969 = arith.constant 56 : i32
    %mul3A_2970 = vector.broadcast %mul3A_2969 : i32 to vector<16xi32>
    %mul3A_2971 = arith.muli %convert_element_type3A_2917, %mul3A_2970 : vector<16xi32>
    %mul3A_2972 = arith.constant 8 : i32
    %mul3A_2973 = vector.broadcast %mul3A_2972 : i32 to vector<16xi32>
    %mul3A_2974 = arith.muli %sub3A_2942, %mul3A_2973 : vector<16xi32>
    %add3A_2975 = arith.addi %mul3A_2971, %mul3A_2974 : vector<16xi32>
    %add3A_2976 = arith.addi %add3A_2975, %sub3A_2956 : vector<16xi32>
    %mul3A_2977 = arith.constant 32 : i32
    %mul3A_2978 = vector.broadcast %mul3A_2977 : i32 to vector<16xi32>
    %mul3A_2979 = arith.muli %add3A_2976, %mul3A_2978 : vector<16xi32>
    %add3A_2980 = arith.addi %mul3A_2979, %convert_element_type3A_2918 : vector<16xi32>
    %swap3A_2981 = arith.constant 480 : index
    %swap3A_2982 = tpu.vector_load %arg8[%swap3A_2981] {strides = array<i32>} : memref<512xi32, #tpu.memory_space<vmem>>, vector<16xi32>,
    tpu.vector_store %arg8[%swap3A_2981], %add3A_2980 {strides = array<i32>} : memref<512xi32, #tpu.memory_space<vmem>>, vector<16xi32>,
    %add3A_2983 = arith.constant 496 : i32
    %add3A_2984 = vector.broadcast %add3A_2983 : i32 to vector<16xi32>
    %add3A_2985 = arith.addi %add3A_2984, %iota3A : vector<16xi32>
    %mul3A_2986 = arith.constant 6 : i32
    %mul3A_2987 = vector.broadcast %mul3A_2986 : i32 to vector<16xi32>
    %mul3A_2988 = arith.muli %add3A_2985, %mul3A_2987 : vector<16xi32>
    %gather3A_2989 = tpu.vector_load_idx %arg7[%mul3A_2988] : memref<3072xf32, #tpu.memory_space<vmem>>[vector<16xi32>], vector<16xf32>,
    %add3A_2990 = arith.constant 1 : i32
    %add3A_2991 = vector.broadcast %add3A_2990 : i32 to vector<16xi32>
    %add3A_2992 = arith.addi %mul3A_2988, %add3A_2991 : vector<16xi32>
    %gather3A_2993 = tpu.vector_load_idx %arg7[%add3A_2992] : memref<3072xf32, #tpu.memory_space<vmem>>[vector<16xi32>], vector<16xf32>,
    %add3A_2994 = arith.constant 2 : i32
    %add3A_2995 = vector.broadcast %add3A_2994 : i32 to vector<16xi32>
    %add3A_2996 = arith.addi %mul3A_2988, %add3A_2995 : vector<16xi32>
    %gather3A_2997 = tpu.vector_load_idx %arg7[%add3A_2996] : memref<3072xf32, #tpu.memory_space<vmem>>[vector<16xi32>], vector<16xf32>,
    %add3A_2998 = arith.constant 3 : i32
    %add3A_2999 = vector.broadcast %add3A_2998 : i32 to vector<16xi32>
    %add3A_3000 = arith.addi %mul3A_2988, %add3A_2999 : vector<16xi32>
    %gather3A_3001 = tpu.vector_load_idx %arg7[%add3A_3000] : memref<3072xf32, #tpu.memory_space<vmem>>[vector<16xi32>], vector<16xf32>,
    %add3A_3002 = arith.constant 4 : i32
    %add3A_3003 = vector.broadcast %add3A_3002 : i32 to vector<16xi32>
    %add3A_3004 = arith.addi %mul3A_2988, %add3A_3003 : vector<16xi32>
    %gather3A_3005 = tpu.vector_load_idx %arg7[%add3A_3004] : memref<3072xf32, #tpu.memory_space<vmem>>[vector<16xi32>], vector<16xf32>,
    %add3A_3006 = arith.constant 5 : i32
    %add3A_3007 = vector.broadcast %add3A_3006 : i32 to vector<16xi32>
    %add3A_3008 = arith.addi %mul3A_2988, %add3A_3007 : vector<16xi32>
    %gather3A_3009 = tpu.vector_load_idx %arg7[%add3A_3008] : memref<3072xf32, #tpu.memory_space<vmem>>[vector<16xi32>], vector<16xf32>,
    %convert_element_type3A_3010 = arith.fptosi %gather3A_2989 : vector<16xf32> to vector<16xi32>
    %convert_element_type3A_3011 = arith.fptosi %gather3A_2993 : vector<16xf32> to vector<16xi32>
    %add3A_3012 = arith.addf %gather3A_2997, %gather3A_3005 : vector<16xf32>
    %div3A_3013 = arith.constant 2.000000e+00 : f32
    %div3A_3014 = vector.broadcast %div3A_3013 : f32 to vector<16xf32>
    %div3A_3015 = arith.divf %add3A_3012, %div3A_3014 : vector<16xf32>
    %add3A_3016 = arith.addf %gather3A_3001, %gather3A_3009 : vector<16xf32>
    %div3A_3017 = arith.constant 2.000000e+00 : f32
    %div3A_3018 = vector.broadcast %div3A_3017 : f32 to vector<16xf32>
    %div3A_3019 = arith.divf %add3A_3016, %div3A_3018 : vector<16xf32>
    %sub3A_3020 = arith.subf %gather3A_3005, %gather3A_2997 : vector<16xf32>
    %sub3A_3021 = arith.subf %gather3A_3009, %gather3A_3001 : vector<16xf32>
    %div3A_3022 = vector.broadcast %squeeze3A : f32 to vector<16xf32>
    %div3A_3023 = arith.divf %div3A_3015, %div3A_3022 : vector<16xf32>
    %convert_element_type3A_3024 = arith.fptosi %div3A_3023 : vector<16xf32> to vector<16xi32>
    %convert_element_type3A_3025 = arith.sitofp %convert_element_type3A_3024 : vector<16xi32> to vector<16xf32>
    %gt3A_3026 = arith.cmpf ogt, %div3A_3023, %convert_element_type3A_3025 : vector<16xf32>
    %jit3A_3027 = arith.constant 1 : i32
    %jit3A_3028 = arith.constant 0 : i32
    %broadcast_in_dim3A_3029 = vector.broadcast %jit3A_3027 : i32 to vector<16xi32>
    %broadcast_in_dim3A_3030 = vector.broadcast %jit3A_3028 : i32 to vector<16xi32>
    %select_n3A_3031 = arith.select %gt3A_3026, %broadcast_in_dim3A_3029, %broadcast_in_dim3A_3030 : vector<16xi1>, vector<16xi32>
    %add3A_3032 = arith.addi %convert_element_type3A_3024, %select_n3A_3031 : vector<16xi32>
    %sub3A_3033 = arith.constant 1 : i32
    %sub3A_3034 = vector.broadcast %sub3A_3033 : i32 to vector<16xi32>
    %sub3A_3035 = arith.subi %add3A_3032, %sub3A_3034 : vector<16xi32>
    %div3A_3036 = vector.broadcast %squeeze3A : f32 to vector<16xf32>
    %div3A_3037 = arith.divf %div3A_3019, %div3A_3036 : vector<16xf32>
    %convert_element_type3A_3038 = arith.fptosi %div3A_3037 : vector<16xf32> to vector<16xi32>
    %convert_element_type3A_3039 = arith.sitofp %convert_element_type3A_3038 : vector<16xi32> to vector<16xf32>
    %gt3A_3040 = arith.cmpf ogt, %div3A_3037, %convert_element_type3A_3039 : vector<16xf32>
    %jit3A_3041 = arith.constant 1 : i32
    %jit3A_3042 = arith.constant 0 : i32
    %broadcast_in_dim3A_3043 = vector.broadcast %jit3A_3041 : i32 to vector<16xi32>
    %broadcast_in_dim3A_3044 = vector.broadcast %jit3A_3042 : i32 to vector<16xi32>
    %select_n3A_3045 = arith.select %gt3A_3040, %broadcast_in_dim3A_3043, %broadcast_in_dim3A_3044 : vector<16xi1>, vector<16xi32>
    %add3A_3046 = arith.addi %convert_element_type3A_3038, %select_n3A_3045 : vector<16xi32>
    %sub3A_3047 = arith.constant 1 : i32
    %sub3A_3048 = vector.broadcast %sub3A_3047 : i32 to vector<16xi32>
    %sub3A_3049 = arith.subi %add3A_3046, %sub3A_3048 : vector<16xi32>
    %convert_element_type3A_3050 = arith.sitofp %sub3A_3035 : vector<16xi32> to vector<16xf32>
    %mul3A_3051 = vector.broadcast %squeeze3A : f32 to vector<16xf32>
    %mul3A_3052 = arith.mulf %convert_element_type3A_3050, %mul3A_3051 : vector<16xf32>
    %sub3A_3053 = arith.subf %div3A_3015, %mul3A_3052 : vector<16xf32>
    %div3A_3054 = vector.broadcast %squeeze3A : f32 to vector<16xf32>
    %div3A_3055 = arith.divf %sub3A_3053, %div3A_3054 : vector<16xf32>
    %convert_element_type3A_3056 = arith.sitofp %sub3A_3049 : vector<16xi32> to vector<16xf32>
    %mul3A_3057 = vector.broadcast %squeeze3A : f32 to vector<16xf32>
    %mul3A_3058 = arith.mulf %convert_element_type3A_3056, %mul3A_3057 : vector<16xf32>
    %sub3A_3059 = arith.subf %div3A_3019, %mul3A_3058 : vector<16xf32>
    %div3A_3060 = vector.broadcast %squeeze3A : f32 to vector<16xf32>
    %div3A_3061 = arith.divf %sub3A_3059, %div3A_3060 : vector<16xf32>
    %mul3A_3062 = arith.constant 56 : i32
    %mul3A_3063 = vector.broadcast %mul3A_3062 : i32 to vector<16xi32>
    %mul3A_3064 = arith.muli %convert_element_type3A_3010, %mul3A_3063 : vector<16xi32>
    %mul3A_3065 = arith.constant 8 : i32
    %mul3A_3066 = vector.broadcast %mul3A_3065 : i32 to vector<16xi32>
    %mul3A_3067 = arith.muli %sub3A_3035, %mul3A_3066 : vector<16xi32>
    %add3A_3068 = arith.addi %mul3A_3064, %mul3A_3067 : vector<16xi32>
    %add3A_3069 = arith.addi %add3A_3068, %sub3A_3049 : vector<16xi32>
    %mul3A_3070 = arith.constant 32 : i32
    %mul3A_3071 = vector.broadcast %mul3A_3070 : i32 to vector<16xi32>
    %mul3A_3072 = arith.muli %add3A_3069, %mul3A_3071 : vector<16xi32>
    %add3A_3073 = arith.addi %mul3A_3072, %convert_element_type3A_3011 : vector<16xi32>
    %swap3A_3074 = arith.constant 496 : index
    %swap3A_3075 = tpu.vector_load %arg8[%swap3A_3074] {strides = array<i32>} : memref<512xi32, #tpu.memory_space<vmem>>, vector<16xi32>,
    tpu.vector_store %arg8[%swap3A_3074], %add3A_3073 {strides = array<i32>} : memref<512xi32, #tpu.memory_space<vmem>>, vector<16xi32>,
    %broadcast_in_dim3A_3076 = arith.constant 0 : i32
    %broadcast_in_dim3A_3077 = vector.broadcast %broadcast_in_dim3A_3076 : i32 to vector<16xi32>
    %scan3A = arith.constant 0 : i32
    %scan3A_3078 = arith.constant 128 : i32
    %scan3A_3079 = arith.addi %scan3A, %scan3A_3078 : i32
    %scan3A_3080 = arith.constant 1 : i32
    %scan3A_3081:2 = scf.for %scan3A_3815 = %scan3A to %scan3A_3079 step %scan3A_3080 iter_args(%scan3A_3816 = %broadcast_in_dim3A_3077, %scan3A_3817 = %broadcast_in_dim3A_3077) -> (vector<16xi32>, vector<16xi32>)  : i32 {
      %mul3A_3818 = arith.constant 4 : i32
      %mul3A_3819 = arith.muli %scan3A_3815, %mul3A_3818 : i32
      %add3A_3820 = arith.constant 0 : i32
      %add3A_3821 = arith.addi %mul3A_3819, %add3A_3820 : i32
      %and3A = arith.constant 15 : i32
      %and3A_3822 = arith.andi %add3A_3821, %and3A : i32
      %sub3A_3823 = arith.subi %add3A_3821, %and3A_3822 : i32
      %add3A_3824 = vector.broadcast %and3A_3822 : i32 to vector<16xi32>
      %add3A_3825 = arith.addi %iota3A, %add3A_3824 : vector<16xi32>
      %and3A_3826 = arith.constant 15 : i32
      %and3A_3827 = vector.broadcast %and3A_3826 : i32 to vector<16xi32>
      %and3A_3828 = arith.andi %add3A_3825, %and3A_3827 : vector<16xi32>
      %add3A_3829 = vector.broadcast %sub3A_3823 : i32 to vector<16xi32>
      %add3A_3830 = arith.addi %add3A_3829, %and3A_3828 : vector<16xi32>
      %gather3A_3831 = tpu.vector_load_idx %arg8[%add3A_3830] : memref<512xi32, #tpu.memory_space<vmem>>[vector<16xi32>], vector<16xi32>,
      %gt3A_3832 = arith.cmpi sgt, %add3A_3830, %add3A_10 : vector<16xi32>
      %shift_right_arithmetic3A_3833 = arith.constant 5 : i32
      %shift_right_arithmetic3A_3834 = vector.broadcast %shift_right_arithmetic3A_3833 : i32 to vector<16xi32>
      %shift_right_arithmetic3A_3835 = arith.shrsi %gather3A_3831, %shift_right_arithmetic3A_3834 : vector<16xi32>
      %eq3A_3836 = arith.cmpi eq, %shift_right_arithmetic3A_3835, %add3A_86 : vector<16xi32>
      %and3A_3837 = arith.andi %gt3A_3832, %eq3A_3836 : vector<16xi1>
      %jit3A_3838 = arith.constant 1 : i32
      %jit3A_3839 = arith.constant 0 : i32
      %broadcast_in_dim3A_3840 = vector.broadcast %jit3A_3838 : i32 to vector<16xi32>
      %broadcast_in_dim3A_3841 = vector.broadcast %jit3A_3839 : i32 to vector<16xi32>
      %select_n3A_3842 = arith.select %and3A_3837, %broadcast_in_dim3A_3840, %broadcast_in_dim3A_3841 : vector<16xi1>, vector<16xi32>
      %or3A = arith.ori %scan3A_3816, %select_n3A_3842 : vector<16xi32>
      %eq3A_3843 = arith.cmpi eq, %gather3A_3831, %add3A_90 : vector<16xi32>
      %and3A_3844 = arith.andi %gt3A_3832, %eq3A_3843 : vector<16xi1>
      %jit3A_3845 = arith.constant 1 : i32
      %jit3A_3846 = arith.constant 0 : i32
      %broadcast_in_dim3A_3847 = vector.broadcast %jit3A_3845 : i32 to vector<16xi32>
      %broadcast_in_dim3A_3848 = vector.broadcast %jit3A_3846 : i32 to vector<16xi32>
      %select_n3A_3849 = arith.select %and3A_3844, %broadcast_in_dim3A_3847, %broadcast_in_dim3A_3848 : vector<16xi1>, vector<16xi32>
      %or3A_3850 = arith.ori %scan3A_3817, %select_n3A_3849 : vector<16xi32>
      %mul3A_3851 = arith.constant 4 : i32
      %mul3A_3852 = arith.muli %scan3A_3815, %mul3A_3851 : i32
      %add3A_3853 = arith.constant 1 : i32
      %add3A_3854 = arith.addi %mul3A_3852, %add3A_3853 : i32
      %and3A_3855 = arith.constant 15 : i32
      %and3A_3856 = arith.andi %add3A_3854, %and3A_3855 : i32
      %sub3A_3857 = arith.subi %add3A_3854, %and3A_3856 : i32
      %add3A_3858 = vector.broadcast %and3A_3856 : i32 to vector<16xi32>
      %add3A_3859 = arith.addi %iota3A, %add3A_3858 : vector<16xi32>
      %and3A_3860 = arith.constant 15 : i32
      %and3A_3861 = vector.broadcast %and3A_3860 : i32 to vector<16xi32>
      %and3A_3862 = arith.andi %add3A_3859, %and3A_3861 : vector<16xi32>
      %add3A_3863 = vector.broadcast %sub3A_3857 : i32 to vector<16xi32>
      %add3A_3864 = arith.addi %add3A_3863, %and3A_3862 : vector<16xi32>
      %gather3A_3865 = tpu.vector_load_idx %arg8[%add3A_3864] : memref<512xi32, #tpu.memory_space<vmem>>[vector<16xi32>], vector<16xi32>,
      %gt3A_3866 = arith.cmpi sgt, %add3A_3864, %add3A_10 : vector<16xi32>
      %shift_right_arithmetic3A_3867 = arith.constant 5 : i32
      %shift_right_arithmetic3A_3868 = vector.broadcast %shift_right_arithmetic3A_3867 : i32 to vector<16xi32>
      %shift_right_arithmetic3A_3869 = arith.shrsi %gather3A_3865, %shift_right_arithmetic3A_3868 : vector<16xi32>
      %eq3A_3870 = arith.cmpi eq, %shift_right_arithmetic3A_3869, %add3A_86 : vector<16xi32>
      %and3A_3871 = arith.andi %gt3A_3866, %eq3A_3870 : vector<16xi1>
      %jit3A_3872 = arith.constant 1 : i32
      %jit3A_3873 = arith.constant 0 : i32
      %broadcast_in_dim3A_3874 = vector.broadcast %jit3A_3872 : i32 to vector<16xi32>
      %broadcast_in_dim3A_3875 = vector.broadcast %jit3A_3873 : i32 to vector<16xi32>
      %select_n3A_3876 = arith.select %and3A_3871, %broadcast_in_dim3A_3874, %broadcast_in_dim3A_3875 : vector<16xi1>, vector<16xi32>
      %or3A_3877 = arith.ori %or3A, %select_n3A_3876 : vector<16xi32>
      %eq3A_3878 = arith.cmpi eq, %gather3A_3865, %add3A_90 : vector<16xi32>
      %and3A_3879 = arith.andi %gt3A_3866, %eq3A_3878 : vector<16xi1>
      %jit3A_3880 = arith.constant 1 : i32
      %jit3A_3881 = arith.constant 0 : i32
      %broadcast_in_dim3A_3882 = vector.broadcast %jit3A_3880 : i32 to vector<16xi32>
      %broadcast_in_dim3A_3883 = vector.broadcast %jit3A_3881 : i32 to vector<16xi32>
      %select_n3A_3884 = arith.select %and3A_3879, %broadcast_in_dim3A_3882, %broadcast_in_dim3A_3883 : vector<16xi1>, vector<16xi32>
      %or3A_3885 = arith.ori %or3A_3850, %select_n3A_3884 : vector<16xi32>
      %mul3A_3886 = arith.constant 4 : i32
      %mul3A_3887 = arith.muli %scan3A_3815, %mul3A_3886 : i32
      %add3A_3888 = arith.constant 2 : i32
      %add3A_3889 = arith.addi %mul3A_3887, %add3A_3888 : i32
      %and3A_3890 = arith.constant 15 : i32
      %and3A_3891 = arith.andi %add3A_3889, %and3A_3890 : i32
      %sub3A_3892 = arith.subi %add3A_3889, %and3A_3891 : i32
      %add3A_3893 = vector.broadcast %and3A_3891 : i32 to vector<16xi32>
      %add3A_3894 = arith.addi %iota3A, %add3A_3893 : vector<16xi32>
      %and3A_3895 = arith.constant 15 : i32
      %and3A_3896 = vector.broadcast %and3A_3895 : i32 to vector<16xi32>
      %and3A_3897 = arith.andi %add3A_3894, %and3A_3896 : vector<16xi32>
      %add3A_3898 = vector.broadcast %sub3A_3892 : i32 to vector<16xi32>
      %add3A_3899 = arith.addi %add3A_3898, %and3A_3897 : vector<16xi32>
      %gather3A_3900 = tpu.vector_load_idx %arg8[%add3A_3899] : memref<512xi32, #tpu.memory_space<vmem>>[vector<16xi32>], vector<16xi32>,
      %gt3A_3901 = arith.cmpi sgt, %add3A_3899, %add3A_10 : vector<16xi32>
      %shift_right_arithmetic3A_3902 = arith.constant 5 : i32
      %shift_right_arithmetic3A_3903 = vector.broadcast %shift_right_arithmetic3A_3902 : i32 to vector<16xi32>
      %shift_right_arithmetic3A_3904 = arith.shrsi %gather3A_3900, %shift_right_arithmetic3A_3903 : vector<16xi32>
      %eq3A_3905 = arith.cmpi eq, %shift_right_arithmetic3A_3904, %add3A_86 : vector<16xi32>
      %and3A_3906 = arith.andi %gt3A_3901, %eq3A_3905 : vector<16xi1>
      %jit3A_3907 = arith.constant 1 : i32
      %jit3A_3908 = arith.constant 0 : i32
      %broadcast_in_dim3A_3909 = vector.broadcast %jit3A_3907 : i32 to vector<16xi32>
      %broadcast_in_dim3A_3910 = vector.broadcast %jit3A_3908 : i32 to vector<16xi32>
      %select_n3A_3911 = arith.select %and3A_3906, %broadcast_in_dim3A_3909, %broadcast_in_dim3A_3910 : vector<16xi1>, vector<16xi32>
      %or3A_3912 = arith.ori %or3A_3877, %select_n3A_3911 : vector<16xi32>
      %eq3A_3913 = arith.cmpi eq, %gather3A_3900, %add3A_90 : vector<16xi32>
      %and3A_3914 = arith.andi %gt3A_3901, %eq3A_3913 : vector<16xi1>
      %jit3A_3915 = arith.constant 1 : i32
      %jit3A_3916 = arith.constant 0 : i32
      %broadcast_in_dim3A_3917 = vector.broadcast %jit3A_3915 : i32 to vector<16xi32>
      %broadcast_in_dim3A_3918 = vector.broadcast %jit3A_3916 : i32 to vector<16xi32>
      %select_n3A_3919 = arith.select %and3A_3914, %broadcast_in_dim3A_3917, %broadcast_in_dim3A_3918 : vector<16xi1>, vector<16xi32>
      %or3A_3920 = arith.ori %or3A_3885, %select_n3A_3919 : vector<16xi32>
      %mul3A_3921 = arith.constant 4 : i32
      %mul3A_3922 = arith.muli %scan3A_3815, %mul3A_3921 : i32
      %add3A_3923 = arith.constant 3 : i32
      %add3A_3924 = arith.addi %mul3A_3922, %add3A_3923 : i32
      %and3A_3925 = arith.constant 15 : i32
      %and3A_3926 = arith.andi %add3A_3924, %and3A_3925 : i32
      %sub3A_3927 = arith.subi %add3A_3924, %and3A_3926 : i32
      %add3A_3928 = vector.broadcast %and3A_3926 : i32 to vector<16xi32>
      %add3A_3929 = arith.addi %iota3A, %add3A_3928 : vector<16xi32>
      %and3A_3930 = arith.constant 15 : i32
      %and3A_3931 = vector.broadcast %and3A_3930 : i32 to vector<16xi32>
      %and3A_3932 = arith.andi %add3A_3929, %and3A_3931 : vector<16xi32>
      %add3A_3933 = vector.broadcast %sub3A_3927 : i32 to vector<16xi32>
      %add3A_3934 = arith.addi %add3A_3933, %and3A_3932 : vector<16xi32>
      %gather3A_3935 = tpu.vector_load_idx %arg8[%add3A_3934] : memref<512xi32, #tpu.memory_space<vmem>>[vector<16xi32>], vector<16xi32>,
      %gt3A_3936 = arith.cmpi sgt, %add3A_3934, %add3A_10 : vector<16xi32>
      %shift_right_arithmetic3A_3937 = arith.constant 5 : i32
      %shift_right_arithmetic3A_3938 = vector.broadcast %shift_right_arithmetic3A_3937 : i32 to vector<16xi32>
      %shift_right_arithmetic3A_3939 = arith.shrsi %gather3A_3935, %shift_right_arithmetic3A_3938 : vector<16xi32>
      %eq3A_3940 = arith.cmpi eq, %shift_right_arithmetic3A_3939, %add3A_86 : vector<16xi32>
      %and3A_3941 = arith.andi %gt3A_3936, %eq3A_3940 : vector<16xi1>
      %jit3A_3942 = arith.constant 1 : i32
      %jit3A_3943 = arith.constant 0 : i32
      %broadcast_in_dim3A_3944 = vector.broadcast %jit3A_3942 : i32 to vector<16xi32>
      %broadcast_in_dim3A_3945 = vector.broadcast %jit3A_3943 : i32 to vector<16xi32>
      %select_n3A_3946 = arith.select %and3A_3941, %broadcast_in_dim3A_3944, %broadcast_in_dim3A_3945 : vector<16xi1>, vector<16xi32>
      %or3A_3947 = arith.ori %or3A_3912, %select_n3A_3946 : vector<16xi32>
      %eq3A_3948 = arith.cmpi eq, %gather3A_3935, %add3A_90 : vector<16xi32>
      %and3A_3949 = arith.andi %gt3A_3936, %eq3A_3948 : vector<16xi1>
      %jit3A_3950 = arith.constant 1 : i32
      %jit3A_3951 = arith.constant 0 : i32
      %broadcast_in_dim3A_3952 = vector.broadcast %jit3A_3950 : i32 to vector<16xi32>
      %broadcast_in_dim3A_3953 = vector.broadcast %jit3A_3951 : i32 to vector<16xi32>
      %select_n3A_3954 = arith.select %and3A_3949, %broadcast_in_dim3A_3952, %broadcast_in_dim3A_3953 : vector<16xi1>, vector<16xi32>
      %or3A_3955 = arith.ori %or3A_3920, %select_n3A_3954 : vector<16xi32>
      scf.yield %or3A_3947, %or3A_3955 : vector<16xi32>, vector<16xi32>
    }
    %scan3A_3082 = arith.constant 128 : i32
    %eq3A = arith.constant 0 : i32
    %eq3A_3083 = vector.broadcast %eq3A : i32 to vector<16xi32>
    %eq3A_3084 = arith.cmpi eq, %scan3A_3081#0, %eq3A_3083 : vector<16xi32>
    %eq3A_3085 = arith.constant 0 : i32
    %eq3A_3086 = vector.broadcast %eq3A_3085 : i32 to vector<16xi32>
    %eq3A_3087 = arith.cmpi eq, %scan3A_3081#1, %eq3A_3086 : vector<16xi32>
    %dma_wait3A = arith.constant 0 : i32
    %dma_wait3A_3088 = tpu.memref_slice %arg2[%mul3A_95, %dma_wait3A] : memref<14336x128xf32, #tpu.memory_space<hbm>> -> memref<448x32xf32, #tpu.memory_space<hbm>>
    %dma_wait3A_3089 = arith.constant 0 : i32
    %dma_wait3A_3090 = tpu.memref_slice %arg2[%mul3A_95, %dma_wait3A_3089] : memref<14336x128xf32, #tpu.memory_space<hbm>> -> memref<448x32xf32, #tpu.memory_space<hbm>>
    tpu.wait_dma2 semaphore(%arg14 : memref<!tpu.dma_semaphore, #tpu.memory_space<semaphore_mem>>) src(%dma_wait3A_3090 : memref<448x32xf32, #tpu.memory_space<hbm>>) dst(%arg11 : memref<448x32xf32, #tpu.memory_space<vmem>>)
    %broadcast_in_dim3A_3091 = arith.constant 4 : i32
    %broadcast_in_dim3A_3092 = vector.broadcast %broadcast_in_dim3A_3091 : i32 to vector<16xi32>
    %broadcast_in_dim3A_3093 = arith.constant 9 : i32
    %broadcast_in_dim3A_3094 = vector.broadcast %broadcast_in_dim3A_3093 : i32 to vector<16xi32>
    %broadcast_in_dim3A_3095 = arith.constant 0.000000e+00 : f32
    %broadcast_in_dim3A_3096 = vector.broadcast %broadcast_in_dim3A_3095 : f32 to vector<16xf32>
    %add3A_3097 = arith.constant 0 : i32
    %add3A_3098 = vector.broadcast %add3A_3097 : i32 to vector<16xi32>
    %add3A_3099 = arith.addi %add3A_3098, %iota3A : vector<16xi32>
    %gather3A_3100 = tpu.vector_load_idx %arg11[%add3A_3099, %broadcast_in_dim3A_3092] : memref<448x32xf32, #tpu.memory_space<vmem>>[vector<16xi32>, vector<16xi32>], vector<16xf32>,
    %gather3A_3101 = tpu.vector_load_idx %arg11[%add3A_3099, %broadcast_in_dim3A_3094] : memref<448x32xf32, #tpu.memory_space<vmem>>[vector<16xi32>, vector<16xi32>], vector<16xf32>,
    %mul3A_3102 = arith.mulf %gather3A_3100, %gather3A_3100 : vector<16xf32>
    %add3A_3103 = arith.addf %broadcast_in_dim3A_3096, %mul3A_3102 : vector<16xf32>
    %mul3A_3104 = arith.mulf %gather3A_3101, %gather3A_3101 : vector<16xf32>
    %add3A_3105 = arith.addf %add3A_3103, %mul3A_3104 : vector<16xf32>
    %add3A_3106 = arith.constant 16 : i32
    %add3A_3107 = vector.broadcast %add3A_3106 : i32 to vector<16xi32>
    %add3A_3108 = arith.addi %add3A_3107, %iota3A : vector<16xi32>
    %gather3A_3109 = tpu.vector_load_idx %arg11[%add3A_3108, %broadcast_in_dim3A_3092] : memref<448x32xf32, #tpu.memory_space<vmem>>[vector<16xi32>, vector<16xi32>], vector<16xf32>,
    %gather3A_3110 = tpu.vector_load_idx %arg11[%add3A_3108, %broadcast_in_dim3A_3094] : memref<448x32xf32, #tpu.memory_space<vmem>>[vector<16xi32>, vector<16xi32>], vector<16xf32>,
    %mul3A_3111 = arith.mulf %gather3A_3109, %gather3A_3109 : vector<16xf32>
    %add3A_3112 = arith.addf %add3A_3105, %mul3A_3111 : vector<16xf32>
    %mul3A_3113 = arith.mulf %gather3A_3110, %gather3A_3110 : vector<16xf32>
    %add3A_3114 = arith.addf %add3A_3112, %mul3A_3113 : vector<16xf32>
    %add3A_3115 = arith.constant 32 : i32
    %add3A_3116 = vector.broadcast %add3A_3115 : i32 to vector<16xi32>
    %add3A_3117 = arith.addi %add3A_3116, %iota3A : vector<16xi32>
    %gather3A_3118 = tpu.vector_load_idx %arg11[%add3A_3117, %broadcast_in_dim3A_3092] : memref<448x32xf32, #tpu.memory_space<vmem>>[vector<16xi32>, vector<16xi32>], vector<16xf32>,
    %gather3A_3119 = tpu.vector_load_idx %arg11[%add3A_3117, %broadcast_in_dim3A_3094] : memref<448x32xf32, #tpu.memory_space<vmem>>[vector<16xi32>, vector<16xi32>], vector<16xf32>,
    %mul3A_3120 = arith.mulf %gather3A_3118, %gather3A_3118 : vector<16xf32>
    %add3A_3121 = arith.addf %add3A_3114, %mul3A_3120 : vector<16xf32>
    %mul3A_3122 = arith.mulf %gather3A_3119, %gather3A_3119 : vector<16xf32>
    %add3A_3123 = arith.addf %add3A_3121, %mul3A_3122 : vector<16xf32>
    %add3A_3124 = arith.constant 48 : i32
    %add3A_3125 = vector.broadcast %add3A_3124 : i32 to vector<16xi32>
    %add3A_3126 = arith.addi %add3A_3125, %iota3A : vector<16xi32>
    %gather3A_3127 = tpu.vector_load_idx %arg11[%add3A_3126, %broadcast_in_dim3A_3092] : memref<448x32xf32, #tpu.memory_space<vmem>>[vector<16xi32>, vector<16xi32>], vector<16xf32>,
    %gather3A_3128 = tpu.vector_load_idx %arg11[%add3A_3126, %broadcast_in_dim3A_3094] : memref<448x32xf32, #tpu.memory_space<vmem>>[vector<16xi32>, vector<16xi32>], vector<16xf32>,
    %mul3A_3129 = arith.mulf %gather3A_3127, %gather3A_3127 : vector<16xf32>
    %add3A_3130 = arith.addf %add3A_3123, %mul3A_3129 : vector<16xf32>
    %mul3A_3131 = arith.mulf %gather3A_3128, %gather3A_3128 : vector<16xf32>
    %add3A_3132 = arith.addf %add3A_3130, %mul3A_3131 : vector<16xf32>
    %add3A_3133 = arith.constant 64 : i32
    %add3A_3134 = vector.broadcast %add3A_3133 : i32 to vector<16xi32>
    %add3A_3135 = arith.addi %add3A_3134, %iota3A : vector<16xi32>
    %gather3A_3136 = tpu.vector_load_idx %arg11[%add3A_3135, %broadcast_in_dim3A_3092] : memref<448x32xf32, #tpu.memory_space<vmem>>[vector<16xi32>, vector<16xi32>], vector<16xf32>,
    %gather3A_3137 = tpu.vector_load_idx %arg11[%add3A_3135, %broadcast_in_dim3A_3094] : memref<448x32xf32, #tpu.memory_space<vmem>>[vector<16xi32>, vector<16xi32>], vector<16xf32>,
    %mul3A_3138 = arith.mulf %gather3A_3136, %gather3A_3136 : vector<16xf32>
    %add3A_3139 = arith.addf %add3A_3132, %mul3A_3138 : vector<16xf32>
    %mul3A_3140 = arith.mulf %gather3A_3137, %gather3A_3137 : vector<16xf32>
    %add3A_3141 = arith.addf %add3A_3139, %mul3A_3140 : vector<16xf32>
    %add3A_3142 = arith.constant 80 : i32
    %add3A_3143 = vector.broadcast %add3A_3142 : i32 to vector<16xi32>
    %add3A_3144 = arith.addi %add3A_3143, %iota3A : vector<16xi32>
    %gather3A_3145 = tpu.vector_load_idx %arg11[%add3A_3144, %broadcast_in_dim3A_3092] : memref<448x32xf32, #tpu.memory_space<vmem>>[vector<16xi32>, vector<16xi32>], vector<16xf32>,
    %gather3A_3146 = tpu.vector_load_idx %arg11[%add3A_3144, %broadcast_in_dim3A_3094] : memref<448x32xf32, #tpu.memory_space<vmem>>[vector<16xi32>, vector<16xi32>], vector<16xf32>,
    %mul3A_3147 = arith.mulf %gather3A_3145, %gather3A_3145 : vector<16xf32>
    %add3A_3148 = arith.addf %add3A_3141, %mul3A_3147 : vector<16xf32>
    %mul3A_3149 = arith.mulf %gather3A_3146, %gather3A_3146 : vector<16xf32>
    %add3A_3150 = arith.addf %add3A_3148, %mul3A_3149 : vector<16xf32>
    %add3A_3151 = arith.constant 96 : i32
    %add3A_3152 = vector.broadcast %add3A_3151 : i32 to vector<16xi32>
    %add3A_3153 = arith.addi %add3A_3152, %iota3A : vector<16xi32>
    %gather3A_3154 = tpu.vector_load_idx %arg11[%add3A_3153, %broadcast_in_dim3A_3092] : memref<448x32xf32, #tpu.memory_space<vmem>>[vector<16xi32>, vector<16xi32>], vector<16xf32>,
    %gather3A_3155 = tpu.vector_load_idx %arg11[%add3A_3153, %broadcast_in_dim3A_3094] : memref<448x32xf32, #tpu.memory_space<vmem>>[vector<16xi32>, vector<16xi32>], vector<16xf32>,
    %mul3A_3156 = arith.mulf %gather3A_3154, %gather3A_3154 : vector<16xf32>
    %add3A_3157 = arith.addf %add3A_3150, %mul3A_3156 : vector<16xf32>
    %mul3A_3158 = arith.mulf %gather3A_3155, %gather3A_3155 : vector<16xf32>
    %add3A_3159 = arith.addf %add3A_3157, %mul3A_3158 : vector<16xf32>
    %add3A_3160 = arith.constant 112 : i32
    %add3A_3161 = vector.broadcast %add3A_3160 : i32 to vector<16xi32>
    %add3A_3162 = arith.addi %add3A_3161, %iota3A : vector<16xi32>
    %gather3A_3163 = tpu.vector_load_idx %arg11[%add3A_3162, %broadcast_in_dim3A_3092] : memref<448x32xf32, #tpu.memory_space<vmem>>[vector<16xi32>, vector<16xi32>], vector<16xf32>,
    %gather3A_3164 = tpu.vector_load_idx %arg11[%add3A_3162, %broadcast_in_dim3A_3094] : memref<448x32xf32, #tpu.memory_space<vmem>>[vector<16xi32>, vector<16xi32>], vector<16xf32>,
    %mul3A_3165 = arith.mulf %gather3A_3163, %gather3A_3163 : vector<16xf32>
    %add3A_3166 = arith.addf %add3A_3159, %mul3A_3165 : vector<16xf32>
    %mul3A_3167 = arith.mulf %gather3A_3164, %gather3A_3164 : vector<16xf32>
    %add3A_3168 = arith.addf %add3A_3166, %mul3A_3167 : vector<16xf32>
    %add3A_3169 = arith.constant 128 : i32
    %add3A_3170 = vector.broadcast %add3A_3169 : i32 to vector<16xi32>
    %add3A_3171 = arith.addi %add3A_3170, %iota3A : vector<16xi32>
    %gather3A_3172 = tpu.vector_load_idx %arg11[%add3A_3171, %broadcast_in_dim3A_3092] : memref<448x32xf32, #tpu.memory_space<vmem>>[vector<16xi32>, vector<16xi32>], vector<16xf32>,
    %gather3A_3173 = tpu.vector_load_idx %arg11[%add3A_3171, %broadcast_in_dim3A_3094] : memref<448x32xf32, #tpu.memory_space<vmem>>[vector<16xi32>, vector<16xi32>], vector<16xf32>,
    %mul3A_3174 = arith.mulf %gather3A_3172, %gather3A_3172 : vector<16xf32>
    %add3A_3175 = arith.addf %add3A_3168, %mul3A_3174 : vector<16xf32>
    %mul3A_3176 = arith.mulf %gather3A_3173, %gather3A_3173 : vector<16xf32>
    %add3A_3177 = arith.addf %add3A_3175, %mul3A_3176 : vector<16xf32>
    %add3A_3178 = arith.constant 144 : i32
    %add3A_3179 = vector.broadcast %add3A_3178 : i32 to vector<16xi32>
    %add3A_3180 = arith.addi %add3A_3179, %iota3A : vector<16xi32>
    %gather3A_3181 = tpu.vector_load_idx %arg11[%add3A_3180, %broadcast_in_dim3A_3092] : memref<448x32xf32, #tpu.memory_space<vmem>>[vector<16xi32>, vector<16xi32>], vector<16xf32>,
    %gather3A_3182 = tpu.vector_load_idx %arg11[%add3A_3180, %broadcast_in_dim3A_3094] : memref<448x32xf32, #tpu.memory_space<vmem>>[vector<16xi32>, vector<16xi32>], vector<16xf32>,
    %mul3A_3183 = arith.mulf %gather3A_3181, %gather3A_3181 : vector<16xf32>
    %add3A_3184 = arith.addf %add3A_3177, %mul3A_3183 : vector<16xf32>
    %mul3A_3185 = arith.mulf %gather3A_3182, %gather3A_3182 : vector<16xf32>
    %add3A_3186 = arith.addf %add3A_3184, %mul3A_3185 : vector<16xf32>
    %add3A_3187 = arith.constant 160 : i32
    %add3A_3188 = vector.broadcast %add3A_3187 : i32 to vector<16xi32>
    %add3A_3189 = arith.addi %add3A_3188, %iota3A : vector<16xi32>
    %gather3A_3190 = tpu.vector_load_idx %arg11[%add3A_3189, %broadcast_in_dim3A_3092] : memref<448x32xf32, #tpu.memory_space<vmem>>[vector<16xi32>, vector<16xi32>], vector<16xf32>,
    %gather3A_3191 = tpu.vector_load_idx %arg11[%add3A_3189, %broadcast_in_dim3A_3094] : memref<448x32xf32, #tpu.memory_space<vmem>>[vector<16xi32>, vector<16xi32>], vector<16xf32>,
    %mul3A_3192 = arith.mulf %gather3A_3190, %gather3A_3190 : vector<16xf32>
    %add3A_3193 = arith.addf %add3A_3186, %mul3A_3192 : vector<16xf32>
    %mul3A_3194 = arith.mulf %gather3A_3191, %gather3A_3191 : vector<16xf32>
    %add3A_3195 = arith.addf %add3A_3193, %mul3A_3194 : vector<16xf32>
    %add3A_3196 = arith.constant 176 : i32
    %add3A_3197 = vector.broadcast %add3A_3196 : i32 to vector<16xi32>
    %add3A_3198 = arith.addi %add3A_3197, %iota3A : vector<16xi32>
    %gather3A_3199 = tpu.vector_load_idx %arg11[%add3A_3198, %broadcast_in_dim3A_3092] : memref<448x32xf32, #tpu.memory_space<vmem>>[vector<16xi32>, vector<16xi32>], vector<16xf32>,
    %gather3A_3200 = tpu.vector_load_idx %arg11[%add3A_3198, %broadcast_in_dim3A_3094] : memref<448x32xf32, #tpu.memory_space<vmem>>[vector<16xi32>, vector<16xi32>], vector<16xf32>,
    %mul3A_3201 = arith.mulf %gather3A_3199, %gather3A_3199 : vector<16xf32>
    %add3A_3202 = arith.addf %add3A_3195, %mul3A_3201 : vector<16xf32>
    %mul3A_3203 = arith.mulf %gather3A_3200, %gather3A_3200 : vector<16xf32>
    %add3A_3204 = arith.addf %add3A_3202, %mul3A_3203 : vector<16xf32>
    %add3A_3205 = arith.constant 192 : i32
    %add3A_3206 = vector.broadcast %add3A_3205 : i32 to vector<16xi32>
    %add3A_3207 = arith.addi %add3A_3206, %iota3A : vector<16xi32>
    %gather3A_3208 = tpu.vector_load_idx %arg11[%add3A_3207, %broadcast_in_dim3A_3092] : memref<448x32xf32, #tpu.memory_space<vmem>>[vector<16xi32>, vector<16xi32>], vector<16xf32>,
    %gather3A_3209 = tpu.vector_load_idx %arg11[%add3A_3207, %broadcast_in_dim3A_3094] : memref<448x32xf32, #tpu.memory_space<vmem>>[vector<16xi32>, vector<16xi32>], vector<16xf32>,
    %mul3A_3210 = arith.mulf %gather3A_3208, %gather3A_3208 : vector<16xf32>
    %add3A_3211 = arith.addf %add3A_3204, %mul3A_3210 : vector<16xf32>
    %mul3A_3212 = arith.mulf %gather3A_3209, %gather3A_3209 : vector<16xf32>
    %add3A_3213 = arith.addf %add3A_3211, %mul3A_3212 : vector<16xf32>
    %add3A_3214 = arith.constant 208 : i32
    %add3A_3215 = vector.broadcast %add3A_3214 : i32 to vector<16xi32>
    %add3A_3216 = arith.addi %add3A_3215, %iota3A : vector<16xi32>
    %gather3A_3217 = tpu.vector_load_idx %arg11[%add3A_3216, %broadcast_in_dim3A_3092] : memref<448x32xf32, #tpu.memory_space<vmem>>[vector<16xi32>, vector<16xi32>], vector<16xf32>,
    %gather3A_3218 = tpu.vector_load_idx %arg11[%add3A_3216, %broadcast_in_dim3A_3094] : memref<448x32xf32, #tpu.memory_space<vmem>>[vector<16xi32>, vector<16xi32>], vector<16xf32>,
    %mul3A_3219 = arith.mulf %gather3A_3217, %gather3A_3217 : vector<16xf32>
    %add3A_3220 = arith.addf %add3A_3213, %mul3A_3219 : vector<16xf32>
    %mul3A_3221 = arith.mulf %gather3A_3218, %gather3A_3218 : vector<16xf32>
    %add3A_3222 = arith.addf %add3A_3220, %mul3A_3221 : vector<16xf32>
    %add3A_3223 = arith.constant 224 : i32
    %add3A_3224 = vector.broadcast %add3A_3223 : i32 to vector<16xi32>
    %add3A_3225 = arith.addi %add3A_3224, %iota3A : vector<16xi32>
    %gather3A_3226 = tpu.vector_load_idx %arg11[%add3A_3225, %broadcast_in_dim3A_3092] : memref<448x32xf32, #tpu.memory_space<vmem>>[vector<16xi32>, vector<16xi32>], vector<16xf32>,
    %gather3A_3227 = tpu.vector_load_idx %arg11[%add3A_3225, %broadcast_in_dim3A_3094] : memref<448x32xf32, #tpu.memory_space<vmem>>[vector<16xi32>, vector<16xi32>], vector<16xf32>,
    %mul3A_3228 = arith.mulf %gather3A_3226, %gather3A_3226 : vector<16xf32>
    %add3A_3229 = arith.addf %add3A_3222, %mul3A_3228 : vector<16xf32>
    %mul3A_3230 = arith.mulf %gather3A_3227, %gather3A_3227 : vector<16xf32>
    %add3A_3231 = arith.addf %add3A_3229, %mul3A_3230 : vector<16xf32>
    %add3A_3232 = arith.constant 240 : i32
    %add3A_3233 = vector.broadcast %add3A_3232 : i32 to vector<16xi32>
    %add3A_3234 = arith.addi %add3A_3233, %iota3A : vector<16xi32>
    %gather3A_3235 = tpu.vector_load_idx %arg11[%add3A_3234, %broadcast_in_dim3A_3092] : memref<448x32xf32, #tpu.memory_space<vmem>>[vector<16xi32>, vector<16xi32>], vector<16xf32>,
    %gather3A_3236 = tpu.vector_load_idx %arg11[%add3A_3234, %broadcast_in_dim3A_3094] : memref<448x32xf32, #tpu.memory_space<vmem>>[vector<16xi32>, vector<16xi32>], vector<16xf32>,
    %mul3A_3237 = arith.mulf %gather3A_3235, %gather3A_3235 : vector<16xf32>
    %add3A_3238 = arith.addf %add3A_3231, %mul3A_3237 : vector<16xf32>
    %mul3A_3239 = arith.mulf %gather3A_3236, %gather3A_3236 : vector<16xf32>
    %add3A_3240 = arith.addf %add3A_3238, %mul3A_3239 : vector<16xf32>
    %add3A_3241 = arith.constant 256 : i32
    %add3A_3242 = vector.broadcast %add3A_3241 : i32 to vector<16xi32>
    %add3A_3243 = arith.addi %add3A_3242, %iota3A : vector<16xi32>
    %gather3A_3244 = tpu.vector_load_idx %arg11[%add3A_3243, %broadcast_in_dim3A_3092] : memref<448x32xf32, #tpu.memory_space<vmem>>[vector<16xi32>, vector<16xi32>], vector<16xf32>,
    %gather3A_3245 = tpu.vector_load_idx %arg11[%add3A_3243, %broadcast_in_dim3A_3094] : memref<448x32xf32, #tpu.memory_space<vmem>>[vector<16xi32>, vector<16xi32>], vector<16xf32>,
    %mul3A_3246 = arith.mulf %gather3A_3244, %gather3A_3244 : vector<16xf32>
    %add3A_3247 = arith.addf %add3A_3240, %mul3A_3246 : vector<16xf32>
    %mul3A_3248 = arith.mulf %gather3A_3245, %gather3A_3245 : vector<16xf32>
    %add3A_3249 = arith.addf %add3A_3247, %mul3A_3248 : vector<16xf32>
    %add3A_3250 = arith.constant 272 : i32
    %add3A_3251 = vector.broadcast %add3A_3250 : i32 to vector<16xi32>
    %add3A_3252 = arith.addi %add3A_3251, %iota3A : vector<16xi32>
    %gather3A_3253 = tpu.vector_load_idx %arg11[%add3A_3252, %broadcast_in_dim3A_3092] : memref<448x32xf32, #tpu.memory_space<vmem>>[vector<16xi32>, vector<16xi32>], vector<16xf32>,
    %gather3A_3254 = tpu.vector_load_idx %arg11[%add3A_3252, %broadcast_in_dim3A_3094] : memref<448x32xf32, #tpu.memory_space<vmem>>[vector<16xi32>, vector<16xi32>], vector<16xf32>,
    %mul3A_3255 = arith.mulf %gather3A_3253, %gather3A_3253 : vector<16xf32>
    %add3A_3256 = arith.addf %add3A_3249, %mul3A_3255 : vector<16xf32>
    %mul3A_3257 = arith.mulf %gather3A_3254, %gather3A_3254 : vector<16xf32>
    %add3A_3258 = arith.addf %add3A_3256, %mul3A_3257 : vector<16xf32>
    %add3A_3259 = arith.constant 288 : i32
    %add3A_3260 = vector.broadcast %add3A_3259 : i32 to vector<16xi32>
    %add3A_3261 = arith.addi %add3A_3260, %iota3A : vector<16xi32>
    %gather3A_3262 = tpu.vector_load_idx %arg11[%add3A_3261, %broadcast_in_dim3A_3092] : memref<448x32xf32, #tpu.memory_space<vmem>>[vector<16xi32>, vector<16xi32>], vector<16xf32>,
    %gather3A_3263 = tpu.vector_load_idx %arg11[%add3A_3261, %broadcast_in_dim3A_3094] : memref<448x32xf32, #tpu.memory_space<vmem>>[vector<16xi32>, vector<16xi32>], vector<16xf32>,
    %mul3A_3264 = arith.mulf %gather3A_3262, %gather3A_3262 : vector<16xf32>
    %add3A_3265 = arith.addf %add3A_3258, %mul3A_3264 : vector<16xf32>
    %mul3A_3266 = arith.mulf %gather3A_3263, %gather3A_3263 : vector<16xf32>
    %add3A_3267 = arith.addf %add3A_3265, %mul3A_3266 : vector<16xf32>
    %add3A_3268 = arith.constant 304 : i32
    %add3A_3269 = vector.broadcast %add3A_3268 : i32 to vector<16xi32>
    %add3A_3270 = arith.addi %add3A_3269, %iota3A : vector<16xi32>
    %gather3A_3271 = tpu.vector_load_idx %arg11[%add3A_3270, %broadcast_in_dim3A_3092] : memref<448x32xf32, #tpu.memory_space<vmem>>[vector<16xi32>, vector<16xi32>], vector<16xf32>,
    %gather3A_3272 = tpu.vector_load_idx %arg11[%add3A_3270, %broadcast_in_dim3A_3094] : memref<448x32xf32, #tpu.memory_space<vmem>>[vector<16xi32>, vector<16xi32>], vector<16xf32>,
    %mul3A_3273 = arith.mulf %gather3A_3271, %gather3A_3271 : vector<16xf32>
    %add3A_3274 = arith.addf %add3A_3267, %mul3A_3273 : vector<16xf32>
    %mul3A_3275 = arith.mulf %gather3A_3272, %gather3A_3272 : vector<16xf32>
    %add3A_3276 = arith.addf %add3A_3274, %mul3A_3275 : vector<16xf32>
    %add3A_3277 = arith.constant 320 : i32
    %add3A_3278 = vector.broadcast %add3A_3277 : i32 to vector<16xi32>
    %add3A_3279 = arith.addi %add3A_3278, %iota3A : vector<16xi32>
    %gather3A_3280 = tpu.vector_load_idx %arg11[%add3A_3279, %broadcast_in_dim3A_3092] : memref<448x32xf32, #tpu.memory_space<vmem>>[vector<16xi32>, vector<16xi32>], vector<16xf32>,
    %gather3A_3281 = tpu.vector_load_idx %arg11[%add3A_3279, %broadcast_in_dim3A_3094] : memref<448x32xf32, #tpu.memory_space<vmem>>[vector<16xi32>, vector<16xi32>], vector<16xf32>,
    %mul3A_3282 = arith.mulf %gather3A_3280, %gather3A_3280 : vector<16xf32>
    %add3A_3283 = arith.addf %add3A_3276, %mul3A_3282 : vector<16xf32>
    %mul3A_3284 = arith.mulf %gather3A_3281, %gather3A_3281 : vector<16xf32>
    %add3A_3285 = arith.addf %add3A_3283, %mul3A_3284 : vector<16xf32>
    %add3A_3286 = arith.constant 336 : i32
    %add3A_3287 = vector.broadcast %add3A_3286 : i32 to vector<16xi32>
    %add3A_3288 = arith.addi %add3A_3287, %iota3A : vector<16xi32>
    %gather3A_3289 = tpu.vector_load_idx %arg11[%add3A_3288, %broadcast_in_dim3A_3092] : memref<448x32xf32, #tpu.memory_space<vmem>>[vector<16xi32>, vector<16xi32>], vector<16xf32>,
    %gather3A_3290 = tpu.vector_load_idx %arg11[%add3A_3288, %broadcast_in_dim3A_3094] : memref<448x32xf32, #tpu.memory_space<vmem>>[vector<16xi32>, vector<16xi32>], vector<16xf32>,
    %mul3A_3291 = arith.mulf %gather3A_3289, %gather3A_3289 : vector<16xf32>
    %add3A_3292 = arith.addf %add3A_3285, %mul3A_3291 : vector<16xf32>
    %mul3A_3293 = arith.mulf %gather3A_3290, %gather3A_3290 : vector<16xf32>
    %add3A_3294 = arith.addf %add3A_3292, %mul3A_3293 : vector<16xf32>
    %add3A_3295 = arith.constant 352 : i32
    %add3A_3296 = vector.broadcast %add3A_3295 : i32 to vector<16xi32>
    %add3A_3297 = arith.addi %add3A_3296, %iota3A : vector<16xi32>
    %gather3A_3298 = tpu.vector_load_idx %arg11[%add3A_3297, %broadcast_in_dim3A_3092] : memref<448x32xf32, #tpu.memory_space<vmem>>[vector<16xi32>, vector<16xi32>], vector<16xf32>,
    %gather3A_3299 = tpu.vector_load_idx %arg11[%add3A_3297, %broadcast_in_dim3A_3094] : memref<448x32xf32, #tpu.memory_space<vmem>>[vector<16xi32>, vector<16xi32>], vector<16xf32>,
    %mul3A_3300 = arith.mulf %gather3A_3298, %gather3A_3298 : vector<16xf32>
    %add3A_3301 = arith.addf %add3A_3294, %mul3A_3300 : vector<16xf32>
    %mul3A_3302 = arith.mulf %gather3A_3299, %gather3A_3299 : vector<16xf32>
    %add3A_3303 = arith.addf %add3A_3301, %mul3A_3302 : vector<16xf32>
    %add3A_3304 = arith.constant 368 : i32
    %add3A_3305 = vector.broadcast %add3A_3304 : i32 to vector<16xi32>
    %add3A_3306 = arith.addi %add3A_3305, %iota3A : vector<16xi32>
    %gather3A_3307 = tpu.vector_load_idx %arg11[%add3A_3306, %broadcast_in_dim3A_3092] : memref<448x32xf32, #tpu.memory_space<vmem>>[vector<16xi32>, vector<16xi32>], vector<16xf32>,
    %gather3A_3308 = tpu.vector_load_idx %arg11[%add3A_3306, %broadcast_in_dim3A_3094] : memref<448x32xf32, #tpu.memory_space<vmem>>[vector<16xi32>, vector<16xi32>], vector<16xf32>,
    %mul3A_3309 = arith.mulf %gather3A_3307, %gather3A_3307 : vector<16xf32>
    %add3A_3310 = arith.addf %add3A_3303, %mul3A_3309 : vector<16xf32>
    %mul3A_3311 = arith.mulf %gather3A_3308, %gather3A_3308 : vector<16xf32>
    %add3A_3312 = arith.addf %add3A_3310, %mul3A_3311 : vector<16xf32>
    %add3A_3313 = arith.constant 384 : i32
    %add3A_3314 = vector.broadcast %add3A_3313 : i32 to vector<16xi32>
    %add3A_3315 = arith.addi %add3A_3314, %iota3A : vector<16xi32>
    %gather3A_3316 = tpu.vector_load_idx %arg11[%add3A_3315, %broadcast_in_dim3A_3092] : memref<448x32xf32, #tpu.memory_space<vmem>>[vector<16xi32>, vector<16xi32>], vector<16xf32>,
    %gather3A_3317 = tpu.vector_load_idx %arg11[%add3A_3315, %broadcast_in_dim3A_3094] : memref<448x32xf32, #tpu.memory_space<vmem>>[vector<16xi32>, vector<16xi32>], vector<16xf32>,
    %mul3A_3318 = arith.mulf %gather3A_3316, %gather3A_3316 : vector<16xf32>
    %add3A_3319 = arith.addf %add3A_3312, %mul3A_3318 : vector<16xf32>
    %mul3A_3320 = arith.mulf %gather3A_3317, %gather3A_3317 : vector<16xf32>
    %add3A_3321 = arith.addf %add3A_3319, %mul3A_3320 : vector<16xf32>
    %add3A_3322 = arith.constant 400 : i32
    %add3A_3323 = vector.broadcast %add3A_3322 : i32 to vector<16xi32>
    %add3A_3324 = arith.addi %add3A_3323, %iota3A : vector<16xi32>
    %gather3A_3325 = tpu.vector_load_idx %arg11[%add3A_3324, %broadcast_in_dim3A_3092] : memref<448x32xf32, #tpu.memory_space<vmem>>[vector<16xi32>, vector<16xi32>], vector<16xf32>,
    %gather3A_3326 = tpu.vector_load_idx %arg11[%add3A_3324, %broadcast_in_dim3A_3094] : memref<448x32xf32, #tpu.memory_space<vmem>>[vector<16xi32>, vector<16xi32>], vector<16xf32>,
    %mul3A_3327 = arith.mulf %gather3A_3325, %gather3A_3325 : vector<16xf32>
    %add3A_3328 = arith.addf %add3A_3321, %mul3A_3327 : vector<16xf32>
    %mul3A_3329 = arith.mulf %gather3A_3326, %gather3A_3326 : vector<16xf32>
    %add3A_3330 = arith.addf %add3A_3328, %mul3A_3329 : vector<16xf32>
    %add3A_3331 = arith.constant 416 : i32
    %add3A_3332 = vector.broadcast %add3A_3331 : i32 to vector<16xi32>
    %add3A_3333 = arith.addi %add3A_3332, %iota3A : vector<16xi32>
    %gather3A_3334 = tpu.vector_load_idx %arg11[%add3A_3333, %broadcast_in_dim3A_3092] : memref<448x32xf32, #tpu.memory_space<vmem>>[vector<16xi32>, vector<16xi32>], vector<16xf32>,
    %gather3A_3335 = tpu.vector_load_idx %arg11[%add3A_3333, %broadcast_in_dim3A_3094] : memref<448x32xf32, #tpu.memory_space<vmem>>[vector<16xi32>, vector<16xi32>], vector<16xf32>,
    %mul3A_3336 = arith.mulf %gather3A_3334, %gather3A_3334 : vector<16xf32>
    %add3A_3337 = arith.addf %add3A_3330, %mul3A_3336 : vector<16xf32>
    %mul3A_3338 = arith.mulf %gather3A_3335, %gather3A_3335 : vector<16xf32>
    %add3A_3339 = arith.addf %add3A_3337, %mul3A_3338 : vector<16xf32>
    %add3A_3340 = arith.constant 432 : i32
    %add3A_3341 = vector.broadcast %add3A_3340 : i32 to vector<16xi32>
    %add3A_3342 = arith.addi %add3A_3341, %iota3A : vector<16xi32>
    %gather3A_3343 = tpu.vector_load_idx %arg11[%add3A_3342, %broadcast_in_dim3A_3092] : memref<448x32xf32, #tpu.memory_space<vmem>>[vector<16xi32>, vector<16xi32>], vector<16xf32>,
    %gather3A_3344 = tpu.vector_load_idx %arg11[%add3A_3342, %broadcast_in_dim3A_3094] : memref<448x32xf32, #tpu.memory_space<vmem>>[vector<16xi32>, vector<16xi32>], vector<16xf32>,
    %mul3A_3345 = arith.mulf %gather3A_3343, %gather3A_3343 : vector<16xf32>
    %add3A_3346 = arith.addf %add3A_3339, %mul3A_3345 : vector<16xf32>
    %mul3A_3347 = arith.mulf %gather3A_3344, %gather3A_3344 : vector<16xf32>
    %add3A_3348 = arith.addf %add3A_3346, %mul3A_3347 : vector<16xf32>
    %dma_wait3A_3349 = arith.constant 0 : i32
    %dma_wait3A_3350 = arith.constant 0 : i32
    %dma_wait3A_3351 = tpu.memref_slice %arg2[%dma_wait3A_3349, %dma_wait3A_3350] : memref<14336x128xf32, #tpu.memory_space<hbm>> -> memref<14336x128xf32, #tpu.memory_space<hbm>>
    tpu.wait_indirect_dma semaphore(%arg13 : memref<!tpu.dma_semaphore, #tpu.memory_space<semaphore_mem>>) src(%dma_wait3A_3351 : memref<14336x128xf32, #tpu.memory_space<hbm>>) dst(%arg10 : memref<16x128xf32, #tpu.memory_space<vmem>>)
    %broadcast_in_dim3A_3352 = arith.constant 0 : i32
    %broadcast_in_dim3A_3353 = vector.broadcast %broadcast_in_dim3A_3352 : i32 to vector<16xi32>
    %gather3A_3354 = tpu.vector_load_idx %arg10[%iota3A, %broadcast_in_dim3A_3353] : memref<16x128xf32, #tpu.memory_space<vmem>>[vector<16xi32>, vector<16xi32>], vector<16xf32>,
    %broadcast_in_dim3A_3355 = arith.constant 1 : i32
    %broadcast_in_dim3A_3356 = vector.broadcast %broadcast_in_dim3A_3355 : i32 to vector<16xi32>
    %gather3A_3357 = tpu.vector_load_idx %arg10[%iota3A, %broadcast_in_dim3A_3356] : memref<16x128xf32, #tpu.memory_space<vmem>>[vector<16xi32>, vector<16xi32>], vector<16xf32>,
    %broadcast_in_dim3A_3358 = arith.constant 2 : i32
    %broadcast_in_dim3A_3359 = vector.broadcast %broadcast_in_dim3A_3358 : i32 to vector<16xi32>
    %gather3A_3360 = tpu.vector_load_idx %arg10[%iota3A, %broadcast_in_dim3A_3359] : memref<16x128xf32, #tpu.memory_space<vmem>>[vector<16xi32>, vector<16xi32>], vector<16xf32>,
    %broadcast_in_dim3A_3361 = arith.constant 3 : i32
    %broadcast_in_dim3A_3362 = vector.broadcast %broadcast_in_dim3A_3361 : i32 to vector<16xi32>
    %gather3A_3363 = tpu.vector_load_idx %arg10[%iota3A, %broadcast_in_dim3A_3362] : memref<16x128xf32, #tpu.memory_space<vmem>>[vector<16xi32>, vector<16xi32>], vector<16xf32>,
    %broadcast_in_dim3A_3364 = arith.constant 4 : i32
    %broadcast_in_dim3A_3365 = vector.broadcast %broadcast_in_dim3A_3364 : i32 to vector<16xi32>
    %gather3A_3366 = tpu.vector_load_idx %arg10[%iota3A, %broadcast_in_dim3A_3365] : memref<16x128xf32, #tpu.memory_space<vmem>>[vector<16xi32>, vector<16xi32>], vector<16xf32>,
    %broadcast_in_dim3A_3367 = arith.constant 5 : i32
    %broadcast_in_dim3A_3368 = vector.broadcast %broadcast_in_dim3A_3367 : i32 to vector<16xi32>
    %gather3A_3369 = tpu.vector_load_idx %arg10[%iota3A, %broadcast_in_dim3A_3368] : memref<16x128xf32, #tpu.memory_space<vmem>>[vector<16xi32>, vector<16xi32>], vector<16xf32>,
    %broadcast_in_dim3A_3370 = arith.constant 6 : i32
    %broadcast_in_dim3A_3371 = vector.broadcast %broadcast_in_dim3A_3370 : i32 to vector<16xi32>
    %gather3A_3372 = tpu.vector_load_idx %arg10[%iota3A, %broadcast_in_dim3A_3371] : memref<16x128xf32, #tpu.memory_space<vmem>>[vector<16xi32>, vector<16xi32>], vector<16xf32>,
    %broadcast_in_dim3A_3373 = arith.constant 7 : i32
    %broadcast_in_dim3A_3374 = vector.broadcast %broadcast_in_dim3A_3373 : i32 to vector<16xi32>
    %gather3A_3375 = tpu.vector_load_idx %arg10[%iota3A, %broadcast_in_dim3A_3374] : memref<16x128xf32, #tpu.memory_space<vmem>>[vector<16xi32>, vector<16xi32>], vector<16xf32>,
    %broadcast_in_dim3A_3376 = arith.constant 8 : i32
    %broadcast_in_dim3A_3377 = vector.broadcast %broadcast_in_dim3A_3376 : i32 to vector<16xi32>
    %gather3A_3378 = tpu.vector_load_idx %arg10[%iota3A, %broadcast_in_dim3A_3377] : memref<16x128xf32, #tpu.memory_space<vmem>>[vector<16xi32>, vector<16xi32>], vector<16xf32>,
    %broadcast_in_dim3A_3379 = arith.constant 9 : i32
    %broadcast_in_dim3A_3380 = vector.broadcast %broadcast_in_dim3A_3379 : i32 to vector<16xi32>
    %gather3A_3381 = tpu.vector_load_idx %arg10[%iota3A, %broadcast_in_dim3A_3380] : memref<16x128xf32, #tpu.memory_space<vmem>>[vector<16xi32>, vector<16xi32>], vector<16xf32>,
    %add3A_3382 = arith.constant 10 : i32
    %add3A_3383 = vector.broadcast %add3A_3382 : i32 to vector<16xi32>
    %add3A_3384 = arith.addi %add3A_3383, %convert_element_type3A_34 : vector<16xi32>
    %gather3A_3385 = tpu.vector_load_idx %arg10[%iota3A, %add3A_3384] : memref<16x128xf32, #tpu.memory_space<vmem>>[vector<16xi32>, vector<16xi32>], vector<16xf32>,
    %broadcast_in_dim3A_3386 = arith.constant 0.000000e+00 : f32
    %broadcast_in_dim3A_3387 = vector.broadcast %broadcast_in_dim3A_3386 : f32 to vector<16xf32>
    %broadcast_in_dim3A_3388 = arith.constant 10 : i32
    %broadcast_in_dim3A_3389 = vector.broadcast %broadcast_in_dim3A_3388 : i32 to vector<16xi32>
    %gather3A_3390 = tpu.vector_load_idx %arg10[%iota3A, %broadcast_in_dim3A_3389] : memref<16x128xf32, #tpu.memory_space<vmem>>[vector<16xi32>, vector<16xi32>], vector<16xf32>,
    %mul3A_3391 = arith.mulf %gather3A_3390, %gather3A_3390 : vector<16xf32>
    %add3A_3392 = arith.addf %broadcast_in_dim3A_3387, %mul3A_3391 : vector<16xf32>
    %broadcast_in_dim3A_3393 = arith.constant 11 : i32
    %broadcast_in_dim3A_3394 = vector.broadcast %broadcast_in_dim3A_3393 : i32 to vector<16xi32>
    %gather3A_3395 = tpu.vector_load_idx %arg10[%iota3A, %broadcast_in_dim3A_3394] : memref<16x128xf32, #tpu.memory_space<vmem>>[vector<16xi32>, vector<16xi32>], vector<16xf32>,
    %mul3A_3396 = arith.mulf %gather3A_3395, %gather3A_3395 : vector<16xf32>
    %add3A_3397 = arith.addf %add3A_3392, %mul3A_3396 : vector<16xf32>
    %broadcast_in_dim3A_3398 = arith.constant 12 : i32
    %broadcast_in_dim3A_3399 = vector.broadcast %broadcast_in_dim3A_3398 : i32 to vector<16xi32>
    %gather3A_3400 = tpu.vector_load_idx %arg10[%iota3A, %broadcast_in_dim3A_3399] : memref<16x128xf32, #tpu.memory_space<vmem>>[vector<16xi32>, vector<16xi32>], vector<16xf32>,
    %mul3A_3401 = arith.mulf %gather3A_3400, %gather3A_3400 : vector<16xf32>
    %add3A_3402 = arith.addf %add3A_3397, %mul3A_3401 : vector<16xf32>
    %broadcast_in_dim3A_3403 = arith.constant 13 : i32
    %broadcast_in_dim3A_3404 = vector.broadcast %broadcast_in_dim3A_3403 : i32 to vector<16xi32>
    %gather3A_3405 = tpu.vector_load_idx %arg10[%iota3A, %broadcast_in_dim3A_3404] : memref<16x128xf32, #tpu.memory_space<vmem>>[vector<16xi32>, vector<16xi32>], vector<16xf32>,
    %mul3A_3406 = arith.mulf %gather3A_3405, %gather3A_3405 : vector<16xf32>
    %add3A_3407 = arith.addf %add3A_3402, %mul3A_3406 : vector<16xf32>
    %broadcast_in_dim3A_3408 = arith.constant 14 : i32
    %broadcast_in_dim3A_3409 = vector.broadcast %broadcast_in_dim3A_3408 : i32 to vector<16xi32>
    %gather3A_3410 = tpu.vector_load_idx %arg10[%iota3A, %broadcast_in_dim3A_3409] : memref<16x128xf32, #tpu.memory_space<vmem>>[vector<16xi32>, vector<16xi32>], vector<16xf32>,
    %mul3A_3411 = arith.mulf %gather3A_3410, %gather3A_3410 : vector<16xf32>
    %add3A_3412 = arith.addf %add3A_3407, %mul3A_3411 : vector<16xf32>
    %broadcast_in_dim3A_3413 = arith.constant 15 : i32
    %broadcast_in_dim3A_3414 = vector.broadcast %broadcast_in_dim3A_3413 : i32 to vector<16xi32>
    %gather3A_3415 = tpu.vector_load_idx %arg10[%iota3A, %broadcast_in_dim3A_3414] : memref<16x128xf32, #tpu.memory_space<vmem>>[vector<16xi32>, vector<16xi32>], vector<16xf32>,
    %mul3A_3416 = arith.mulf %gather3A_3415, %gather3A_3415 : vector<16xf32>
    %add3A_3417 = arith.addf %add3A_3412, %mul3A_3416 : vector<16xf32>
    %broadcast_in_dim3A_3418 = arith.constant 16 : i32
    %broadcast_in_dim3A_3419 = vector.broadcast %broadcast_in_dim3A_3418 : i32 to vector<16xi32>
    %gather3A_3420 = tpu.vector_load_idx %arg10[%iota3A, %broadcast_in_dim3A_3419] : memref<16x128xf32, #tpu.memory_space<vmem>>[vector<16xi32>, vector<16xi32>], vector<16xf32>,
    %mul3A_3421 = arith.mulf %gather3A_3420, %gather3A_3420 : vector<16xf32>
    %add3A_3422 = arith.addf %add3A_3417, %mul3A_3421 : vector<16xf32>
    %broadcast_in_dim3A_3423 = arith.constant 17 : i32
    %broadcast_in_dim3A_3424 = vector.broadcast %broadcast_in_dim3A_3423 : i32 to vector<16xi32>
    %gather3A_3425 = tpu.vector_load_idx %arg10[%iota3A, %broadcast_in_dim3A_3424] : memref<16x128xf32, #tpu.memory_space<vmem>>[vector<16xi32>, vector<16xi32>], vector<16xf32>,
    %mul3A_3426 = arith.mulf %gather3A_3425, %gather3A_3425 : vector<16xf32>
    %add3A_3427 = arith.addf %add3A_3422, %mul3A_3426 : vector<16xf32>
    %broadcast_in_dim3A_3428 = arith.constant 18 : i32
    %broadcast_in_dim3A_3429 = vector.broadcast %broadcast_in_dim3A_3428 : i32 to vector<16xi32>
    %gather3A_3430 = tpu.vector_load_idx %arg10[%iota3A, %broadcast_in_dim3A_3429] : memref<16x128xf32, #tpu.memory_space<vmem>>[vector<16xi32>, vector<16xi32>], vector<16xf32>,
    %mul3A_3431 = arith.mulf %gather3A_3430, %gather3A_3430 : vector<16xf32>
    %add3A_3432 = arith.addf %add3A_3427, %mul3A_3431 : vector<16xf32>
    %broadcast_in_dim3A_3433 = arith.constant 19 : i32
    %broadcast_in_dim3A_3434 = vector.broadcast %broadcast_in_dim3A_3433 : i32 to vector<16xi32>
    %gather3A_3435 = tpu.vector_load_idx %arg10[%iota3A, %broadcast_in_dim3A_3434] : memref<16x128xf32, #tpu.memory_space<vmem>>[vector<16xi32>, vector<16xi32>], vector<16xf32>,
    %mul3A_3436 = arith.mulf %gather3A_3435, %gather3A_3435 : vector<16xf32>
    %add3A_3437 = arith.addf %add3A_3432, %mul3A_3436 : vector<16xf32>
    %broadcast_in_dim3A_3438 = arith.constant 20 : i32
    %broadcast_in_dim3A_3439 = vector.broadcast %broadcast_in_dim3A_3438 : i32 to vector<16xi32>
    %gather3A_3440 = tpu.vector_load_idx %arg10[%iota3A, %broadcast_in_dim3A_3439] : memref<16x128xf32, #tpu.memory_space<vmem>>[vector<16xi32>, vector<16xi32>], vector<16xf32>,
    %mul3A_3441 = arith.mulf %gather3A_3440, %gather3A_3440 : vector<16xf32>
    %add3A_3442 = arith.addf %add3A_3437, %mul3A_3441 : vector<16xf32>
    %broadcast_in_dim3A_3443 = arith.constant 21 : i32
    %broadcast_in_dim3A_3444 = vector.broadcast %broadcast_in_dim3A_3443 : i32 to vector<16xi32>
    %gather3A_3445 = tpu.vector_load_idx %arg10[%iota3A, %broadcast_in_dim3A_3444] : memref<16x128xf32, #tpu.memory_space<vmem>>[vector<16xi32>, vector<16xi32>], vector<16xf32>,
    %mul3A_3446 = arith.mulf %gather3A_3445, %gather3A_3445 : vector<16xf32>
    %add3A_3447 = arith.addf %add3A_3442, %mul3A_3446 : vector<16xf32>
    %broadcast_in_dim3A_3448 = arith.constant 22 : i32
    %broadcast_in_dim3A_3449 = vector.broadcast %broadcast_in_dim3A_3448 : i32 to vector<16xi32>
    %gather3A_3450 = tpu.vector_load_idx %arg10[%iota3A, %broadcast_in_dim3A_3449] : memref<16x128xf32, #tpu.memory_space<vmem>>[vector<16xi32>, vector<16xi32>], vector<16xf32>,
    %mul3A_3451 = arith.mulf %gather3A_3450, %gather3A_3450 : vector<16xf32>
    %add3A_3452 = arith.addf %add3A_3447, %mul3A_3451 : vector<16xf32>
    %broadcast_in_dim3A_3453 = arith.constant 23 : i32
    %broadcast_in_dim3A_3454 = vector.broadcast %broadcast_in_dim3A_3453 : i32 to vector<16xi32>
    %gather3A_3455 = tpu.vector_load_idx %arg10[%iota3A, %broadcast_in_dim3A_3454] : memref<16x128xf32, #tpu.memory_space<vmem>>[vector<16xi32>, vector<16xi32>], vector<16xf32>,
    %mul3A_3456 = arith.mulf %gather3A_3455, %gather3A_3455 : vector<16xf32>
    %add3A_3457 = arith.addf %add3A_3452, %mul3A_3456 : vector<16xf32>
    %broadcast_in_dim3A_3458 = arith.constant 24 : i32
    %broadcast_in_dim3A_3459 = vector.broadcast %broadcast_in_dim3A_3458 : i32 to vector<16xi32>
    %gather3A_3460 = tpu.vector_load_idx %arg10[%iota3A, %broadcast_in_dim3A_3459] : memref<16x128xf32, #tpu.memory_space<vmem>>[vector<16xi32>, vector<16xi32>], vector<16xf32>,
    %mul3A_3461 = arith.mulf %gather3A_3460, %gather3A_3460 : vector<16xf32>
    %add3A_3462 = arith.addf %add3A_3457, %mul3A_3461 : vector<16xf32>
    %broadcast_in_dim3A_3463 = arith.constant 25 : i32
    %broadcast_in_dim3A_3464 = vector.broadcast %broadcast_in_dim3A_3463 : i32 to vector<16xi32>
    %gather3A_3465 = tpu.vector_load_idx %arg10[%iota3A, %broadcast_in_dim3A_3464] : memref<16x128xf32, #tpu.memory_space<vmem>>[vector<16xi32>, vector<16xi32>], vector<16xf32>,
    %mul3A_3466 = arith.mulf %gather3A_3465, %gather3A_3465 : vector<16xf32>
    %add3A_3467 = arith.addf %add3A_3462, %mul3A_3466 : vector<16xf32>
    %broadcast_in_dim3A_3468 = arith.constant 26 : i32
    %broadcast_in_dim3A_3469 = vector.broadcast %broadcast_in_dim3A_3468 : i32 to vector<16xi32>
    %gather3A_3470 = tpu.vector_load_idx %arg10[%iota3A, %broadcast_in_dim3A_3469] : memref<16x128xf32, #tpu.memory_space<vmem>>[vector<16xi32>, vector<16xi32>], vector<16xf32>,
    %mul3A_3471 = arith.mulf %gather3A_3470, %gather3A_3470 : vector<16xf32>
    %add3A_3472 = arith.addf %add3A_3467, %mul3A_3471 : vector<16xf32>
    %broadcast_in_dim3A_3473 = arith.constant 27 : i32
    %broadcast_in_dim3A_3474 = vector.broadcast %broadcast_in_dim3A_3473 : i32 to vector<16xi32>
    %gather3A_3475 = tpu.vector_load_idx %arg10[%iota3A, %broadcast_in_dim3A_3474] : memref<16x128xf32, #tpu.memory_space<vmem>>[vector<16xi32>, vector<16xi32>], vector<16xf32>,
    %mul3A_3476 = arith.mulf %gather3A_3475, %gather3A_3475 : vector<16xf32>
    %add3A_3477 = arith.addf %add3A_3472, %mul3A_3476 : vector<16xf32>
    %broadcast_in_dim3A_3478 = arith.constant 28 : i32
    %broadcast_in_dim3A_3479 = vector.broadcast %broadcast_in_dim3A_3478 : i32 to vector<16xi32>
    %gather3A_3480 = tpu.vector_load_idx %arg10[%iota3A, %broadcast_in_dim3A_3479] : memref<16x128xf32, #tpu.memory_space<vmem>>[vector<16xi32>, vector<16xi32>], vector<16xf32>,
    %mul3A_3481 = arith.mulf %gather3A_3480, %gather3A_3480 : vector<16xf32>
    %add3A_3482 = arith.addf %add3A_3477, %mul3A_3481 : vector<16xf32>
    %broadcast_in_dim3A_3483 = arith.constant 29 : i32
    %broadcast_in_dim3A_3484 = vector.broadcast %broadcast_in_dim3A_3483 : i32 to vector<16xi32>
    %gather3A_3485 = tpu.vector_load_idx %arg10[%iota3A, %broadcast_in_dim3A_3484] : memref<16x128xf32, #tpu.memory_space<vmem>>[vector<16xi32>, vector<16xi32>], vector<16xf32>,
    %mul3A_3486 = arith.mulf %gather3A_3485, %gather3A_3485 : vector<16xf32>
    %add3A_3487 = arith.addf %add3A_3482, %mul3A_3486 : vector<16xf32>
    %div3A_3488 = vector.broadcast %squeeze3A_5 : f32 to vector<16xf32>
    %div3A_3489 = arith.divf %div3A_72, %div3A_3488 : vector<16xf32>
    %mul3A_3490 = arith.constant 5.000000e-01 : f32
    %mul3A_3491 = vector.broadcast %mul3A_3490 : f32 to vector<16xf32>
    %mul3A_3492 = arith.mulf %sub3A, %mul3A_3491 : vector<16xf32>
    %sub3A_3493 = arith.subf %div3A_3489, %mul3A_3492 : vector<16xf32>
    %div3A_3494 = vector.broadcast %squeeze3A_5 : f32 to vector<16xf32>
    %div3A_3495 = arith.divf %div3A_78, %div3A_3494 : vector<16xf32>
    %mul3A_3496 = arith.constant 5.000000e-01 : f32
    %mul3A_3497 = vector.broadcast %mul3A_3496 : f32 to vector<16xf32>
    %mul3A_3498 = arith.mulf %sub3A_42, %mul3A_3497 : vector<16xf32>
    %sub3A_3499 = arith.subf %div3A_3495, %mul3A_3498 : vector<16xf32>
    %div3A_3500 = vector.broadcast %squeeze3A_5 : f32 to vector<16xf32>
    %div3A_3501 = arith.divf %div3A_72, %div3A_3500 : vector<16xf32>
    %mul3A_3502 = arith.constant 5.000000e-01 : f32
    %mul3A_3503 = vector.broadcast %mul3A_3502 : f32 to vector<16xf32>
    %mul3A_3504 = arith.mulf %sub3A, %mul3A_3503 : vector<16xf32>
    %add3A_3505 = arith.addf %div3A_3501, %mul3A_3504 : vector<16xf32>
    %div3A_3506 = vector.broadcast %squeeze3A_5 : f32 to vector<16xf32>
    %div3A_3507 = arith.divf %div3A_78, %div3A_3506 : vector<16xf32>
    %mul3A_3508 = arith.constant 5.000000e-01 : f32
    %mul3A_3509 = vector.broadcast %mul3A_3508 : f32 to vector<16xf32>
    %mul3A_3510 = arith.mulf %sub3A_42, %mul3A_3509 : vector<16xf32>
    %add3A_3511 = arith.addf %div3A_3507, %mul3A_3510 : vector<16xf32>
    %sub3A_3512 = arith.subf %add3A_3505, %sub3A_3493 : vector<16xf32>
    %sub3A_3513 = arith.subf %add3A_3511, %sub3A_3499 : vector<16xf32>
    %mul3A_3514 = arith.mulf %sub3A_3512, %sub3A_3513 : vector<16xf32>
    %div3A_3515 = vector.broadcast %squeeze3A_5 : f32 to vector<16xf32>
    %div3A_3516 = arith.divf %gather3A_3354, %div3A_3515 : vector<16xf32>
    %mul3A_3517 = arith.constant 5.000000e-01 : f32
    %mul3A_3518 = vector.broadcast %mul3A_3517 : f32 to vector<16xf32>
    %mul3A_3519 = arith.mulf %gather3A_3360, %mul3A_3518 : vector<16xf32>
    %sub3A_3520 = arith.subf %div3A_3516, %mul3A_3519 : vector<16xf32>
    %div3A_3521 = vector.broadcast %squeeze3A_5 : f32 to vector<16xf32>
    %div3A_3522 = arith.divf %gather3A_3357, %div3A_3521 : vector<16xf32>
    %mul3A_3523 = arith.constant 5.000000e-01 : f32
    %mul3A_3524 = vector.broadcast %mul3A_3523 : f32 to vector<16xf32>
    %mul3A_3525 = arith.mulf %gather3A_3363, %mul3A_3524 : vector<16xf32>
    %sub3A_3526 = arith.subf %div3A_3522, %mul3A_3525 : vector<16xf32>
    %div3A_3527 = vector.broadcast %squeeze3A_5 : f32 to vector<16xf32>
    %div3A_3528 = arith.divf %gather3A_3354, %div3A_3527 : vector<16xf32>
    %mul3A_3529 = arith.constant 5.000000e-01 : f32
    %mul3A_3530 = vector.broadcast %mul3A_3529 : f32 to vector<16xf32>
    %mul3A_3531 = arith.mulf %gather3A_3360, %mul3A_3530 : vector<16xf32>
    %add3A_3532 = arith.addf %div3A_3528, %mul3A_3531 : vector<16xf32>
    %div3A_3533 = vector.broadcast %squeeze3A_5 : f32 to vector<16xf32>
    %div3A_3534 = arith.divf %gather3A_3357, %div3A_3533 : vector<16xf32>
    %mul3A_3535 = arith.constant 5.000000e-01 : f32
    %mul3A_3536 = vector.broadcast %mul3A_3535 : f32 to vector<16xf32>
    %mul3A_3537 = arith.mulf %gather3A_3363, %mul3A_3536 : vector<16xf32>
    %add3A_3538 = arith.addf %div3A_3534, %mul3A_3537 : vector<16xf32>
    %sub3A_3539 = arith.subf %add3A_3532, %sub3A_3520 : vector<16xf32>
    %sub3A_3540 = arith.subf %add3A_3538, %sub3A_3526 : vector<16xf32>
    %mul3A_3541 = arith.mulf %sub3A_3539, %sub3A_3540 : vector<16xf32>
    %min3A = arith.minimumf %add3A_3532, %add3A_3505 : vector<16xf32>
    %max3A = arith.maximumf %sub3A_3520, %sub3A_3493 : vector<16xf32>
    %sub3A_3542 = arith.subf %min3A, %max3A : vector<16xf32>
    %max3A_3543 = arith.constant 0.000000e+00 : f32
    %max3A_3544 = vector.broadcast %max3A_3543 : f32 to vector<16xf32>
    %max3A_3545 = arith.maximumf %sub3A_3542, %max3A_3544 : vector<16xf32>
    %min3A_3546 = arith.minimumf %add3A_3538, %add3A_3511 : vector<16xf32>
    %max3A_3547 = arith.maximumf %sub3A_3526, %sub3A_3499 : vector<16xf32>
    %sub3A_3548 = arith.subf %min3A_3546, %max3A_3547 : vector<16xf32>
    %max3A_3549 = arith.constant 0.000000e+00 : f32
    %max3A_3550 = vector.broadcast %max3A_3549 : f32 to vector<16xf32>
    %max3A_3551 = arith.maximumf %sub3A_3548, %max3A_3550 : vector<16xf32>
    %mul3A_3552 = arith.mulf %max3A_3545, %max3A_3551 : vector<16xf32>
    %add3A_3553 = arith.addf %mul3A_3541, %mul3A_3514 : vector<16xf32>
    %sub3A_3554 = arith.subf %add3A_3553, %mul3A_3552 : vector<16xf32>
    %div3A_3555 = arith.divf %mul3A_3552, %sub3A_3554 : vector<16xf32>
    %div3A_3556 = vector.broadcast %squeeze3A_5 : f32 to vector<16xf32>
    %div3A_3557 = arith.divf %gather3A_3369, %div3A_3556 : vector<16xf32>
    %mul3A_3558 = arith.constant 5.000000e-01 : f32
    %mul3A_3559 = vector.broadcast %mul3A_3558 : f32 to vector<16xf32>
    %mul3A_3560 = arith.mulf %gather3A_3375, %mul3A_3559 : vector<16xf32>
    %sub3A_3561 = arith.subf %div3A_3557, %mul3A_3560 : vector<16xf32>
    %div3A_3562 = vector.broadcast %squeeze3A_5 : f32 to vector<16xf32>
    %div3A_3563 = arith.divf %gather3A_3372, %div3A_3562 : vector<16xf32>
    %mul3A_3564 = arith.constant 5.000000e-01 : f32
    %mul3A_3565 = vector.broadcast %mul3A_3564 : f32 to vector<16xf32>
    %mul3A_3566 = arith.mulf %gather3A_3378, %mul3A_3565 : vector<16xf32>
    %sub3A_3567 = arith.subf %div3A_3563, %mul3A_3566 : vector<16xf32>
    %div3A_3568 = vector.broadcast %squeeze3A_5 : f32 to vector<16xf32>
    %div3A_3569 = arith.divf %gather3A_3369, %div3A_3568 : vector<16xf32>
    %mul3A_3570 = arith.constant 5.000000e-01 : f32
    %mul3A_3571 = vector.broadcast %mul3A_3570 : f32 to vector<16xf32>
    %mul3A_3572 = arith.mulf %gather3A_3375, %mul3A_3571 : vector<16xf32>
    %add3A_3573 = arith.addf %div3A_3569, %mul3A_3572 : vector<16xf32>
    %div3A_3574 = vector.broadcast %squeeze3A_5 : f32 to vector<16xf32>
    %div3A_3575 = arith.divf %gather3A_3372, %div3A_3574 : vector<16xf32>
    %mul3A_3576 = arith.constant 5.000000e-01 : f32
    %mul3A_3577 = vector.broadcast %mul3A_3576 : f32 to vector<16xf32>
    %mul3A_3578 = arith.mulf %gather3A_3378, %mul3A_3577 : vector<16xf32>
    %add3A_3579 = arith.addf %div3A_3575, %mul3A_3578 : vector<16xf32>
    %sub3A_3580 = arith.subf %add3A_3573, %sub3A_3561 : vector<16xf32>
    %sub3A_3581 = arith.subf %add3A_3579, %sub3A_3567 : vector<16xf32>
    %mul3A_3582 = arith.mulf %sub3A_3580, %sub3A_3581 : vector<16xf32>
    %min3A_3583 = arith.minimumf %add3A_3573, %add3A_3505 : vector<16xf32>
    %max3A_3584 = arith.maximumf %sub3A_3561, %sub3A_3493 : vector<16xf32>
    %sub3A_3585 = arith.subf %min3A_3583, %max3A_3584 : vector<16xf32>
    %max3A_3586 = arith.constant 0.000000e+00 : f32
    %max3A_3587 = vector.broadcast %max3A_3586 : f32 to vector<16xf32>
    %max3A_3588 = arith.maximumf %sub3A_3585, %max3A_3587 : vector<16xf32>
    %min3A_3589 = arith.minimumf %add3A_3579, %add3A_3511 : vector<16xf32>
    %max3A_3590 = arith.maximumf %sub3A_3567, %sub3A_3499 : vector<16xf32>
    %sub3A_3591 = arith.subf %min3A_3589, %max3A_3590 : vector<16xf32>
    %max3A_3592 = arith.constant 0.000000e+00 : f32
    %max3A_3593 = vector.broadcast %max3A_3592 : f32 to vector<16xf32>
    %max3A_3594 = arith.maximumf %sub3A_3591, %max3A_3593 : vector<16xf32>
    %mul3A_3595 = arith.mulf %max3A_3588, %max3A_3594 : vector<16xf32>
    %add3A_3596 = arith.addf %mul3A_3582, %mul3A_3514 : vector<16xf32>
    %sub3A_3597 = arith.subf %add3A_3596, %mul3A_3595 : vector<16xf32>
    %div3A_3598 = arith.divf %mul3A_3595, %sub3A_3597 : vector<16xf32>
    %gt3A_3599 = arith.cmpf ogt, %div3A_3598, %div3A_3555 : vector<16xf32>
    %select_n3A_3600 = arith.select %gt3A_3599, %div3A_3598, %div3A_3555 : vector<16xi1>, vector<16xf32>
    %select_n3A_3601 = arith.select %gt3A_3599, %gather3A_3369, %gather3A_3354 : vector<16xi1>, vector<16xf32>
    %select_n3A_3602 = arith.select %gt3A_3599, %gather3A_3372, %gather3A_3357 : vector<16xi1>, vector<16xf32>
    %select_n3A_3603 = arith.select %gt3A_3599, %gather3A_3375, %gather3A_3360 : vector<16xi1>, vector<16xf32>
    %select_n3A_3604 = arith.select %gt3A_3599, %gather3A_3378, %gather3A_3363 : vector<16xi1>, vector<16xf32>
    %select_n3A_3605 = arith.select %gt3A_3599, %gather3A_3381, %gather3A_3366 : vector<16xi1>, vector<16xf32>
    %sub3A_3606 = arith.subf %select_n3A_3601, %div3A_72 : vector<16xf32>
    %sub3A_3607 = arith.subf %select_n3A_3602, %div3A_78 : vector<16xf32>
    %bitcast_convert_type3A = tpu.bitcast %select_n3A_3603 : vector<16xf32> -> vector<16xi32>
    %shift_right_arithmetic3A = arith.constant 1 : i32
    %shift_right_arithmetic3A_3608 = vector.broadcast %shift_right_arithmetic3A : i32 to vector<16xi32>
    %shift_right_arithmetic3A_3609 = arith.shrsi %bitcast_convert_type3A, %shift_right_arithmetic3A_3608 : vector<16xi32>
    %sub3A_3610 = arith.constant 1597463007 : i32
    %sub3A_3611 = vector.broadcast %sub3A_3610 : i32 to vector<16xi32>
    %sub3A_3612 = arith.subi %sub3A_3611, %shift_right_arithmetic3A_3609 : vector<16xi32>
    %bitcast_convert_type3A_3613 = tpu.bitcast %sub3A_3612 : vector<16xi32> -> vector<16xf32>
    %mul3A_3614 = arith.constant 5.000000e-01 : f32
    %mul3A_3615 = vector.broadcast %mul3A_3614 : f32 to vector<16xf32>
    %mul3A_3616 = arith.mulf %mul3A_3615, %select_n3A_3603 : vector<16xf32>
    %mul3A_3617 = arith.mulf %mul3A_3616, %bitcast_convert_type3A_3613 : vector<16xf32>
    %mul3A_3618 = arith.mulf %mul3A_3617, %bitcast_convert_type3A_3613 : vector<16xf32>
    %sub3A_3619 = arith.constant 1.500000e+00 : f32
    %sub3A_3620 = vector.broadcast %sub3A_3619 : f32 to vector<16xf32>
    %sub3A_3621 = arith.subf %sub3A_3620, %mul3A_3618 : vector<16xf32>
    %mul3A_3622 = arith.mulf %bitcast_convert_type3A_3613, %sub3A_3621 : vector<16xf32>
    %mul3A_3623 = arith.constant 5.000000e-01 : f32
    %mul3A_3624 = vector.broadcast %mul3A_3623 : f32 to vector<16xf32>
    %mul3A_3625 = arith.mulf %mul3A_3624, %select_n3A_3603 : vector<16xf32>
    %mul3A_3626 = arith.mulf %mul3A_3625, %mul3A_3622 : vector<16xf32>
    %mul3A_3627 = arith.mulf %mul3A_3626, %mul3A_3622 : vector<16xf32>
    %sub3A_3628 = arith.constant 1.500000e+00 : f32
    %sub3A_3629 = vector.broadcast %sub3A_3628 : f32 to vector<16xf32>
    %sub3A_3630 = arith.subf %sub3A_3629, %mul3A_3627 : vector<16xf32>
    %mul3A_3631 = arith.mulf %mul3A_3622, %sub3A_3630 : vector<16xf32>
    %mul3A_3632 = arith.constant 5.000000e-01 : f32
    %mul3A_3633 = vector.broadcast %mul3A_3632 : f32 to vector<16xf32>
    %mul3A_3634 = arith.mulf %mul3A_3633, %select_n3A_3603 : vector<16xf32>
    %mul3A_3635 = arith.mulf %mul3A_3634, %mul3A_3631 : vector<16xf32>
    %mul3A_3636 = arith.mulf %mul3A_3635, %mul3A_3631 : vector<16xf32>
    %sub3A_3637 = arith.constant 1.500000e+00 : f32
    %sub3A_3638 = vector.broadcast %sub3A_3637 : f32 to vector<16xf32>
    %sub3A_3639 = arith.subf %sub3A_3638, %mul3A_3636 : vector<16xf32>
    %mul3A_3640 = arith.mulf %mul3A_3631, %sub3A_3639 : vector<16xf32>
    %mul3A_3641 = arith.mulf %select_n3A_3603, %mul3A_3640 : vector<16xf32>
    %div3A_3642 = arith.divf %select_n3A_3603, %mul3A_3641 : vector<16xf32>
    %add3A_3643 = arith.addf %mul3A_3641, %div3A_3642 : vector<16xf32>
    %mul3A_3644 = arith.constant 5.000000e-01 : f32
    %mul3A_3645 = vector.broadcast %mul3A_3644 : f32 to vector<16xf32>
    %mul3A_3646 = arith.mulf %mul3A_3645, %add3A_3643 : vector<16xf32>
    %bitcast_convert_type3A_3647 = tpu.bitcast %sub3A : vector<16xf32> -> vector<16xi32>
    %shift_right_arithmetic3A_3648 = arith.constant 1 : i32
    %shift_right_arithmetic3A_3649 = vector.broadcast %shift_right_arithmetic3A_3648 : i32 to vector<16xi32>
    %shift_right_arithmetic3A_3650 = arith.shrsi %bitcast_convert_type3A_3647, %shift_right_arithmetic3A_3649 : vector<16xi32>
    %sub3A_3651 = arith.constant 1597463007 : i32
    %sub3A_3652 = vector.broadcast %sub3A_3651 : i32 to vector<16xi32>
    %sub3A_3653 = arith.subi %sub3A_3652, %shift_right_arithmetic3A_3650 : vector<16xi32>
    %bitcast_convert_type3A_3654 = tpu.bitcast %sub3A_3653 : vector<16xi32> -> vector<16xf32>
    %mul3A_3655 = arith.constant 5.000000e-01 : f32
    %mul3A_3656 = vector.broadcast %mul3A_3655 : f32 to vector<16xf32>
    %mul3A_3657 = arith.mulf %mul3A_3656, %sub3A : vector<16xf32>
    %mul3A_3658 = arith.mulf %mul3A_3657, %bitcast_convert_type3A_3654 : vector<16xf32>
    %mul3A_3659 = arith.mulf %mul3A_3658, %bitcast_convert_type3A_3654 : vector<16xf32>
    %sub3A_3660 = arith.constant 1.500000e+00 : f32
    %sub3A_3661 = vector.broadcast %sub3A_3660 : f32 to vector<16xf32>
    %sub3A_3662 = arith.subf %sub3A_3661, %mul3A_3659 : vector<16xf32>
    %mul3A_3663 = arith.mulf %bitcast_convert_type3A_3654, %sub3A_3662 : vector<16xf32>
    %mul3A_3664 = arith.constant 5.000000e-01 : f32
    %mul3A_3665 = vector.broadcast %mul3A_3664 : f32 to vector<16xf32>
    %mul3A_3666 = arith.mulf %mul3A_3665, %sub3A : vector<16xf32>
    %mul3A_3667 = arith.mulf %mul3A_3666, %mul3A_3663 : vector<16xf32>
    %mul3A_3668 = arith.mulf %mul3A_3667, %mul3A_3663 : vector<16xf32>
    %sub3A_3669 = arith.constant 1.500000e+00 : f32
    %sub3A_3670 = vector.broadcast %sub3A_3669 : f32 to vector<16xf32>
    %sub3A_3671 = arith.subf %sub3A_3670, %mul3A_3668 : vector<16xf32>
    %mul3A_3672 = arith.mulf %mul3A_3663, %sub3A_3671 : vector<16xf32>
    %mul3A_3673 = arith.constant 5.000000e-01 : f32
    %mul3A_3674 = vector.broadcast %mul3A_3673 : f32 to vector<16xf32>
    %mul3A_3675 = arith.mulf %mul3A_3674, %sub3A : vector<16xf32>
    %mul3A_3676 = arith.mulf %mul3A_3675, %mul3A_3672 : vector<16xf32>
    %mul3A_3677 = arith.mulf %mul3A_3676, %mul3A_3672 : vector<16xf32>
    %sub3A_3678 = arith.constant 1.500000e+00 : f32
    %sub3A_3679 = vector.broadcast %sub3A_3678 : f32 to vector<16xf32>
    %sub3A_3680 = arith.subf %sub3A_3679, %mul3A_3677 : vector<16xf32>
    %mul3A_3681 = arith.mulf %mul3A_3672, %sub3A_3680 : vector<16xf32>
    %mul3A_3682 = arith.mulf %sub3A, %mul3A_3681 : vector<16xf32>
    %div3A_3683 = arith.divf %sub3A, %mul3A_3682 : vector<16xf32>
    %add3A_3684 = arith.addf %mul3A_3682, %div3A_3683 : vector<16xf32>
    %mul3A_3685 = arith.constant 5.000000e-01 : f32
    %mul3A_3686 = vector.broadcast %mul3A_3685 : f32 to vector<16xf32>
    %mul3A_3687 = arith.mulf %mul3A_3686, %add3A_3684 : vector<16xf32>
    %sub3A_3688 = arith.subf %mul3A_3646, %mul3A_3687 : vector<16xf32>
    %bitcast_convert_type3A_3689 = tpu.bitcast %select_n3A_3604 : vector<16xf32> -> vector<16xi32>
    %shift_right_arithmetic3A_3690 = arith.constant 1 : i32
    %shift_right_arithmetic3A_3691 = vector.broadcast %shift_right_arithmetic3A_3690 : i32 to vector<16xi32>
    %shift_right_arithmetic3A_3692 = arith.shrsi %bitcast_convert_type3A_3689, %shift_right_arithmetic3A_3691 : vector<16xi32>
    %sub3A_3693 = arith.constant 1597463007 : i32
    %sub3A_3694 = vector.broadcast %sub3A_3693 : i32 to vector<16xi32>
    %sub3A_3695 = arith.subi %sub3A_3694, %shift_right_arithmetic3A_3692 : vector<16xi32>
    %bitcast_convert_type3A_3696 = tpu.bitcast %sub3A_3695 : vector<16xi32> -> vector<16xf32>
    %mul3A_3697 = arith.constant 5.000000e-01 : f32
    %mul3A_3698 = vector.broadcast %mul3A_3697 : f32 to vector<16xf32>
    %mul3A_3699 = arith.mulf %mul3A_3698, %select_n3A_3604 : vector<16xf32>
    %mul3A_3700 = arith.mulf %mul3A_3699, %bitcast_convert_type3A_3696 : vector<16xf32>
    %mul3A_3701 = arith.mulf %mul3A_3700, %bitcast_convert_type3A_3696 : vector<16xf32>
    %sub3A_3702 = arith.constant 1.500000e+00 : f32
    %sub3A_3703 = vector.broadcast %sub3A_3702 : f32 to vector<16xf32>
    %sub3A_3704 = arith.subf %sub3A_3703, %mul3A_3701 : vector<16xf32>
    %mul3A_3705 = arith.mulf %bitcast_convert_type3A_3696, %sub3A_3704 : vector<16xf32>
    %mul3A_3706 = arith.constant 5.000000e-01 : f32
    %mul3A_3707 = vector.broadcast %mul3A_3706 : f32 to vector<16xf32>
    %mul3A_3708 = arith.mulf %mul3A_3707, %select_n3A_3604 : vector<16xf32>
    %mul3A_3709 = arith.mulf %mul3A_3708, %mul3A_3705 : vector<16xf32>
    %mul3A_3710 = arith.mulf %mul3A_3709, %mul3A_3705 : vector<16xf32>
    %sub3A_3711 = arith.constant 1.500000e+00 : f32
    %sub3A_3712 = vector.broadcast %sub3A_3711 : f32 to vector<16xf32>
    %sub3A_3713 = arith.subf %sub3A_3712, %mul3A_3710 : vector<16xf32>
    %mul3A_3714 = arith.mulf %mul3A_3705, %sub3A_3713 : vector<16xf32>
    %mul3A_3715 = arith.constant 5.000000e-01 : f32
    %mul3A_3716 = vector.broadcast %mul3A_3715 : f32 to vector<16xf32>
    %mul3A_3717 = arith.mulf %mul3A_3716, %select_n3A_3604 : vector<16xf32>
    %mul3A_3718 = arith.mulf %mul3A_3717, %mul3A_3714 : vector<16xf32>
    %mul3A_3719 = arith.mulf %mul3A_3718, %mul3A_3714 : vector<16xf32>
    %sub3A_3720 = arith.constant 1.500000e+00 : f32
    %sub3A_3721 = vector.broadcast %sub3A_3720 : f32 to vector<16xf32>
    %sub3A_3722 = arith.subf %sub3A_3721, %mul3A_3719 : vector<16xf32>
    %mul3A_3723 = arith.mulf %mul3A_3714, %sub3A_3722 : vector<16xf32>
    %mul3A_3724 = arith.mulf %select_n3A_3604, %mul3A_3723 : vector<16xf32>
    %div3A_3725 = arith.divf %select_n3A_3604, %mul3A_3724 : vector<16xf32>
    %add3A_3726 = arith.addf %mul3A_3724, %div3A_3725 : vector<16xf32>
    %mul3A_3727 = arith.constant 5.000000e-01 : f32
    %mul3A_3728 = vector.broadcast %mul3A_3727 : f32 to vector<16xf32>
    %mul3A_3729 = arith.mulf %mul3A_3728, %add3A_3726 : vector<16xf32>
    %bitcast_convert_type3A_3730 = tpu.bitcast %sub3A_42 : vector<16xf32> -> vector<16xi32>
    %shift_right_arithmetic3A_3731 = arith.constant 1 : i32
    %shift_right_arithmetic3A_3732 = vector.broadcast %shift_right_arithmetic3A_3731 : i32 to vector<16xi32>
    %shift_right_arithmetic3A_3733 = arith.shrsi %bitcast_convert_type3A_3730, %shift_right_arithmetic3A_3732 : vector<16xi32>
    %sub3A_3734 = arith.constant 1597463007 : i32
    %sub3A_3735 = vector.broadcast %sub3A_3734 : i32 to vector<16xi32>
    %sub3A_3736 = arith.subi %sub3A_3735, %shift_right_arithmetic3A_3733 : vector<16xi32>
    %bitcast_convert_type3A_3737 = tpu.bitcast %sub3A_3736 : vector<16xi32> -> vector<16xf32>
    %mul3A_3738 = arith.constant 5.000000e-01 : f32
    %mul3A_3739 = vector.broadcast %mul3A_3738 : f32 to vector<16xf32>
    %mul3A_3740 = arith.mulf %mul3A_3739, %sub3A_42 : vector<16xf32>
    %mul3A_3741 = arith.mulf %mul3A_3740, %bitcast_convert_type3A_3737 : vector<16xf32>
    %mul3A_3742 = arith.mulf %mul3A_3741, %bitcast_convert_type3A_3737 : vector<16xf32>
    %sub3A_3743 = arith.constant 1.500000e+00 : f32
    %sub3A_3744 = vector.broadcast %sub3A_3743 : f32 to vector<16xf32>
    %sub3A_3745 = arith.subf %sub3A_3744, %mul3A_3742 : vector<16xf32>
    %mul3A_3746 = arith.mulf %bitcast_convert_type3A_3737, %sub3A_3745 : vector<16xf32>
    %mul3A_3747 = arith.constant 5.000000e-01 : f32
    %mul3A_3748 = vector.broadcast %mul3A_3747 : f32 to vector<16xf32>
    %mul3A_3749 = arith.mulf %mul3A_3748, %sub3A_42 : vector<16xf32>
    %mul3A_3750 = arith.mulf %mul3A_3749, %mul3A_3746 : vector<16xf32>
    %mul3A_3751 = arith.mulf %mul3A_3750, %mul3A_3746 : vector<16xf32>
    %sub3A_3752 = arith.constant 1.500000e+00 : f32
    %sub3A_3753 = vector.broadcast %sub3A_3752 : f32 to vector<16xf32>
    %sub3A_3754 = arith.subf %sub3A_3753, %mul3A_3751 : vector<16xf32>
    %mul3A_3755 = arith.mulf %mul3A_3746, %sub3A_3754 : vector<16xf32>
    %mul3A_3756 = arith.constant 5.000000e-01 : f32
    %mul3A_3757 = vector.broadcast %mul3A_3756 : f32 to vector<16xf32>
    %mul3A_3758 = arith.mulf %mul3A_3757, %sub3A_42 : vector<16xf32>
    %mul3A_3759 = arith.mulf %mul3A_3758, %mul3A_3755 : vector<16xf32>
    %mul3A_3760 = arith.mulf %mul3A_3759, %mul3A_3755 : vector<16xf32>
    %sub3A_3761 = arith.constant 1.500000e+00 : f32
    %sub3A_3762 = vector.broadcast %sub3A_3761 : f32 to vector<16xf32>
    %sub3A_3763 = arith.subf %sub3A_3762, %mul3A_3760 : vector<16xf32>
    %mul3A_3764 = arith.mulf %mul3A_3755, %sub3A_3763 : vector<16xf32>
    %mul3A_3765 = arith.mulf %sub3A_42, %mul3A_3764 : vector<16xf32>
    %div3A_3766 = arith.divf %sub3A_42, %mul3A_3765 : vector<16xf32>
    %add3A_3767 = arith.addf %mul3A_3765, %div3A_3766 : vector<16xf32>
    %mul3A_3768 = arith.constant 5.000000e-01 : f32
    %mul3A_3769 = vector.broadcast %mul3A_3768 : f32 to vector<16xf32>
    %mul3A_3770 = arith.mulf %mul3A_3769, %add3A_3767 : vector<16xf32>
    %sub3A_3771 = arith.subf %mul3A_3729, %mul3A_3770 : vector<16xf32>
    %sub3A_3772 = arith.subf %select_n3A_3605, %select_n3A_3600 : vector<16xf32>
    %mul3A_3773 = arith.mulf %sub3A_3606, %sub3A_3606 : vector<16xf32>
    %mul3A_3774 = arith.mulf %sub3A_3607, %sub3A_3607 : vector<16xf32>
    %add3A_3775 = arith.addf %mul3A_3773, %mul3A_3774 : vector<16xf32>
    %mul3A_3776 = arith.mulf %sub3A_3688, %sub3A_3688 : vector<16xf32>
    %add3A_3777 = arith.addf %add3A_3775, %mul3A_3776 : vector<16xf32>
    %mul3A_3778 = arith.mulf %sub3A_3771, %sub3A_3771 : vector<16xf32>
    %add3A_3779 = arith.addf %add3A_3777, %mul3A_3778 : vector<16xf32>
    %mul3A_3780 = arith.mulf %sub3A_3772, %sub3A_3772 : vector<16xf32>
    %mul3A_3781 = arith.mulf %gather3A_3366, %gather3A_3366 : vector<16xf32>
    %mul3A_3782 = arith.mulf %gather3A_3381, %gather3A_3381 : vector<16xf32>
    %add3A_3783 = arith.addf %mul3A_3781, %mul3A_3782 : vector<16xf32>
    %mul3A_3784 = arith.constant 5.000000e+00 : f32
    %mul3A_3785 = vector.broadcast %mul3A_3784 : f32 to vector<16xf32>
    %mul3A_3786 = arith.mulf %mul3A_3785, %add3A_3779 : vector<16xf32>
    %add3A_3787 = arith.addf %mul3A_3786, %mul3A_3780 : vector<16xf32>
    %add3A_3788 = arith.addf %add3A_3787, %add3A_3487 : vector<16xf32>
    %mul3A_3789 = arith.constant 5.000000e-01 : f32
    %mul3A_3790 = vector.broadcast %mul3A_3789 : f32 to vector<16xf32>
    %mul3A_3791 = arith.mulf %mul3A_3790, %add3A_3783 : vector<16xf32>
    %sub3A_3792 = arith.subf %add3A_3788, %mul3A_3791 : vector<16xf32>
    %mul3A_3793 = arith.constant 2.000000e+00 : f32
    %mul3A_3794 = vector.broadcast %mul3A_3793 : f32 to vector<16xf32>
    %mul3A_3795 = arith.mulf %mul3A_3794, %gather3A_3385 : vector<16xf32>
    %sub3A_3796 = arith.constant 1.000000e+00 : f32
    %sub3A_3797 = vector.broadcast %sub3A_3796 : f32 to vector<16xf32>
    %sub3A_3798 = arith.subf %sub3A_3797, %mul3A_3795 : vector<16xf32>
    %jit3A_3799 = arith.constant 0.000000e+00 : f32
    %broadcast_in_dim3A_3800 = vector.broadcast %jit3A_3799 : f32 to vector<16xf32>
    %select_n3A_3801 = arith.select %eq3A_3084, %sub3A_3792, %broadcast_in_dim3A_3800 : vector<16xi1>, vector<16xf32>
    %jit3A_3802 = arith.constant 0.000000e+00 : f32
    %broadcast_in_dim3A_3803 = vector.broadcast %jit3A_3802 : f32 to vector<16xf32>
    %select_n3A_3804 = arith.select %eq3A_3087, %sub3A_3798, %broadcast_in_dim3A_3803 : vector<16xi1>, vector<16xf32>
    %add3A_3805 = arith.addf %select_n3A_3801, %select_n3A_3804 : vector<16xf32>
    %mul3A_3806 = arith.constant 5.000000e-01 : f32
    %mul3A_3807 = vector.broadcast %mul3A_3806 : f32 to vector<16xf32>
    %mul3A_3808 = arith.mulf %mul3A_3807, %add3A_3348 : vector<16xf32>
    %add3A_3809 = arith.addf %add3A_3805, %mul3A_3808 : vector<16xf32>
    %mul3A_3810 = arith.constant 3.906250e-03 : f32
    %mul3A_3811 = vector.broadcast %mul3A_3810 : f32 to vector<16xf32>
    %mul3A_3812 = arith.mulf %add3A_3809, %mul3A_3811 : vector<16xf32>
    %swap3A_3813 = arith.constant 0 : index
    %swap3A_3814 = tpu.vector_load %arg12[%swap3A_3813] {strides = array<i32>} : memref<16xf32, #tpu.memory_space<vmem>>, vector<16xf32>,
    tpu.vector_store %arg12[%swap3A_3813], %mul3A_3812 {strides = array<i32>} : memref<16xf32, #tpu.memory_space<vmem>>, vector<16xf32>,
    "tpu.region"() ({
      %run_scoped3A = tpu.sem_alloc : memref<!tpu.dma_semaphore, #tpu.memory_space<semaphore_mem>>
      %dma_start3A_3815 = arith.constant 0 : i32
      %dma_start3A_3816 = tpu.memref_slice %arg6[%add3A, %dma_start3A_3815] : memref<32x16xf32, #tpu.memory_space<hbm>> -> memref<1x16xf32, #tpu.memory_space<hbm>>
      %dma_start3A_3817 = tpu.memref_squeeze %dma_start3A_3816 : memref<1x16xf32, #tpu.memory_space<hbm>> -> memref<16xf32, #tpu.memory_space<hbm>>
      %dma_start3A_3818 = arith.constant 0 : i32
      %dma_start3A_3819 = tpu.memref_slice %arg6[%add3A, %dma_start3A_3818] : memref<32x16xf32, #tpu.memory_space<hbm>> -> memref<1x16xf32, #tpu.memory_space<hbm>>
      %dma_start3A_3820 = tpu.memref_squeeze %dma_start3A_3819 : memref<1x16xf32, #tpu.memory_space<hbm>> -> memref<16xf32, #tpu.memory_space<hbm>>
      tpu.enqueue_dma source(%arg12 : memref<16xf32, #tpu.memory_space<vmem>>) target(%dma_start3A_3820 : memref<16xf32, #tpu.memory_space<hbm>>) target_semaphore(%run_scoped3A : memref<!tpu.dma_semaphore, #tpu.memory_space<semaphore_mem>>)
      %dma_wait3A_3821 = arith.constant 0 : i32
      %dma_wait3A_3822 = tpu.memref_slice %arg6[%add3A, %dma_wait3A_3821] : memref<32x16xf32, #tpu.memory_space<hbm>> -> memref<1x16xf32, #tpu.memory_space<hbm>>
      %dma_wait3A_3823 = tpu.memref_squeeze %dma_wait3A_3822 : memref<1x16xf32, #tpu.memory_space<hbm>> -> memref<16xf32, #tpu.memory_space<hbm>>
      %dma_wait3A_3824 = arith.constant 0 : i32
      %dma_wait3A_3825 = tpu.memref_slice %arg6[%add3A, %dma_wait3A_3824] : memref<32x16xf32, #tpu.memory_space<hbm>> -> memref<1x16xf32, #tpu.memory_space<hbm>>
      %dma_wait3A_3826 = tpu.memref_squeeze %dma_wait3A_3825 : memref<1x16xf32, #tpu.memory_space<hbm>> -> memref<16xf32, #tpu.memory_space<hbm>>
      tpu.wait_dma2 semaphore(%run_scoped3A : memref<!tpu.dma_semaphore, #tpu.memory_space<semaphore_mem>>) src(%arg12 : memref<16xf32, #tpu.memory_space<vmem>>) dst(%dma_wait3A_3826 : memref<16xf32, #tpu.memory_space<hbm>>)
      tpu.yield
    }) : () -> ()
    return
  }
}

</mosaic_0001>

<sc_bundles>
// kernel: _run.3.cloned.1.call-start
scs
__scs_entry_jumppad:
0x0: {  	(pc) =	sbr.rel $0x88, $3  }
0x1: {  	(tag) =	ssettag $0x0;
	lr =	simm.s32 $0x1  }
0x2: {  	[smem:$0x3F9F] =	sst lr;
	_ =	strace $0xD0000000  }
0x3: {  	_ = 	snop  }
0x4: {  	_ = 	snop  }
0x5: {  	_ = 	snop  }
0x6: {  	_ = 	snop  }
0x7: {  	_ = 	snop  }
__scs_overlays_trampoline_lowered:
0x8: {  	[smem:$0x3FAE] =	sst s0  }
0x9: {  	[smem:$0x3FAF] =	sst s1  }
0xa: {  	[smem:$0x3FB0] =	sst s2  }
0xb: {  	[smem:$0x3FB1] =	sst s3  }
0xc: {  	[smem:$0x3FB2] =	sst s4  }
0xd: {  	[smem:$0x3FB3] =	sst s5  }
0xe: {  	[smem:$0x3FB4] =	sst s6  }
0xf: {  	[smem:$0x3FB5] =	sst s7  }
0x10: {  	[smem:$0x3FB6] =	sst s8  }
0x11: {  	[smem:$0x3FB7] =	sst s9;
	s0 =	simm.s32 @!p0 $0x0  }
0x12: {  	s1 =	sld [smem:$0x3F9D];
	s0 =	simm.s32 @p0 $0x1  }
0x13: {  	[smem:$0x3FB8] =	sst s0;
	s0 =	simm.s32 @!p1 $0x0  }
0x14: {  	s2 =	sld [smem:$0x3F9C];
	s0 =	simm.s32 @p1 $0x1  }
0x15: {  	[smem:$0x3FB9] =	sst s0;
	s0 =	simm.s32 @!p2 $0x0  }
0x16: {  	s3 =	sld [smem:$0x3FDB];
	s0 =	simm.s32 @p2 $0x1  }
0x17: {  	s4 =	simm.s32 $0x1BF5;
	[smem:$0x3FBB] =	sst s0  }
0x18: {  	s0 =	sld [smem:$0x3F9E];
	_ =	swait.ge [sflag:s4], $0x0  }
0x19: {  	s7 =	sld [smem:$0x3F9F]  }
0x1a: {  	s8 =	sadd.s32 $0xFFFFE003, lr  }
0x1b: {  	s9 =	sadd.s32 $0xFFFFFEF7, lr;
	s5 =	simm.s32 $0xFFFFFFFF;
	p2 =	slt.u32 s8, $0xFFFFF086  }
0x1c: {  	p1 =	slt.u32 s9, $0xF7A;
	s5 =	simm.s32 @!p2 $0x0  }
0x1d: {  	s5 =	simm.s32 @p1 $0x1;
	p0 =	seq.s32 s7, s2  }
0x1e: {  	s7 =	smul.u32 @!p0 $0xF7A, s2;
	p2 =	seq.s32 @!p0 s5, $0x0  }
0x1f: {  	s9 =	smul.u32 $0xF7A, s1;
	s8 =	simm.s32 @!p0 $0x1BF5;
	p2 =	por !p2, p0  }
0x20: {  	[sflag:s8] =	ssyncset.s32 @!p0 $0xFFFFF086;
	s6 =	sadd.s32 @!p0 s3, s7;
	s7 =	simm.s32 @!p0 $0x108  }
0x21: {  	s3 =	sadd.s32 s3, s9;
	s6 =	sadd.s32 @!p0 $0x88, s6;
	s7 =	simm.s32 @p2 $0x1082  }
0x22: {  	[simem:s7], [sflag:s8] =	dma.local @!p0 [hbm:s6], $0xF7A  }
0x23: {  	s9 =	sor.u32 $0xD0000000, s2;
	s6 =	simm.s32 $0x108;
	_ =	swait.ge @!p0 [sflag:s8], $0x0  }
0x24: {  	s3 =	sadd.s32 $0x88, s3;
	s6 =	simm.s32 @!p1 $0x1082;
	[sflag:s4] =	ssyncset.s32 $0xFFFFF086  }
0x25: {  	[simem:s6], [sflag:s4] =	dma.local [hbm:s3], $0xF7A  }
0x26: {  	[smem:$0x3F9F] =	sst s1;
	(tag) =	ssettag s2;
	_ =	strace s9  }
0x27: {  	s1 =	sld [smem:$0x3FAF]  }
0x28: {  	s2 =	sld [smem:$0x3FB0]  }
0x29: {  	s4 =	sld [smem:$0x3FB2]  }
0x2a: {  	p0 =	seq.s32 s5, $0x0;
	s5 =	sld [smem:$0x3FB3]  }
0x2b: {  	s6 =	sld [smem:$0x3FB4]  }
0x2c: {  	s7 =	sld [smem:$0x3FB5]  }
0x2d: {  	s3 =	simm.s32 $0x108;
	s8 =	sld [smem:$0x3FB6]  }
0x2e: {  	s3 =	simm.s32 @!p0 $0x1082;
	s9 =	sld [smem:$0x3FB7]  }
0x2f: {  	lr =	sadd.s32 s0, s3;
	s0 =	sld [smem:$0x3FAE]  }
0x30: {  	s3 =	sld [smem:$0x3FB1]  }
0x31: {  	[smem:$0x3FBA] =	sst s10  }
0x32: {  	s10 =	sld [smem:$0x3FB8];
	_ =	sdelay $0x3  }
0x33: {  	p0 =	seq.s32 s10, $0x1;
	s10 =	sld [smem:$0x3FBA];
	_ =	sdelay $0x3  }
0x34: {  	[smem:$0x3FBA] =	sst s10  }
0x35: {  	s10 =	sld [smem:$0x3FB9];
	_ =	sdelay $0x3  }
0x36: {  	p1 =	seq.s32 s10, $0x1;
	s10 =	sld [smem:$0x3FBA];
	_ =	sdelay $0x3  }
0x37: {  	[smem:$0x3FBA] =	sst s10  }
0x38: {  	s10 =	sld [smem:$0x3FBB]  }
0x39: {  	_ = 	snop;
	(pc) =	sbr.ind lr, $3  }
0x3a: {  	_ = 	snop  }
0x3b: {  	_ = 	snop  }
0x3c: {  	p2 =	seq.s32 s10, $0x1;
	s10 =	sld [smem:$0x3FBA]  }
0x3d: {  	_ =	shalt  }
0x3e: {  	_ =	shalt  }
0x3f: {  	_ =	shalt  }
0x40: {  	_ =	shalt  }
0x41: {  	_ =	shalt  }
0x42: {  	_ =	shalt  }
0x43: {  	_ =	shalt  }
0x44: {  	_ =	shalt  }
0x45: {  	_ =	shalt  }
0x46: {  	_ =	shalt  }
0x47: {  	_ =	shalt  }
0x48: {  	_ =	shalt  }
0x49: {  	_ =	shalt  }
0x4a: {  	_ =	shalt  }
0x4b: {  	_ =	shalt  }
0x4c: {  	_ =	shalt  }
0x4d: {  	_ =	shalt  }
0x4e: {  	_ =	shalt  }
0x4f: {  	_ =	shalt  }
0x50: {  	_ =	shalt  }
0x51: {  	_ =	shalt  }
0x52: {  	_ =	shalt  }
0x53: {  	_ =	shalt  }
0x54: {  	_ =	shalt  }
0x55: {  	_ =	shalt  }
0x56: {  	_ =	shalt  }
0x57: {  	_ =	shalt  }
0x58: {  	_ =	shalt  }
0x59: {  	_ =	shalt  }
0x5a: {  	_ =	shalt  }
0x5b: {  	_ =	shalt  }
0x5c: {  	_ =	shalt  }
0x5d: {  	_ =	shalt  }
0x5e: {  	_ =	shalt  }
0x5f: {  	_ =	shalt  }
0x60: {  	_ =	shalt  }
0x61: {  	_ =	shalt  }
0x62: {  	_ =	shalt  }
0x63: {  	_ =	shalt  }
0x64: {  	_ =	shalt  }
0x65: {  	_ =	shalt  }
0x66: {  	_ =	shalt  }
0x67: {  	_ =	shalt  }
0x68: {  	_ =	shalt  }
0x69: {  	_ =	shalt  }
0x6a: {  	_ =	shalt  }
0x6b: {  	_ =	shalt  }
0x6c: {  	_ =	shalt  }
0x6d: {  	_ =	shalt  }
0x6e: {  	_ =	shalt  }
0x6f: {  	_ =	shalt  }
0x70: {  	_ =	shalt  }
0x71: {  	_ =	shalt  }
0x72: {  	_ =	shalt  }
0x73: {  	_ =	shalt  }
0x74: {  	_ =	shalt  }
0x75: {  	_ =	shalt  }
0x76: {  	_ =	shalt  }
0x77: {  	_ =	shalt  }
0x78: {  	_ =	shalt  }
0x79: {  	_ =	shalt  }
0x7a: {  	_ =	shalt  }
0x7b: {  	_ =	shalt  }
0x7c: {  	_ =	shalt  }
0x7d: {  	_ =	shalt  }
0x7e: {  	_ =	shalt  }
0x7f: {  	_ =	shalt  }
0x80: {  	_ =	shalt  }
0x81: {  	_ =	shalt  }
0x82: {  	_ =	shalt  }
0x83: {  	_ =	shalt  }
0x84: {  	_ =	shalt  }
0x85: {  	_ =	shalt  }
0x86: {  	_ =	shalt  }
0x87: {  	_ =	shalt  }
.Lfunc_end0:
.L_simem_size_0:
called_computation_lowered:
.L_overlay_start_0:
0x88: {  	s2 =	sld [smem:$0x3FD9]  }
0x89: {  	s3 =	sld [smem:$0x3FFE];
	_ =	sdelay $0x1  }
0x8a: {  	s1 =	srdreg.scid  }
0x8b: {  	s0 =	sand.u32 $0x1, s1  }
0x8c: {  	s17 =	sshll.u32 s0, $0xA;
	s2 =	sadd.s32 s3, s2  }
0x8d: {  	s2 =	sadd.s32 s2, s17  }
0x8e: {  	[smem:$0x3FC6] =	sst s2  }
0x8f: {  	_ = 	snop  }
0x90: {  	s2 =	sld [smem:$0x3FD0];
	(tm) =	ssettm $0x1  }
0x91: {  	s18 =	sld [smem:$0x3FFB];
	_ =	sdelay $0x3  }
0x92: {  	_ =	strace s18  }
0x93: {  	s3 =	sld [smem:$0x3FFC];
	_ =	sdelay $0x3  }
0x94: {  	_ =	strace s3  }
0x95: {  	s3 =	sld [smem:$0x3FFD];
	_ =	sdelay $0x3  }
0x96: {  	_ =	strace s3  }
0x97: {  	_ =	strace $0x8FFFFFFF  }
0x98: {  	s19 =	sld [smem:$0x3FDB];
	_ =	sdelay $0x1  }
0x99: {  	s4 =	simm.s32 $_scs_section_size  }
0x9a: {  	s5 =	simm.s32 $_size__tile_overlayer_lowered;
	s6 =	simm.s32 $_tile_overlayer_lowered  }
0x9b: {  	s22 =	simm.s32 $0x1BFF;
	s21 =	sshll.u32 s6, $0x1;
	s3 =	sadd.s32 s4, s19  }
0x9c: {  	s7 =	simm.s32 $0x0;
	s20 =	sshll.u32 s5, $0x1;
	s5 =	sadd.s32 s21, s3  }
0x9d: {  	[timem:s7], [sflag:s22] =	dma.local [hbm:s5], s20  }
0x9e: {  	_ =	swait.ge [sflag:s22], s20  }
0x9f: {  	s4 =	ssub.s32 $0x0, s20;
	[sflag:s22] =	ssyncset.done $0x0  }
0xa0: {  	[sflag:s22] =	ssyncadd.s32 s4;
	_ =	sdelay $0x1  }
0xa1: {  	s23 =	simm.s32 $0x1B8B  }
0xa2: {  	_ =	swait.ge [sflag:s23], $0x1  }
0xa3: {  	[sflag:s23] =	ssyncset.done $0x0  }
0xa4: {  	s25 =	simm.s32 $0x1B8E;
	s24 =	sld [smem:$0x3FFE];
	[sflag:s23] =	ssyncadd.s32 $0xFFFFFFFF  }
0xa5: {  	s26 =	simm.s32 $execute0_lowered;
	[smem:$0x3FD2] =	sst s25  }
0xa6: {  	s5 =	sshll.u32 s26, $0x1;
	_ =	strace $0x80000046;
	[dreg:$0x1] =	wrdreg $0xFFFFFFFF  }
0xa7: {  	s28 =	simm.s32 $_size_execute0_lowered;
	s3 =	sadd.s32 s3, s5;
	[dreg:$0x0] =	wrdreg $0x0  }
0xa8: {  	s5 =	sshll.u32 s28, $0x1;
	[dreg:$0x2] =	wrdreg s3  }
0xa9: {  	[dreg:$0x3] =	wrdreg s5  }
0xaa: {  	[dreg:$0x4] =	wrdreg $0xC0  }
0xab: {  	_ =	task [dreg:s7], $0x5FFFF  }
0xac: {  	[dreg:$0x1] =	wrdreg $0xFFFFFFFF  }
0xad: {  	[dreg:$0x0] =	wrdreg $0x60  }
0xae: {  	[dreg:$0x2] =	wrdreg s24  }
0xaf: {  	[dreg:$0x3] =	wrdreg s2  }
0xb0: {  	[dreg:$0x4] =	wrdreg $0x9  }
0xb1: {  	_ =	task.clear_ibuf [dreg:s7], $0x5FFFF;
	_ =	strace $0x90000046  }
0xb2: {  	s29 =	simm.s32 $0x9;
	_ =	strace $0x80000048  }
0xb3: {  	_ =	swait.ge [sflag:s29], $0x1  }
0xb4: {  	[sflag:s29] =	ssyncadd.s32 $0xFFFFFFFF  }
0xb5: {  	_ =	strace $0x90000048  }
0xb6: {  	_ =	sfence  }
0xb7: {  	s30 =	sld [smem:$0x0];
	_ =	sdelay $0x2  }
0xb8: {  	s31 =	sshll.u32 s1, $0xD;
	s1 =	sshrl.u32 s1, $0x2  }
0xb9: {  	s3 =	sand.u32 $0x4000, s31;
	s1 =	sadd.s32 s1, s30  }
0xba: {  	s0 =	sor.u32 s3, s0;
	s1 =	sshll.u32 s1, $0x11  }
0xbb: {  	s0 =	sor.u32 s1, s0  }
0xbc: {  	s0 =	sadd.s32 $0x8F2B, s0  }
0xbd: {  	[sflag:s0] =	ssyncadd.remote.s32 $0x1  }
0xbe: {  	_ =	sfence.sel $0xFFFF  }
0xbf: {  	[dreg:$0x0] =	wrdreg $0xFFFFFFFF;
	(pc) =	sbr.abs _section_cstart, $3  }
0xc0: {  	[dreg:$0x1] =	wrdreg $0xFFFFFFFF  }
0xc1: {  	_ =	task.clear_ibuf [dreg:s7], $0x2FFFF;
	_ =	strace $0x9FFFFFFF  }
0xc2: {  	(tm) =	ssettm $0x7FFFFFFF  }
0xc3: {  	_ =	shalt  }
tec
execute0_lowered:
.L_overlay_start_1:
0x0: {  	(tag) =	ssettag $0x1  }
0x1: {  	s1 =	srdreg.scid;
	s0 =	stileid.u32  }
0x2: {  	s6 =	sand.u32 $0x1, s1;
	s30 =	sshll.u32 s0, $0x1  }
0x3: {  	s7 =	sor.u32 s6, s30  }
0x4: {  	v0 =	vlaneseq.u32;
	s1 =	sshll.u32 s7, $0x4  }
0x5: {  	v1 =	vor.u32 s1, v0  }
0x6: {  	v2 =	vmul.u32 $0x6, v1;
	_ =	sdelay $0x1  }
0x7: {  	v3 =	vor.u32 $0x1, v2  }
0x8: {  	s8 =	rddreg [dreg:$0x0];
	[tilespmem:$0x1FC40] =	vst v3;
	v3 =	vadd.s32 $0x2, v2  }
0x9: {  	s2 =	rddreg [dreg:$0x1];
	s3 =	simm.s32 $0x0;
	[tilespmem:$0x1FC50] =	vst v3;
	v3 =	vadd.s32 $0x3, v2  }
0xa: {  	[smem:$0x7FF] =	sst s3;
	[tilespmem:$0x1FC60] =	vst v3;
	v3 =	vadd.s32 $0x4, v2  }
0xb: {  	v7 =	vmul.u32 $0x6, v0;
	s1 =	rddreg [dreg:$0x2];
	_ =	strace $0x80000047;
	[tilespmem:$0x1FC70] =	vst v3  }
0xc: {  	[tilespmem:$0x1FC80] =	vst v2;
	v2 =	vadd.s32 $0x5, v2  }
0xd: {  	[tilespmem:$0x1FC90] =	vst v2;
	v2 =	vor.u32 $0x1, v7  }
0xe: {  	[tilespmem:$0x1FCA0] =	vst v2;
	v2 =	vadd.s32 $0x2, v7  }
0xf: {  	[tilespmem:$0x1FCB0] =	vst v2;
	v2 =	vadd.s32 $0x3, v7  }
0x10: {  	[tilespmem:$0x1FCC0] =	vst v2;
	v2 =	vadd.s32 $0x4, v7  }
0x11: {  	[tilespmem:$0x1FCD0] =	vst v2;
	v2 =	vadd.s32 $0x5, v7  }
0x12: {  	[tilespmem:$0x1FCE0] =	vst v2;
	v2 =	vadd.s32 $0x60, v7  }
0x13: {  	[tilespmem:$0x1FCF0] =	vst v2;
	v2 =	vadd.s32 $0x61, v7  }
0x14: {  	[tilespmem:$0x1FD00] =	vst v2;
	v2 =	vadd.s32 $0x62, v7  }
0x15: {  	[tilespmem:$0x1FD10] =	vst v2;
	v2 =	vadd.s32 $0x63, v7  }
0x16: {  	[tilespmem:$0x1FD20] =	vst v2;
	v2 =	vadd.s32 $0x64, v7  }
0x17: {  	[tilespmem:$0x1FD30] =	vst v2;
	v2 =	vadd.s32 $0x65, v7  }
0x18: {  	[tilespmem:$0x1FD40] =	vst v2;
	v2 =	vadd.s32 $0xC0, v7  }
0x19: {  	[tilespmem:$0x1FD50] =	vst v2;
	v2 =	vadd.s32 $0xC1, v7  }
0x1a: {  	[tilespmem:$0x1FD60] =	vst v2;
	v2 =	vadd.s32 $0xC2, v7  }
0x1b: {  	[tilespmem:$0x1FD70] =	vst v2;
	v2 =	vadd.s32 $0xC3, v7  }
0x1c: {  	[tilespmem:$0x1FD80] =	vst v2;
	v2 =	vadd.s32 $0xC4, v7  }
0x1d: {  	[tilespmem:$0x1FD90] =	vst v2;
	v2 =	vadd.s32 $0xC5, v7  }
0x1e: {  	[tilespmem:$0x1FDA0] =	vst v2;
	v2 =	vadd.s32 $0x120, v7  }
0x1f: {  	[tilespmem:$0x1FDB0] =	vst v2;
	v2 =	vadd.s32 $0x121, v7  }
0x20: {  	[tilespmem:$0x1FDC0] =	vst v2;
	v2 =	vadd.s32 $0x122, v7  }
0x21: {  	[tilespmem:$0x1FDD0] =	vst v2;
	v2 =	vadd.s32 $0x123, v7  }
0x22: {  	[tilespmem:$0x1FDE0] =	vst v2;
	v2 =	vadd.s32 $0x124, v7  }
0x23: {  	[tilespmem:$0x1FDF0] =	vst v2;
	v2 =	vadd.s32 $0x125, v7  }
0x24: {  	[tilespmem:$0x1FE00] =	vst v2;
	v2 =	vor.u32 $0x180, v7  }
0x25: {  	[tilespmem:$0x1FE10] =	vst v2;
	v2 =	vor.u32 $0x181, v7  }
0x26: {  	[tilespmem:$0x1FE20] =	vst v2;
	v2 =	vadd.s32 $0x182, v7  }
0x27: {  	[tilespmem:$0x1FE30] =	vst v2;
	v2 =	vadd.s32 $0x183, v7  }
0x28: {  	[tilespmem:$0x1FE40] =	vst v2;
	v2 =	vadd.s32 $0x184, v7  }
0x29: {  	[tilespmem:$0x1FE50] =	vst v2;
	v2 =	vadd.s32 $0x185, v7  }
0x2a: {  	[tilespmem:$0x1FE60] =	vst v2;
	v2 =	vadd.s32 $0x1E0, v7  }
0x2b: {  	[tilespmem:$0x1FE70] =	vst v2;
	v2 =	vadd.s32 $0x1E1, v7  }
0x2c: {  	[tilespmem:$0x1FE80] =	vst v2;
	v2 =	vadd.s32 $0x1E2, v7  }
0x2d: {  	[tilespmem:$0x1FE90] =	vst v2;
	v2 =	vadd.s32 $0x1E3, v7  }
0x2e: {  	[tilespmem:$0x1FEA0] =	vst v2;
	v2 =	vadd.s32 $0x1E4, v7  }
0x2f: {  	[tilespmem:$0x1FEB0] =	vst v2;
	v2 =	vadd.s32 $0x1E5, v7  }
0x30: {  	[tilespmem:$0x1FEC0] =	vst v2;
	v2 =	vadd.s32 $0x240, v7  }
0x31: {  	[tilespmem:$0x1FED0] =	vst v2;
	v2 =	vadd.s32 $0x241, v7  }
0x32: {  	[tilespmem:$0x1FEE0] =	vst v2;
	v2 =	vadd.s32 $0x242, v7  }
0x33: {  	[tilespmem:$0x1FEF0] =	vst v2;
	v2 =	vadd.s32 $0x243, v7  }
0x34: {  	[tilespmem:$0x1FF00] =	vst v2;
	v2 =	vadd.s32 $0x244, v7  }
0x35: {  	[tilespmem:$0x1FF10] =	vst v2;
	v2 =	vadd.s32 $0x245, v7  }
0x36: {  	[tilespmem:$0x1FF20] =	vst v2;
	v2 =	vadd.s32 $0x2A0, v7  }
0x37: {  	[tilespmem:$0x1FF30] =	vst v2;
	v2 =	vadd.s32 $0x2A1, v7  }
0x38: {  	[tilespmem:$0x1FF40] =	vst v2;
	v2 =	vadd.s32 $0x2A2, v7  }
0x39: {  	v3 =	vimm.f32 $2.000000000e+00;
	[tilespmem:$0x1FF50] =	vst v2;
	v2 =	vadd.s32 $0x2A3, v7  }
0x3a: {  	(erf) = vrcp.f32 v3;
	[tilespmem:$0x1FF60] =	vst v2;
	v2 =	vadd.s32 $0x2A4, v7  }
0x3b: {  	s11 =	simm.s32 $0x4E30;
	s12 =	simm.s32 $0x3;
	[tilespmem:$0x1FF70] =	vst v2;
	v2 =	vadd.s32 $0x2A5, v7  }
0x3c: {  	s13 =	simm.s32 $0x10;
	s14 =	simm.s32 $0xE00;
	s15 =	simm.s32 $0xE10;
	[tilespmem:$0x1FF80] =	vst v2;
	v2 =	vor.u32 $0x300, v7  }
0x3d: {  	s16 =	simm.s32 $0x20;
	s17 =	simm.s32 $0x80;
	s18 =	simm.s32 $0x1610;
	[tilespmem:$0x1FF90] =	vst v2;
	v2 =	vor.u32 $0x301, v7  }
0x3e: {  	s19 =	simm.s32 $0xC00;
	s20 =	simm.s32 $0x2;
	s21 =	simm.s32 $0x1;
	[tilespmem:$0x1FFA0] =	vst v2;
	v2 =	vadd.s32 $0x302, v7  }
0x3f: {  	s22 =	simm.s32 $0x4E10;
	s23 =	simm.s32 $0x0;
	s4 =	sadd.s32 $0x400, s8;
	[tilespmem:$0x1FFB0] =	vst v2;
	v2 =	vadd.s32 $0x303, v7  }
0x40: {  	s5 =	sadd.s32 $0x200, s8;
	s10 =	ssub.s32 $0x2, s6;
	s6 =	sadd.s32 $0x38400, s8;
	[tilespmem:$0x1FFC0] =	vst v2;
	v2 =	vadd.s32 $0x304, v7  }
0x41: {  	s9 =	sshll.u32 s7, $0x1;
	s7 =	smul.u32 $0x1C00, s7;
	s31 =	sshrl.u32 s10, $0x1;
	[tilespmem:$0x1FFD0] =	vst v2;
	v2 =	vadd.s32 $0x305, v7  }
0x42: {  	s8 =	sadd.s32 s9, s8;
	s9 =	ssub.s32 s10, s31;
	s10 =	simm.s32 $0x4E20;
	[tilespmem:$0x1FFE0] =	vst v2;
	v2 =	vadd.s32 $0x360, v7  }
0x43: {  	v9 =	vimm.s32 $0x0;
	s7 =	sadd.s32 s4, s7;
	s8 =	sadd.s32 $0x38600, s8;
	s9 =	smax.u32 s9, $0x1;
	v6 =	vpop (erf);
	[tilespmem:$0x1FFF0] =	vst v2  }
.LBB2_1:
0x44: {  	[tilespmem:s10], [sflag:$0x3] =	stream.linear.gather [hbm4b:s2+s3], $0x1, $0x38;
	[tilespmem:$0x4E40] =	vst v63  }
0x45: {  	_ = 	snop  }
0x46: {  	[tilespmem:s11], [sflag:$0x3] =	stream.linear.gather [hbm4b:s6+s3], $0x1, $0x38;
	[tilespmem:$0x4E40] =	vst v63  }
0x47: {  	_ =	swait.ge [sflag:s12], $0x1  }
0x48: {  	[sflag:s12] =	ssyncset.done $0x0  }
0x49: {  	[sflag:s12] =	ssyncadd.s32 $0xFFFFFFFF  }
0x4a: {  	_ =	swait.ge [sflag:s12], $0x1  }
0x4b: {  	[sflag:s12] =	ssyncset.done $0x0  }
0x4c: {  	[sflag:s12] =	ssyncadd.s32 $0xFFFFFFFF  }
0x4d: {  	v2 =	vld [tilespmem:$0x4E30];
	_ =	sdelay $0x3  }
0x4e: {  	v12 =	vld.msk [tilespmem:$0x4E20 ss:$0x0], $0xffff;
	[tilespmem:s3], [sflag:$0x3] =	stream.linear.gather [hbm4b:s5+s3], $0xC00, $0x38  }
0x4f: {  	[tilespmem:$0x1FC20] =	vst v2  }
0x50: {  	_ =	swait.ge [sflag:s12], $0xC00  }
0x51: {  	v2 =	vld [tilespmem:$0x1FC50];
	_ =	sdelay $0x5  }
0x52: {  	[sflag:s12] =	ssyncset.done $0x0  }
0x53: {  	[sflag:s12] =	ssyncadd.s32 $0xFFFFF400  }
0x54: {  	v10 =	vld.idx.msk [tilespmem:v2+s3+$0x0], $0xffff  }
0x55: {  	v2 =	vld [tilespmem:$0x1FC70];
	_ =	sdelay $0x7  }
0x56: {  	v11 =	vld.idx.msk [tilespmem:v2+s3+$0x0], $0xffff  }
0x57: {  	v2 =	vld [tilespmem:$0x1FC60];
	_ =	sdelay $0x7  }
0x58: {  	v61 =	vld.idx.msk [tilespmem:v2+s3+$0x0], $0xffff  }
0x59: {  	v2 =	vld [tilespmem:$0x1FC90];
	_ =	sdelay $0x7  }
0x5a: {  	v38 =	vld.idx.msk [tilespmem:v2+s3+$0x0], $0xffff  }
0x5b: {  	(erf) = vrcp.f32 v12;
	v2 =	vld [tilespmem:$0x1FC80];
	_ =	sdelay $0x5  }
0x5c: {  	v4 =	vadd.f32 v11, v10;
	_ =	sdelay $0x1  }
0x5d: {  	v13 =	vmul.f32 v4, v6;
	v4 =	vadd.f32 v38, v61;
	v16 =	vld.idx.msk [tilespmem:v2+s3+$0x0], $0xffff  }
0x5e: {  	v8 =	vpop (erf)  }
0x5f: {  	v14 =	vmul.f32 v4, v6;
	v4 =	vmul.f32 v13, v8;
	v2 =	vld [tilespmem:$0x1FC40];
	_ =	sdelay $0x1  }
0x60: {  	v17 =	vtrunc.f32 v4  }
0x61: {  	v19 =	vcvt.f32.s32 v17;
	vm0 =	vgt.f32 v4, v17;
	v16 =	vtrunc.f32 v16  }
0x62: {  	v18 =	vmul.f32 v14, v8;
	v4 =	vcvt.f32.s32 v16;
	v16 =	vsel vm0, $0x1, v9  }
0x63: {  	v16 =	vadd.s32 v16, v19  }
0x64: {  	v17 =	vtrunc.f32 v18;
	v16 =	vadd.s32 $0xFFFFFFFF, v16;
	v4 =	vmul.u32 $0x38, v4  }
0x65: {  	vm0 =	vgt.f32 v18, v17;
	v18 =	vshll.u32 v16, $0x3  }
0x66: {  	v19 =	vcvt.f32.s32 v17;
	v4 =	vadd.s32 v4, v18;
	v18 =	vld.idx.msk [tilespmem:v2+s3+$0x0], $0xffff  }
0x67: {  	v17 =	vsel vm0, $0x1, v9;
	v2 =	vld [tilespmem:$0x1FCB0]  }
0x68: {  	v17 =	vadd.s32 v17, v19  }
0x69: {  	v17 =	vadd.s32 $0xFFFFFFFF, v17  }
0x6a: {  	v4 =	vadd.s32 v17, v4  }
0x6b: {  	[tilespmem:$0xE00] =	vst v4  }
0x6c: {  	[tilespmem:s15], [sflag:$0x1] =	stream.indirect.gather [hbm4b:s4+s13], $0x80, s14, s13, $0xb8;
	[tilespmem:$0x4E40] =	vst v63  }
0x6d: {  	_ = 	snop  }
0x6e: {  	[tilespmem:s18], [sflag:$0x2] =	stream.strided.gather [hbm4b:s7+s16], $0x3800, s17, s16, $0x38;
	[tilespmem:$0x4E40] =	vst v63  }
0x6f: {  	v19 =	vld.idx.msk [tilespmem:v2+s3+$0x0], $0xffff  }
0x70: {  	v2 =	vld [tilespmem:$0x1FCC0];
	_ =	sdelay $0x7  }
0x71: {  	v20 =	vld.idx.msk [tilespmem:v2+s3+$0x0], $0xffff  }
0x72: {  	v2 =	vld [tilespmem:$0x1FCE0];
	_ =	sdelay $0x7  }
0x73: {  	v21 =	vld.idx.msk [tilespmem:v2+s3+$0x0], $0xffff  }
0x74: {  	v2 =	vld [tilespmem:$0x1FCD0];
	_ =	sdelay $0x6  }
0x75: {  	v23 =	vld.idx.msk [tilespmem:v7+s3+$0x0], $0xffff  }
0x76: {  	v22 =	vld.idx.msk [tilespmem:v2+s3+$0x0], $0xffff  }
0x77: {  	v2 =	vld [tilespmem:$0x1FCA0]  }
0x78: {  	v20 =	vadd.f32 v21, v20;
	_ =	sdelay $0x1  }
0x79: {  	v20 =	vmul.f32 v20, v6  }
0x7a: {  	v19 =	vadd.f32 v22, v19  }
0x7b: {  	v21 =	vtrunc.f32 v23;
	v20 =	vmul.f32 v20, v8  }
0x7c: {  	v21 =	vcvt.f32.s32 v21;
	v19 =	vmul.f32 v19, v6  }
0x7d: {  	v23 =	vtrunc.f32 v20  }
0x7e: {  	v21 =	vmul.u32 $0x38, v21;
	v25 =	vcvt.f32.s32 v23;
	v22 =	vld.idx.msk [tilespmem:v2+s3+$0x0], $0xffff;
	v19 =	vmul.f32 v19, v8;
	_ =	sdelay $0x1  }
0x7f: {  	vm0 =	vgt.f32 v20, v23;
	v20 =	vadd.s32 v25, v21;
	v2 =	vld [tilespmem:$0x1FD10];
	v24 =	vtrunc.f32 v19  }
0x80: {  	v26 =	vcvt.f32.s32 v24;
	vm1 =	vgt.f32 v19, v24;
	v19 =	vsel vm0, $0x1, v9  }
0x81: {  	v21 =	vsel vm1, $0x1, v9;
	v19 =	vadd.s32 v19, v20  }
0x82: {  	v20 =	vtrunc.f32 v22;
	v21 =	vadd.s32 v26, v21;
	v19 =	vshll.u32 v19, $0x5  }
0x83: {  	v20 =	vcvt.f32.s32 v20;
	v21 =	vshll.u32 v21, $0x8;
	v19 =	vadd.s32 $0xFFFFFEE0, v19  }
0x84: {  	v19 =	vadd.s32 v19, v21  }
0x85: {  	v19 =	vadd.s32 v20, v19  }
0x86: {  	[tilespmem:$0xC00] =	vst v19  }
0x87: {  	v19 =	vld.idx.msk [tilespmem:v2+s3+$0x0], $0xffff  }
0x88: {  	v2 =	vld [tilespmem:$0x1FD20];
	_ =	sdelay $0x7  }
0x89: {  	v20 =	vld.idx.msk [tilespmem:v2+s3+$0x0], $0xffff  }
0x8a: {  	v2 =	vld [tilespmem:$0x1FD40];
	_ =	sdelay $0x7  }
0x8b: {  	v21 =	vld.idx.msk [tilespmem:v2+s3+$0x0], $0xffff  }
0x8c: {  	v2 =	vld [tilespmem:$0x1FD30];
	_ =	sdelay $0x7  }
0x8d: {  	v22 =	vld.idx.msk [tilespmem:v2+s3+$0x0], $0xffff  }
0x8e: {  	v2 =	vld [tilespmem:$0x1FCF0];
	_ =	sdelay $0x7  }
0x8f: {  	v23 =	vld.idx.msk [tilespmem:v2+s3+$0x0], $0xffff  }
0x90: {  	v2 =	vld [tilespmem:$0x1FD00];
	_ =	sdelay $0x1  }
0x91: {  	v20 =	vadd.f32 v21, v20  }
0x92: {  	v19 =	vadd.f32 v22, v19  }
0x93: {  	v20 =	vmul.f32 v20, v6  }
0x94: {  	v19 =	vmul.f32 v19, v6  }
0x95: {  	v20 =	vmul.f32 v20, v8;
	v21 =	vtrunc.f32 v23  }
0x96: {  	v19 =	vmul.f32 v19, v8;
	v21 =	vcvt.f32.s32 v21  }
0x97: {  	v23 =	vtrunc.f32 v20;
	v22 =	vld.idx.msk [tilespmem:v2+s3+$0x0], $0xffff  }
0x98: {  	v24 =	vtrunc.f32 v19;
	v25 =	vcvt.f32.s32 v23;
	v21 =	vmul.u32 $0x38, v21  }
0x99: {  	v26 =	vcvt.f32.s32 v24;
	vm0 =	vgt.f32 v20, v23;
	v2 =	vld [tilespmem:$0x1FD70]  }
0x9a: {  	vm1 =	vgt.f32 v19, v24;
	v19 =	vsel vm0, $0x1, v9;
	v20 =	vadd.s32 v25, v21  }
0x9b: {  	v21 =	vsel vm1, $0x1, v9;
	v19 =	vadd.s32 v19, v20  }
0x9c: {  	v21 =	vadd.s32 v26, v21;
	v19 =	vshll.u32 v19, $0x5;
	v20 =	vtrunc.f32 v22  }
0x9d: {  	v21 =	vshll.u32 v21, $0x8;
	v19 =	vadd.s32 $0xFFFFFEE0, v19;
	v20 =	vcvt.f32.s32 v20  }
0x9e: {  	v19 =	vadd.s32 v19, v21  }
0x9f: {  	v19 =	vadd.s32 v20, v19  }
0xa0: {  	[tilespmem:$0xC10] =	vst v19  }
0xa1: {  	v19 =	vld.idx.msk [tilespmem:v2+s3+$0x0], $0xffff  }
0xa2: {  	v2 =	vld [tilespmem:$0x1FD80];
	_ =	sdelay $0x7  }
0xa3: {  	v20 =	vld.idx.msk [tilespmem:v2+s3+$0x0], $0xffff  }
0xa4: {  	v2 =	vld [tilespmem:$0x1FDA0];
	_ =	sdelay $0x7  }
0xa5: {  	v21 =	vld.idx.msk [tilespmem:v2+s3+$0x0], $0xffff  }
0xa6: {  	v2 =	vld [tilespmem:$0x1FD90];
	_ =	sdelay $0x7  }
0xa7: {  	v22 =	vld.idx.msk [tilespmem:v2+s3+$0x0], $0xffff  }
0xa8: {  	v2 =	vld [tilespmem:$0x1FD50];
	_ =	sdelay $0x7  }
0xa9: {  	v23 =	vld.idx.msk [tilespmem:v2+s3+$0x0], $0xffff  }
0xaa: {  	v2 =	vld [tilespmem:$0x1FD60];
	_ =	sdelay $0x1  }
0xab: {  	v20 =	vadd.f32 v21, v20  }
0xac: {  	v19 =	vadd.f32 v22, v19  }
0xad: {  	v20 =	vmul.f32 v20, v6  }
0xae: {  	v19 =	vmul.f32 v19, v6  }
0xaf: {  	v20 =	vmul.f32 v20, v8;
	v21 =	vtrunc.f32 v23  }
0xb0: {  	v19 =	vmul.f32 v19, v8;
	v21 =	vcvt.f32.s32 v21  }
0xb1: {  	v23 =	vtrunc.f32 v20;
	v22 =	vld.idx.msk [tilespmem:v2+s3+$0x0], $0xffff  }
0xb2: {  	v24 =	vtrunc.f32 v19;
	v25 =	vcvt.f32.s32 v23;
	v21 =	vmul.u32 $0x38, v21  }
0xb3: {  	v26 =	vcvt.f32.s32 v24;
	vm0 =	vgt.f32 v20, v23;
	v2 =	vld [tilespmem:$0x1FDD0]  }
0xb4: {  	vm1 =	vgt.f32 v19, v24;
	v19 =	vsel vm0, $0x1, v9;
	v20 =	vadd.s32 v25, v21  }
0xb5: {  	v21 =	vsel vm1, $0x1, v9;
	v19 =	vadd.s32 v19, v20  }
0xb6: {  	v21 =	vadd.s32 v26, v21;
	v19 =	vshll.u32 v19, $0x5;
	v20 =	vtrunc.f32 v22  }
0xb7: {  	v21 =	vshll.u32 v21, $0x8;
	v19 =	vadd.s32 $0xFFFFFEE0, v19;
	v20 =	vcvt.f32.s32 v20  }
0xb8: {  	v19 =	vadd.s32 v19, v21  }
0xb9: {  	v19 =	vadd.s32 v20, v19  }
0xba: {  	[tilespmem:$0xC20] =	vst v19  }
0xbb: {  	v19 =	vld.idx.msk [tilespmem:v2+s3+$0x0], $0xffff  }
0xbc: {  	v2 =	vld [tilespmem:$0x1FDE0];
	_ =	sdelay $0x7  }
0xbd: {  	v20 =	vld.idx.msk [tilespmem:v2+s3+$0x0], $0xffff  }
0xbe: {  	v2 =	vld [tilespmem:$0x1FE00];
	_ =	sdelay $0x7  }
0xbf: {  	v21 =	vld.idx.msk [tilespmem:v2+s3+$0x0], $0xffff  }
0xc0: {  	v2 =	vld [tilespmem:$0x1FDF0];
	_ =	sdelay $0x7  }
0xc1: {  	v22 =	vld.idx.msk [tilespmem:v2+s3+$0x0], $0xffff  }
0xc2: {  	v2 =	vld [tilespmem:$0x1FDB0];
	_ =	sdelay $0x7  }
0xc3: {  	v23 =	vld.idx.msk [tilespmem:v2+s3+$0x0], $0xffff  }
0xc4: {  	v2 =	vld [tilespmem:$0x1FDC0];
	_ =	sdelay $0x1  }
0xc5: {  	v20 =	vadd.f32 v21, v20  }
0xc6: {  	v19 =	vadd.f32 v22, v19  }
0xc7: {  	v20 =	vmul.f32 v20, v6  }
0xc8: {  	v19 =	vmul.f32 v19, v6  }
0xc9: {  	v20 =	vmul.f32 v20, v8;
	v21 =	vtrunc.f32 v23  }
0xca: {  	v19 =	vmul.f32 v19, v8;
	v21 =	vcvt.f32.s32 v21  }
0xcb: {  	v23 =	vtrunc.f32 v20;
	v22 =	vld.idx.msk [tilespmem:v2+s3+$0x0], $0xffff  }
0xcc: {  	v24 =	vtrunc.f32 v19;
	v25 =	vcvt.f32.s32 v23;
	v21 =	vmul.u32 $0x38, v21  }
0xcd: {  	v26 =	vcvt.f32.s32 v24;
	vm0 =	vgt.f32 v20, v23;
	v2 =	vld [tilespmem:$0x1FE30]  }
0xce: {  	vm1 =	vgt.f32 v19, v24;
	v19 =	vsel vm0, $0x1, v9;
	v20 =	vadd.s32 v25, v21  }
0xcf: {  	v21 =	vsel vm1, $0x1, v9;
	v19 =	vadd.s32 v19, v20  }
0xd0: {  	v21 =	vadd.s32 v26, v21;
	v19 =	vshll.u32 v19, $0x5;
	v20 =	vtrunc.f32 v22  }
0xd1: {  	v21 =	vshll.u32 v21, $0x8;
	v19 =	vadd.s32 $0xFFFFFEE0, v19;
	v20 =	vcvt.f32.s32 v20  }
0xd2: {  	v19 =	vadd.s32 v19, v21  }
0xd3: {  	v19 =	vadd.s32 v20, v19  }
0xd4: {  	[tilespmem:$0xC30] =	vst v19  }
0xd5: {  	v19 =	vld.idx.msk [tilespmem:v2+s3+$0x0], $0xffff  }
0xd6: {  	v2 =	vld [tilespmem:$0x1FE40];
	_ =	sdelay $0x7  }
0xd7: {  	v20 =	vld.idx.msk [tilespmem:v2+s3+$0x0], $0xffff  }
0xd8: {  	v2 =	vld [tilespmem:$0x1FE60];
	_ =	sdelay $0x7  }
0xd9: {  	v21 =	vld.idx.msk [tilespmem:v2+s3+$0x0], $0xffff  }
0xda: {  	v2 =	vld [tilespmem:$0x1FE50];
	_ =	sdelay $0x7  }
0xdb: {  	v22 =	vld.idx.msk [tilespmem:v2+s3+$0x0], $0xffff  }
0xdc: {  	v2 =	vld [tilespmem:$0x1FE10];
	_ =	sdelay $0x7  }
0xdd: {  	v23 =	vld.idx.msk [tilespmem:v2+s3+$0x0], $0xffff  }
0xde: {  	v2 =	vld [tilespmem:$0x1FE20];
	_ =	sdelay $0x1  }
0xdf: {  	v20 =	vadd.f32 v21, v20  }
0xe0: {  	v19 =	vadd.f32 v22, v19  }
0xe1: {  	v20 =	vmul.f32 v20, v6  }
0xe2: {  	v19 =	vmul.f32 v19, v6  }
0xe3: {  	v20 =	vmul.f32 v20, v8;
	v21 =	vtrunc.f32 v23  }
0xe4: {  	v19 =	vmul.f32 v19, v8;
	v21 =	vcvt.f32.s32 v21  }
0xe5: {  	v23 =	vtrunc.f32 v20;
	v22 =	vld.idx.msk [tilespmem:v2+s3+$0x0], $0xffff  }
0xe6: {  	v24 =	vtrunc.f32 v19;
	v25 =	vcvt.f32.s32 v23;
	v21 =	vmul.u32 $0x38, v21  }
0xe7: {  	v26 =	vcvt.f32.s32 v24;
	vm0 =	vgt.f32 v20, v23;
	v2 =	vld [tilespmem:$0x1FE90]  }
0xe8: {  	vm1 =	vgt.f32 v19, v24;
	v19 =	vsel vm0, $0x1, v9;
	v20 =	vadd.s32 v25, v21  }
0xe9: {  	v21 =	vsel vm1, $0x1, v9;
	v19 =	vadd.s32 v19, v20  }
0xea: {  	v21 =	vadd.s32 v26, v21;
	v19 =	vshll.u32 v19, $0x5;
	v20 =	vtrunc.f32 v22  }
0xeb: {  	v21 =	vshll.u32 v21, $0x8;
	v19 =	vadd.s32 $0xFFFFFEE0, v19;
	v20 =	vcvt.f32.s32 v20  }
0xec: {  	v19 =	vadd.s32 v19, v21  }
0xed: {  	v19 =	vadd.s32 v20, v19  }
0xee: {  	[tilespmem:$0xC40] =	vst v19  }
0xef: {  	v19 =	vld.idx.msk [tilespmem:v2+s3+$0x0], $0xffff  }
0xf0: {  	v2 =	vld [tilespmem:$0x1FEA0];
	_ =	sdelay $0x7  }
0xf1: {  	v20 =	vld.idx.msk [tilespmem:v2+s3+$0x0], $0xffff  }
0xf2: {  	v2 =	vld [tilespmem:$0x1FEC0];
	_ =	sdelay $0x7  }
0xf3: {  	v21 =	vld.idx.msk [tilespmem:v2+s3+$0x0], $0xffff  }
0xf4: {  	v2 =	vld [tilespmem:$0x1FEB0];
	_ =	sdelay $0x7  }
0xf5: {  	v22 =	vld.idx.msk [tilespmem:v2+s3+$0x0], $0xffff  }
0xf6: {  	v2 =	vld [tilespmem:$0x1FE70];
	_ =	sdelay $0x7  }
0xf7: {  	v23 =	vld.idx.msk [tilespmem:v2+s3+$0x0], $0xffff  }
0xf8: {  	v2 =	vld [tilespmem:$0x1FE80];
	_ =	sdelay $0x1  }
0xf9: {  	v20 =	vadd.f32 v21, v20  }
0xfa: {  	v19 =	vadd.f32 v22, v19  }
0xfb: {  	v20 =	vmul.f32 v20, v6  }
0xfc: {  	v19 =	vmul.f32 v19, v6  }
0xfd: {  	v20 =	vmul.f32 v20, v8;
	v21 =	vtrunc.f32 v23  }
0xfe: {  	v19 =	vmul.f32 v19, v8;
	v21 =	vcvt.f32.s32 v21  }
0xff: {  	v23 =	vtrunc.f32 v20;
	v22 =	vld.idx.msk [tilespmem:v2+s3+$0x0], $0xffff  }
0x100: {  	v24 =	vtrunc.f32 v19;
	v25 =	vcvt.f32.s32 v23;
	v21 =	vmul.u32 $0x38, v21  }
0x101: {  	v26 =	vcvt.f32.s32 v24;
	vm0 =	vgt.f32 v20, v23;
	v2 =	vld [tilespmem:$0x1FEF0]  }
0x102: {  	vm1 =	vgt.f32 v19, v24;
	v19 =	vsel vm0, $0x1, v9;
	v20 =	vadd.s32 v25, v21  }
0x103: {  	v21 =	vsel vm1, $0x1, v9;
	v19 =	vadd.s32 v19, v20  }
0x104: {  	v21 =	vadd.s32 v26, v21;
	v19 =	vshll.u32 v19, $0x5;
	v20 =	vtrunc.f32 v22  }
0x105: {  	v21 =	vshll.u32 v21, $0x8;
	v19 =	vadd.s32 $0xFFFFFEE0, v19;
	v20 =	vcvt.f32.s32 v20  }
0x106: {  	v19 =	vadd.s32 v19, v21  }
0x107: {  	v19 =	vadd.s32 v20, v19  }
0x108: {  	[tilespmem:$0xC50] =	vst v19  }
0x109: {  	v19 =	vld.idx.msk [tilespmem:v2+s3+$0x0], $0xffff  }
0x10a: {  	v2 =	vld [tilespmem:$0x1FF00];
	_ =	sdelay $0x7  }
0x10b: {  	v20 =	vld.idx.msk [tilespmem:v2+s3+$0x0], $0xffff  }
0x10c: {  	v2 =	vld [tilespmem:$0x1FF20];
	_ =	sdelay $0x7  }
0x10d: {  	v21 =	vld.idx.msk [tilespmem:v2+s3+$0x0], $0xffff  }
0x10e: {  	v2 =	vld [tilespmem:$0x1FF10];
	_ =	sdelay $0x7  }
0x10f: {  	v22 =	vld.idx.msk [tilespmem:v2+s3+$0x0], $0xffff  }
0x110: {  	v2 =	vld [tilespmem:$0x1FED0];
	_ =	sdelay $0x7  }
0x111: {  	v23 =	vld.idx.msk [tilespmem:v2+s3+$0x0], $0xffff  }
0x112: {  	v2 =	vld [tilespmem:$0x1FEE0];
	_ =	sdelay $0x1  }
0x113: {  	v20 =	vadd.f32 v21, v20  }
0x114: {  	v19 =	vadd.f32 v22, v19  }
0x115: {  	v20 =	vmul.f32 v20, v6  }
0x116: {  	v19 =	vmul.f32 v19, v6  }
0x117: {  	v20 =	vmul.f32 v20, v8;
	v21 =	vtrunc.f32 v23  }
0x118: {  	v19 =	vmul.f32 v19, v8;
	v21 =	vcvt.f32.s32 v21  }
0x119: {  	v23 =	vtrunc.f32 v20;
	v22 =	vld.idx.msk [tilespmem:v2+s3+$0x0], $0xffff  }
0x11a: {  	v24 =	vtrunc.f32 v19;
	v25 =	vcvt.f32.s32 v23;
	v21 =	vmul.u32 $0x38, v21  }
0x11b: {  	v26 =	vcvt.f32.s32 v24;
	vm0 =	vgt.f32 v20, v23;
	v2 =	vld [tilespmem:$0x1FF50]  }
0x11c: {  	vm1 =	vgt.f32 v19, v24;
	v19 =	vsel vm0, $0x1, v9;
	v20 =	vadd.s32 v25, v21  }
0x11d: {  	v21 =	vsel vm1, $0x1, v9;
	v19 =	vadd.s32 v19, v20  }
0x11e: {  	v21 =	vadd.s32 v26, v21;
	v19 =	vshll.u32 v19, $0x5;
	v20 =	vtrunc.f32 v22  }
0x11f: {  	v21 =	vshll.u32 v21, $0x8;
	v19 =	vadd.s32 $0xFFFFFEE0, v19;
	v20 =	vcvt.f32.s32 v20  }
0x120: {  	v19 =	vadd.s32 v19, v21  }
0x121: {  	v19 =	vadd.s32 v20, v19  }
0x122: {  	[tilespmem:$0xC60] =	vst v19  }
0x123: {  	v19 =	vld.idx.msk [tilespmem:v2+s3+$0x0], $0xffff  }
0x124: {  	v2 =	vld [tilespmem:$0x1FF60];
	_ =	sdelay $0x7  }
0x125: {  	v20 =	vld.idx.msk [tilespmem:v2+s3+$0x0], $0xffff  }
0x126: {  	v2 =	vld [tilespmem:$0x1FF80];
	_ =	sdelay $0x7  }
0x127: {  	v21 =	vld.idx.msk [tilespmem:v2+s3+$0x0], $0xffff  }
0x128: {  	v2 =	vld [tilespmem:$0x1FF70];
	_ =	sdelay $0x7  }
0x129: {  	v22 =	vld.idx.msk [tilespmem:v2+s3+$0x0], $0xffff  }
0x12a: {  	v2 =	vld [tilespmem:$0x1FF30];
	_ =	sdelay $0x7  }
0x12b: {  	v23 =	vld.idx.msk [tilespmem:v2+s3+$0x0], $0xffff  }
0x12c: {  	v2 =	vld [tilespmem:$0x1FF40];
	_ =	sdelay $0x1  }
0x12d: {  	v20 =	vadd.f32 v21, v20  }
0x12e: {  	v19 =	vadd.f32 v22, v19  }
0x12f: {  	v20 =	vmul.f32 v20, v6  }
0x130: {  	v19 =	vmul.f32 v19, v6  }
0x131: {  	v20 =	vmul.f32 v20, v8;
	v21 =	vtrunc.f32 v23  }
0x132: {  	v19 =	vmul.f32 v19, v8;
	v21 =	vcvt.f32.s32 v21  }
0x133: {  	v23 =	vtrunc.f32 v20;
	v22 =	vld.idx.msk [tilespmem:v2+s3+$0x0], $0xffff  }
0x134: {  	v24 =	vtrunc.f32 v19;
	v25 =	vcvt.f32.s32 v23;
	v21 =	vmul.u32 $0x38, v21  }
0x135: {  	v26 =	vcvt.f32.s32 v24;
	vm0 =	vgt.f32 v20, v23;
	v2 =	vld [tilespmem:$0x1FFB0]  }
0x136: {  	vm1 =	vgt.f32 v19, v24;
	v19 =	vsel vm0, $0x1, v9;
	v20 =	vadd.s32 v25, v21  }
0x137: {  	v21 =	vsel vm1, $0x1, v9;
	v19 =	vadd.s32 v19, v20  }
0x138: {  	v21 =	vadd.s32 v26, v21;
	v19 =	vshll.u32 v19, $0x5;
	v20 =	vtrunc.f32 v22  }
0x139: {  	v21 =	vshll.u32 v21, $0x8;
	v19 =	vadd.s32 $0xFFFFFEE0, v19;
	v20 =	vcvt.f32.s32 v20  }
0x13a: {  	v19 =	vadd.s32 v19, v21  }
0x13b: {  	v19 =	vadd.s32 v20, v19  }
0x13c: {  	[tilespmem:$0xC70] =	vst v19  }
0x13d: {  	v19 =	vld.idx.msk [tilespmem:v2+s3+$0x0], $0xffff  }
0x13e: {  	v2 =	vld [tilespmem:$0x1FFC0];
	_ =	sdelay $0x7  }
0x13f: {  	v20 =	vld.idx.msk [tilespmem:v2+s3+$0x0], $0xffff  }
0x140: {  	v2 =	vld [tilespmem:$0x1FFE0];
	_ =	sdelay $0x7  }
0x141: {  	v21 =	vld.idx.msk [tilespmem:v2+s3+$0x0], $0xffff  }
0x142: {  	v2 =	vld [tilespmem:$0x1FFD0];
	_ =	sdelay $0x7  }
0x143: {  	v22 =	vld.idx.msk [tilespmem:v2+s3+$0x0], $0xffff  }
0x144: {  	v2 =	vld [tilespmem:$0x1FF90];
	_ =	sdelay $0x7  }
0x145: {  	v23 =	vld.idx.msk [tilespmem:v2+s3+$0x0], $0xffff  }
0x146: {  	v2 =	vld [tilespmem:$0x1FFA0];
	_ =	sdelay $0x1  }
0x147: {  	v20 =	vadd.f32 v21, v20  }
0x148: {  	v19 =	vadd.f32 v22, v19  }
0x149: {  	v20 =	vmul.f32 v20, v6  }
0x14a: {  	v19 =	vmul.f32 v19, v6  }
0x14b: {  	v20 =	vmul.f32 v20, v8;
	v22 =	vtrunc.f32 v23  }
0x14c: {  	v19 =	vmul.f32 v19, v8;
	v22 =	vcvt.f32.s32 v22  }
0x14d: {  	v23 =	vtrunc.f32 v20;
	v21 =	vld.idx.msk [tilespmem:v2+s3+$0x0], $0xffff  }
0x14e: {  	v24 =	vtrunc.f32 v19;
	v25 =	vcvt.f32.s32 v23;
	v22 =	vmul.u32 $0x38, v22  }
0x14f: {  	v26 =	vcvt.f32.s32 v24;
	vm1 =	vgt.f32 v19, v24;
	vm0 =	vgt.f32 v20, v23  }
0x150: {  	v19 =	vsel vm0, $0x1, v9;
	v20 =	vadd.s32 v25, v22;
	v22 =	vsel vm1, $0x1, v9  }
0x151: {  	v23 =	vadd.s32 $0x363, v7;
	v19 =	vadd.s32 v19, v20;
	v20 =	vadd.s32 v26, v22  }
0x152: {  	v22 =	vadd.s32 $0x362, v7;
	v19 =	vshll.u32 v19, $0x5;
	v21 =	vtrunc.f32 v21  }
0x153: {  	v20 =	vshll.u32 v20, $0x8;
	v19 =	vadd.s32 $0xFFFFFEE0, v19;
	v21 =	vcvt.f32.s32 v21  }
0x154: {  	v19 =	vadd.s32 v19, v20;
	v20 =	vadd.s32 $0x365, v7  }
0x155: {  	v2 =	vld [tilespmem:$0x1FFF0];
	v19 =	vadd.s32 v21, v19;
	v21 =	vadd.s32 $0x364, v7  }
0x156: {  	[tilespmem:$0xC80] =	vst v19  }
0x157: {  	v19 =	vld.idx.msk [tilespmem:v22+s3+$0x0], $0xffff  }
0x158: {  	v22 =	vld.idx.msk [tilespmem:v23+s3+$0x0], $0xffff  }
0x159: {  	v20 =	vld.idx.msk [tilespmem:v20+s3+$0x0], $0xffff  }
0x15a: {  	v21 =	vld.idx.msk [tilespmem:v21+s3+$0x0], $0xffff;
	_ =	sdelay $0x1  }
0x15b: {  	v23 =	vadd.s32 $0x361, v7  }
0x15c: {  	v24 =	vld.idx.msk [tilespmem:v2+s3+$0x0], $0xffff  }
0x15d: {  	v20 =	vadd.f32 v20, v22  }
0x15e: {  	v19 =	vadd.f32 v21, v19  }
0x15f: {  	v20 =	vmul.f32 v20, v6  }
0x160: {  	v21 =	vld.idx.msk [tilespmem:v23+s3+$0x0], $0xffff;
	v19 =	vmul.f32 v19, v6  }
0x161: {  	v22 =	vtrunc.f32 v24;
	v20 =	vmul.f32 v20, v8  }
0x162: {  	v22 =	vcvt.f32.s32 v22;
	v19 =	vmul.f32 v19, v8  }
0x163: {  	v23 =	vtrunc.f32 v20  }
0x164: {  	v22 =	vmul.u32 $0x38, v22;
	v25 =	vcvt.f32.s32 v23;
	v24 =	vtrunc.f32 v19  }
0x165: {  	v21 =	vtrunc.f32 v21;
	vm0 =	vgt.f32 v20, v23;
	v26 =	vcvt.f32.s32 v24  }
0x166: {  	vm1 =	vgt.f32 v19, v24;
	v19 =	vsel vm0, $0x1, v9;
	v20 =	vadd.s32 v25, v22  }
0x167: {  	v23 =	vadd.s32 $0x3C3, v7;
	v22 =	vsel vm1, $0x1, v9;
	v19 =	vadd.s32 v19, v20  }
0x168: {  	v20 =	vadd.s32 v26, v22;
	v19 =	vshll.u32 v19, $0x5;
	v22 =	vadd.s32 $0x3C2, v7  }
0x169: {  	v21 =	vcvt.f32.s32 v21;
	v20 =	vshll.u32 v20, $0x8;
	v19 =	vadd.s32 $0xFFFFFEE0, v19  }
0x16a: {  	v19 =	vadd.s32 v19, v20;
	v20 =	vadd.s32 $0x3C5, v7  }
0x16b: {  	v19 =	vadd.s32 v21, v19;
	v21 =	vadd.s32 $0x3C4, v7  }
0x16c: {  	[tilespmem:$0xC90] =	vst v19  }
0x16d: {  	v19 =	vld.idx.msk [tilespmem:v22+s3+$0x0], $0xffff  }
0x16e: {  	v22 =	vadd.s32 $0x3C0, v7;
	v23 =	vld.idx.msk [tilespmem:v23+s3+$0x0], $0xffff  }
0x16f: {  	v20 =	vld.idx.msk [tilespmem:v20+s3+$0x0], $0xffff  }
0x170: {  	v21 =	vld.idx.msk [tilespmem:v21+s3+$0x0], $0xffff;
	_ =	sdelay $0x1  }
0x171: {  	v24 =	vadd.s32 $0x3C1, v7  }
0x172: {  	v22 =	vld.idx.msk [tilespmem:v22+s3+$0x0], $0xffff  }
0x173: {  	v20 =	vadd.f32 v20, v23  }
0x174: {  	v19 =	vadd.f32 v21, v19  }
0x175: {  	v20 =	vmul.f32 v20, v6  }
0x176: {  	v21 =	vld.idx.msk [tilespmem:v24+s3+$0x0], $0xffff;
	v19 =	vmul.f32 v19, v6  }
0x177: {  	v22 =	vtrunc.f32 v22;
	v20 =	vmul.f32 v20, v8  }
0x178: {  	v22 =	vcvt.f32.s32 v22;
	v19 =	vmul.f32 v19, v8  }
0x179: {  	v23 =	vtrunc.f32 v20  }
0x17a: {  	v22 =	vmul.u32 $0x38, v22;
	v24 =	vtrunc.f32 v19;
	v25 =	vcvt.f32.s32 v23  }
0x17b: {  	v21 =	vtrunc.f32 v21;
	vm0 =	vgt.f32 v20, v23;
	v26 =	vcvt.f32.s32 v24  }
0x17c: {  	vm1 =	vgt.f32 v19, v24;
	v19 =	vsel vm0, $0x1, v9;
	v20 =	vadd.s32 v25, v22  }
0x17d: {  	v21 =	vcvt.f32.s32 v21;
	v22 =	vsel vm1, $0x1, v9;
	v19 =	vadd.s32 v19, v20  }
0x17e: {  	v20 =	vadd.s32 v26, v22;
	v22 =	vadd.s32 $0x422, v7;
	v19 =	vshll.u32 v19, $0x5  }
0x17f: {  	v23 =	vadd.s32 $0x423, v7;
	v20 =	vshll.u32 v20, $0x8;
	v19 =	vadd.s32 $0xFFFFFEE0, v19  }
0x180: {  	v19 =	vadd.s32 v19, v20;
	v20 =	vadd.s32 $0x425, v7  }
0x181: {  	v19 =	vadd.s32 v21, v19;
	v21 =	vadd.s32 $0x424, v7  }
0x182: {  	[tilespmem:$0xCA0] =	vst v19  }
0x183: {  	v19 =	vld.idx.msk [tilespmem:v22+s3+$0x0], $0xffff  }
0x184: {  	v22 =	vadd.s32 $0x420, v7;
	v23 =	vld.idx.msk [tilespmem:v23+s3+$0x0], $0xffff  }
0x185: {  	v20 =	vld.idx.msk [tilespmem:v20+s3+$0x0], $0xffff  }
0x186: {  	v21 =	vld.idx.msk [tilespmem:v21+s3+$0x0], $0xffff;
	_ =	sdelay $0x1  }
0x187: {  	v24 =	vadd.s32 $0x421, v7  }
0x188: {  	v22 =	vld.idx.msk [tilespmem:v22+s3+$0x0], $0xffff  }
0x189: {  	v20 =	vadd.f32 v20, v23  }
0x18a: {  	v19 =	vadd.f32 v21, v19  }
0x18b: {  	v20 =	vmul.f32 v20, v6  }
0x18c: {  	v21 =	vld.idx.msk [tilespmem:v24+s3+$0x0], $0xffff;
	v19 =	vmul.f32 v19, v6  }
0x18d: {  	v22 =	vtrunc.f32 v22;
	v20 =	vmul.f32 v20, v8  }
0x18e: {  	v22 =	vcvt.f32.s32 v22;
	v19 =	vmul.f32 v19, v8  }
0x18f: {  	v23 =	vtrunc.f32 v20  }
0x190: {  	v22 =	vmul.u32 $0x38, v22;
	v24 =	vtrunc.f32 v19;
	v25 =	vcvt.f32.s32 v23  }
0x191: {  	v21 =	vtrunc.f32 v21;
	vm0 =	vgt.f32 v20, v23;
	v26 =	vcvt.f32.s32 v24  }
0x192: {  	vm1 =	vgt.f32 v19, v24;
	v19 =	vsel vm0, $0x1, v9;
	v20 =	vadd.s32 v25, v22  }
0x193: {  	v21 =	vcvt.f32.s32 v21;
	v22 =	vsel vm1, $0x1, v9;
	v19 =	vadd.s32 v19, v20  }
0x194: {  	v20 =	vadd.s32 v26, v22;
	v22 =	vadd.s32 $0x482, v7;
	v19 =	vshll.u32 v19, $0x5  }
0x195: {  	v23 =	vadd.s32 $0x483, v7;
	v20 =	vshll.u32 v20, $0x8;
	v19 =	vadd.s32 $0xFFFFFEE0, v19  }
0x196: {  	v19 =	vadd.s32 v19, v20;
	v20 =	vadd.s32 $0x485, v7  }
0x197: {  	v19 =	vadd.s32 v21, v19;
	v21 =	vadd.s32 $0x484, v7  }
0x198: {  	[tilespmem:$0xCB0] =	vst v19  }
0x199: {  	v19 =	vld.idx.msk [tilespmem:v22+s3+$0x0], $0xffff  }
0x19a: {  	v22 =	vor.u32 $0x480, v7;
	v23 =	vld.idx.msk [tilespmem:v23+s3+$0x0], $0xffff  }
0x19b: {  	v20 =	vld.idx.msk [tilespmem:v20+s3+$0x0], $0xffff  }
0x19c: {  	v21 =	vld.idx.msk [tilespmem:v21+s3+$0x0], $0xffff;
	_ =	sdelay $0x1  }
0x19d: {  	v24 =	vor.u32 $0x481, v7  }
0x19e: {  	v22 =	vld.idx.msk [tilespmem:v22+s3+$0x0], $0xffff  }
0x19f: {  	v20 =	vadd.f32 v20, v23  }
0x1a0: {  	v19 =	vadd.f32 v21, v19  }
0x1a1: {  	v20 =	vmul.f32 v20, v6  }
0x1a2: {  	v21 =	vld.idx.msk [tilespmem:v24+s3+$0x0], $0xffff;
	v19 =	vmul.f32 v19, v6  }
0x1a3: {  	v22 =	vtrunc.f32 v22;
	v20 =	vmul.f32 v20, v8  }
0x1a4: {  	v22 =	vcvt.f32.s32 v22;
	v19 =	vmul.f32 v19, v8  }
0x1a5: {  	v23 =	vtrunc.f32 v20  }
0x1a6: {  	v22 =	vmul.u32 $0x38, v22;
	v24 =	vtrunc.f32 v19;
	v25 =	vcvt.f32.s32 v23  }
0x1a7: {  	v21 =	vtrunc.f32 v21;
	vm0 =	vgt.f32 v20, v23;
	v26 =	vcvt.f32.s32 v24  }
0x1a8: {  	vm1 =	vgt.f32 v19, v24;
	v19 =	vsel vm0, $0x1, v9;
	v20 =	vadd.s32 v25, v22  }
0x1a9: {  	v21 =	vcvt.f32.s32 v21;
	v22 =	vsel vm1, $0x1, v9;
	v19 =	vadd.s32 v19, v20  }
0x1aa: {  	v20 =	vadd.s32 v26, v22;
	v22 =	vadd.s32 $0x4E2, v7;
	v19 =	vshll.u32 v19, $0x5  }
0x1ab: {  	v23 =	vadd.s32 $0x4E3, v7;
	v20 =	vshll.u32 v20, $0x8;
	v19 =	vadd.s32 $0xFFFFFEE0, v19  }
0x1ac: {  	v19 =	vadd.s32 v19, v20;
	v20 =	vadd.s32 $0x4E5, v7  }
0x1ad: {  	v19 =	vadd.s32 v21, v19;
	v21 =	vadd.s32 $0x4E4, v7  }
0x1ae: {  	[tilespmem:$0xCC0] =	vst v19  }
0x1af: {  	v19 =	vld.idx.msk [tilespmem:v22+s3+$0x0], $0xffff  }
0x1b0: {  	v22 =	vadd.s32 $0x4E0, v7;
	v23 =	vld.idx.msk [tilespmem:v23+s3+$0x0], $0xffff  }
0x1b1: {  	v20 =	vld.idx.msk [tilespmem:v20+s3+$0x0], $0xffff  }
0x1b2: {  	v21 =	vld.idx.msk [tilespmem:v21+s3+$0x0], $0xffff;
	_ =	sdelay $0x1  }
0x1b3: {  	v24 =	vadd.s32 $0x4E1, v7  }
0x1b4: {  	v22 =	vld.idx.msk [tilespmem:v22+s3+$0x0], $0xffff  }
0x1b5: {  	v20 =	vadd.f32 v20, v23  }
0x1b6: {  	v19 =	vadd.f32 v21, v19  }
0x1b7: {  	v20 =	vmul.f32 v20, v6  }
0x1b8: {  	v21 =	vld.idx.msk [tilespmem:v24+s3+$0x0], $0xffff;
	v19 =	vmul.f32 v19, v6  }
0x1b9: {  	v22 =	vtrunc.f32 v22;
	v20 =	vmul.f32 v20, v8  }
0x1ba: {  	v22 =	vcvt.f32.s32 v22;
	v19 =	vmul.f32 v19, v8  }
0x1bb: {  	v23 =	vtrunc.f32 v20  }
0x1bc: {  	v22 =	vmul.u32 $0x38, v22;
	v24 =	vtrunc.f32 v19;
	v25 =	vcvt.f32.s32 v23  }
0x1bd: {  	v21 =	vtrunc.f32 v21;
	vm0 =	vgt.f32 v20, v23;
	v26 =	vcvt.f32.s32 v24  }
0x1be: {  	vm1 =	vgt.f32 v19, v24;
	v19 =	vsel vm0, $0x1, v9;
	v20 =	vadd.s32 v25, v22  }
0x1bf: {  	v21 =	vcvt.f32.s32 v21;
	v22 =	vsel vm1, $0x1, v9;
	v19 =	vadd.s32 v19, v20  }
0x1c0: {  	v20 =	vadd.s32 v26, v22;
	v22 =	vadd.s32 $0x542, v7;
	v19 =	vshll.u32 v19, $0x5  }
0x1c1: {  	v23 =	vadd.s32 $0x543, v7;
	v20 =	vshll.u32 v20, $0x8;
	v19 =	vadd.s32 $0xFFFFFEE0, v19  }
0x1c2: {  	v19 =	vadd.s32 v19, v20;
	v20 =	vadd.s32 $0x545, v7  }
0x1c3: {  	v19 =	vadd.s32 v21, v19;
	v21 =	vadd.s32 $0x544, v7  }
0x1c4: {  	[tilespmem:$0xCD0] =	vst v19  }
0x1c5: {  	v19 =	vld.idx.msk [tilespmem:v22+s3+$0x0], $0xffff  }
0x1c6: {  	v22 =	vadd.s32 $0x540, v7;
	v23 =	vld.idx.msk [tilespmem:v23+s3+$0x0], $0xffff  }
0x1c7: {  	v20 =	vld.idx.msk [tilespmem:v20+s3+$0x0], $0xffff  }
0x1c8: {  	v21 =	vld.idx.msk [tilespmem:v21+s3+$0x0], $0xffff;
	_ =	sdelay $0x1  }
0x1c9: {  	v24 =	vadd.s32 $0x541, v7  }
0x1ca: {  	v22 =	vld.idx.msk [tilespmem:v22+s3+$0x0], $0xffff  }
0x1cb: {  	v20 =	vadd.f32 v20, v23  }
0x1cc: {  	v19 =	vadd.f32 v21, v19  }
0x1cd: {  	v20 =	vmul.f32 v20, v6  }
0x1ce: {  	v21 =	vld.idx.msk [tilespmem:v24+s3+$0x0], $0xffff;
	v19 =	vmul.f32 v19, v6  }
0x1cf: {  	v22 =	vtrunc.f32 v22;
	v20 =	vmul.f32 v20, v8  }
0x1d0: {  	v22 =	vcvt.f32.s32 v22;
	v19 =	vmul.f32 v19, v8  }
0x1d1: {  	v23 =	vtrunc.f32 v20  }
0x1d2: {  	v22 =	vmul.u32 $0x38, v22;
	v24 =	vtrunc.f32 v19;
	v25 =	vcvt.f32.s32 v23  }
0x1d3: {  	v21 =	vtrunc.f32 v21;
	vm0 =	vgt.f32 v20, v23;
	v26 =	vcvt.f32.s32 v24  }
0x1d4: {  	vm1 =	vgt.f32 v19, v24;
	v19 =	vsel vm0, $0x1, v9;
	v20 =	vadd.s32 v25, v22  }
0x1d5: {  	v21 =	vcvt.f32.s32 v21;
	v22 =	vsel vm1, $0x1, v9;
	v19 =	vadd.s32 v19, v20  }
0x1d6: {  	v20 =	vadd.s32 v26, v22;
	v22 =	vadd.s32 $0x5A2, v7;
	v19 =	vshll.u32 v19, $0x5  }
0x1d7: {  	v23 =	vadd.s32 $0x5A3, v7;
	v20 =	vshll.u32 v20, $0x8;
	v19 =	vadd.s32 $0xFFFFFEE0, v19  }
0x1d8: {  	v19 =	vadd.s32 v19, v20;
	v20 =	vadd.s32 $0x5A5, v7  }
0x1d9: {  	v19 =	vadd.s32 v21, v19;
	v21 =	vadd.s32 $0x5A4, v7  }
0x1da: {  	[tilespmem:$0xCE0] =	vst v19  }
0x1db: {  	v19 =	vld.idx.msk [tilespmem:v22+s3+$0x0], $0xffff  }
0x1dc: {  	v22 =	vadd.s32 $0x5A0, v7;
	v23 =	vld.idx.msk [tilespmem:v23+s3+$0x0], $0xffff  }
0x1dd: {  	v20 =	vld.idx.msk [tilespmem:v20+s3+$0x0], $0xffff  }
0x1de: {  	v21 =	vld.idx.msk [tilespmem:v21+s3+$0x0], $0xffff;
	_ =	sdelay $0x1  }
0x1df: {  	v24 =	vadd.s32 $0x5A1, v7  }
0x1e0: {  	v22 =	vld.idx.msk [tilespmem:v22+s3+$0x0], $0xffff  }
0x1e1: {  	v20 =	vadd.f32 v20, v23  }
0x1e2: {  	v19 =	vadd.f32 v21, v19  }
0x1e3: {  	v20 =	vmul.f32 v20, v6  }
0x1e4: {  	v21 =	vld.idx.msk [tilespmem:v24+s3+$0x0], $0xffff;
	v19 =	vmul.f32 v19, v6  }
0x1e5: {  	v22 =	vtrunc.f32 v22;
	v20 =	vmul.f32 v20, v8  }
0x1e6: {  	v22 =	vcvt.f32.s32 v22;
	v19 =	vmul.f32 v19, v8  }
0x1e7: {  	v23 =	vtrunc.f32 v20  }
0x1e8: {  	v22 =	vmul.u32 $0x38, v22;
	v24 =	vtrunc.f32 v19;
	v25 =	vcvt.f32.s32 v23  }
0x1e9: {  	v21 =	vtrunc.f32 v21;
	vm0 =	vgt.f32 v20, v23;
	v26 =	vcvt.f32.s32 v24  }
0x1ea: {  	vm1 =	vgt.f32 v19, v24;
	v19 =	vsel vm0, $0x1, v9;
	v20 =	vadd.s32 v25, v22  }
0x1eb: {  	v21 =	vcvt.f32.s32 v21;
	v22 =	vsel vm1, $0x1, v9;
	v19 =	vadd.s32 v19, v20  }
0x1ec: {  	v20 =	vadd.s32 v26, v22;
	v22 =	vadd.s32 $0x602, v7;
	v19 =	vshll.u32 v19, $0x5  }
0x1ed: {  	v23 =	vadd.s32 $0x603, v7;
	v20 =	vshll.u32 v20, $0x8;
	v19 =	vadd.s32 $0xFFFFFEE0, v19  }
0x1ee: {  	v19 =	vadd.s32 v19, v20;
	v20 =	vadd.s32 $0x605, v7  }
0x1ef: {  	v19 =	vadd.s32 v21, v19;
	v21 =	vadd.s32 $0x604, v7  }
0x1f0: {  	[tilespmem:$0xCF0] =	vst v19  }
0x1f1: {  	v19 =	vld.idx.msk [tilespmem:v22+s3+$0x0], $0xffff  }
0x1f2: {  	v22 =	vor.u32 $0x600, v7;
	v23 =	vld.idx.msk [tilespmem:v23+s3+$0x0], $0xffff  }
0x1f3: {  	v20 =	vld.idx.msk [tilespmem:v20+s3+$0x0], $0xffff  }
0x1f4: {  	v21 =	vld.idx.msk [tilespmem:v21+s3+$0x0], $0xffff;
	_ =	sdelay $0x1  }
0x1f5: {  	v24 =	vor.u32 $0x601, v7  }
0x1f6: {  	v22 =	vld.idx.msk [tilespmem:v22+s3+$0x0], $0xffff  }
0x1f7: {  	v20 =	vadd.f32 v20, v23  }
0x1f8: {  	v19 =	vadd.f32 v21, v19  }
0x1f9: {  	v20 =	vmul.f32 v20, v6  }
0x1fa: {  	v21 =	vld.idx.msk [tilespmem:v24+s3+$0x0], $0xffff;
	v19 =	vmul.f32 v19, v6  }
0x1fb: {  	v22 =	vtrunc.f32 v22;
	v20 =	vmul.f32 v20, v8  }
0x1fc: {  	v22 =	vcvt.f32.s32 v22;
	v19 =	vmul.f32 v19, v8  }
0x1fd: {  	v23 =	vtrunc.f32 v20  }
0x1fe: {  	v22 =	vmul.u32 $0x38, v22;
	v24 =	vtrunc.f32 v19;
	v25 =	vcvt.f32.s32 v23  }
0x1ff: {  	v21 =	vtrunc.f32 v21;
	vm0 =	vgt.f32 v20, v23;
	v26 =	vcvt.f32.s32 v24  }
0x200: {  	vm1 =	vgt.f32 v19, v24;
	v19 =	vsel vm0, $0x1, v9;
	v20 =	vadd.s32 v25, v22  }
0x201: {  	v21 =	vcvt.f32.s32 v21;
	v22 =	vsel vm1, $0x1, v9;
	v19 =	vadd.s32 v19, v20  }
0x202: {  	v20 =	vadd.s32 v26, v22;
	v22 =	vadd.s32 $0x662, v7;
	v19 =	vshll.u32 v19, $0x5  }
0x203: {  	v23 =	vadd.s32 $0x663, v7;
	v20 =	vshll.u32 v20, $0x8;
	v19 =	vadd.s32 $0xFFFFFEE0, v19  }
0x204: {  	v19 =	vadd.s32 v19, v20;
	v20 =	vadd.s32 $0x665, v7  }
0x205: {  	v19 =	vadd.s32 v21, v19;
	v21 =	vadd.s32 $0x664, v7  }
0x206: {  	[tilespmem:$0xD00] =	vst v19  }
0x207: {  	v19 =	vld.idx.msk [tilespmem:v22+s3+$0x0], $0xffff  }
0x208: {  	v22 =	vadd.s32 $0x660, v7;
	v23 =	vld.idx.msk [tilespmem:v23+s3+$0x0], $0xffff  }
0x209: {  	v20 =	vld.idx.msk [tilespmem:v20+s3+$0x0], $0xffff  }
0x20a: {  	v21 =	vld.idx.msk [tilespmem:v21+s3+$0x0], $0xffff;
	_ =	sdelay $0x1  }
0x20b: {  	v24 =	vadd.s32 $0x661, v7  }
0x20c: {  	v22 =	vld.idx.msk [tilespmem:v22+s3+$0x0], $0xffff  }
0x20d: {  	v20 =	vadd.f32 v20, v23  }
0x20e: {  	v19 =	vadd.f32 v21, v19  }
0x20f: {  	v20 =	vmul.f32 v20, v6  }
0x210: {  	v21 =	vld.idx.msk [tilespmem:v24+s3+$0x0], $0xffff;
	v19 =	vmul.f32 v19, v6  }
0x211: {  	v22 =	vtrunc.f32 v22;
	v20 =	vmul.f32 v20, v8  }
0x212: {  	v22 =	vcvt.f32.s32 v22;
	v19 =	vmul.f32 v19, v8  }
0x213: {  	v23 =	vtrunc.f32 v20  }
0x214: {  	v22 =	vmul.u32 $0x38, v22;
	v24 =	vtrunc.f32 v19;
	v25 =	vcvt.f32.s32 v23  }
0x215: {  	v21 =	vtrunc.f32 v21;
	vm0 =	vgt.f32 v20, v23;
	v26 =	vcvt.f32.s32 v24  }
0x216: {  	vm1 =	vgt.f32 v19, v24;
	v19 =	vsel vm0, $0x1, v9;
	v20 =	vadd.s32 v25, v22  }
0x217: {  	v21 =	vcvt.f32.s32 v21;
	v22 =	vsel vm1, $0x1, v9;
	v19 =	vadd.s32 v19, v20  }
0x218: {  	v20 =	vadd.s32 v26, v22;
	v22 =	vadd.s32 $0x6C2, v7;
	v19 =	vshll.u32 v19, $0x5  }
0x219: {  	v23 =	vadd.s32 $0x6C3, v7;
	v20 =	vshll.u32 v20, $0x8;
	v19 =	vadd.s32 $0xFFFFFEE0, v19  }
0x21a: {  	v19 =	vadd.s32 v19, v20;
	v20 =	vadd.s32 $0x6C5, v7  }
0x21b: {  	v19 =	vadd.s32 v21, v19;
	v21 =	vadd.s32 $0x6C4, v7  }
0x21c: {  	[tilespmem:$0xD10] =	vst v19  }
0x21d: {  	v19 =	vld.idx.msk [tilespmem:v22+s3+$0x0], $0xffff  }
0x21e: {  	v22 =	vadd.s32 $0x6C0, v7;
	v23 =	vld.idx.msk [tilespmem:v23+s3+$0x0], $0xffff  }
0x21f: {  	v20 =	vld.idx.msk [tilespmem:v20+s3+$0x0], $0xffff  }
0x220: {  	v21 =	vld.idx.msk [tilespmem:v21+s3+$0x0], $0xffff;
	_ =	sdelay $0x1  }
0x221: {  	v24 =	vadd.s32 $0x6C1, v7  }
0x222: {  	v22 =	vld.idx.msk [tilespmem:v22+s3+$0x0], $0xffff  }
0x223: {  	v20 =	vadd.f32 v20, v23  }
0x224: {  	v19 =	vadd.f32 v21, v19  }
0x225: {  	v20 =	vmul.f32 v20, v6  }
0x226: {  	v21 =	vld.idx.msk [tilespmem:v24+s3+$0x0], $0xffff;
	v19 =	vmul.f32 v19, v6  }
0x227: {  	v22 =	vtrunc.f32 v22;
	v20 =	vmul.f32 v20, v8  }
0x228: {  	v22 =	vcvt.f32.s32 v22;
	v19 =	vmul.f32 v19, v8  }
0x229: {  	v23 =	vtrunc.f32 v20  }
0x22a: {  	v22 =	vmul.u32 $0x38, v22;
	v24 =	vtrunc.f32 v19;
	v25 =	vcvt.f32.s32 v23  }
0x22b: {  	v21 =	vtrunc.f32 v21;
	vm0 =	vgt.f32 v20, v23;
	v26 =	vcvt.f32.s32 v24  }
0x22c: {  	vm1 =	vgt.f32 v19, v24;
	v19 =	vsel vm0, $0x1, v9;
	v20 =	vadd.s32 v25, v22  }
0x22d: {  	v21 =	vcvt.f32.s32 v21;
	v22 =	vsel vm1, $0x1, v9;
	v19 =	vadd.s32 v19, v20  }
0x22e: {  	v20 =	vadd.s32 v26, v22;
	v22 =	vadd.s32 $0x722, v7;
	v19 =	vshll.u32 v19, $0x5  }
0x22f: {  	v23 =	vadd.s32 $0x723, v7;
	v20 =	vshll.u32 v20, $0x8;
	v19 =	vadd.s32 $0xFFFFFEE0, v19  }
0x230: {  	v19 =	vadd.s32 v19, v20;
	v20 =	vadd.s32 $0x725, v7  }
0x231: {  	v19 =	vadd.s32 v21, v19;
	v21 =	vadd.s32 $0x724, v7  }
0x232: {  	[tilespmem:$0xD20] =	vst v19  }
0x233: {  	v19 =	vld.idx.msk [tilespmem:v22+s3+$0x0], $0xffff  }
0x234: {  	v22 =	vadd.s32 $0x720, v7;
	v23 =	vld.idx.msk [tilespmem:v23+s3+$0x0], $0xffff  }
0x235: {  	v20 =	vld.idx.msk [tilespmem:v20+s3+$0x0], $0xffff  }
0x236: {  	v21 =	vld.idx.msk [tilespmem:v21+s3+$0x0], $0xffff;
	_ =	sdelay $0x1  }
0x237: {  	v24 =	vadd.s32 $0x721, v7  }
0x238: {  	v22 =	vld.idx.msk [tilespmem:v22+s3+$0x0], $0xffff  }
0x239: {  	v20 =	vadd.f32 v20, v23  }
0x23a: {  	v19 =	vadd.f32 v21, v19  }
0x23b: {  	v20 =	vmul.f32 v20, v6  }
0x23c: {  	v21 =	vld.idx.msk [tilespmem:v24+s3+$0x0], $0xffff;
	v19 =	vmul.f32 v19, v6  }
0x23d: {  	v22 =	vtrunc.f32 v22;
	v20 =	vmul.f32 v20, v8  }
0x23e: {  	v22 =	vcvt.f32.s32 v22;
	v19 =	vmul.f32 v19, v8  }
0x23f: {  	v23 =	vtrunc.f32 v20  }
0x240: {  	v22 =	vmul.u32 $0x38, v22;
	v24 =	vtrunc.f32 v19;
	v25 =	vcvt.f32.s32 v23  }
0x241: {  	v21 =	vtrunc.f32 v21;
	vm0 =	vgt.f32 v20, v23;
	v26 =	vcvt.f32.s32 v24  }
0x242: {  	vm1 =	vgt.f32 v19, v24;
	v19 =	vsel vm0, $0x1, v9;
	v20 =	vadd.s32 v25, v22  }
0x243: {  	v21 =	vcvt.f32.s32 v21;
	v22 =	vsel vm1, $0x1, v9;
	v19 =	vadd.s32 v19, v20  }
0x244: {  	v20 =	vadd.s32 v26, v22;
	v22 =	vadd.s32 $0x782, v7;
	v19 =	vshll.u32 v19, $0x5  }
0x245: {  	v23 =	vadd.s32 $0x783, v7;
	v20 =	vshll.u32 v20, $0x8;
	v19 =	vadd.s32 $0xFFFFFEE0, v19  }
0x246: {  	v19 =	vadd.s32 v19, v20;
	v20 =	vadd.s32 $0x785, v7  }
0x247: {  	v19 =	vadd.s32 v21, v19;
	v21 =	vadd.s32 $0x784, v7  }
0x248: {  	[tilespmem:$0xD30] =	vst v19  }
0x249: {  	v19 =	vld.idx.msk [tilespmem:v22+s3+$0x0], $0xffff  }
0x24a: {  	v22 =	vor.u32 $0x780, v7;
	v23 =	vld.idx.msk [tilespmem:v23+s3+$0x0], $0xffff  }
0x24b: {  	v20 =	vld.idx.msk [tilespmem:v20+s3+$0x0], $0xffff  }
0x24c: {  	v21 =	vld.idx.msk [tilespmem:v21+s3+$0x0], $0xffff;
	_ =	sdelay $0x1  }
0x24d: {  	v24 =	vor.u32 $0x781, v7  }
0x24e: {  	v22 =	vld.idx.msk [tilespmem:v22+s3+$0x0], $0xffff  }
0x24f: {  	v20 =	vadd.f32 v20, v23  }
0x250: {  	v19 =	vadd.f32 v21, v19  }
0x251: {  	v20 =	vmul.f32 v20, v6  }
0x252: {  	v21 =	vld.idx.msk [tilespmem:v24+s3+$0x0], $0xffff;
	v19 =	vmul.f32 v19, v6  }
0x253: {  	v22 =	vtrunc.f32 v22;
	v20 =	vmul.f32 v20, v8  }
0x254: {  	v22 =	vcvt.f32.s32 v22;
	v19 =	vmul.f32 v19, v8  }
0x255: {  	v23 =	vtrunc.f32 v20  }
0x256: {  	v22 =	vmul.u32 $0x38, v22;
	v24 =	vtrunc.f32 v19;
	v25 =	vcvt.f32.s32 v23  }
0x257: {  	v21 =	vtrunc.f32 v21;
	vm0 =	vgt.f32 v20, v23;
	v26 =	vcvt.f32.s32 v24  }
0x258: {  	vm1 =	vgt.f32 v19, v24;
	v19 =	vsel vm0, $0x1, v9;
	v20 =	vadd.s32 v25, v22  }
0x259: {  	v21 =	vcvt.f32.s32 v21;
	v22 =	vsel vm1, $0x1, v9;
	v19 =	vadd.s32 v19, v20  }
0x25a: {  	v20 =	vadd.s32 v26, v22;
	v22 =	vadd.s32 $0x7E2, v7;
	v19 =	vshll.u32 v19, $0x5  }
0x25b: {  	v23 =	vadd.s32 $0x7E3, v7;
	v20 =	vshll.u32 v20, $0x8;
	v19 =	vadd.s32 $0xFFFFFEE0, v19  }
0x25c: {  	v19 =	vadd.s32 v19, v20;
	v20 =	vadd.s32 $0x7E5, v7  }
0x25d: {  	v19 =	vadd.s32 v21, v19;
	v21 =	vadd.s32 $0x7E4, v7  }
0x25e: {  	[tilespmem:$0xD40] =	vst v19  }
0x25f: {  	v19 =	vld.idx.msk [tilespmem:v22+s3+$0x0], $0xffff  }
0x260: {  	v22 =	vadd.s32 $0x7E0, v7;
	v23 =	vld.idx.msk [tilespmem:v23+s3+$0x0], $0xffff  }
0x261: {  	v20 =	vld.idx.msk [tilespmem:v20+s3+$0x0], $0xffff  }
0x262: {  	v21 =	vld.idx.msk [tilespmem:v21+s3+$0x0], $0xffff;
	_ =	sdelay $0x1  }
0x263: {  	v24 =	vadd.s32 $0x7E1, v7  }
0x264: {  	v22 =	vld.idx.msk [tilespmem:v22+s3+$0x0], $0xffff  }
0x265: {  	v20 =	vadd.f32 v20, v23  }
0x266: {  	v19 =	vadd.f32 v21, v19  }
0x267: {  	v20 =	vmul.f32 v20, v6  }
0x268: {  	v21 =	vld.idx.msk [tilespmem:v24+s3+$0x0], $0xffff;
	v19 =	vmul.f32 v19, v6  }
0x269: {  	v22 =	vtrunc.f32 v22;
	v20 =	vmul.f32 v20, v8  }
0x26a: {  	v22 =	vcvt.f32.s32 v22;
	v19 =	vmul.f32 v19, v8  }
0x26b: {  	v23 =	vtrunc.f32 v20  }
0x26c: {  	v22 =	vmul.u32 $0x38, v22;
	v24 =	vtrunc.f32 v19;
	v25 =	vcvt.f32.s32 v23  }
0x26d: {  	v21 =	vtrunc.f32 v21;
	vm0 =	vgt.f32 v20, v23;
	v26 =	vcvt.f32.s32 v24  }
0x26e: {  	vm1 =	vgt.f32 v19, v24;
	v19 =	vsel vm0, $0x1, v9;
	v20 =	vadd.s32 v25, v22  }
0x26f: {  	v21 =	vcvt.f32.s32 v21;
	v22 =	vsel vm1, $0x1, v9;
	v19 =	vadd.s32 v19, v20  }
0x270: {  	v20 =	vadd.s32 v26, v22;
	v22 =	vadd.s32 $0x842, v7;
	v19 =	vshll.u32 v19, $0x5  }
0x271: {  	v23 =	vadd.s32 $0x843, v7;
	v20 =	vshll.u32 v20, $0x8;
	v19 =	vadd.s32 $0xFFFFFEE0, v19  }
0x272: {  	v19 =	vadd.s32 v19, v20;
	v20 =	vadd.s32 $0x845, v7  }
0x273: {  	v19 =	vadd.s32 v21, v19;
	v21 =	vadd.s32 $0x844, v7  }
0x274: {  	[tilespmem:$0xD50] =	vst v19  }
0x275: {  	v19 =	vld.idx.msk [tilespmem:v22+s3+$0x0], $0xffff  }
0x276: {  	v22 =	vadd.s32 $0x840, v7;
	v23 =	vld.idx.msk [tilespmem:v23+s3+$0x0], $0xffff  }
0x277: {  	v20 =	vld.idx.msk [tilespmem:v20+s3+$0x0], $0xffff  }
0x278: {  	v21 =	vld.idx.msk [tilespmem:v21+s3+$0x0], $0xffff;
	_ =	sdelay $0x1  }
0x279: {  	v24 =	vadd.s32 $0x841, v7  }
0x27a: {  	v22 =	vld.idx.msk [tilespmem:v22+s3+$0x0], $0xffff  }
0x27b: {  	v20 =	vadd.f32 v20, v23  }
0x27c: {  	v19 =	vadd.f32 v21, v19  }
0x27d: {  	v20 =	vmul.f32 v20, v6  }
0x27e: {  	v21 =	vld.idx.msk [tilespmem:v24+s3+$0x0], $0xffff;
	v19 =	vmul.f32 v19, v6  }
0x27f: {  	v22 =	vtrunc.f32 v22;
	v20 =	vmul.f32 v20, v8  }
0x280: {  	v22 =	vcvt.f32.s32 v22;
	v19 =	vmul.f32 v19, v8  }
0x281: {  	v23 =	vtrunc.f32 v20  }
0x282: {  	v22 =	vmul.u32 $0x38, v22;
	v24 =	vtrunc.f32 v19;
	v25 =	vcvt.f32.s32 v23  }
0x283: {  	v21 =	vtrunc.f32 v21;
	vm0 =	vgt.f32 v20, v23;
	v26 =	vcvt.f32.s32 v24  }
0x284: {  	vm1 =	vgt.f32 v19, v24;
	v19 =	vsel vm0, $0x1, v9;
	v20 =	vadd.s32 v25, v22  }
0x285: {  	v21 =	vcvt.f32.s32 v21;
	v22 =	vsel vm1, $0x1, v9;
	v19 =	vadd.s32 v19, v20  }
0x286: {  	v20 =	vadd.s32 v26, v22;
	v22 =	vadd.s32 $0x8A2, v7;
	v19 =	vshll.u32 v19, $0x5  }
0x287: {  	v23 =	vadd.s32 $0x8A3, v7;
	v20 =	vshll.u32 v20, $0x8;
	v19 =	vadd.s32 $0xFFFFFEE0, v19  }
0x288: {  	v19 =	vadd.s32 v19, v20;
	v20 =	vadd.s32 $0x8A5, v7  }
0x289: {  	v19 =	vadd.s32 v21, v19;
	v21 =	vadd.s32 $0x8A4, v7  }
0x28a: {  	[tilespmem:$0xD60] =	vst v19  }
0x28b: {  	v19 =	vld.idx.msk [tilespmem:v22+s3+$0x0], $0xffff  }
0x28c: {  	v22 =	vadd.s32 $0x8A0, v7;
	v23 =	vld.idx.msk [tilespmem:v23+s3+$0x0], $0xffff  }
0x28d: {  	v20 =	vld.idx.msk [tilespmem:v20+s3+$0x0], $0xffff  }
0x28e: {  	v21 =	vld.idx.msk [tilespmem:v21+s3+$0x0], $0xffff;
	_ =	sdelay $0x1  }
0x28f: {  	v24 =	vadd.s32 $0x8A1, v7  }
0x290: {  	v22 =	vld.idx.msk [tilespmem:v22+s3+$0x0], $0xffff  }
0x291: {  	v20 =	vadd.f32 v20, v23  }
0x292: {  	v19 =	vadd.f32 v21, v19  }
0x293: {  	v20 =	vmul.f32 v20, v6  }
0x294: {  	v21 =	vld.idx.msk [tilespmem:v24+s3+$0x0], $0xffff;
	v19 =	vmul.f32 v19, v6  }
0x295: {  	v22 =	vtrunc.f32 v22;
	v20 =	vmul.f32 v20, v8  }
0x296: {  	v22 =	vcvt.f32.s32 v22;
	v19 =	vmul.f32 v19, v8  }
0x297: {  	v23 =	vtrunc.f32 v20  }
0x298: {  	v22 =	vmul.u32 $0x38, v22;
	v24 =	vtrunc.f32 v19;
	v25 =	vcvt.f32.s32 v23  }
0x299: {  	v21 =	vtrunc.f32 v21;
	vm0 =	vgt.f32 v20, v23;
	v26 =	vcvt.f32.s32 v24  }
0x29a: {  	vm1 =	vgt.f32 v19, v24;
	v19 =	vsel vm0, $0x1, v9;
	v20 =	vadd.s32 v25, v22  }
0x29b: {  	v21 =	vcvt.f32.s32 v21;
	v22 =	vsel vm1, $0x1, v9;
	v19 =	vadd.s32 v19, v20  }
0x29c: {  	v20 =	vadd.s32 v26, v22;
	v22 =	vadd.s32 $0x902, v7;
	v19 =	vshll.u32 v19, $0x5  }
0x29d: {  	v23 =	vadd.s32 $0x903, v7;
	v20 =	vshll.u32 v20, $0x8;
	v19 =	vadd.s32 $0xFFFFFEE0, v19  }
0x29e: {  	v19 =	vadd.s32 v19, v20;
	v20 =	vadd.s32 $0x905, v7  }
0x29f: {  	v19 =	vadd.s32 v21, v19;
	v21 =	vadd.s32 $0x904, v7  }
0x2a0: {  	[tilespmem:$0xD70] =	vst v19  }
0x2a1: {  	v19 =	vld.idx.msk [tilespmem:v22+s3+$0x0], $0xffff  }
0x2a2: {  	v22 =	vor.u32 $0x900, v7;
	v23 =	vld.idx.msk [tilespmem:v23+s3+$0x0], $0xffff  }
0x2a3: {  	v20 =	vld.idx.msk [tilespmem:v20+s3+$0x0], $0xffff  }
0x2a4: {  	v21 =	vld.idx.msk [tilespmem:v21+s3+$0x0], $0xffff;
	_ =	sdelay $0x1  }
0x2a5: {  	v24 =	vor.u32 $0x901, v7  }
0x2a6: {  	v22 =	vld.idx.msk [tilespmem:v22+s3+$0x0], $0xffff  }
0x2a7: {  	v20 =	vadd.f32 v20, v23  }
0x2a8: {  	v19 =	vadd.f32 v21, v19  }
0x2a9: {  	v20 =	vmul.f32 v20, v6  }
0x2aa: {  	v21 =	vld.idx.msk [tilespmem:v24+s3+$0x0], $0xffff;
	v19 =	vmul.f32 v19, v6  }
0x2ab: {  	v22 =	vtrunc.f32 v22;
	v20 =	vmul.f32 v20, v8  }
0x2ac: {  	v22 =	vcvt.f32.s32 v22;
	v19 =	vmul.f32 v19, v8  }
0x2ad: {  	v23 =	vtrunc.f32 v20  }
0x2ae: {  	v22 =	vmul.u32 $0x38, v22;
	v24 =	vtrunc.f32 v19;
	v25 =	vcvt.f32.s32 v23  }
0x2af: {  	v21 =	vtrunc.f32 v21;
	vm0 =	vgt.f32 v20, v23;
	v26 =	vcvt.f32.s32 v24  }
0x2b0: {  	vm1 =	vgt.f32 v19, v24;
	v19 =	vsel vm0, $0x1, v9;
	v20 =	vadd.s32 v25, v22  }
0x2b1: {  	v21 =	vcvt.f32.s32 v21;
	v22 =	vsel vm1, $0x1, v9;
	v19 =	vadd.s32 v19, v20  }
0x2b2: {  	v20 =	vadd.s32 v26, v22;
	v22 =	vadd.s32 $0x962, v7;
	v19 =	vshll.u32 v19, $0x5  }
0x2b3: {  	v23 =	vadd.s32 $0x963, v7;
	v20 =	vshll.u32 v20, $0x8;
	v19 =	vadd.s32 $0xFFFFFEE0, v19  }
0x2b4: {  	v19 =	vadd.s32 v19, v20;
	v20 =	vadd.s32 $0x965, v7  }
0x2b5: {  	v19 =	vadd.s32 v21, v19;
	v21 =	vadd.s32 $0x964, v7  }
0x2b6: {  	[tilespmem:$0xD80] =	vst v19  }
0x2b7: {  	v19 =	vld.idx.msk [tilespmem:v22+s3+$0x0], $0xffff  }
0x2b8: {  	v22 =	vadd.s32 $0x960, v7;
	v23 =	vld.idx.msk [tilespmem:v23+s3+$0x0], $0xffff  }
0x2b9: {  	v20 =	vld.idx.msk [tilespmem:v20+s3+$0x0], $0xffff  }
0x2ba: {  	v21 =	vld.idx.msk [tilespmem:v21+s3+$0x0], $0xffff;
	_ =	sdelay $0x1  }
0x2bb: {  	v24 =	vadd.s32 $0x961, v7  }
0x2bc: {  	v22 =	vld.idx.msk [tilespmem:v22+s3+$0x0], $0xffff  }
0x2bd: {  	v20 =	vadd.f32 v20, v23  }
0x2be: {  	v19 =	vadd.f32 v21, v19  }
0x2bf: {  	v20 =	vmul.f32 v20, v6  }
0x2c0: {  	v21 =	vld.idx.msk [tilespmem:v24+s3+$0x0], $0xffff;
	v19 =	vmul.f32 v19, v6  }
0x2c1: {  	v22 =	vtrunc.f32 v22;
	v20 =	vmul.f32 v20, v8  }
0x2c2: {  	v22 =	vcvt.f32.s32 v22;
	v19 =	vmul.f32 v19, v8  }
0x2c3: {  	v23 =	vtrunc.f32 v20  }
0x2c4: {  	v22 =	vmul.u32 $0x38, v22;
	v24 =	vtrunc.f32 v19;
	v25 =	vcvt.f32.s32 v23  }
0x2c5: {  	v21 =	vtrunc.f32 v21;
	vm0 =	vgt.f32 v20, v23;
	v26 =	vcvt.f32.s32 v24  }
0x2c6: {  	vm1 =	vgt.f32 v19, v24;
	v19 =	vsel vm0, $0x1, v9;
	v20 =	vadd.s32 v25, v22  }
0x2c7: {  	v21 =	vcvt.f32.s32 v21;
	v22 =	vsel vm1, $0x1, v9;
	v19 =	vadd.s32 v19, v20  }
0x2c8: {  	v20 =	vadd.s32 v26, v22;
	v22 =	vadd.s32 $0x9C2, v7;
	v19 =	vshll.u32 v19, $0x5  }
0x2c9: {  	v23 =	vadd.s32 $0x9C3, v7;
	v20 =	vshll.u32 v20, $0x8;
	v19 =	vadd.s32 $0xFFFFFEE0, v19  }
0x2ca: {  	v19 =	vadd.s32 v19, v20;
	v20 =	vadd.s32 $0x9C5, v7  }
0x2cb: {  	v19 =	vadd.s32 v21, v19;
	v21 =	vadd.s32 $0x9C4, v7  }
0x2cc: {  	[tilespmem:$0xD90] =	vst v19  }
0x2cd: {  	v19 =	vld.idx.msk [tilespmem:v22+s3+$0x0], $0xffff  }
0x2ce: {  	v22 =	vadd.s32 $0x9C0, v7;
	v23 =	vld.idx.msk [tilespmem:v23+s3+$0x0], $0xffff  }
0x2cf: {  	v20 =	vld.idx.msk [tilespmem:v20+s3+$0x0], $0xffff  }
0x2d0: {  	v21 =	vld.idx.msk [tilespmem:v21+s3+$0x0], $0xffff;
	_ =	sdelay $0x1  }
0x2d1: {  	v24 =	vadd.s32 $0x9C1, v7  }
0x2d2: {  	v22 =	vld.idx.msk [tilespmem:v22+s3+$0x0], $0xffff  }
0x2d3: {  	v20 =	vadd.f32 v20, v23  }
0x2d4: {  	v19 =	vadd.f32 v21, v19  }
0x2d5: {  	v20 =	vmul.f32 v20, v6  }
0x2d6: {  	v21 =	vld.idx.msk [tilespmem:v24+s3+$0x0], $0xffff;
	v19 =	vmul.f32 v19, v6  }
0x2d7: {  	v22 =	vtrunc.f32 v22;
	v20 =	vmul.f32 v20, v8  }
0x2d8: {  	v22 =	vcvt.f32.s32 v22;
	v19 =	vmul.f32 v19, v8  }
0x2d9: {  	v23 =	vtrunc.f32 v20  }
0x2da: {  	v22 =	vmul.u32 $0x38, v22;
	v24 =	vtrunc.f32 v19;
	v25 =	vcvt.f32.s32 v23  }
0x2db: {  	v21 =	vtrunc.f32 v21;
	vm0 =	vgt.f32 v20, v23;
	v26 =	vcvt.f32.s32 v24  }
0x2dc: {  	vm1 =	vgt.f32 v19, v24;
	v19 =	vsel vm0, $0x1, v9;
	v20 =	vadd.s32 v25, v22  }
0x2dd: {  	v21 =	vcvt.f32.s32 v21;
	v22 =	vsel vm1, $0x1, v9;
	v19 =	vadd.s32 v19, v20  }
0x2de: {  	v20 =	vadd.s32 v26, v22;
	v22 =	vadd.s32 $0xA22, v7;
	v19 =	vshll.u32 v19, $0x5  }
0x2df: {  	v23 =	vadd.s32 $0xA23, v7;
	v20 =	vshll.u32 v20, $0x8;
	v19 =	vadd.s32 $0xFFFFFEE0, v19  }
0x2e0: {  	v19 =	vadd.s32 v19, v20;
	v20 =	vadd.s32 $0xA25, v7  }
0x2e1: {  	v19 =	vadd.s32 v21, v19;
	v21 =	vadd.s32 $0xA24, v7  }
0x2e2: {  	[tilespmem:$0xDA0] =	vst v19  }
0x2e3: {  	v19 =	vld.idx.msk [tilespmem:v22+s3+$0x0], $0xffff  }
0x2e4: {  	v22 =	vadd.s32 $0xA20, v7;
	v23 =	vld.idx.msk [tilespmem:v23+s3+$0x0], $0xffff  }
0x2e5: {  	v20 =	vld.idx.msk [tilespmem:v20+s3+$0x0], $0xffff  }
0x2e6: {  	v21 =	vld.idx.msk [tilespmem:v21+s3+$0x0], $0xffff;
	_ =	sdelay $0x1  }
0x2e7: {  	v24 =	vadd.s32 $0xA21, v7  }
0x2e8: {  	v22 =	vld.idx.msk [tilespmem:v22+s3+$0x0], $0xffff  }
0x2e9: {  	v20 =	vadd.f32 v20, v23  }
0x2ea: {  	v19 =	vadd.f32 v21, v19  }
0x2eb: {  	v20 =	vmul.f32 v20, v6  }
0x2ec: {  	v21 =	vld.idx.msk [tilespmem:v24+s3+$0x0], $0xffff;
	v19 =	vmul.f32 v19, v6  }
0x2ed: {  	v22 =	vtrunc.f32 v22;
	v20 =	vmul.f32 v20, v8  }
0x2ee: {  	v22 =	vcvt.f32.s32 v22;
	v19 =	vmul.f32 v19, v8  }
0x2ef: {  	v23 =	vtrunc.f32 v20  }
0x2f0: {  	v22 =	vmul.u32 $0x38, v22;
	v24 =	vtrunc.f32 v19;
	v25 =	vcvt.f32.s32 v23  }
0x2f1: {  	v21 =	vtrunc.f32 v21;
	vm0 =	vgt.f32 v20, v23;
	v26 =	vcvt.f32.s32 v24  }
0x2f2: {  	vm1 =	vgt.f32 v19, v24;
	v19 =	vsel vm0, $0x1, v9;
	v20 =	vadd.s32 v25, v22  }
0x2f3: {  	v21 =	vcvt.f32.s32 v21;
	v22 =	vsel vm1, $0x1, v9;
	v19 =	vadd.s32 v19, v20  }
0x2f4: {  	v20 =	vadd.s32 v26, v22;
	v22 =	vadd.s32 $0xA82, v7;
	v19 =	vshll.u32 v19, $0x5  }
0x2f5: {  	v23 =	vadd.s32 $0xA83, v7;
	v20 =	vshll.u32 v20, $0x8;
	v19 =	vadd.s32 $0xFFFFFEE0, v19  }
0x2f6: {  	v19 =	vadd.s32 v19, v20;
	v20 =	vadd.s32 $0xA85, v7  }
0x2f7: {  	v19 =	vadd.s32 v21, v19;
	v21 =	vadd.s32 $0xA84, v7  }
0x2f8: {  	[tilespmem:$0xDB0] =	vst v19  }
0x2f9: {  	v19 =	vld.idx.msk [tilespmem:v22+s3+$0x0], $0xffff  }
0x2fa: {  	v22 =	vor.u32 $0xA80, v7;
	v23 =	vld.idx.msk [tilespmem:v23+s3+$0x0], $0xffff  }
0x2fb: {  	v20 =	vld.idx.msk [tilespmem:v20+s3+$0x0], $0xffff  }
0x2fc: {  	v21 =	vld.idx.msk [tilespmem:v21+s3+$0x0], $0xffff;
	_ =	sdelay $0x1  }
0x2fd: {  	v24 =	vor.u32 $0xA81, v7  }
0x2fe: {  	v22 =	vld.idx.msk [tilespmem:v22+s3+$0x0], $0xffff  }
0x2ff: {  	v20 =	vadd.f32 v20, v23  }
0x300: {  	v19 =	vadd.f32 v21, v19  }
0x301: {  	v20 =	vmul.f32 v20, v6  }
0x302: {  	v21 =	vld.idx.msk [tilespmem:v24+s3+$0x0], $0xffff;
	v19 =	vmul.f32 v19, v6  }
0x303: {  	v22 =	vtrunc.f32 v22;
	v20 =	vmul.f32 v20, v8  }
0x304: {  	v22 =	vcvt.f32.s32 v22;
	v19 =	vmul.f32 v19, v8  }
0x305: {  	v23 =	vtrunc.f32 v20  }
0x306: {  	v22 =	vmul.u32 $0x38, v22;
	v24 =	vtrunc.f32 v19;
	v25 =	vcvt.f32.s32 v23  }
0x307: {  	v21 =	vtrunc.f32 v21;
	vm0 =	vgt.f32 v20, v23;
	v26 =	vcvt.f32.s32 v24  }
0x308: {  	vm1 =	vgt.f32 v19, v24;
	v19 =	vsel vm0, $0x1, v9;
	v20 =	vadd.s32 v25, v22  }
0x309: {  	v21 =	vcvt.f32.s32 v21;
	v22 =	vsel vm1, $0x1, v9;
	v19 =	vadd.s32 v19, v20  }
0x30a: {  	v20 =	vadd.s32 v26, v22;
	v22 =	vadd.s32 $0xAE2, v7;
	v19 =	vshll.u32 v19, $0x5  }
0x30b: {  	v23 =	vadd.s32 $0xAE3, v7;
	v20 =	vshll.u32 v20, $0x8;
	v19 =	vadd.s32 $0xFFFFFEE0, v19  }
0x30c: {  	v19 =	vadd.s32 v19, v20;
	v20 =	vadd.s32 $0xAE5, v7  }
0x30d: {  	v19 =	vadd.s32 v21, v19;
	v21 =	vadd.s32 $0xAE4, v7  }
0x30e: {  	[tilespmem:$0xDC0] =	vst v19  }
0x30f: {  	v19 =	vld.idx.msk [tilespmem:v22+s3+$0x0], $0xffff  }
0x310: {  	v22 =	vadd.s32 $0xAE0, v7;
	v23 =	vld.idx.msk [tilespmem:v23+s3+$0x0], $0xffff  }
0x311: {  	v20 =	vld.idx.msk [tilespmem:v20+s3+$0x0], $0xffff  }
0x312: {  	v21 =	vld.idx.msk [tilespmem:v21+s3+$0x0], $0xffff;
	_ =	sdelay $0x1  }
0x313: {  	v24 =	vadd.s32 $0xAE1, v7  }
0x314: {  	v22 =	vld.idx.msk [tilespmem:v22+s3+$0x0], $0xffff  }
0x315: {  	v20 =	vadd.f32 v20, v23  }
0x316: {  	v19 =	vadd.f32 v21, v19  }
0x317: {  	v20 =	vmul.f32 v20, v6  }
0x318: {  	v21 =	vld.idx.msk [tilespmem:v24+s3+$0x0], $0xffff;
	v19 =	vmul.f32 v19, v6  }
0x319: {  	v22 =	vtrunc.f32 v22;
	v20 =	vmul.f32 v20, v8  }
0x31a: {  	v22 =	vcvt.f32.s32 v22;
	v19 =	vmul.f32 v19, v8  }
0x31b: {  	v23 =	vtrunc.f32 v20  }
0x31c: {  	v22 =	vmul.u32 $0x38, v22;
	v24 =	vtrunc.f32 v19;
	v25 =	vcvt.f32.s32 v23  }
0x31d: {  	v21 =	vtrunc.f32 v21;
	vm0 =	vgt.f32 v20, v23;
	v26 =	vcvt.f32.s32 v24  }
0x31e: {  	vm1 =	vgt.f32 v19, v24;
	v19 =	vsel vm0, $0x1, v9;
	v20 =	vadd.s32 v25, v22  }
0x31f: {  	v21 =	vcvt.f32.s32 v21;
	v22 =	vsel vm1, $0x1, v9;
	v19 =	vadd.s32 v19, v20  }
0x320: {  	v20 =	vadd.s32 v26, v22;
	v22 =	vadd.s32 $0xB42, v7;
	v19 =	vshll.u32 v19, $0x5  }
0x321: {  	v23 =	vadd.s32 $0xB43, v7;
	v20 =	vshll.u32 v20, $0x8;
	v19 =	vadd.s32 $0xFFFFFEE0, v19  }
0x322: {  	v19 =	vadd.s32 v19, v20;
	v20 =	vadd.s32 $0xB45, v7  }
0x323: {  	v19 =	vadd.s32 v21, v19;
	v21 =	vadd.s32 $0xB44, v7  }
0x324: {  	[tilespmem:$0xDD0] =	vst v19  }
0x325: {  	v19 =	vld.idx.msk [tilespmem:v22+s3+$0x0], $0xffff  }
0x326: {  	v22 =	vadd.s32 $0xB40, v7;
	v23 =	vld.idx.msk [tilespmem:v23+s3+$0x0], $0xffff  }
0x327: {  	v20 =	vld.idx.msk [tilespmem:v20+s3+$0x0], $0xffff  }
0x328: {  	v21 =	vld.idx.msk [tilespmem:v21+s3+$0x0], $0xffff;
	_ =	sdelay $0x1  }
0x329: {  	v24 =	vadd.s32 $0xB41, v7  }
0x32a: {  	v22 =	vld.idx.msk [tilespmem:v22+s3+$0x0], $0xffff  }
0x32b: {  	v20 =	vadd.f32 v20, v23  }
0x32c: {  	v19 =	vadd.f32 v21, v19  }
0x32d: {  	v20 =	vmul.f32 v20, v6  }
0x32e: {  	v21 =	vld.idx.msk [tilespmem:v24+s3+$0x0], $0xffff;
	v19 =	vmul.f32 v19, v6  }
0x32f: {  	v22 =	vtrunc.f32 v22;
	v20 =	vmul.f32 v20, v8  }
0x330: {  	v22 =	vcvt.f32.s32 v22;
	v19 =	vmul.f32 v19, v8  }
0x331: {  	v23 =	vtrunc.f32 v20  }
0x332: {  	v22 =	vmul.u32 $0x38, v22;
	v24 =	vtrunc.f32 v19;
	v25 =	vcvt.f32.s32 v23  }
0x333: {  	v21 =	vtrunc.f32 v21;
	vm0 =	vgt.f32 v20, v23;
	v26 =	vcvt.f32.s32 v24  }
0x334: {  	vm1 =	vgt.f32 v19, v24;
	v19 =	vsel vm0, $0x1, v9;
	v20 =	vadd.s32 v25, v22  }
0x335: {  	v21 =	vcvt.f32.s32 v21;
	v22 =	vsel vm1, $0x1, v9;
	v19 =	vadd.s32 v19, v20  }
0x336: {  	v20 =	vadd.s32 v26, v22;
	v22 =	vadd.s32 $0xBA2, v7;
	v19 =	vshll.u32 v19, $0x5  }
0x337: {  	v23 =	vadd.s32 $0xBA3, v7;
	v20 =	vshll.u32 v20, $0x8;
	v19 =	vadd.s32 $0xFFFFFEE0, v19  }
0x338: {  	v19 =	vadd.s32 v19, v20;
	v20 =	vadd.s32 $0xBA5, v7  }
0x339: {  	v19 =	vadd.s32 v21, v19;
	v21 =	vadd.s32 $0xBA4, v7  }
0x33a: {  	[tilespmem:$0xDE0] =	vst v19  }
0x33b: {  	v19 =	vld.idx.msk [tilespmem:v22+s3+$0x0], $0xffff  }
0x33c: {  	v22 =	vadd.s32 $0xBA0, v7;
	v23 =	vld.idx.msk [tilespmem:v23+s3+$0x0], $0xffff  }
0x33d: {  	v20 =	vld.idx.msk [tilespmem:v20+s3+$0x0], $0xffff  }
0x33e: {  	v21 =	vld.idx.msk [tilespmem:v21+s3+$0x0], $0xffff;
	_ =	sdelay $0x2  }
0x33f: {  	v22 =	vld.idx.msk [tilespmem:v22+s3+$0x0], $0xffff  }
0x340: {  	v20 =	vadd.f32 v20, v23  }
0x341: {  	v23 =	vadd.s32 $0xBA1, v7;
	v19 =	vadd.f32 v21, v19  }
0x342: {  	v20 =	vmul.f32 v20, v6  }
0x343: {  	v19 =	vmul.f32 v19, v6  }
0x344: {  	v21 =	vtrunc.f32 v22;
	v20 =	vmul.f32 v20, v8  }
0x345: {  	v21 =	vcvt.f32.s32 v21;
	v19 =	vmul.f32 v19, v8  }
0x346: {  	s24 =	sand.u32 $0xC, s3;
	v22 =	vld.idx.msk [tilespmem:v23+s3+$0x0], $0xffff  }
0x347: {  	s26 =	sor.u32 $0x3, s24;
	v23 =	vtrunc.f32 v20;
	v21 =	vmul.u32 $0x38, v21;
	v24 =	vtrunc.f32 v19  }
0x348: {  	v25 =	vcvt.f32.s32 v23;
	vm0 =	vgt.f32 v20, v23;
	v23 =	vadd.s32 s26, v0  }
0x349: {  	v26 =	vcvt.f32.s32 v24;
	vm1 =	vgt.f32 v19, v24;
	v19 =	vsel vm0, $0x1, v9  }
0x34a: {  	v28 =	vand.u32 $0xF, v23;
	v20 =	vadd.s32 v25, v21;
	v21 =	vsel vm1, $0x1, v9  }
0x34b: {  	s25 =	sor.u32 $0x1, s24;
	v19 =	vadd.s32 v19, v20;
	v20 =	vtrunc.f32 v22;
	v21 =	vadd.s32 v26, v21  }
0x34c: {  	v22 =	vadd.s32 s25, v0;
	v19 =	vshll.u32 v19, $0x5;
	v20 =	vcvt.f32.s32 v20  }
0x34d: {  	v21 =	vshll.u32 v21, $0x8;
	v24 =	vand.u32 $0x7, v22;
	v19 =	vadd.s32 $0xFFFFFEE0, v19  }
0x34e: {  	v22 =	vand.u32 $0xF, v22;
	v19 =	vadd.s32 v19, v21;
	v21 =	vadd.s32 s24, v0  }
0x34f: {  	s28 =	sand.u32 $0x1F0, s3;
	s24 =	sor.u32 $0x2, s24;
	v19 =	vadd.s32 v20, v19;
	v20 =	vand.u32 $0x7, v21;
	v21 =	vand.u32 $0xF, v21  }
0x350: {  	v22 =	vor.u32 s28, v22;
	v25 =	vadd.s32 s24, v0;
	v21 =	vor.u32 s28, v21  }
0x351: {  	v27 =	vand.u32 $0xF, v25;
	v25 =	vand.u32 $0x7, v25;
	v26 =	vand.u32 $0x1F8, v21  }
0x352: {  	v27 =	vor.u32 s28, v27;
	v20 =	vor.u32 v20, v26;
	v26 =	vand.u32 $0x1F8, v22  }
0x353: {  	v24 =	vor.u32 v24, v26;
	v26 =	vor.u32 s28, v28;
	v28 =	vand.u32 $0x1F8, v27  }
0x354: {  	s29 =	simm.s32 $0x4;
	v25 =	vor.u32 v25, v28  }
0x355: {  	s30 =	sand.u32 $0xC, s29;
	v23 =	vand.u32 $0x7, v23;
	v29 =	vand.u32 $0x1F8, v26  }
0x356: {  	s31 =	sor.u32 $0x1, s30;
	v18 =	vtrunc.f32 v18;
	s25 =	sor.u32 $0x2, s30;
	[tilespmem:$0xDF0] =	vst v19;
	v23 =	vor.u32 v23, v29  }
0x357: {  	v30 =	vadd.s32 s31, v0;
	v2 =	vcvt.f32.s32 v18;
	v33 =	vadd.s32 s25, v0;
	v20 =	vld.idx.msk [tilespmem:v20+s19+$0x0], $0xffff  }
0x358: {  	v32 =	vand.u32 $0x7, v30;
	v62 =	vand.u32 $0x7, v33;
	v19 =	vshll.u32 v4, $0x5;
	v24 =	vld.idx.msk [tilespmem:v24+s19+$0x0], $0xffff  }
0x359: {  	vm3 =	vgt.u32 v22, v1;
	v19 =	vadd.s32 v2, v19;
	vm1 =	vgt.u32 v21, v1;
	s28 =	sor.u32 $0x3, s30;
	v25 =	vld.idx.msk [tilespmem:v25+s19+$0x0], $0xffff  }
0x35a: {  	vm2 =	vgt.u32 v27, v1;
	v28 =	vadd.s32 s30, v0;
	v31 =	vadd.s32 s28, v0  }
0x35b: {  	s24 =	sand.u32 $0x1F0, s29;
	vm0 =	vgt.u32 v26, v1;
	v29 =	vand.u32 $0x7, v28;
	v28 =	vand.u32 $0xF, v28;
	v23 =	vld.idx.msk [tilespmem:v23+s19+$0x0], $0xffff  }
0x35c: {  	v21 =	vand.u32 $0x7, v31;
	v31 =	vand.u32 $0xF, v31;
	v28 =	vor.u32 s24, v28  }
0x35d: {  	v31 =	vor.u32 s24, v31;
	v22 =	vshra.s32 v20, $0x5;
	v27 =	vshra.s32 v24, $0x5  }
0x35e: {  	vm4 =	veq.s32 v22, v4;
	vm5 =	veq.s32 v27, v4;
	v22 =	vshra.s32 v25, $0x5  }
0x35f: {  	vm4 =	vmand vm1, vm4;
	v27 =	vand.u32 $0x1F8, v28;
	vm5 =	vmand vm3, vm5  }
0x360: {  	v26 =	vshra.s32 v23, $0x5;
	vm6 =	veq.s32 v22, v4;
	v22 =	vand.u32 $0xF, v33  }
0x361: {  	v27 =	vor.u32 v29, v27;
	v29 =	vand.u32 $0x1F8, v31;
	vm4 =	vmor vm4, vm5  }
0x362: {  	vm5 =	vmand vm2, vm6;
	vm6 =	veq.s32 v26, v4;
	v26 =	vand.u32 $0xF, v30  }
0x363: {  	v22 =	vor.u32 s24, v22;
	v29 =	vor.u32 v21, v29;
	v26 =	vor.u32 s24, v26  }
0x364: {  	vm4 =	vmor vm4, vm5;
	vm5 =	vmand vm0, vm6;
	v30 =	vand.u32 $0x1F8, v26  }
0x365: {  	vm6 =	veq.s32 v24, v19;
	vm4 =	vmor vm4, vm5;
	v21 =	vor.u32 v32, v30  }
0x366: {  	s24 =	simm.s32 $0x8;
	vm5 =	veq.s32 v20, v19;
	vm3 =	vmand vm3, vm6;
	v30 =	vand.u32 $0x1F8, v22  }
0x367: {  	s29 =	sand.u32 $0xC, s24;
	vm1 =	vmand vm1, vm5;
	vm5 =	veq.s32 v25, v19;
	v30 =	vor.u32 v62, v30  }
0x368: {  	v20 =	vsel vm4, $0x1, v9;
	v24 =	vadd.s32 s29, v0;
	vm1 =	vmor vm1, vm3  }
0x369: {  	s30 =	sor.u32 $0x1, s29;
	vm2 =	vmand vm2, vm5;
	vm3 =	veq.s32 v23, v19;
	v34 =	vld.idx.msk [tilespmem:v27+s19+$0x0], $0xffff;
	v20 =	vor.u32 v20, v9  }
0x36a: {  	s31 =	sor.u32 $0x3, s29;
	s25 =	sor.u32 $0x2, s29;
	v23 =	vand.u32 $0x7, v24;
	v63 =	vand.u32 $0xF, v24;
	v27 =	vadd.s32 s30, v0;
	v35 =	vld.idx.msk [tilespmem:v21+s19+$0x0], $0xffff  }
0x36b: {  	v36 =	vadd.s32 s31, v0;
	v24 =	vadd.s32 s25, v0;
	vm1 =	vmor vm1, vm2  }
0x36c: {  	vm0 =	vmand vm0, vm3;
	vm3 =	vgt.u32 v28, v1;
	v25 =	vand.u32 $0x7, v27;
	v32 =	vld.idx.msk [tilespmem:v30+s19+$0x0], $0xffff  }
0x36d: {  	vm2 =	vgt.u32 v26, v1;
	v26 =	vand.u32 $0x7, v36;
	v28 =	vand.u32 $0xF, v36;
	v30 =	vld.idx.msk [tilespmem:v29+s19+$0x0], $0xffff  }
0x36e: {  	vm0 =	vmor vm1, vm0;
	vm1 =	vgt.u32 v22, v1;
	v22 =	vshra.s32 v34, $0x5  }
0x36f: {  	s25 =	sand.u32 $0x1F0, s24;
	v21 =	vsel vm0, $0x1, v9;
	vm4 =	veq.s32 v22, v4;
	v22 =	vshra.s32 v35, $0x5  }
0x370: {  	vm0 =	vgt.u32 v31, v1;
	v31 =	vor.u32 s25, v63;
	vm5 =	veq.s32 v22, v4  }
0x371: {  	vm4 =	vmand vm3, vm4;
	v22 =	vshra.s32 v32, $0x5;
	vm5 =	vmand vm2, vm5  }
0x372: {  	vm6 =	veq.s32 v22, v4;
	v22 =	vshra.s32 v30, $0x5;
	vm4 =	vmor vm4, vm5  }
0x373: {  	[tilespmem:$0x1FC30] =	vst v2;
	s24 =	simm.s32 $0xC;
	vm6 =	vmand vm1, vm6;
	vm5 =	veq.s32 v22, v4;
	v22 =	vimm.s32 $0x0  }
.LBB2_2:
0x374: {  	p0 =	sne.s32 s24, $0x1FC;
	v29 =	vand.u32 $0xF, v24;
	vm4 =	vmor vm4, vm6;
	vm5 =	vmand vm0, vm5  }
0x375: {  	v27 =	vand.u32 $0xF, v27;
	v33 =	vor.u32 s25, v28;
	vm4 =	vmor vm4, vm5  }
0x376: {  	v28 =	vand.u32 $0x1F8, v31;
	v36 =	vor.u32 s25, v27;
	v27 =	vsel vm4, $0x1, v9  }
0x377: {  	v23 =	vor.u32 v23, v28;
	v28 =	vand.u32 $0x1F8, v33;
	v20 =	vor.u32 v27, v20  }
0x378: {  	v29 =	vor.u32 s25, v29;
	v26 =	vor.u32 v26, v28;
	v27 =	vand.u32 $0x1F8, v36  }
0x379: {  	v24 =	vand.u32 $0x7, v24;
	v25 =	vor.u32 v25, v27;
	v27 =	vand.u32 $0x1F8, v29  }
0x37a: {  	vm5 =	veq.s32 v35, v19;
	vm4 =	veq.s32 v34, v19;
	v24 =	vor.u32 v24, v27  }
0x37b: {  	vm2 =	vmand vm2, vm5;
	vm3 =	vmand vm3, vm4;
	vm4 =	veq.s32 v32, v19  }
0x37c: {  	vm2 =	vmor vm3, vm2;
	vm1 =	vmand vm1, vm4;
	vm3 =	veq.s32 v30, v19;
	v34 =	vld.idx.msk [tilespmem:v23+s19+$0x0], $0xffff  }
0x37d: {  	v22 =	vor.u32 v21, v22;
	s25 =	sand.u32 $0xC, s24;
	vm1 =	vmor vm2, vm1;
	vm0 =	vmand vm0, vm3;
	v30 =	vld.idx.msk [tilespmem:v26+s19+$0x0], $0xffff  }
0x37e: {  	vm0 =	vmor vm1, vm0;
	v26 =	vadd.s32 s25, v0;
	v35 =	vld.idx.msk [tilespmem:v25+s19+$0x0], $0xffff  }
0x37f: {  	s26 =	sor.u32 $0x1, s25;
	s28 =	sor.u32 $0x3, s25;
	v21 =	vsel vm0, $0x1, v9;
	v23 =	vand.u32 $0x7, v26;
	v32 =	vld.idx.msk [tilespmem:v24+s19+$0x0], $0xffff  }
0x380: {  	v28 =	vadd.s32 s28, v0;
	v27 =	vadd.s32 s26, v0;
	s26 =	sor.u32 $0x2, s25;
	v37 =	vand.u32 $0xF, v26  }
0x381: {  	s25 =	sand.u32 $0x1F0, s24;
	v25 =	vand.u32 $0x7, v27;
	v26 =	vand.u32 $0x7, v28;
	v24 =	vadd.s32 s26, v0  }
0x382: {  	vm3 =	vgt.u32 v31, v1;
	v28 =	vand.u32 $0xF, v28;
	v31 =	vor.u32 s25, v37  }
.Ltmp0:
0x383: {  	vm2 =	vgt.u32 v36, v1;
	vm1 =	vgt.u32 v29, v1;
	vm0 =	vgt.u32 v33, v1;
	(pc) =	sbr.rel @p0 .LBB2_2-.Ltmp0, $4  }
0x384: {  	v29 =	vshra.s32 v34, $0x5;
	v36 =	vshra.s32 v30, $0x5;
	v33 =	vshra.s32 v35, $0x5  }
0x385: {  	vm4 =	veq.s32 v29, v4;
	vm5 =	veq.s32 v33, v4;
	v29 =	vshra.s32 v32, $0x5  }
0x386: {  	vm4 =	vmand vm3, vm4;
	vm5 =	vmand vm2, vm5;
	vm6 =	veq.s32 v29, v4  }
0x387: {  	s24 =	sadd.s32 $0x4, s24;
	vm4 =	vmor vm4, vm5;
	vm6 =	vmand vm1, vm6;
	vm5 =	veq.s32 v36, v4  }
0x388: {  	v63 =	vand.u32 $0x1F8, v31  }
0x389: {  	v23 =	vor.u32 v23, v63;
	_ =	sdelay $0x2  }
0x38a: {  	v36 =	vor.u32 s25, v28  }
0x38b: {  	v27 =	vand.u32 $0xF, v27;
	v15 =	vand.u32 $0x1F8, v36  }
0x38c: {  	v43 =	vor.u32 s25, v27;
	v27 =	vor.u32 v26, v15;
	v2 =	vld.idx.msk [tilespmem:v23+s19+$0x0], $0xffff;
	_ =	sdelay $0x1  }
0x38d: {  	v29 =	vand.u32 $0xF, v24  }
0x38e: {  	v33 =	vor.u32 s25, v29  }
0x38f: {  	v39 =	vand.u32 $0x7, v24;
	v37 =	vand.u32 $0x1F8, v33  }
0x390: {  	v24 =	vor.u32 v39, v37;
	[tilespmem:$0x1FBF0] =	vst v2;
	v2 =	vld.idx.msk [tilespmem:v27+s19+$0x0], $0xffff;
	_ =	sdelay $0x4  }
0x391: {  	v18 =	vand.u32 $0x1F8, v43;
	[tilespmem:$0x1FC00] =	vst v2;
	v2 =	vld.idx.msk [tilespmem:v24+s19+$0x0], $0xffff  }
0x392: {  	v25 =	vor.u32 v25, v18  }
0x393: {  	v26 =	vmul.u32 $0x20, v0;
	_ =	sdelay $0x1  }
0x394: {  	v40 =	vor.u32 $0x4, v26  }
0x395: {  	v41 =	vor.u32 $0x9, v26;
	[tilespmem:$0x1FC10] =	vst v2  }
0x396: {  	v25 =	vld.idx.msk [tilespmem:v25+s19+$0x0], $0xffff;
	_ =	swait.ge [sflag:s20], $0x3800  }
0x397: {  	v42 =	vor.u32 $0x204, v26;
	[sflag:s20] =	ssyncset.done $0x0  }
0x398: {  	[sflag:s20] =	ssyncadd.s32 $0xFFFFC800  }
0x399: {  	v37 =	vor.u32 $0x209, v26;
	v27 =	vld.idx.msk [tilespmem:v40+s18+$0x0], $0xffff  }
0x39a: {  	v28 =	vld.idx.msk [tilespmem:v41+s18+$0x0], $0xffff  }
0x39b: {  	v39 =	vor.u32 $0x404, v26  }
0x39c: {  	v29 =	vld.idx.msk [tilespmem:v42+s18+$0x0], $0xffff  }
0x39d: {  	v40 =	vor.u32 $0x409, v26  }
0x39e: {  	v37 =	vld.idx.msk [tilespmem:v37+s18+$0x0], $0xffff  }
0x39f: {  	v41 =	vor.u32 $0x604, v26;
	v27 =	vmul.f32 v27, v27;
	v28 =	vmul.f32 v28, v28  }
0x3a0: {  	v39 =	vld.idx.msk [tilespmem:v39+s18+$0x0], $0xffff  }
0x3a1: {  	v45 =	vor.u32 $0x609, v26;
	v44 =	vmul.f32 v29, v29;
	v27 =	vadd.f32 v28, v27  }
0x3a2: {  	v40 =	vld.idx.msk [tilespmem:v40+s18+$0x0], $0xffff  }
0x3a3: {  	v47 =	vor.u32 $0x804, v26;
	v46 =	vmul.f32 v37, v37;
	v27 =	vadd.f32 v44, v27  }
0x3a4: {  	v41 =	vld.idx.msk [tilespmem:v41+s18+$0x0], $0xffff  }
0x3a5: {  	v49 =	vor.u32 $0x809, v26;
	v48 =	vmul.f32 v39, v39;
	v27 =	vadd.f32 v46, v27  }
0x3a6: {  	v29 =	vld.idx.msk [tilespmem:v45+s18+$0x0], $0xffff  }
0x3a7: {  	v51 =	vor.u32 $0xA04, v26;
	v50 =	vmul.f32 v40, v40;
	v27 =	vadd.f32 v48, v27  }
0x3a8: {  	v37 =	vld.idx.msk [tilespmem:v47+s18+$0x0], $0xffff  }
0x3a9: {  	v53 =	vor.u32 $0xA09, v26;
	v52 =	vmul.f32 v41, v41;
	v27 =	vadd.f32 v50, v27  }
0x3aa: {  	v39 =	vld.idx.msk [tilespmem:v49+s18+$0x0], $0xffff  }
0x3ab: {  	v42 =	vor.u32 $0xC04, v26;
	v54 =	vmul.f32 v29, v29;
	v27 =	vadd.f32 v52, v27  }
0x3ac: {  	v40 =	vld.idx.msk [tilespmem:v51+s18+$0x0], $0xffff  }
0x3ad: {  	v55 =	vor.u32 $0xC09, v26;
	v56 =	vmul.f32 v37, v37;
	v27 =	vadd.f32 v54, v27  }
0x3ae: {  	v41 =	vld.idx.msk [tilespmem:v53+s18+$0x0], $0xffff  }
0x3af: {  	v44 =	vor.u32 $0xE04, v26;
	v58 =	vmul.f32 v39, v39;
	v27 =	vadd.f32 v56, v27  }
0x3b0: {  	v59 =	vld.idx.msk [tilespmem:v42+s18+$0x0], $0xffff  }
0x3b1: {  	v57 =	vor.u32 $0xE09, v26;
	v62 =	vmul.f32 v40, v40;
	v27 =	vadd.f32 v58, v27  }
0x3b2: {  	v60 =	vor.u32 $0x1009, v26;
	v29 =	vld.idx.msk [tilespmem:v55+s18+$0x0], $0xffff  }
0x3b3: {  	v45 =	vor.u32 $0x1004, v26;
	v18 =	vmul.f32 v41, v41;
	v27 =	vadd.f32 v62, v27  }
0x3b4: {  	v15 =	vor.u32 $0x1209, v26;
	v63 =	vld.idx.msk [tilespmem:v44+s18+$0x0], $0xffff  }
0x3b5: {  	v47 =	vor.u32 $0x1404, v26;
	v53 =	vmul.f32 v59, v59;
	v27 =	vadd.f32 v18, v27  }
0x3b6: {  	v49 =	vor.u32 $0x1804, v26;
	v37 =	vld.idx.msk [tilespmem:v57+s18+$0x0], $0xffff  }
0x3b7: {  	v42 =	vld.idx.msk [tilespmem:v60+s18+$0x0], $0xffff;
	v46 =	vor.u32 $0x1204, v26;
	v55 =	vmul.f32 v29, v29;
	v27 =	vadd.f32 v53, v27  }
0x3b8: {  	v23 =	vld.idx.msk [tilespmem:v45+s18+$0x0], $0xffff;
	v48 =	vor.u32 $0x1604, v26  }
0x3b9: {  	v44 =	vld.idx.msk [tilespmem:v15+s18+$0x0], $0xffff;
	v52 =	vor.u32 $0x1409, v26;
	v57 =	vmul.f32 v63, v63;
	v27 =	vadd.f32 v55, v27  }
0x3ba: {  	v29 =	vld.idx.msk [tilespmem:v47+s18+$0x0], $0xffff;
	v54 =	vor.u32 $0x1609, v26  }
0x3bb: {  	v59 =	vmul.f32 v37, v37;
	v37 =	vld.idx.msk [tilespmem:v49+s18+$0x0], $0xffff;
	v56 =	vor.u32 $0x1809, v26;
	v27 =	vadd.f32 v57, v27  }
0x3bc: {  	v39 =	vld.idx.msk [tilespmem:v46+s18+$0x0], $0xffff;
	v58 =	vor.u32 $0x1A09, v26  }
0x3bd: {  	v60 =	vor.u32 $0x1C09, v26;
	v40 =	vld.idx.msk [tilespmem:v48+s18+$0x0], $0xffff;
	v63 =	vmul.f32 v23, v23;
	v27 =	vadd.f32 v59, v27  }
0x3be: {  	v15 =	vor.u32 $0x1E09, v26;
	v45 =	vld.idx.msk [tilespmem:v52+s18+$0x0], $0xffff  }
0x3bf: {  	v46 =	vld.idx.msk [tilespmem:v54+s18+$0x0], $0xffff;
	v62 =	vor.u32 $0x1E04, v26;
	v18 =	vmul.f32 v42, v42;
	v27 =	vadd.f32 v63, v27  }
0x3c0: {  	v48 =	vor.u32 $0x2004, v26;
	v55 =	vld.idx.msk [tilespmem:v56+s18+$0x0], $0xffff  }
0x3c1: {  	v23 =	vor.u32 $0x2009, v26;
	v52 =	vmul.f32 v39, v39;
	v56 =	vld.idx.msk [tilespmem:v58+s18+$0x0], $0xffff;
	v27 =	vadd.f32 v18, v27  }
0x3c2: {  	v50 =	vor.u32 $0x1A04, v26;
	v58 =	vld.idx.msk [tilespmem:v60+s18+$0x0], $0xffff  }
0x3c3: {  	v53 =	vor.u32 $0x2209, v26;
	v60 =	vld.idx.msk [tilespmem:v15+s18+$0x0], $0xffff;
	v15 =	vmul.f32 v44, v44;
	v27 =	vadd.f32 v52, v27  }
0x3c4: {  	v59 =	vld.idx.msk [tilespmem:v62+s18+$0x0], $0xffff;
	v18 =	vor.u32 $0x2409, v26  }
0x3c5: {  	v49 =	vor.u32 $0x2204, v26;
	v62 =	vld.idx.msk [tilespmem:v48+s18+$0x0], $0xffff;
	v48 =	vmul.f32 v29, v29;
	v27 =	vadd.f32 v15, v27  }
0x3c6: {  	v63 =	vld.idx.msk [tilespmem:v23+s18+$0x0], $0xffff;
	v23 =	vor.u32 $0x2604, v26  }
0x3c7: {  	v41 =	vld.idx.msk [tilespmem:v50+s18+$0x0], $0xffff;
	v54 =	vor.u32 $0x2404, v26;
	v15 =	vmul.f32 v45, v45;
	v27 =	vadd.f32 v48, v27  }
0x3c8: {  	v51 =	vor.u32 $0x1C04, v26;
	v2 =	vld.idx.msk [tilespmem:v53+s18+$0x0], $0xffff  }
0x3c9: {  	v47 =	vmul.f32 v40, v40;
	v53 =	vld.idx.msk [tilespmem:v18+s18+$0x0], $0xffff;
	v18 =	vor.u32 $0x2A04, v26;
	v27 =	vadd.f32 v15, v27  }
0x3ca: {  	v3 =	vld.idx.msk [tilespmem:v49+s18+$0x0], $0xffff;
	v50 =	vor.u32 $0x2609, v26  }
0x3cb: {  	v39 =	vor.u32 $0x2804, v26;
	v52 =	vld.idx.msk [tilespmem:v23+s18+$0x0], $0xffff;
	v23 =	vmul.f32 v46, v46;
	v27 =	vadd.f32 v47, v27  }
0x3cc: {  	v42 =	vor.u32 $0x2E04, v26;
	v54 =	vld.idx.msk [tilespmem:v54+s18+$0x0], $0xffff  }
0x3cd: {  	v24 =	vmul.f32 v37, v37;
	v57 =	vld.idx.msk [tilespmem:v51+s18+$0x0], $0xffff;
	v29 =	vor.u32 $0x2C04, v26;
	v27 =	vadd.f32 v23, v27  }
0x3ce: {  	v48 =	vld.idx.msk [tilespmem:v18+s18+$0x0], $0xffff;
	v18 =	vor.u32 $0x2E09, v26  }
0x3cf: {  	v51 =	vld.idx.msk [tilespmem:v50+s18+$0x0], $0xffff;
	v45 =	vor.u32 $0x2809, v26;
	v23 =	vmul.f32 v55, v55;
	v27 =	vadd.f32 v24, v27  }
0x3d0: {  	v50 =	vld.idx.msk [tilespmem:v39+s18+$0x0], $0xffff;
	v39 =	vor.u32 $0x2C09, v26  }
0x3d1: {  	v44 =	vld.idx.msk [tilespmem:v42+s18+$0x0], $0xffff;
	v15 =	vor.u32 $0x2A09, v26;
	v24 =	vmul.f32 v41, v41;
	v27 =	vadd.f32 v23, v27  }
0x3d2: {  	v46 =	vld.idx.msk [tilespmem:v29+s18+$0x0], $0xffff;
	v29 =	vor.u32 $0x3009, v26  }
0x3d3: {  	v5 =	vor.u32 $0x3404, v26;
	v40 =	vld.idx.msk [tilespmem:v18+s18+$0x0], $0xffff;
	v18 =	vmul.f32 v56, v56;
	v27 =	vadd.f32 v24, v27  }
0x3d4: {  	v49 =	vld.idx.msk [tilespmem:v45+s18+$0x0], $0xffff  }
0x3d5: {  	v57 =	vmul.f32 v57, v57;
	v45 =	vld.idx.msk [tilespmem:v39+s18+$0x0], $0xffff;
	v39 =	vor.u32 $0x3204, v26;
	v27 =	vadd.f32 v18, v27  }
0x3d6: {  	v55 =	vor.u32 $0x3209, v26;
	v47 =	vld.idx.msk [tilespmem:v15+s18+$0x0], $0xffff  }
0x3d7: {  	v15 =	vor.u32 $0x3004, v26;
	v41 =	vld.idx.msk [tilespmem:v29+s18+$0x0], $0xffff;
	v18 =	vmul.f32 v58, v58;
	v27 =	vadd.f32 v57, v27  }
0x3d8: {  	v29 =	vld.idx.msk [tilespmem:v5+s18+$0x0], $0xffff;
	v23 =	vor.u32 $0x3409, v26  }
0x3d9: {  	v56 =	vor.u32 $0x3604, v26;
	v26 =	vor.u32 $0x3609, v26;
	v5 =	vadd.f32 v18, v27;
	v18 =	vld [tilespmem:$0x1FC20]  }
0x3da: {  	vm4 =	vmor vm4, vm6;
	vm5 =	vmand vm0, vm5;
	v39 =	vld.idx.msk [tilespmem:v39+s18+$0x0], $0xffff  }
0x3db: {  	vm11 =	veq.s32 v34, v19;
	v16 =	vcvt.s32.f32 v16;
	v17 =	vcvt.s32.f32 v17;
	v37 =	vld.idx.msk [tilespmem:v55+s18+$0x0], $0xffff  }
0x3dc: {  	vm12 =	veq.s32 v35, v19;
	v11 =	vsub.f32 v11, v10;
	v10 =	vsub.f32 v38, v61;
	v42 =	vld.idx.msk [tilespmem:v15+s18+$0x0], $0xffff  }
0x3dd: {  	vm8 =	veq.s32 v32, v19;
	vm9 =	veq.s32 v30, v19;
	vm6 =	vgt.u32 v31, v1;
	v28 =	vld.idx.msk [tilespmem:v23+s18+$0x0], $0xffff  }
0x3de: {  	vm4 =	vmor vm4, vm5;
	v23 =	vmul.f32 v59, v59;
	v26 =	vld.idx.msk [tilespmem:v26+s18+$0x0], $0xffff;
	v24 =	vbroadcast v18, $0x0  }
0x3df: {  	vm7 =	vmand vm3, vm11;
	vm2 =	vmand vm2, vm12;
	vm1 =	vmand vm1, vm8;
	v27 =	vld.idx.msk [tilespmem:v56+s18+$0x0], $0xffff;
	_ =	swait.ge [sflag:s21], $0x800  }
0x3e0: {  	v56 =	vmul.f32 v60, v60;
	v5 =	vadd.f32 v23, v5;
	(erf) = vrcp.f32 v24  }
0x3e1: {  	vm5 =	vmand vm0, vm9;
	vm0 =	vgt.u32 v36, v1;
	v15 =	vmul.u32 $0x80, v0  }
0x3e2: {  	v16 =	vmul.f32 v16, v12;
	v57 =	vmul.f32 v62, v62;
	v5 =	vadd.f32 v56, v5  }
0x3e3: {  	v34 =	vmul.f32 $5.000000000e-01, v11;
	v58 =	vmul.f32 v63, v63;
	v63 =	vor.u32 $0x3, v15  }
0x3e4: {  	vm3 =	vgt.u32 v43, v1;
	v62 =	vor.u32 $0x2, v15;
	v5 =	vadd.f32 v57, v5  }
0x3e5: {  	vm2 =	vmor vm7, vm2;
	v59 =	vor.u32 $0x1, v15;
	v60 =	vmul.f32 v17, v12;
	[sflag:s21] =	ssyncset.done $0x0  }
0x3e6: {  	v16 =	vsub.f32 v13, v16;
	v3 =	vmul.f32 v3, v3;
	[sflag:s21] =	ssyncadd.s32 $0xFFFFF800;
	v5 =	vadd.f32 v58, v5  }
0x3e7: {  	vm1 =	vmor vm2, vm1;
	v2 =	vmul.f32 v2, v2;
	v14 =	vsub.f32 v14, v60;
	v13 =	vld.idx.msk [tilespmem:v15+s15+$0x0], $0xffff  }
0x3e8: {  	v12 =	vmul.f32 v16, v8;
	v16 =	vor.u32 $0x5, v15;
	v35 =	vld.idx.msk [tilespmem:v63+s15+$0x0], $0xffff;
	v3 =	vadd.f32 v3, v5  }
0x3e9: {  	vm2 =	vgt.u32 v33, v1;
	v55 =	vld.idx.msk [tilespmem:v62+s15+$0x0], $0xffff;
	v57 =	vor.u32 $0x7, v15;
	v24 =	vmul.f32 v14, v8;
	v56 =	vpop (erf)  }
0x3ea: {  	v23 =	vld.idx.msk [tilespmem:v59+s15+$0x0], $0xffff;
	v5 =	vadd.f32 v2, v3;
	v3 =	vor.u32 $0x6, v15;
	v8 =	vmul.f32 v12, v56  }
0x3eb: {  	v17 =	vmul.f32 $5.000000000e-01, v10;
	v58 =	vor.u32 $0x8, v15;
	v38 =	vmul.f32 v24, v56  }
0x3ec: {  	vm5 =	vmor vm1, vm5;
	v60 =	vsub.f32 v8, v34;
	v62 =	vadd.f32 v8, v34  }
0x3ed: {  	v14 =	vld.idx.msk [tilespmem:v16+s15+$0x0], $0xffff;
	v61 =	vmul.f32 $5.000000000e-01, v35;
	v16 =	vsub.f32 v38, v17;
	v32 =	vadd.f32 v38, v17  }
0x3ee: {  	vm11 =	veq.s32 v25, v19;
	v57 =	vld.idx.msk [tilespmem:v57+s15+$0x0], $0xffff;
	v59 =	vmul.f32 v13, v56;
	v38 =	vmul.f32 $5.000000000e-01, v55  }
0x3ef: {  	v2 =	vmul.f32 v23, v56;
	v8 =	vld.idx.msk [tilespmem:v3+s15+$0x0], $0xffff;
	v3 =	vsub.f32 v62, v60;
	v18 =	vsub.f32 v32, v16  }
0x3f0: {  	v44 =	vmul.f32 v44, v44;
	v58 =	vld.idx.msk [tilespmem:v58+s15+$0x0], $0xffff;
	v30 =	vsub.f32 v59, v38;
	v59 =	vadd.f32 v38, v59  }
0x3f1: {  	v53 =	vmul.f32 v53, v53;
	v38 =	vsub.f32 v2, v61;
	v2 =	vadd.f32 v61, v2  }
0x3f2: {  	v61 =	vsub.f32 v59, v30;
	v59 =	vmin.f32 v59, v62;
	v30 =	vmax.f32 v30, v60  }
0x3f3: {  	v63 =	vsub.f32 v2, v38;
	v2 =	vmin.f32 v2, v32;
	v31 =	vmax.f32 v38, v16  }
0x3f4: {  	v38 =	vmul.f32 $5.000000000e-01, v57;
	v30 =	vsub.f32 v59, v30;
	v59 =	vmul.f32 v14, v56  }
0x3f5: {  	v2 =	vsub.f32 v2, v31;
	v31 =	vmul.f32 v8, v56;
	v56 =	vmul.f32 $5.000000000e-01, v58  }
0x3f6: {  	v37 =	vmul.f32 v37, v37;
	v3 =	vmul.f32 v18, v3;
	v43 =	vsub.f32 v59, v38  }
0x3f7: {  	v61 =	vmul.f32 v63, v61;
	v38 =	vadd.f32 v38, v59;
	v18 =	vsub.f32 v31, v56  }
0x3f8: {  	v31 =	vadd.f32 v56, v31;
	v30 =	vmax.f32 v30, $0.0e+00;
	v2 =	vmax.f32 v2, $0.0e+00  }
0x3f9: {  	v56 =	vmul.f32 v51, v51;
	v59 =	vshra.s32 v25, $0x5;
	v51 =	vor.u32 $0xD, v15  }
0x3fa: {  	v2 =	vmul.f32 v2, v30;
	v62 =	vmin.f32 v38, v62;
	v38 =	vsub.f32 v38, v43  }
0x3fb: {  	v43 =	vmax.f32 v43, v60;
	v32 =	vmin.f32 v31, v32;
	v31 =	vsub.f32 v31, v18  }
0x3fc: {  	v16 =	vmax.f32 v18, v16;
	v43 =	vsub.f32 v62, v43;
	v62 =	vmul.f32 v54, v54  }
0x3fd: {  	vm14 =	veq.s32 v59, v4;
	v16 =	vsub.f32 v32, v16;
	v31 =	vmul.f32 v31, v38  }
0x3fe: {  	v63 =	vmax.f32 v43, $0.0e+00;
	v5 =	vadd.f32 v62, v5;
	v43 =	vadd.f32 v61, v3  }
0x3ff: {  	v54 =	vmul.f32 v52, v52;
	v16 =	vmax.f32 v16, $0.0e+00;
	v18 =	vld.idx.msk [tilespmem:v51+s15+$0x0], $0xffff;
	v3 =	vadd.f32 v31, v3  }
0x400: {  	v30 =	vmul.f32 v16, v63;
	v16 =	vsub.f32 v43, v2;
	v5 =	vadd.f32 v53, v5;
	v43 =	vld [tilespmem:$0x1FBF0]  }
0x401: {  	vm8 =	vmand vm3, vm14;
	v61 =	vmul.f32 v50, v50;
	v63 =	vor.u32 $0xC, v15;
	v53 =	vld [tilespmem:$0x1FC00]  }
0x402: {  	v62 =	vmul.f32 v49, v49;
	v3 =	vsub.f32 v3, v30;
	v5 =	vadd.f32 v54, v5;
	v54 =	vld [tilespmem:$0x1FC10]  }
0x403: {  	vm3 =	vmand vm3, vm11;
	v49 =	vmul.f32 v48, v48;
	(erf) = vrcp.f32 v16  }
0x404: {  	v16 =	vor.u32 $0xA, v15;
	(erf) = vrcp.f32 v3;
	v18 =	vmul.f32 v18, v18  }
0x405: {  	v5 =	vadd.f32 v56, v5;
	v56 =	vmul.f32 v46, v46;
	v3 =	vshra.s32 v43, $0x5  }
0x406: {  	v59 =	vld.idx.msk [tilespmem:v63+s15+$0x0], $0xffff;
	v63 =	vor.u32 $0xE, v15;
	v60 =	vshra.s32 v53, $0x5;
	vm13 =	veq.s32 v3, v4  }
0x407: {  	v3 =	vor.u32 $0xB, v15;
	v5 =	vadd.f32 v61, v5;
	v38 =	vshra.s32 v54, $0x5  }
0x408: {  	vm7 =	vmand vm6, vm13;
	vm13 =	veq.s32 v60, v4;
	vm15 =	veq.s32 v38, v4  }
0x409: {  	v5 =	vadd.f32 v62, v5;
	vm7 =	vmor vm7, vm8;
	vm14 =	vmand vm0, vm13  }
0x40a: {  	v50 =	vld.idx.msk [tilespmem:v16+s15+$0x0], $0xffff;
	vm13 =	veq.s32 v53, v19;
	v53 =	vor.u32 $0x1C, v15;
	vm12 =	vmand vm2, vm15  }
0x40b: {  	vm15 =	veq.s32 v43, v19;
	v36 =	vmul.f32 v59, v59;
	v43 =	vld.idx.msk [tilespmem:v63+s15+$0x0], $0xffff;
	v63 =	vor.u32 $0x10, v15  }
0x40c: {  	vm0 =	vmand vm0, vm13;
	v4 =	vadd.f32 v49, v5;
	v5 =	vmul.f32 v47, v47;
	v3 =	vld.idx.msk [tilespmem:v3+s15+$0x0], $0xffff;
	v52 =	vpop (erf)  }
0x40d: {  	vm7 =	vmor vm7, vm12;
	vm6 =	vmand vm6, vm15;
	vm12 =	veq.s32 v54, v19;
	v60 =	vpop (erf)  }
0x40e: {  	v5 =	vadd.f32 v5, v4;
	v4 =	vmul.f32 v52, v2;
	v30 =	vmul.f32 v60, v30  }
0x40f: {  	vm7 =	vmor vm7, vm14;
	vm2 =	vmand vm2, vm12;
	v61 =	vmul.f32 v50, v50  }
0x410: {  	v2 =	vadd.f32 v56, v5;
	v5 =	vmul.f32 v45, v45;
	vm10 =	vgt.f32 v30, v4  }
0x411: {  	v43 =	vmul.f32 v43, v43;
	v3 =	vmul.f32 v3, v3;
	v32 =	vsel vm10, v57, v55  }
0x412: {  	v55 =	vshra.s32 v11, $0x1;
	v31 =	vsel vm10, v58, v35;
	v2 =	vadd.f32 v5, v2  }
0x413: {  	v13 =	vsel vm10, v14, v13;
	v62 =	vshra.s32 v32, $0x1;
	v38 =	vmul.f32 $5.000000000e-01, v32  }
0x414: {  	v8 =	vsel vm10, v8, v23;
	v4 =	vsel vm10, v30, v4;
	v45 =	vsub.s32 $0x5F3759DF, v62  }
0x415: {  	v46 =	vsub.s32 $0x5F3759DF, v55;
	v58 =	vshra.s32 v31, $0x1;
	v56 =	vmul.f32 v45, v38  }
0x416: {  	v49 =	vmul.f32 $5.000000000e-01, v31;
	v8 =	vsub.f32 v8, v24;
	v57 =	vmul.f32 v46, v34  }
0x417: {  	v48 =	vsub.s32 $0x5F3759DF, v58;
	v62 =	vshra.s32 v10, $0x1;
	v35 =	vmul.f32 v45, v56  }
0x418: {  	v3 =	vadd.f32 v3, v61;
	v60 =	vmul.f32 v48, v49;
	v51 =	vsub.s32 $0x5F3759DF, v62  }
0x419: {  	v59 =	vmul.f32 v46, v57;
	v56 =	vmul.f32 v51, v17;
	v35 =	vsub.f32 $1.500000000e+00, v35  }
0x41a: {  	v61 =	vor.u32 $0xF, v15;
	v57 =	vor.u32 $0x11, v15;
	v47 =	vmul.f32 v48, v60  }
0x41b: {  	v33 =	vsub.f32 $1.500000000e+00, v59;
	v35 =	vmul.f32 v45, v35;
	v45 =	vmul.f32 v51, v56  }
0x41c: {  	v55 =	vor.u32 $0x12, v15;
	v8 =	vmul.f32 v8, v8;
	v47 =	vsub.f32 $1.500000000e+00, v47  }
0x41d: {  	v3 =	vadd.f32 v36, v3;
	v60 =	vld.idx.msk [tilespmem:v63+s15+$0x0], $0xffff;
	v33 =	vmul.f32 v46, v33;
	v45 =	vsub.f32 $1.500000000e+00, v45  }
0x41e: {  	v12 =	vsub.f32 v13, v12;
	v36 =	vmul.f32 v48, v47;
	v5 =	vmul.f32 v35, v38  }
0x41f: {  	v3 =	vadd.f32 v18, v3;
	v59 =	vld.idx.msk [tilespmem:v61+s15+$0x0], $0xffff;
	v58 =	vmul.f32 v33, v34;
	v45 =	vmul.f32 v51, v45  }
0x420: {  	v2 =	vadd.f32 v44, v2;
	v61 =	vld.idx.msk [tilespmem:v57+s15+$0x0], $0xffff;
	v62 =	vmul.f32 v36, v49;
	v5 =	vmul.f32 v5, v35  }
0x421: {  	v3 =	vadd.f32 v43, v3;
	v47 =	vmul.f32 v58, v33;
	v52 =	vmul.f32 v45, v17  }
0x422: {  	v18 =	vmul.f32 v60, v60;
	v46 =	vmul.f32 v62, v36;
	v5 =	vsub.f32 $1.500000000e+00, v5  }
0x423: {  	v60 =	vor.u32 $0x14, v15;
	v63 =	vsub.f32 $1.500000000e+00, v47;
	v57 =	vmul.f32 v52, v45  }
0x424: {  	v48 =	vmul.f32 v59, v59;
	v56 =	vsub.f32 $1.500000000e+00, v46;
	v5 =	vmul.f32 v5, v35  }
0x425: {  	v44 =	vmul.f32 v61, v61;
	v33 =	vmul.f32 v63, v33;
	v46 =	vsub.f32 $1.500000000e+00, v57  }
0x426: {  	v3 =	vadd.f32 v48, v3;
	v36 =	vmul.f32 v56, v36;
	v59 =	vmul.f32 v5, v38  }
0x427: {  	v58 =	vor.u32 $0x13, v15;
	v34 =	vmul.f32 v33, v34;
	v45 =	vmul.f32 v46, v45  }
0x428: {  	v3 =	vadd.f32 v18, v3;
	v35 =	vld.idx.msk [tilespmem:v55+s15+$0x0], $0xffff;
	v61 =	vmul.f32 v36, v49;
	v18 =	vmul.f32 v59, v5  }
0x429: {  	v62 =	vor.u32 $0x15, v15;
	v34 =	vmul.f32 v34, v33;
	v17 =	vmul.f32 v45, v17  }
0x42a: {  	v48 =	vsel vm4, $0x1, v9;
	v47 =	vmul.f32 v61, v36;
	v18 =	vsub.f32 $1.500000000e+00, v18  }
0x42b: {  	vm4 =	vmor vm6, vm3;
	v34 =	vsub.f32 $1.500000000e+00, v34;
	v17 =	vmul.f32 v17, v45  }
0x42c: {  	v52 =	vmul.f32 v40, v40;
	v47 =	vsub.f32 $1.500000000e+00, v47;
	v5 =	vmul.f32 v18, v5  }
0x42d: {  	v63 =	vld.idx.msk [tilespmem:v58+s15+$0x0], $0xffff;
	v35 =	vmul.f32 v35, v35;
	v33 =	vmul.f32 v34, v33;
	v17 =	vsub.f32 $1.500000000e+00, v17  }
0x42e: {  	v49 =	vor.u32 $0x16, v15;
	v50 =	vmul.f32 v47, v36;
	v5 =	vmul.f32 v5, v32  }
0x42f: {  	v20 =	vor.u32 v48, v20;
	v38 =	vld.idx.msk [tilespmem:v60+s15+$0x0], $0xffff;
	v33 =	vmul.f32 v33, v11;
	v17 =	vmul.f32 v17, v45  }
0x430: {  	v3 =	vadd.f32 v44, v3;
	v59 =	vmul.f32 v50, v31;
	(erf) = vrcp.f32 v5  }
0x431: {  	v56 =	vor.u32 $0x17, v15;
	v51 =	vld.idx.msk [tilespmem:v62+s15+$0x0], $0xffff;
	(erf) = vrcp.f32 v33;
	v17 =	vmul.f32 v17, v10  }
0x432: {  	v25 =	vmul.f32 v63, v63;
	v3 =	vadd.f32 v35, v3;
	(erf) = vrcp.f32 v59  }
0x433: {  	v55 =	vmul.f32 v42, v42;
	v2 =	vadd.f32 v52, v2;
	v18 =	vld.idx.msk [tilespmem:v49+s15+$0x0], $0xffff;
	(erf) = vrcp.f32 v17  }
0x434: {  	v62 =	vor.u32 $0x18, v15;
	v58 =	vmul.f32 v38, v38;
	v3 =	vadd.f32 v25, v3  }
0x435: {  	vm2 =	vmor vm4, vm2;
	v57 =	vmul.f32 v41, v41;
	v2 =	vadd.f32 v55, v2  }
0x436: {  	v63 =	vor.u32 $0x19, v15;
	v36 =	vmul.f32 v51, v51;
	v3 =	vadd.f32 v58, v3  }
0x437: {  	v40 =	vsel vm7, $0x1, v9;
	v61 =	vmul.f32 v39, v39;
	v60 =	vld.idx.msk [tilespmem:v56+s15+$0x0], $0xffff;
	v2 =	vadd.f32 v57, v2  }
0x438: {  	v46 =	vor.u32 $0x1A, v15;
	v3 =	vadd.f32 v36, v3;
	v18 =	vmul.f32 v18, v18  }
0x439: {  	v41 =	vor.u32 v21, v22;
	v43 =	vld.idx.msk [tilespmem:v62+s15+$0x0], $0xffff;
	v2 =	vadd.f32 v61, v2;
	v47 =	vor.u32 $0x4, v15;
	v42 =	vpop (erf)  }
0x43a: {  	v51 =	vor.u32 $0x9, v15;
	v50 =	vor.u32 $0x1B, v15;
	v3 =	vadd.f32 v18, v3;
	v44 =	vpop (erf)  }
0x43b: {  	v45 =	vld.idx.msk [tilespmem:v63+s15+$0x0], $0xffff;
	v18 =	vor.u32 v40, v20;
	v20 =	vmul.f32 v42, v32;
	v11 =	vmul.f32 v44, v11;
	v48 =	vpop (erf)  }
0x43c: {  	v34 =	vmul.f32 v60, v60;
	v15 =	vor.u32 $0x1D, v15;
	v58 =	vld [tilespmem:$0x1FC30];
	v22 =	vmul.f32 v48, v31;
	v52 =	vpop (erf)  }
0x43d: {  	v32 =	vld.idx.msk [tilespmem:v46+s15+$0x0], $0xffff;
	v5 =	vadd.f32 v20, v5;
	v11 =	vadd.f32 v11, v33;
	v10 =	vmul.f32 v52, v10  }
0x43e: {  	v21 =	vmul.f32 v43, v43;
	v13 =	vld.idx.msk [tilespmem:v47+s15+$0x0], $0xffff;
	v3 =	vadd.f32 v34, v3;
	v22 =	vadd.f32 v22, v59  }
0x43f: {  	v54 =	vld.idx.msk [tilespmem:v50+s15+$0x0], $0xffff;
	v5 =	vmul.f32 $5.000000000e-01, v5;
	v11 =	vmul.f32 $5.000000000e-01, v11;
	v10 =	vadd.f32 v10, v17  }
0x440: {  	v55 =	vld.idx.msk [tilespmem:v51+s15+$0x0], $0xffff;
	v14 =	vmul.f32 v45, v45;
	v3 =	vadd.f32 v21, v3;
	v56 =	vmul.f32 $5.000000000e-01, v22  }
0x441: {  	v57 =	vld.idx.msk [tilespmem:v53+s15+$0x0], $0xffff;
	v5 =	vsub.f32 v5, v11;
	v11 =	vmul.f32 v12, v12;
	v10 =	vmul.f32 $5.000000000e-01, v10  }
0x442: {  	v15 =	vld.idx.msk [tilespmem:v15+s15+$0x0], $0xffff;
	v3 =	vadd.f32 v14, v3;
	v59 =	vmul.f32 v32, v32;
	v12 =	vadd.s32 v16, v58  }
0x443: {  	v8 =	vadd.f32 v8, v11;
	v5 =	vmul.f32 v5, v5;
	v10 =	vsub.f32 v56, v10  }
0x444: {  	v2 =	vadd.f32 v37, v2;
	v3 =	vadd.f32 v59, v3;
	v11 =	vmul.f32 v54, v54  }
0x445: {  	v60 =	vsel vm10, v55, v13;
	v5 =	vadd.f32 v5, v8;
	v8 =	vmul.f32 v10, v10  }
0x446: {  	v4 =	vsub.f32 v60, v4;
	v3 =	vadd.f32 v11, v3;
	v10 =	vmul.f32 v57, v57  }
0x447: {  	v62 =	vmul.f32 v55, v55;
	v61 =	vmul.f32 v15, v15;
	v5 =	vadd.f32 v5, v8  }
0x448: {  	v4 =	vmul.f32 v4, v4;
	v11 =	vmul.f32 v29, v29;
	v8 =	vld.idx.msk [tilespmem:v12+s15+$0x0], $0xffff;
	v3 =	vadd.f32 v10, v3  }
0x449: {  	vm0 =	vmor vm2, vm0;
	v10 =	vmul.f32 v13, v13;
	v5 =	vmul.f32 $5.000000000e+00, v5  }
0x44a: {  	v2 =	vadd.f32 v11, v2;
	v11 =	vmul.f32 v28, v28;
	v3 =	vadd.f32 v61, v3  }
0x44b: {  	v49 =	vsel vm5, $0x1, v9;
	v10 =	vadd.f32 v62, v10;
	v4 =	vadd.f32 v5, v4  }
0x44c: {  	v63 =	vor.u32 v49, v41;
	v2 =	vadd.f32 v11, v2;
	v5 =	vmul.f32 v27, v27  }
0x44d: {  	v8 =	vadd.f32 v8, v8;
	v3 =	vadd.f32 v4, v3;
	v4 =	vmul.f32 $5.000000000e-01, v10  }
0x44e: {  	v10 =	vsel vm0, $0x1, v9;
	v2 =	vadd.f32 v5, v2;
	v5 =	vmul.f32 v26, v26  }
0x44f: {  	v10 =	vor.u32 v10, v63;
	v3 =	vsub.f32 v3, v4;
	v4 =	vsub.f32 $1.000000000e+00, v8  }
0x450: {  	vm14 =	veq.s32 v18, $0x0;
	vm15 =	veq.s32 v10, $0x0;
	v2 =	vadd.f32 v5, v2  }
0x451: {  	v3 =	vnsel vm14, $0x0, v3;
	v4 =	vnsel vm15, $0x0, v4  }
0x452: {  	v2 =	vmul.f32 $5.000000000e-01, v2;
	v3 =	vadd.f32 v3, v4;
	_ =	sdelay $0x1  }
0x453: {  	v2 =	vadd.f32 v3, v2;
	_ =	sdelay $0x1  }
0x454: {  	s23 =	sadd.s32 $0x1, s23;
	v2 =	vmul.f32 $3.906250000e-03, v2  }
0x455: {  	p0 =	sne.s32 s23, s9  }
.Ltmp1:
0x456: {  	[tilespmem:$0x4E10] =	vst v2;
	(pc) =	sbr.rel @p0 .LBB2_1-.Ltmp1, $4  }
0x457: {  	[hbm4b:s8+s3] =	stream.linear.scatter [tilespmem:s22], [sflag:$0x3], $0x10, $0x38;
	[tilespmem:$0x4E40] =	vst v63  }
0x458: {  	_ =	swait.ge [sflag:s12], $0x10  }
0x459: {  	[sflag:s12] =	ssyncset.done $0x0  }
0x45a: {  	[sflag:s12] =	ssyncadd.s32 $0xFFFFFFF0  }
0x45b: {  	_ =	sfence.sel $0x180000  }
0x45c: {  	[bflag:$0x0] =	sbarrier.arrive $0xFFFF  }
0x45d: {  	p0 =	sne.s32 s0, $0x0;
	_ =	strace $0x90000047  }
0x45e: {  	s0 =	sadd.s32 @!p0 $0x100000, s1;
	[bflag:$0x2] =	sbarrier.arrive $0xFFFF  }
0x45f: {  	[sflag:s0] =	ssyncadd.tile.s32 @!p0 $0x1;
	_ =	shalt  }
.Lfunc_end2:
_tile_overlayer_lowered:
.L_overlay_start_2:
0x460: {  	(tag) =	ssettag $0x2  }
0x461: {  	s0 =	rddreg [dreg:$0x0];
	s2 =	stileid.u32  }
0x462: {  	s1 =	rddreg [dreg:$0x1];
	p0 =	sne.s32 s2, $0x0  }
0x463: {  	s3 =	rddreg [dreg:$0x2];
	[bflag:$0x3] =	sbarrier.arrive $0xFFFF;
	s2 =	simm.s32 @!p0 $0x1C03  }
0x464: {  	[timem:s3], [sflag:s2] =	dma.local @!p0 [hbm:s0], s1  }
0x465: {  	s0 =	simm.s32 @!p0 $0x3  }
0x466: {  	_ =	swait.ge @!p0 [sflag:s0], s1  }
0x467: {  	s1 =	ssub.s32 @!p0 $0x0, s1;
	[sflag:s0] =	ssyncset.done @!p0 $0x0  }
0x468: {  	[sflag:s0] =	ssyncadd.s32 @!p0 s1  }
0x469: {  	[bflag:$0x3] =	sbarrier.arrive $0xFFFF  }
0x46a: {  	_ =	shalt  }

</sc_bundles>
